<compile_context>
chip_gen: v7x
topology: tpu7x:2x2x1
jax: 0.10.2.dev20260603
libtpu: 0.0.44.dev20260713+nightly
codegen_flags: <defaults>
</compile_context>

<pallas_src>
import functools

import jax
import jax.numpy as jnp
from jax import lax
from jax.experimental import pallas as pl
from jax.experimental.pallas import tpu as pltpu
from jax.experimental.pallas import tpu_sc as plsc

_B = 16384
_SPARSE_START = 13
_FIELD_NUM = 26
_VOCAB = 100000
_DIM = 16
_XCOLS = _SPARSE_START + _FIELD_NUM

_NC = 2
_NS = 16
_NW = _NC * _NS
_LANES = 16

_ROWS_PER_W = _B // _NW
_CH = 128
_NITER = _ROWS_PER_W // _CH

_OUT_COLS = _SPARSE_START + _FIELD_NUM * _DIM


def _sc_embed(x_flat, table_flat):
    mesh = plsc.VectorSubcoreMesh(core_axis_name="c", subcore_axis_name="s")

    @functools.partial(
        pl.kernel,
        mesh=mesh,
        compiler_params=pltpu.CompilerParams(
            use_tc_tiling_on_sc=False, needs_layout_passes=False
        ),
        out_type=jax.ShapeDtypeStruct((_B * _OUT_COLS,), jnp.float32),
        scratch_types=[
            pltpu.VMEM((_CH * _XCOLS,), jnp.int32),
            pltpu.VMEM((_FIELD_NUM, _CH), jnp.int32),
            pltpu.VMEM((_FIELD_NUM, _CH, _DIM), jnp.float32),
            pltpu.VMEM((_CH * _OUT_COLS,), jnp.float32),
            pltpu.SemaphoreType.DMA,
        ],
    )
    def k(x_hbm, tab_hbm, out_hbm, xs_v, idx_v, emb_v, row_v, gsem):
        wid = lax.axis_index("s") * _NC + lax.axis_index("c")
        w_base = wid * _ROWS_PER_W

        def chunk(it, carry):
            base = pl.multiple_of(w_base + it * _CH, _CH)

            pltpu.sync_copy(x_hbm.at[pl.ds(base * _XCOLS, _CH * _XCOLS)], xs_v)

            row_addr = lax.iota(jnp.int32, _LANES) * _XCOLS
            for f in range(_FIELD_NUM):
                bias = f * _VOCAB
                for j in range(_CH // _LANES):
                    addr = row_addr + (j * _LANES * _XCOLS + _SPARSE_START + f)
                    vals = plsc.load_gather(xs_v, [addr])
                    idx_v[f, pl.ds(j * _LANES, _LANES)] = vals + bias

            handles = []
            for f in range(_FIELD_NUM):
                handles.append(
                    pltpu.async_copy(tab_hbm.at[idx_v.at[f]], emb_v.at[f], gsem)
                )
            for h in handles:
                h.wait()

            def put_row(r, c):
                d = xs_v[pl.ds(r * _XCOLS, _LANES)].astype(jnp.float32)
                row_v[pl.ds(r * _OUT_COLS, _LANES)] = d
                for f in range(_FIELD_NUM):
                    row_v[pl.ds(r * _OUT_COLS + _SPARSE_START + f * _DIM, _DIM)] = (
                        emb_v[f, r, pl.ds(0, _DIM)]
                    )
                return c

            lax.fori_loop(0, _CH, put_row, 0)

            pltpu.sync_copy(
                row_v,
                out_hbm.at[pl.ds(pl.multiple_of(base * _OUT_COLS, 8), _CH * _OUT_COLS)],
            )
            return carry

        lax.fori_loop(0, _NITER, chunk, 0)

    return k(x_flat, table_flat)


def kernel(X, tables):
    x_flat = X.reshape(_B * _XCOLS)
    table_flat = tables.reshape(_FIELD_NUM * _VOCAB, _DIM)
    out_flat = _sc_embed(x_flat, table_flat)
    return out_flat.reshape(_B, _OUT_COLS)

# --- scband reference (transcript-rebuilt; emitter-appended) ---
"""Pipeline reference for scband-dense-embedding-34995393528317 (READ-ONLY COPY).

The authoritative reference and input builder live on the scoring server;
editing this copy changes nothing except your own understanding.
"""

import jax, jax.numpy as jnp
import numpy as np

B = 16384
SPARSE_START = 13
FIELD_NUM = 26
VOCAB = 100000
DIM = 16


def setup_inputs(seed: int = 0) -> dict:
    key = jax.random.key(seed)
    kx, kt = jax.random.split(key)
    X = jax.random.randint(kx, (B, SPARSE_START + FIELD_NUM), 0, VOCAB, dtype=jnp.int32)
    # One embedding table per sparse field; all fields have the same vocab here so
    # we materialize them as a stacked [FIELD_NUM, VOCAB, DIM] parameter tensor.
    tables = jax.random.normal(kt, (FIELD_NUM, VOCAB, DIM), dtype=jnp.float32) * 0.01
    return {"X": X, "tables": tables}


def reference(X, tables):
    # Dense (non-sparse) leading columns pass through (cast to float for concat).
    res = [X[:, :SPARSE_START].astype(jnp.float32)]
    # Each sparse field occupies one column of X; look it up in its own table.
    for i in range(FIELD_NUM):
        idx = X[:, SPARSE_START + i]
        emb = jnp.take(tables[i], idx, axis=0)  # [B, DIM]
        res.append(emb)
    return jnp.concatenate(res, axis=1)  # [B, SPARSE_START + FIELD_NUM * DIM]

if __name__ == "__main__":
    import jax
    _d = setup_inputs()
    print(jax.jit(kernel)(*tuple(_d.values())))

</pallas_src>

<mosaic_0001>
#map = affine_map<(d0, d1) -> (0)>
#map1 = affine_map<(d0, d1) -> (0, 0)>
module attributes {stable_mosaic.version = 14 : i64} {
  func.func @k(%arg0: i32, %arg1: i32, %arg2: memref<638976xi32, #tpu.memory_space<hbm>>, %arg3: memref<2600000x16xf32, #tpu.memory_space<hbm>>, %arg4: memref<7028736xf32, #tpu.memory_space<hbm>>, %arg5: memref<4992xi32, #tpu.memory_space<vmem>>, %arg6: memref<26x128xi32, #tpu.memory_space<vmem>>, %arg7: memref<26x128x16xf32, #tpu.memory_space<vmem>>, %arg8: memref<54912xf32, #tpu.memory_space<vmem>>, %arg9: memref<!tpu.dma_semaphore, #tpu.memory_space<semaphore_mem>>) attributes {dimension_semantics = [#tpu.dimension_semantics<core_parallel>, #tpu.dimension_semantics<subcore_parallel>], iteration_bounds = array<i64: 2, 16>, scalar_prefetch = 0 : i64, scratch_operands = 5 : i64, tpu.core_type = #tpu.core_type<sc_vector_subcore>, window_params = [{transform_indices = #map}, {transform_indices = #map1}, {transform_indices = #map}]} {
    %mul3A = arith.constant 2 : i32
    %mul3A_0 = arith.muli %arg1, %mul3A : i32
    %add3A = arith.addi %mul3A_0, %arg0 : i32
    %mul3A_1 = arith.constant 512 : i32
    %mul3A_2 = arith.muli %add3A, %mul3A_1 : i32
    %scan3A = arith.constant 0 : i32
    %scan3A_3 = arith.constant 0 : i32
    %scan3A_4 = arith.constant 4 : i32
    %scan3A_5 = arith.addi %scan3A_3, %scan3A_4 : i32
    %scan3A_6 = arith.constant 1 : i32
    scf.for %scan3A_8 = %scan3A_3 to %scan3A_5 step %scan3A_6  : i32 {
      %mul3A_9 = arith.constant 128 : i32
      %mul3A_10 = arith.muli %scan3A_8, %mul3A_9 : i32
      %add3A_11 = arith.addi %mul3A_2, %mul3A_10 : i32
      %multiple_of3A = tpu.assume_multiple %add3A_11, 128 : i32
      %mul3A_12 = arith.constant 39 : i32
      %mul3A_13 = arith.muli %multiple_of3A, %mul3A_12 : i32
      "tpu.region"() ({
        %run_scoped3A = tpu.sem_alloc : memref<!tpu.dma_semaphore, #tpu.memory_space<semaphore_mem>>
        %dma_start3A_2934 = tpu.memref_slice %arg2[%mul3A_13] : memref<638976xi32, #tpu.memory_space<hbm>> -> memref<4992xi32, #tpu.memory_space<hbm>>
        %dma_start3A_2935 = tpu.memref_slice %arg2[%mul3A_13] : memref<638976xi32, #tpu.memory_space<hbm>> -> memref<4992xi32, #tpu.memory_space<hbm>>
        tpu.enqueue_dma source(%dma_start3A_2935 : memref<4992xi32, #tpu.memory_space<hbm>>) target(%arg5 : memref<4992xi32, #tpu.memory_space<vmem>>) target_semaphore(%run_scoped3A : memref<!tpu.dma_semaphore, #tpu.memory_space<semaphore_mem>>)
        %dma_wait3A_2936 = tpu.memref_slice %arg2[%mul3A_13] : memref<638976xi32, #tpu.memory_space<hbm>> -> memref<4992xi32, #tpu.memory_space<hbm>>
        %dma_wait3A_2937 = tpu.memref_slice %arg2[%mul3A_13] : memref<638976xi32, #tpu.memory_space<hbm>> -> memref<4992xi32, #tpu.memory_space<hbm>>
        tpu.wait_dma2 semaphore(%run_scoped3A : memref<!tpu.dma_semaphore, #tpu.memory_space<semaphore_mem>>) src(%dma_wait3A_2937 : memref<4992xi32, #tpu.memory_space<hbm>>) dst(%arg5 : memref<4992xi32, #tpu.memory_space<vmem>>)
        tpu.yield
      }) : () -> ()
      %iota3A = tpu.iota {dimensions = array<i32: 0>} : vector<16xi32>
      %mul3A_14 = arith.constant 39 : i32
      %mul3A_15 = vector.broadcast %mul3A_14 : i32 to vector<16xi32>
      %mul3A_16 = arith.muli %iota3A, %mul3A_15 : vector<16xi32>
      %add3A_17 = arith.constant 13 : i32
      %add3A_18 = vector.broadcast %add3A_17 : i32 to vector<16xi32>
      %add3A_19 = arith.addi %mul3A_16, %add3A_18 : vector<16xi32>
      %gather3A = tpu.vector_load_idx %arg5[%add3A_19] : memref<4992xi32, #tpu.memory_space<vmem>>[vector<16xi32>], vector<16xi32>,
      %add3A_20 = arith.constant 0 : i32
      %add3A_21 = vector.broadcast %add3A_20 : i32 to vector<16xi32>
      %add3A_22 = arith.addi %gather3A, %add3A_21 : vector<16xi32>
      %swap3A = arith.constant 0 : i32
      %swap3A_23 = arith.index_cast %swap3A : i32 to index
      %swap3A_24 = arith.constant 0 : index
      %swap3A_25 = tpu.vector_load %arg6[%swap3A_23, %swap3A_24] {strides = array<i32>} : memref<26x128xi32, #tpu.memory_space<vmem>>, vector<16xi32>,
      tpu.vector_store %arg6[%swap3A_23, %swap3A_24], %add3A_22 {strides = array<i32>} : memref<26x128xi32, #tpu.memory_space<vmem>>, vector<16xi32>,
      %add3A_26 = arith.constant 637 : i32
      %add3A_27 = vector.broadcast %add3A_26 : i32 to vector<16xi32>
      %add3A_28 = arith.addi %mul3A_16, %add3A_27 : vector<16xi32>
      %gather3A_29 = tpu.vector_load_idx %arg5[%add3A_28] : memref<4992xi32, #tpu.memory_space<vmem>>[vector<16xi32>], vector<16xi32>,
      %add3A_30 = arith.constant 0 : i32
      %add3A_31 = vector.broadcast %add3A_30 : i32 to vector<16xi32>
      %add3A_32 = arith.addi %gather3A_29, %add3A_31 : vector<16xi32>
      %swap3A_33 = arith.constant 0 : i32
      %swap3A_34 = arith.index_cast %swap3A_33 : i32 to index
      %swap3A_35 = arith.constant 16 : index
      %swap3A_36 = tpu.vector_load %arg6[%swap3A_34, %swap3A_35] {strides = array<i32>} : memref<26x128xi32, #tpu.memory_space<vmem>>, vector<16xi32>,
      tpu.vector_store %arg6[%swap3A_34, %swap3A_35], %add3A_32 {strides = array<i32>} : memref<26x128xi32, #tpu.memory_space<vmem>>, vector<16xi32>,
      %add3A_37 = arith.constant 1261 : i32
      %add3A_38 = vector.broadcast %add3A_37 : i32 to vector<16xi32>
      %add3A_39 = arith.addi %mul3A_16, %add3A_38 : vector<16xi32>
      %gather3A_40 = tpu.vector_load_idx %arg5[%add3A_39] : memref<4992xi32, #tpu.memory_space<vmem>>[vector<16xi32>], vector<16xi32>,
      %add3A_41 = arith.constant 0 : i32
      %add3A_42 = vector.broadcast %add3A_41 : i32 to vector<16xi32>
      %add3A_43 = arith.addi %gather3A_40, %add3A_42 : vector<16xi32>
      %swap3A_44 = arith.constant 0 : i32
      %swap3A_45 = arith.index_cast %swap3A_44 : i32 to index
      %swap3A_46 = arith.constant 32 : index
      %swap3A_47 = tpu.vector_load %arg6[%swap3A_45, %swap3A_46] {strides = array<i32>} : memref<26x128xi32, #tpu.memory_space<vmem>>, vector<16xi32>,
      tpu.vector_store %arg6[%swap3A_45, %swap3A_46], %add3A_43 {strides = array<i32>} : memref<26x128xi32, #tpu.memory_space<vmem>>, vector<16xi32>,
      %add3A_48 = arith.constant 1885 : i32
      %add3A_49 = vector.broadcast %add3A_48 : i32 to vector<16xi32>
      %add3A_50 = arith.addi %mul3A_16, %add3A_49 : vector<16xi32>
      %gather3A_51 = tpu.vector_load_idx %arg5[%add3A_50] : memref<4992xi32, #tpu.memory_space<vmem>>[vector<16xi32>], vector<16xi32>,
      %add3A_52 = arith.constant 0 : i32
      %add3A_53 = vector.broadcast %add3A_52 : i32 to vector<16xi32>
      %add3A_54 = arith.addi %gather3A_51, %add3A_53 : vector<16xi32>
      %swap3A_55 = arith.constant 0 : i32
      %swap3A_56 = arith.index_cast %swap3A_55 : i32 to index
      %swap3A_57 = arith.constant 48 : index
      %swap3A_58 = tpu.vector_load %arg6[%swap3A_56, %swap3A_57] {strides = array<i32>} : memref<26x128xi32, #tpu.memory_space<vmem>>, vector<16xi32>,
      tpu.vector_store %arg6[%swap3A_56, %swap3A_57], %add3A_54 {strides = array<i32>} : memref<26x128xi32, #tpu.memory_space<vmem>>, vector<16xi32>,
      %add3A_59 = arith.constant 2509 : i32
      %add3A_60 = vector.broadcast %add3A_59 : i32 to vector<16xi32>
      %add3A_61 = arith.addi %mul3A_16, %add3A_60 : vector<16xi32>
      %gather3A_62 = tpu.vector_load_idx %arg5[%add3A_61] : memref<4992xi32, #tpu.memory_space<vmem>>[vector<16xi32>], vector<16xi32>,
      %add3A_63 = arith.constant 0 : i32
      %add3A_64 = vector.broadcast %add3A_63 : i32 to vector<16xi32>
      %add3A_65 = arith.addi %gather3A_62, %add3A_64 : vector<16xi32>
      %swap3A_66 = arith.constant 0 : i32
      %swap3A_67 = arith.index_cast %swap3A_66 : i32 to index
      %swap3A_68 = arith.constant 64 : index
      %swap3A_69 = tpu.vector_load %arg6[%swap3A_67, %swap3A_68] {strides = array<i32>} : memref<26x128xi32, #tpu.memory_space<vmem>>, vector<16xi32>,
      tpu.vector_store %arg6[%swap3A_67, %swap3A_68], %add3A_65 {strides = array<i32>} : memref<26x128xi32, #tpu.memory_space<vmem>>, vector<16xi32>,
      %add3A_70 = arith.constant 3133 : i32
      %add3A_71 = vector.broadcast %add3A_70 : i32 to vector<16xi32>
      %add3A_72 = arith.addi %mul3A_16, %add3A_71 : vector<16xi32>
      %gather3A_73 = tpu.vector_load_idx %arg5[%add3A_72] : memref<4992xi32, #tpu.memory_space<vmem>>[vector<16xi32>], vector<16xi32>,
      %add3A_74 = arith.constant 0 : i32
      %add3A_75 = vector.broadcast %add3A_74 : i32 to vector<16xi32>
      %add3A_76 = arith.addi %gather3A_73, %add3A_75 : vector<16xi32>
      %swap3A_77 = arith.constant 0 : i32
      %swap3A_78 = arith.index_cast %swap3A_77 : i32 to index
      %swap3A_79 = arith.constant 80 : index
      %swap3A_80 = tpu.vector_load %arg6[%swap3A_78, %swap3A_79] {strides = array<i32>} : memref<26x128xi32, #tpu.memory_space<vmem>>, vector<16xi32>,
      tpu.vector_store %arg6[%swap3A_78, %swap3A_79], %add3A_76 {strides = array<i32>} : memref<26x128xi32, #tpu.memory_space<vmem>>, vector<16xi32>,
      %add3A_81 = arith.constant 3757 : i32
      %add3A_82 = vector.broadcast %add3A_81 : i32 to vector<16xi32>
      %add3A_83 = arith.addi %mul3A_16, %add3A_82 : vector<16xi32>
      %gather3A_84 = tpu.vector_load_idx %arg5[%add3A_83] : memref<4992xi32, #tpu.memory_space<vmem>>[vector<16xi32>], vector<16xi32>,
      %add3A_85 = arith.constant 0 : i32
      %add3A_86 = vector.broadcast %add3A_85 : i32 to vector<16xi32>
      %add3A_87 = arith.addi %gather3A_84, %add3A_86 : vector<16xi32>
      %swap3A_88 = arith.constant 0 : i32
      %swap3A_89 = arith.index_cast %swap3A_88 : i32 to index
      %swap3A_90 = arith.constant 96 : index
      %swap3A_91 = tpu.vector_load %arg6[%swap3A_89, %swap3A_90] {strides = array<i32>} : memref<26x128xi32, #tpu.memory_space<vmem>>, vector<16xi32>,
      tpu.vector_store %arg6[%swap3A_89, %swap3A_90], %add3A_87 {strides = array<i32>} : memref<26x128xi32, #tpu.memory_space<vmem>>, vector<16xi32>,
      %add3A_92 = arith.constant 4381 : i32
      %add3A_93 = vector.broadcast %add3A_92 : i32 to vector<16xi32>
      %add3A_94 = arith.addi %mul3A_16, %add3A_93 : vector<16xi32>
      %gather3A_95 = tpu.vector_load_idx %arg5[%add3A_94] : memref<4992xi32, #tpu.memory_space<vmem>>[vector<16xi32>], vector<16xi32>,
      %add3A_96 = arith.constant 0 : i32
      %add3A_97 = vector.broadcast %add3A_96 : i32 to vector<16xi32>
      %add3A_98 = arith.addi %gather3A_95, %add3A_97 : vector<16xi32>
      %swap3A_99 = arith.constant 0 : i32
      %swap3A_100 = arith.index_cast %swap3A_99 : i32 to index
      %swap3A_101 = arith.constant 112 : index
      %swap3A_102 = tpu.vector_load %arg6[%swap3A_100, %swap3A_101] {strides = array<i32>} : memref<26x128xi32, #tpu.memory_space<vmem>>, vector<16xi32>,
      tpu.vector_store %arg6[%swap3A_100, %swap3A_101], %add3A_98 {strides = array<i32>} : memref<26x128xi32, #tpu.memory_space<vmem>>, vector<16xi32>,
      %add3A_103 = arith.constant 14 : i32
      %add3A_104 = vector.broadcast %add3A_103 : i32 to vector<16xi32>
      %add3A_105 = arith.addi %mul3A_16, %add3A_104 : vector<16xi32>
      %gather3A_106 = tpu.vector_load_idx %arg5[%add3A_105] : memref<4992xi32, #tpu.memory_space<vmem>>[vector<16xi32>], vector<16xi32>,
      %add3A_107 = arith.constant 100000 : i32
      %add3A_108 = vector.broadcast %add3A_107 : i32 to vector<16xi32>
      %add3A_109 = arith.addi %gather3A_106, %add3A_108 : vector<16xi32>
      %swap3A_110 = arith.constant 1 : i32
      %swap3A_111 = arith.index_cast %swap3A_110 : i32 to index
      %swap3A_112 = arith.constant 0 : index
      %swap3A_113 = tpu.vector_load %arg6[%swap3A_111, %swap3A_112] {strides = array<i32>} : memref<26x128xi32, #tpu.memory_space<vmem>>, vector<16xi32>,
      tpu.vector_store %arg6[%swap3A_111, %swap3A_112], %add3A_109 {strides = array<i32>} : memref<26x128xi32, #tpu.memory_space<vmem>>, vector<16xi32>,
      %add3A_114 = arith.constant 638 : i32
      %add3A_115 = vector.broadcast %add3A_114 : i32 to vector<16xi32>
      %add3A_116 = arith.addi %mul3A_16, %add3A_115 : vector<16xi32>
      %gather3A_117 = tpu.vector_load_idx %arg5[%add3A_116] : memref<4992xi32, #tpu.memory_space<vmem>>[vector<16xi32>], vector<16xi32>,
      %add3A_118 = arith.constant 100000 : i32
      %add3A_119 = vector.broadcast %add3A_118 : i32 to vector<16xi32>
      %add3A_120 = arith.addi %gather3A_117, %add3A_119 : vector<16xi32>
      %swap3A_121 = arith.constant 1 : i32
      %swap3A_122 = arith.index_cast %swap3A_121 : i32 to index
      %swap3A_123 = arith.constant 16 : index
      %swap3A_124 = tpu.vector_load %arg6[%swap3A_122, %swap3A_123] {strides = array<i32>} : memref<26x128xi32, #tpu.memory_space<vmem>>, vector<16xi32>,
      tpu.vector_store %arg6[%swap3A_122, %swap3A_123], %add3A_120 {strides = array<i32>} : memref<26x128xi32, #tpu.memory_space<vmem>>, vector<16xi32>,
      %add3A_125 = arith.constant 1262 : i32
      %add3A_126 = vector.broadcast %add3A_125 : i32 to vector<16xi32>
      %add3A_127 = arith.addi %mul3A_16, %add3A_126 : vector<16xi32>
      %gather3A_128 = tpu.vector_load_idx %arg5[%add3A_127] : memref<4992xi32, #tpu.memory_space<vmem>>[vector<16xi32>], vector<16xi32>,
      %add3A_129 = arith.constant 100000 : i32
      %add3A_130 = vector.broadcast %add3A_129 : i32 to vector<16xi32>
      %add3A_131 = arith.addi %gather3A_128, %add3A_130 : vector<16xi32>
      %swap3A_132 = arith.constant 1 : i32
      %swap3A_133 = arith.index_cast %swap3A_132 : i32 to index
      %swap3A_134 = arith.constant 32 : index
      %swap3A_135 = tpu.vector_load %arg6[%swap3A_133, %swap3A_134] {strides = array<i32>} : memref<26x128xi32, #tpu.memory_space<vmem>>, vector<16xi32>,
      tpu.vector_store %arg6[%swap3A_133, %swap3A_134], %add3A_131 {strides = array<i32>} : memref<26x128xi32, #tpu.memory_space<vmem>>, vector<16xi32>,
      %add3A_136 = arith.constant 1886 : i32
      %add3A_137 = vector.broadcast %add3A_136 : i32 to vector<16xi32>
      %add3A_138 = arith.addi %mul3A_16, %add3A_137 : vector<16xi32>
      %gather3A_139 = tpu.vector_load_idx %arg5[%add3A_138] : memref<4992xi32, #tpu.memory_space<vmem>>[vector<16xi32>], vector<16xi32>,
      %add3A_140 = arith.constant 100000 : i32
      %add3A_141 = vector.broadcast %add3A_140 : i32 to vector<16xi32>
      %add3A_142 = arith.addi %gather3A_139, %add3A_141 : vector<16xi32>
      %swap3A_143 = arith.constant 1 : i32
      %swap3A_144 = arith.index_cast %swap3A_143 : i32 to index
      %swap3A_145 = arith.constant 48 : index
      %swap3A_146 = tpu.vector_load %arg6[%swap3A_144, %swap3A_145] {strides = array<i32>} : memref<26x128xi32, #tpu.memory_space<vmem>>, vector<16xi32>,
      tpu.vector_store %arg6[%swap3A_144, %swap3A_145], %add3A_142 {strides = array<i32>} : memref<26x128xi32, #tpu.memory_space<vmem>>, vector<16xi32>,
      %add3A_147 = arith.constant 2510 : i32
      %add3A_148 = vector.broadcast %add3A_147 : i32 to vector<16xi32>
      %add3A_149 = arith.addi %mul3A_16, %add3A_148 : vector<16xi32>
      %gather3A_150 = tpu.vector_load_idx %arg5[%add3A_149] : memref<4992xi32, #tpu.memory_space<vmem>>[vector<16xi32>], vector<16xi32>,
      %add3A_151 = arith.constant 100000 : i32
      %add3A_152 = vector.broadcast %add3A_151 : i32 to vector<16xi32>
      %add3A_153 = arith.addi %gather3A_150, %add3A_152 : vector<16xi32>
      %swap3A_154 = arith.constant 1 : i32
      %swap3A_155 = arith.index_cast %swap3A_154 : i32 to index
      %swap3A_156 = arith.constant 64 : index
      %swap3A_157 = tpu.vector_load %arg6[%swap3A_155, %swap3A_156] {strides = array<i32>} : memref<26x128xi32, #tpu.memory_space<vmem>>, vector<16xi32>,
      tpu.vector_store %arg6[%swap3A_155, %swap3A_156], %add3A_153 {strides = array<i32>} : memref<26x128xi32, #tpu.memory_space<vmem>>, vector<16xi32>,
      %add3A_158 = arith.constant 3134 : i32
      %add3A_159 = vector.broadcast %add3A_158 : i32 to vector<16xi32>
      %add3A_160 = arith.addi %mul3A_16, %add3A_159 : vector<16xi32>
      %gather3A_161 = tpu.vector_load_idx %arg5[%add3A_160] : memref<4992xi32, #tpu.memory_space<vmem>>[vector<16xi32>], vector<16xi32>,
      %add3A_162 = arith.constant 100000 : i32
      %add3A_163 = vector.broadcast %add3A_162 : i32 to vector<16xi32>
      %add3A_164 = arith.addi %gather3A_161, %add3A_163 : vector<16xi32>
      %swap3A_165 = arith.constant 1 : i32
      %swap3A_166 = arith.index_cast %swap3A_165 : i32 to index
      %swap3A_167 = arith.constant 80 : index
      %swap3A_168 = tpu.vector_load %arg6[%swap3A_166, %swap3A_167] {strides = array<i32>} : memref<26x128xi32, #tpu.memory_space<vmem>>, vector<16xi32>,
      tpu.vector_store %arg6[%swap3A_166, %swap3A_167], %add3A_164 {strides = array<i32>} : memref<26x128xi32, #tpu.memory_space<vmem>>, vector<16xi32>,
      %add3A_169 = arith.constant 3758 : i32
      %add3A_170 = vector.broadcast %add3A_169 : i32 to vector<16xi32>
      %add3A_171 = arith.addi %mul3A_16, %add3A_170 : vector<16xi32>
      %gather3A_172 = tpu.vector_load_idx %arg5[%add3A_171] : memref<4992xi32, #tpu.memory_space<vmem>>[vector<16xi32>], vector<16xi32>,
      %add3A_173 = arith.constant 100000 : i32
      %add3A_174 = vector.broadcast %add3A_173 : i32 to vector<16xi32>
      %add3A_175 = arith.addi %gather3A_172, %add3A_174 : vector<16xi32>
      %swap3A_176 = arith.constant 1 : i32
      %swap3A_177 = arith.index_cast %swap3A_176 : i32 to index
      %swap3A_178 = arith.constant 96 : index
      %swap3A_179 = tpu.vector_load %arg6[%swap3A_177, %swap3A_178] {strides = array<i32>} : memref<26x128xi32, #tpu.memory_space<vmem>>, vector<16xi32>,
      tpu.vector_store %arg6[%swap3A_177, %swap3A_178], %add3A_175 {strides = array<i32>} : memref<26x128xi32, #tpu.memory_space<vmem>>, vector<16xi32>,
      %add3A_180 = arith.constant 4382 : i32
      %add3A_181 = vector.broadcast %add3A_180 : i32 to vector<16xi32>
      %add3A_182 = arith.addi %mul3A_16, %add3A_181 : vector<16xi32>
      %gather3A_183 = tpu.vector_load_idx %arg5[%add3A_182] : memref<4992xi32, #tpu.memory_space<vmem>>[vector<16xi32>], vector<16xi32>,
      %add3A_184 = arith.constant 100000 : i32
      %add3A_185 = vector.broadcast %add3A_184 : i32 to vector<16xi32>
      %add3A_186 = arith.addi %gather3A_183, %add3A_185 : vector<16xi32>
      %swap3A_187 = arith.constant 1 : i32
      %swap3A_188 = arith.index_cast %swap3A_187 : i32 to index
      %swap3A_189 = arith.constant 112 : index
      %swap3A_190 = tpu.vector_load %arg6[%swap3A_188, %swap3A_189] {strides = array<i32>} : memref<26x128xi32, #tpu.memory_space<vmem>>, vector<16xi32>,
      tpu.vector_store %arg6[%swap3A_188, %swap3A_189], %add3A_186 {strides = array<i32>} : memref<26x128xi32, #tpu.memory_space<vmem>>, vector<16xi32>,
      %add3A_191 = arith.constant 15 : i32
      %add3A_192 = vector.broadcast %add3A_191 : i32 to vector<16xi32>
      %add3A_193 = arith.addi %mul3A_16, %add3A_192 : vector<16xi32>
      %gather3A_194 = tpu.vector_load_idx %arg5[%add3A_193] : memref<4992xi32, #tpu.memory_space<vmem>>[vector<16xi32>], vector<16xi32>,
      %add3A_195 = arith.constant 200000 : i32
      %add3A_196 = vector.broadcast %add3A_195 : i32 to vector<16xi32>
      %add3A_197 = arith.addi %gather3A_194, %add3A_196 : vector<16xi32>
      %swap3A_198 = arith.constant 2 : i32
      %swap3A_199 = arith.index_cast %swap3A_198 : i32 to index
      %swap3A_200 = arith.constant 0 : index
      %swap3A_201 = tpu.vector_load %arg6[%swap3A_199, %swap3A_200] {strides = array<i32>} : memref<26x128xi32, #tpu.memory_space<vmem>>, vector<16xi32>,
      tpu.vector_store %arg6[%swap3A_199, %swap3A_200], %add3A_197 {strides = array<i32>} : memref<26x128xi32, #tpu.memory_space<vmem>>, vector<16xi32>,
      %add3A_202 = arith.constant 639 : i32
      %add3A_203 = vector.broadcast %add3A_202 : i32 to vector<16xi32>
      %add3A_204 = arith.addi %mul3A_16, %add3A_203 : vector<16xi32>
      %gather3A_205 = tpu.vector_load_idx %arg5[%add3A_204] : memref<4992xi32, #tpu.memory_space<vmem>>[vector<16xi32>], vector<16xi32>,
      %add3A_206 = arith.constant 200000 : i32
      %add3A_207 = vector.broadcast %add3A_206 : i32 to vector<16xi32>
      %add3A_208 = arith.addi %gather3A_205, %add3A_207 : vector<16xi32>
      %swap3A_209 = arith.constant 2 : i32
      %swap3A_210 = arith.index_cast %swap3A_209 : i32 to index
      %swap3A_211 = arith.constant 16 : index
      %swap3A_212 = tpu.vector_load %arg6[%swap3A_210, %swap3A_211] {strides = array<i32>} : memref<26x128xi32, #tpu.memory_space<vmem>>, vector<16xi32>,
      tpu.vector_store %arg6[%swap3A_210, %swap3A_211], %add3A_208 {strides = array<i32>} : memref<26x128xi32, #tpu.memory_space<vmem>>, vector<16xi32>,
      %add3A_213 = arith.constant 1263 : i32
      %add3A_214 = vector.broadcast %add3A_213 : i32 to vector<16xi32>
      %add3A_215 = arith.addi %mul3A_16, %add3A_214 : vector<16xi32>
      %gather3A_216 = tpu.vector_load_idx %arg5[%add3A_215] : memref<4992xi32, #tpu.memory_space<vmem>>[vector<16xi32>], vector<16xi32>,
      %add3A_217 = arith.constant 200000 : i32
      %add3A_218 = vector.broadcast %add3A_217 : i32 to vector<16xi32>
      %add3A_219 = arith.addi %gather3A_216, %add3A_218 : vector<16xi32>
      %swap3A_220 = arith.constant 2 : i32
      %swap3A_221 = arith.index_cast %swap3A_220 : i32 to index
      %swap3A_222 = arith.constant 32 : index
      %swap3A_223 = tpu.vector_load %arg6[%swap3A_221, %swap3A_222] {strides = array<i32>} : memref<26x128xi32, #tpu.memory_space<vmem>>, vector<16xi32>,
      tpu.vector_store %arg6[%swap3A_221, %swap3A_222], %add3A_219 {strides = array<i32>} : memref<26x128xi32, #tpu.memory_space<vmem>>, vector<16xi32>,
      %add3A_224 = arith.constant 1887 : i32
      %add3A_225 = vector.broadcast %add3A_224 : i32 to vector<16xi32>
      %add3A_226 = arith.addi %mul3A_16, %add3A_225 : vector<16xi32>
      %gather3A_227 = tpu.vector_load_idx %arg5[%add3A_226] : memref<4992xi32, #tpu.memory_space<vmem>>[vector<16xi32>], vector<16xi32>,
      %add3A_228 = arith.constant 200000 : i32
      %add3A_229 = vector.broadcast %add3A_228 : i32 to vector<16xi32>
      %add3A_230 = arith.addi %gather3A_227, %add3A_229 : vector<16xi32>
      %swap3A_231 = arith.constant 2 : i32
      %swap3A_232 = arith.index_cast %swap3A_231 : i32 to index
      %swap3A_233 = arith.constant 48 : index
      %swap3A_234 = tpu.vector_load %arg6[%swap3A_232, %swap3A_233] {strides = array<i32>} : memref<26x128xi32, #tpu.memory_space<vmem>>, vector<16xi32>,
      tpu.vector_store %arg6[%swap3A_232, %swap3A_233], %add3A_230 {strides = array<i32>} : memref<26x128xi32, #tpu.memory_space<vmem>>, vector<16xi32>,
      %add3A_235 = arith.constant 2511 : i32
      %add3A_236 = vector.broadcast %add3A_235 : i32 to vector<16xi32>
      %add3A_237 = arith.addi %mul3A_16, %add3A_236 : vector<16xi32>
      %gather3A_238 = tpu.vector_load_idx %arg5[%add3A_237] : memref<4992xi32, #tpu.memory_space<vmem>>[vector<16xi32>], vector<16xi32>,
      %add3A_239 = arith.constant 200000 : i32
      %add3A_240 = vector.broadcast %add3A_239 : i32 to vector<16xi32>
      %add3A_241 = arith.addi %gather3A_238, %add3A_240 : vector<16xi32>
      %swap3A_242 = arith.constant 2 : i32
      %swap3A_243 = arith.index_cast %swap3A_242 : i32 to index
      %swap3A_244 = arith.constant 64 : index
      %swap3A_245 = tpu.vector_load %arg6[%swap3A_243, %swap3A_244] {strides = array<i32>} : memref<26x128xi32, #tpu.memory_space<vmem>>, vector<16xi32>,
      tpu.vector_store %arg6[%swap3A_243, %swap3A_244], %add3A_241 {strides = array<i32>} : memref<26x128xi32, #tpu.memory_space<vmem>>, vector<16xi32>,
      %add3A_246 = arith.constant 3135 : i32
      %add3A_247 = vector.broadcast %add3A_246 : i32 to vector<16xi32>
      %add3A_248 = arith.addi %mul3A_16, %add3A_247 : vector<16xi32>
      %gather3A_249 = tpu.vector_load_idx %arg5[%add3A_248] : memref<4992xi32, #tpu.memory_space<vmem>>[vector<16xi32>], vector<16xi32>,
      %add3A_250 = arith.constant 200000 : i32
      %add3A_251 = vector.broadcast %add3A_250 : i32 to vector<16xi32>
      %add3A_252 = arith.addi %gather3A_249, %add3A_251 : vector<16xi32>
      %swap3A_253 = arith.constant 2 : i32
      %swap3A_254 = arith.index_cast %swap3A_253 : i32 to index
      %swap3A_255 = arith.constant 80 : index
      %swap3A_256 = tpu.vector_load %arg6[%swap3A_254, %swap3A_255] {strides = array<i32>} : memref<26x128xi32, #tpu.memory_space<vmem>>, vector<16xi32>,
      tpu.vector_store %arg6[%swap3A_254, %swap3A_255], %add3A_252 {strides = array<i32>} : memref<26x128xi32, #tpu.memory_space<vmem>>, vector<16xi32>,
      %add3A_257 = arith.constant 3759 : i32
      %add3A_258 = vector.broadcast %add3A_257 : i32 to vector<16xi32>
      %add3A_259 = arith.addi %mul3A_16, %add3A_258 : vector<16xi32>
      %gather3A_260 = tpu.vector_load_idx %arg5[%add3A_259] : memref<4992xi32, #tpu.memory_space<vmem>>[vector<16xi32>], vector<16xi32>,
      %add3A_261 = arith.constant 200000 : i32
      %add3A_262 = vector.broadcast %add3A_261 : i32 to vector<16xi32>
      %add3A_263 = arith.addi %gather3A_260, %add3A_262 : vector<16xi32>
      %swap3A_264 = arith.constant 2 : i32
      %swap3A_265 = arith.index_cast %swap3A_264 : i32 to index
      %swap3A_266 = arith.constant 96 : index
      %swap3A_267 = tpu.vector_load %arg6[%swap3A_265, %swap3A_266] {strides = array<i32>} : memref<26x128xi32, #tpu.memory_space<vmem>>, vector<16xi32>,
      tpu.vector_store %arg6[%swap3A_265, %swap3A_266], %add3A_263 {strides = array<i32>} : memref<26x128xi32, #tpu.memory_space<vmem>>, vector<16xi32>,
      %add3A_268 = arith.constant 4383 : i32
      %add3A_269 = vector.broadcast %add3A_268 : i32 to vector<16xi32>
      %add3A_270 = arith.addi %mul3A_16, %add3A_269 : vector<16xi32>
      %gather3A_271 = tpu.vector_load_idx %arg5[%add3A_270] : memref<4992xi32, #tpu.memory_space<vmem>>[vector<16xi32>], vector<16xi32>,
      %add3A_272 = arith.constant 200000 : i32
      %add3A_273 = vector.broadcast %add3A_272 : i32 to vector<16xi32>
      %add3A_274 = arith.addi %gather3A_271, %add3A_273 : vector<16xi32>
      %swap3A_275 = arith.constant 2 : i32
      %swap3A_276 = arith.index_cast %swap3A_275 : i32 to index
      %swap3A_277 = arith.constant 112 : index
      %swap3A_278 = tpu.vector_load %arg6[%swap3A_276, %swap3A_277] {strides = array<i32>} : memref<26x128xi32, #tpu.memory_space<vmem>>, vector<16xi32>,
      tpu.vector_store %arg6[%swap3A_276, %swap3A_277], %add3A_274 {strides = array<i32>} : memref<26x128xi32, #tpu.memory_space<vmem>>, vector<16xi32>,
      %add3A_279 = arith.constant 16 : i32
      %add3A_280 = vector.broadcast %add3A_279 : i32 to vector<16xi32>
      %add3A_281 = arith.addi %mul3A_16, %add3A_280 : vector<16xi32>
      %gather3A_282 = tpu.vector_load_idx %arg5[%add3A_281] : memref<4992xi32, #tpu.memory_space<vmem>>[vector<16xi32>], vector<16xi32>,
      %add3A_283 = arith.constant 300000 : i32
      %add3A_284 = vector.broadcast %add3A_283 : i32 to vector<16xi32>
      %add3A_285 = arith.addi %gather3A_282, %add3A_284 : vector<16xi32>
      %swap3A_286 = arith.constant 3 : i32
      %swap3A_287 = arith.index_cast %swap3A_286 : i32 to index
      %swap3A_288 = arith.constant 0 : index
      %swap3A_289 = tpu.vector_load %arg6[%swap3A_287, %swap3A_288] {strides = array<i32>} : memref<26x128xi32, #tpu.memory_space<vmem>>, vector<16xi32>,
      tpu.vector_store %arg6[%swap3A_287, %swap3A_288], %add3A_285 {strides = array<i32>} : memref<26x128xi32, #tpu.memory_space<vmem>>, vector<16xi32>,
      %add3A_290 = arith.constant 640 : i32
      %add3A_291 = vector.broadcast %add3A_290 : i32 to vector<16xi32>
      %add3A_292 = arith.addi %mul3A_16, %add3A_291 : vector<16xi32>
      %gather3A_293 = tpu.vector_load_idx %arg5[%add3A_292] : memref<4992xi32, #tpu.memory_space<vmem>>[vector<16xi32>], vector<16xi32>,
      %add3A_294 = arith.constant 300000 : i32
      %add3A_295 = vector.broadcast %add3A_294 : i32 to vector<16xi32>
      %add3A_296 = arith.addi %gather3A_293, %add3A_295 : vector<16xi32>
      %swap3A_297 = arith.constant 3 : i32
      %swap3A_298 = arith.index_cast %swap3A_297 : i32 to index
      %swap3A_299 = arith.constant 16 : index
      %swap3A_300 = tpu.vector_load %arg6[%swap3A_298, %swap3A_299] {strides = array<i32>} : memref<26x128xi32, #tpu.memory_space<vmem>>, vector<16xi32>,
      tpu.vector_store %arg6[%swap3A_298, %swap3A_299], %add3A_296 {strides = array<i32>} : memref<26x128xi32, #tpu.memory_space<vmem>>, vector<16xi32>,
      %add3A_301 = arith.constant 1264 : i32
      %add3A_302 = vector.broadcast %add3A_301 : i32 to vector<16xi32>
      %add3A_303 = arith.addi %mul3A_16, %add3A_302 : vector<16xi32>
      %gather3A_304 = tpu.vector_load_idx %arg5[%add3A_303] : memref<4992xi32, #tpu.memory_space<vmem>>[vector<16xi32>], vector<16xi32>,
      %add3A_305 = arith.constant 300000 : i32
      %add3A_306 = vector.broadcast %add3A_305 : i32 to vector<16xi32>
      %add3A_307 = arith.addi %gather3A_304, %add3A_306 : vector<16xi32>
      %swap3A_308 = arith.constant 3 : i32
      %swap3A_309 = arith.index_cast %swap3A_308 : i32 to index
      %swap3A_310 = arith.constant 32 : index
      %swap3A_311 = tpu.vector_load %arg6[%swap3A_309, %swap3A_310] {strides = array<i32>} : memref<26x128xi32, #tpu.memory_space<vmem>>, vector<16xi32>,
      tpu.vector_store %arg6[%swap3A_309, %swap3A_310], %add3A_307 {strides = array<i32>} : memref<26x128xi32, #tpu.memory_space<vmem>>, vector<16xi32>,
      %add3A_312 = arith.constant 1888 : i32
      %add3A_313 = vector.broadcast %add3A_312 : i32 to vector<16xi32>
      %add3A_314 = arith.addi %mul3A_16, %add3A_313 : vector<16xi32>
      %gather3A_315 = tpu.vector_load_idx %arg5[%add3A_314] : memref<4992xi32, #tpu.memory_space<vmem>>[vector<16xi32>], vector<16xi32>,
      %add3A_316 = arith.constant 300000 : i32
      %add3A_317 = vector.broadcast %add3A_316 : i32 to vector<16xi32>
      %add3A_318 = arith.addi %gather3A_315, %add3A_317 : vector<16xi32>
      %swap3A_319 = arith.constant 3 : i32
      %swap3A_320 = arith.index_cast %swap3A_319 : i32 to index
      %swap3A_321 = arith.constant 48 : index
      %swap3A_322 = tpu.vector_load %arg6[%swap3A_320, %swap3A_321] {strides = array<i32>} : memref<26x128xi32, #tpu.memory_space<vmem>>, vector<16xi32>,
      tpu.vector_store %arg6[%swap3A_320, %swap3A_321], %add3A_318 {strides = array<i32>} : memref<26x128xi32, #tpu.memory_space<vmem>>, vector<16xi32>,
      %add3A_323 = arith.constant 2512 : i32
      %add3A_324 = vector.broadcast %add3A_323 : i32 to vector<16xi32>
      %add3A_325 = arith.addi %mul3A_16, %add3A_324 : vector<16xi32>
      %gather3A_326 = tpu.vector_load_idx %arg5[%add3A_325] : memref<4992xi32, #tpu.memory_space<vmem>>[vector<16xi32>], vector<16xi32>,
      %add3A_327 = arith.constant 300000 : i32
      %add3A_328 = vector.broadcast %add3A_327 : i32 to vector<16xi32>
      %add3A_329 = arith.addi %gather3A_326, %add3A_328 : vector<16xi32>
      %swap3A_330 = arith.constant 3 : i32
      %swap3A_331 = arith.index_cast %swap3A_330 : i32 to index
      %swap3A_332 = arith.constant 64 : index
      %swap3A_333 = tpu.vector_load %arg6[%swap3A_331, %swap3A_332] {strides = array<i32>} : memref<26x128xi32, #tpu.memory_space<vmem>>, vector<16xi32>,
      tpu.vector_store %arg6[%swap3A_331, %swap3A_332], %add3A_329 {strides = array<i32>} : memref<26x128xi32, #tpu.memory_space<vmem>>, vector<16xi32>,
      %add3A_334 = arith.constant 3136 : i32
      %add3A_335 = vector.broadcast %add3A_334 : i32 to vector<16xi32>
      %add3A_336 = arith.addi %mul3A_16, %add3A_335 : vector<16xi32>
      %gather3A_337 = tpu.vector_load_idx %arg5[%add3A_336] : memref<4992xi32, #tpu.memory_space<vmem>>[vector<16xi32>], vector<16xi32>,
      %add3A_338 = arith.constant 300000 : i32
      %add3A_339 = vector.broadcast %add3A_338 : i32 to vector<16xi32>
      %add3A_340 = arith.addi %gather3A_337, %add3A_339 : vector<16xi32>
      %swap3A_341 = arith.constant 3 : i32
      %swap3A_342 = arith.index_cast %swap3A_341 : i32 to index
      %swap3A_343 = arith.constant 80 : index
      %swap3A_344 = tpu.vector_load %arg6[%swap3A_342, %swap3A_343] {strides = array<i32>} : memref<26x128xi32, #tpu.memory_space<vmem>>, vector<16xi32>,
      tpu.vector_store %arg6[%swap3A_342, %swap3A_343], %add3A_340 {strides = array<i32>} : memref<26x128xi32, #tpu.memory_space<vmem>>, vector<16xi32>,
      %add3A_345 = arith.constant 3760 : i32
      %add3A_346 = vector.broadcast %add3A_345 : i32 to vector<16xi32>
      %add3A_347 = arith.addi %mul3A_16, %add3A_346 : vector<16xi32>
      %gather3A_348 = tpu.vector_load_idx %arg5[%add3A_347] : memref<4992xi32, #tpu.memory_space<vmem>>[vector<16xi32>], vector<16xi32>,
      %add3A_349 = arith.constant 300000 : i32
      %add3A_350 = vector.broadcast %add3A_349 : i32 to vector<16xi32>
      %add3A_351 = arith.addi %gather3A_348, %add3A_350 : vector<16xi32>
      %swap3A_352 = arith.constant 3 : i32
      %swap3A_353 = arith.index_cast %swap3A_352 : i32 to index
      %swap3A_354 = arith.constant 96 : index
      %swap3A_355 = tpu.vector_load %arg6[%swap3A_353, %swap3A_354] {strides = array<i32>} : memref<26x128xi32, #tpu.memory_space<vmem>>, vector<16xi32>,
      tpu.vector_store %arg6[%swap3A_353, %swap3A_354], %add3A_351 {strides = array<i32>} : memref<26x128xi32, #tpu.memory_space<vmem>>, vector<16xi32>,
      %add3A_356 = arith.constant 4384 : i32
      %add3A_357 = vector.broadcast %add3A_356 : i32 to vector<16xi32>
      %add3A_358 = arith.addi %mul3A_16, %add3A_357 : vector<16xi32>
      %gather3A_359 = tpu.vector_load_idx %arg5[%add3A_358] : memref<4992xi32, #tpu.memory_space<vmem>>[vector<16xi32>], vector<16xi32>,
      %add3A_360 = arith.constant 300000 : i32
      %add3A_361 = vector.broadcast %add3A_360 : i32 to vector<16xi32>
      %add3A_362 = arith.addi %gather3A_359, %add3A_361 : vector<16xi32>
      %swap3A_363 = arith.constant 3 : i32
      %swap3A_364 = arith.index_cast %swap3A_363 : i32 to index
      %swap3A_365 = arith.constant 112 : index
      %swap3A_366 = tpu.vector_load %arg6[%swap3A_364, %swap3A_365] {strides = array<i32>} : memref<26x128xi32, #tpu.memory_space<vmem>>, vector<16xi32>,
      tpu.vector_store %arg6[%swap3A_364, %swap3A_365], %add3A_362 {strides = array<i32>} : memref<26x128xi32, #tpu.memory_space<vmem>>, vector<16xi32>,
      %add3A_367 = arith.constant 17 : i32
      %add3A_368 = vector.broadcast %add3A_367 : i32 to vector<16xi32>
      %add3A_369 = arith.addi %mul3A_16, %add3A_368 : vector<16xi32>
      %gather3A_370 = tpu.vector_load_idx %arg5[%add3A_369] : memref<4992xi32, #tpu.memory_space<vmem>>[vector<16xi32>], vector<16xi32>,
      %add3A_371 = arith.constant 400000 : i32
      %add3A_372 = vector.broadcast %add3A_371 : i32 to vector<16xi32>
      %add3A_373 = arith.addi %gather3A_370, %add3A_372 : vector<16xi32>
      %swap3A_374 = arith.constant 4 : i32
      %swap3A_375 = arith.index_cast %swap3A_374 : i32 to index
      %swap3A_376 = arith.constant 0 : index
      %swap3A_377 = tpu.vector_load %arg6[%swap3A_375, %swap3A_376] {strides = array<i32>} : memref<26x128xi32, #tpu.memory_space<vmem>>, vector<16xi32>,
      tpu.vector_store %arg6[%swap3A_375, %swap3A_376], %add3A_373 {strides = array<i32>} : memref<26x128xi32, #tpu.memory_space<vmem>>, vector<16xi32>,
      %add3A_378 = arith.constant 641 : i32
      %add3A_379 = vector.broadcast %add3A_378 : i32 to vector<16xi32>
      %add3A_380 = arith.addi %mul3A_16, %add3A_379 : vector<16xi32>
      %gather3A_381 = tpu.vector_load_idx %arg5[%add3A_380] : memref<4992xi32, #tpu.memory_space<vmem>>[vector<16xi32>], vector<16xi32>,
      %add3A_382 = arith.constant 400000 : i32
      %add3A_383 = vector.broadcast %add3A_382 : i32 to vector<16xi32>
      %add3A_384 = arith.addi %gather3A_381, %add3A_383 : vector<16xi32>
      %swap3A_385 = arith.constant 4 : i32
      %swap3A_386 = arith.index_cast %swap3A_385 : i32 to index
      %swap3A_387 = arith.constant 16 : index
      %swap3A_388 = tpu.vector_load %arg6[%swap3A_386, %swap3A_387] {strides = array<i32>} : memref<26x128xi32, #tpu.memory_space<vmem>>, vector<16xi32>,
      tpu.vector_store %arg6[%swap3A_386, %swap3A_387], %add3A_384 {strides = array<i32>} : memref<26x128xi32, #tpu.memory_space<vmem>>, vector<16xi32>,
      %add3A_389 = arith.constant 1265 : i32
      %add3A_390 = vector.broadcast %add3A_389 : i32 to vector<16xi32>
      %add3A_391 = arith.addi %mul3A_16, %add3A_390 : vector<16xi32>
      %gather3A_392 = tpu.vector_load_idx %arg5[%add3A_391] : memref<4992xi32, #tpu.memory_space<vmem>>[vector<16xi32>], vector<16xi32>,
      %add3A_393 = arith.constant 400000 : i32
      %add3A_394 = vector.broadcast %add3A_393 : i32 to vector<16xi32>
      %add3A_395 = arith.addi %gather3A_392, %add3A_394 : vector<16xi32>
      %swap3A_396 = arith.constant 4 : i32
      %swap3A_397 = arith.index_cast %swap3A_396 : i32 to index
      %swap3A_398 = arith.constant 32 : index
      %swap3A_399 = tpu.vector_load %arg6[%swap3A_397, %swap3A_398] {strides = array<i32>} : memref<26x128xi32, #tpu.memory_space<vmem>>, vector<16xi32>,
      tpu.vector_store %arg6[%swap3A_397, %swap3A_398], %add3A_395 {strides = array<i32>} : memref<26x128xi32, #tpu.memory_space<vmem>>, vector<16xi32>,
      %add3A_400 = arith.constant 1889 : i32
      %add3A_401 = vector.broadcast %add3A_400 : i32 to vector<16xi32>
      %add3A_402 = arith.addi %mul3A_16, %add3A_401 : vector<16xi32>
      %gather3A_403 = tpu.vector_load_idx %arg5[%add3A_402] : memref<4992xi32, #tpu.memory_space<vmem>>[vector<16xi32>], vector<16xi32>,
      %add3A_404 = arith.constant 400000 : i32
      %add3A_405 = vector.broadcast %add3A_404 : i32 to vector<16xi32>
      %add3A_406 = arith.addi %gather3A_403, %add3A_405 : vector<16xi32>
      %swap3A_407 = arith.constant 4 : i32
      %swap3A_408 = arith.index_cast %swap3A_407 : i32 to index
      %swap3A_409 = arith.constant 48 : index
      %swap3A_410 = tpu.vector_load %arg6[%swap3A_408, %swap3A_409] {strides = array<i32>} : memref<26x128xi32, #tpu.memory_space<vmem>>, vector<16xi32>,
      tpu.vector_store %arg6[%swap3A_408, %swap3A_409], %add3A_406 {strides = array<i32>} : memref<26x128xi32, #tpu.memory_space<vmem>>, vector<16xi32>,
      %add3A_411 = arith.constant 2513 : i32
      %add3A_412 = vector.broadcast %add3A_411 : i32 to vector<16xi32>
      %add3A_413 = arith.addi %mul3A_16, %add3A_412 : vector<16xi32>
      %gather3A_414 = tpu.vector_load_idx %arg5[%add3A_413] : memref<4992xi32, #tpu.memory_space<vmem>>[vector<16xi32>], vector<16xi32>,
      %add3A_415 = arith.constant 400000 : i32
      %add3A_416 = vector.broadcast %add3A_415 : i32 to vector<16xi32>
      %add3A_417 = arith.addi %gather3A_414, %add3A_416 : vector<16xi32>
      %swap3A_418 = arith.constant 4 : i32
      %swap3A_419 = arith.index_cast %swap3A_418 : i32 to index
      %swap3A_420 = arith.constant 64 : index
      %swap3A_421 = tpu.vector_load %arg6[%swap3A_419, %swap3A_420] {strides = array<i32>} : memref<26x128xi32, #tpu.memory_space<vmem>>, vector<16xi32>,
      tpu.vector_store %arg6[%swap3A_419, %swap3A_420], %add3A_417 {strides = array<i32>} : memref<26x128xi32, #tpu.memory_space<vmem>>, vector<16xi32>,
      %add3A_422 = arith.constant 3137 : i32
      %add3A_423 = vector.broadcast %add3A_422 : i32 to vector<16xi32>
      %add3A_424 = arith.addi %mul3A_16, %add3A_423 : vector<16xi32>
      %gather3A_425 = tpu.vector_load_idx %arg5[%add3A_424] : memref<4992xi32, #tpu.memory_space<vmem>>[vector<16xi32>], vector<16xi32>,
      %add3A_426 = arith.constant 400000 : i32
      %add3A_427 = vector.broadcast %add3A_426 : i32 to vector<16xi32>
      %add3A_428 = arith.addi %gather3A_425, %add3A_427 : vector<16xi32>
      %swap3A_429 = arith.constant 4 : i32
      %swap3A_430 = arith.index_cast %swap3A_429 : i32 to index
      %swap3A_431 = arith.constant 80 : index
      %swap3A_432 = tpu.vector_load %arg6[%swap3A_430, %swap3A_431] {strides = array<i32>} : memref<26x128xi32, #tpu.memory_space<vmem>>, vector<16xi32>,
      tpu.vector_store %arg6[%swap3A_430, %swap3A_431], %add3A_428 {strides = array<i32>} : memref<26x128xi32, #tpu.memory_space<vmem>>, vector<16xi32>,
      %add3A_433 = arith.constant 3761 : i32
      %add3A_434 = vector.broadcast %add3A_433 : i32 to vector<16xi32>
      %add3A_435 = arith.addi %mul3A_16, %add3A_434 : vector<16xi32>
      %gather3A_436 = tpu.vector_load_idx %arg5[%add3A_435] : memref<4992xi32, #tpu.memory_space<vmem>>[vector<16xi32>], vector<16xi32>,
      %add3A_437 = arith.constant 400000 : i32
      %add3A_438 = vector.broadcast %add3A_437 : i32 to vector<16xi32>
      %add3A_439 = arith.addi %gather3A_436, %add3A_438 : vector<16xi32>
      %swap3A_440 = arith.constant 4 : i32
      %swap3A_441 = arith.index_cast %swap3A_440 : i32 to index
      %swap3A_442 = arith.constant 96 : index
      %swap3A_443 = tpu.vector_load %arg6[%swap3A_441, %swap3A_442] {strides = array<i32>} : memref<26x128xi32, #tpu.memory_space<vmem>>, vector<16xi32>,
      tpu.vector_store %arg6[%swap3A_441, %swap3A_442], %add3A_439 {strides = array<i32>} : memref<26x128xi32, #tpu.memory_space<vmem>>, vector<16xi32>,
      %add3A_444 = arith.constant 4385 : i32
      %add3A_445 = vector.broadcast %add3A_444 : i32 to vector<16xi32>
      %add3A_446 = arith.addi %mul3A_16, %add3A_445 : vector<16xi32>
      %gather3A_447 = tpu.vector_load_idx %arg5[%add3A_446] : memref<4992xi32, #tpu.memory_space<vmem>>[vector<16xi32>], vector<16xi32>,
      %add3A_448 = arith.constant 400000 : i32
      %add3A_449 = vector.broadcast %add3A_448 : i32 to vector<16xi32>
      %add3A_450 = arith.addi %gather3A_447, %add3A_449 : vector<16xi32>
      %swap3A_451 = arith.constant 4 : i32
      %swap3A_452 = arith.index_cast %swap3A_451 : i32 to index
      %swap3A_453 = arith.constant 112 : index
      %swap3A_454 = tpu.vector_load %arg6[%swap3A_452, %swap3A_453] {strides = array<i32>} : memref<26x128xi32, #tpu.memory_space<vmem>>, vector<16xi32>,
      tpu.vector_store %arg6[%swap3A_452, %swap3A_453], %add3A_450 {strides = array<i32>} : memref<26x128xi32, #tpu.memory_space<vmem>>, vector<16xi32>,
      %add3A_455 = arith.constant 18 : i32
      %add3A_456 = vector.broadcast %add3A_455 : i32 to vector<16xi32>
      %add3A_457 = arith.addi %mul3A_16, %add3A_456 : vector<16xi32>
      %gather3A_458 = tpu.vector_load_idx %arg5[%add3A_457] : memref<4992xi32, #tpu.memory_space<vmem>>[vector<16xi32>], vector<16xi32>,
      %add3A_459 = arith.constant 500000 : i32
      %add3A_460 = vector.broadcast %add3A_459 : i32 to vector<16xi32>
      %add3A_461 = arith.addi %gather3A_458, %add3A_460 : vector<16xi32>
      %swap3A_462 = arith.constant 5 : i32
      %swap3A_463 = arith.index_cast %swap3A_462 : i32 to index
      %swap3A_464 = arith.constant 0 : index
      %swap3A_465 = tpu.vector_load %arg6[%swap3A_463, %swap3A_464] {strides = array<i32>} : memref<26x128xi32, #tpu.memory_space<vmem>>, vector<16xi32>,
      tpu.vector_store %arg6[%swap3A_463, %swap3A_464], %add3A_461 {strides = array<i32>} : memref<26x128xi32, #tpu.memory_space<vmem>>, vector<16xi32>,
      %add3A_466 = arith.constant 642 : i32
      %add3A_467 = vector.broadcast %add3A_466 : i32 to vector<16xi32>
      %add3A_468 = arith.addi %mul3A_16, %add3A_467 : vector<16xi32>
      %gather3A_469 = tpu.vector_load_idx %arg5[%add3A_468] : memref<4992xi32, #tpu.memory_space<vmem>>[vector<16xi32>], vector<16xi32>,
      %add3A_470 = arith.constant 500000 : i32
      %add3A_471 = vector.broadcast %add3A_470 : i32 to vector<16xi32>
      %add3A_472 = arith.addi %gather3A_469, %add3A_471 : vector<16xi32>
      %swap3A_473 = arith.constant 5 : i32
      %swap3A_474 = arith.index_cast %swap3A_473 : i32 to index
      %swap3A_475 = arith.constant 16 : index
      %swap3A_476 = tpu.vector_load %arg6[%swap3A_474, %swap3A_475] {strides = array<i32>} : memref<26x128xi32, #tpu.memory_space<vmem>>, vector<16xi32>,
      tpu.vector_store %arg6[%swap3A_474, %swap3A_475], %add3A_472 {strides = array<i32>} : memref<26x128xi32, #tpu.memory_space<vmem>>, vector<16xi32>,
      %add3A_477 = arith.constant 1266 : i32
      %add3A_478 = vector.broadcast %add3A_477 : i32 to vector<16xi32>
      %add3A_479 = arith.addi %mul3A_16, %add3A_478 : vector<16xi32>
      %gather3A_480 = tpu.vector_load_idx %arg5[%add3A_479] : memref<4992xi32, #tpu.memory_space<vmem>>[vector<16xi32>], vector<16xi32>,
      %add3A_481 = arith.constant 500000 : i32
      %add3A_482 = vector.broadcast %add3A_481 : i32 to vector<16xi32>
      %add3A_483 = arith.addi %gather3A_480, %add3A_482 : vector<16xi32>
      %swap3A_484 = arith.constant 5 : i32
      %swap3A_485 = arith.index_cast %swap3A_484 : i32 to index
      %swap3A_486 = arith.constant 32 : index
      %swap3A_487 = tpu.vector_load %arg6[%swap3A_485, %swap3A_486] {strides = array<i32>} : memref<26x128xi32, #tpu.memory_space<vmem>>, vector<16xi32>,
      tpu.vector_store %arg6[%swap3A_485, %swap3A_486], %add3A_483 {strides = array<i32>} : memref<26x128xi32, #tpu.memory_space<vmem>>, vector<16xi32>,
      %add3A_488 = arith.constant 1890 : i32
      %add3A_489 = vector.broadcast %add3A_488 : i32 to vector<16xi32>
      %add3A_490 = arith.addi %mul3A_16, %add3A_489 : vector<16xi32>
      %gather3A_491 = tpu.vector_load_idx %arg5[%add3A_490] : memref<4992xi32, #tpu.memory_space<vmem>>[vector<16xi32>], vector<16xi32>,
      %add3A_492 = arith.constant 500000 : i32
      %add3A_493 = vector.broadcast %add3A_492 : i32 to vector<16xi32>
      %add3A_494 = arith.addi %gather3A_491, %add3A_493 : vector<16xi32>
      %swap3A_495 = arith.constant 5 : i32
      %swap3A_496 = arith.index_cast %swap3A_495 : i32 to index
      %swap3A_497 = arith.constant 48 : index
      %swap3A_498 = tpu.vector_load %arg6[%swap3A_496, %swap3A_497] {strides = array<i32>} : memref<26x128xi32, #tpu.memory_space<vmem>>, vector<16xi32>,
      tpu.vector_store %arg6[%swap3A_496, %swap3A_497], %add3A_494 {strides = array<i32>} : memref<26x128xi32, #tpu.memory_space<vmem>>, vector<16xi32>,
      %add3A_499 = arith.constant 2514 : i32
      %add3A_500 = vector.broadcast %add3A_499 : i32 to vector<16xi32>
      %add3A_501 = arith.addi %mul3A_16, %add3A_500 : vector<16xi32>
      %gather3A_502 = tpu.vector_load_idx %arg5[%add3A_501] : memref<4992xi32, #tpu.memory_space<vmem>>[vector<16xi32>], vector<16xi32>,
      %add3A_503 = arith.constant 500000 : i32
      %add3A_504 = vector.broadcast %add3A_503 : i32 to vector<16xi32>
      %add3A_505 = arith.addi %gather3A_502, %add3A_504 : vector<16xi32>
      %swap3A_506 = arith.constant 5 : i32
      %swap3A_507 = arith.index_cast %swap3A_506 : i32 to index
      %swap3A_508 = arith.constant 64 : index
      %swap3A_509 = tpu.vector_load %arg6[%swap3A_507, %swap3A_508] {strides = array<i32>} : memref<26x128xi32, #tpu.memory_space<vmem>>, vector<16xi32>,
      tpu.vector_store %arg6[%swap3A_507, %swap3A_508], %add3A_505 {strides = array<i32>} : memref<26x128xi32, #tpu.memory_space<vmem>>, vector<16xi32>,
      %add3A_510 = arith.constant 3138 : i32
      %add3A_511 = vector.broadcast %add3A_510 : i32 to vector<16xi32>
      %add3A_512 = arith.addi %mul3A_16, %add3A_511 : vector<16xi32>
      %gather3A_513 = tpu.vector_load_idx %arg5[%add3A_512] : memref<4992xi32, #tpu.memory_space<vmem>>[vector<16xi32>], vector<16xi32>,
      %add3A_514 = arith.constant 500000 : i32
      %add3A_515 = vector.broadcast %add3A_514 : i32 to vector<16xi32>
      %add3A_516 = arith.addi %gather3A_513, %add3A_515 : vector<16xi32>
      %swap3A_517 = arith.constant 5 : i32
      %swap3A_518 = arith.index_cast %swap3A_517 : i32 to index
      %swap3A_519 = arith.constant 80 : index
      %swap3A_520 = tpu.vector_load %arg6[%swap3A_518, %swap3A_519] {strides = array<i32>} : memref<26x128xi32, #tpu.memory_space<vmem>>, vector<16xi32>,
      tpu.vector_store %arg6[%swap3A_518, %swap3A_519], %add3A_516 {strides = array<i32>} : memref<26x128xi32, #tpu.memory_space<vmem>>, vector<16xi32>,
      %add3A_521 = arith.constant 3762 : i32
      %add3A_522 = vector.broadcast %add3A_521 : i32 to vector<16xi32>
      %add3A_523 = arith.addi %mul3A_16, %add3A_522 : vector<16xi32>
      %gather3A_524 = tpu.vector_load_idx %arg5[%add3A_523] : memref<4992xi32, #tpu.memory_space<vmem>>[vector<16xi32>], vector<16xi32>,
      %add3A_525 = arith.constant 500000 : i32
      %add3A_526 = vector.broadcast %add3A_525 : i32 to vector<16xi32>
      %add3A_527 = arith.addi %gather3A_524, %add3A_526 : vector<16xi32>
      %swap3A_528 = arith.constant 5 : i32
      %swap3A_529 = arith.index_cast %swap3A_528 : i32 to index
      %swap3A_530 = arith.constant 96 : index
      %swap3A_531 = tpu.vector_load %arg6[%swap3A_529, %swap3A_530] {strides = array<i32>} : memref<26x128xi32, #tpu.memory_space<vmem>>, vector<16xi32>,
      tpu.vector_store %arg6[%swap3A_529, %swap3A_530], %add3A_527 {strides = array<i32>} : memref<26x128xi32, #tpu.memory_space<vmem>>, vector<16xi32>,
      %add3A_532 = arith.constant 4386 : i32
      %add3A_533 = vector.broadcast %add3A_532 : i32 to vector<16xi32>
      %add3A_534 = arith.addi %mul3A_16, %add3A_533 : vector<16xi32>
      %gather3A_535 = tpu.vector_load_idx %arg5[%add3A_534] : memref<4992xi32, #tpu.memory_space<vmem>>[vector<16xi32>], vector<16xi32>,
      %add3A_536 = arith.constant 500000 : i32
      %add3A_537 = vector.broadcast %add3A_536 : i32 to vector<16xi32>
      %add3A_538 = arith.addi %gather3A_535, %add3A_537 : vector<16xi32>
      %swap3A_539 = arith.constant 5 : i32
      %swap3A_540 = arith.index_cast %swap3A_539 : i32 to index
      %swap3A_541 = arith.constant 112 : index
      %swap3A_542 = tpu.vector_load %arg6[%swap3A_540, %swap3A_541] {strides = array<i32>} : memref<26x128xi32, #tpu.memory_space<vmem>>, vector<16xi32>,
      tpu.vector_store %arg6[%swap3A_540, %swap3A_541], %add3A_538 {strides = array<i32>} : memref<26x128xi32, #tpu.memory_space<vmem>>, vector<16xi32>,
      %add3A_543 = arith.constant 19 : i32
      %add3A_544 = vector.broadcast %add3A_543 : i32 to vector<16xi32>
      %add3A_545 = arith.addi %mul3A_16, %add3A_544 : vector<16xi32>
      %gather3A_546 = tpu.vector_load_idx %arg5[%add3A_545] : memref<4992xi32, #tpu.memory_space<vmem>>[vector<16xi32>], vector<16xi32>,
      %add3A_547 = arith.constant 600000 : i32
      %add3A_548 = vector.broadcast %add3A_547 : i32 to vector<16xi32>
      %add3A_549 = arith.addi %gather3A_546, %add3A_548 : vector<16xi32>
      %swap3A_550 = arith.constant 6 : i32
      %swap3A_551 = arith.index_cast %swap3A_550 : i32 to index
      %swap3A_552 = arith.constant 0 : index
      %swap3A_553 = tpu.vector_load %arg6[%swap3A_551, %swap3A_552] {strides = array<i32>} : memref<26x128xi32, #tpu.memory_space<vmem>>, vector<16xi32>,
      tpu.vector_store %arg6[%swap3A_551, %swap3A_552], %add3A_549 {strides = array<i32>} : memref<26x128xi32, #tpu.memory_space<vmem>>, vector<16xi32>,
      %add3A_554 = arith.constant 643 : i32
      %add3A_555 = vector.broadcast %add3A_554 : i32 to vector<16xi32>
      %add3A_556 = arith.addi %mul3A_16, %add3A_555 : vector<16xi32>
      %gather3A_557 = tpu.vector_load_idx %arg5[%add3A_556] : memref<4992xi32, #tpu.memory_space<vmem>>[vector<16xi32>], vector<16xi32>,
      %add3A_558 = arith.constant 600000 : i32
      %add3A_559 = vector.broadcast %add3A_558 : i32 to vector<16xi32>
      %add3A_560 = arith.addi %gather3A_557, %add3A_559 : vector<16xi32>
      %swap3A_561 = arith.constant 6 : i32
      %swap3A_562 = arith.index_cast %swap3A_561 : i32 to index
      %swap3A_563 = arith.constant 16 : index
      %swap3A_564 = tpu.vector_load %arg6[%swap3A_562, %swap3A_563] {strides = array<i32>} : memref<26x128xi32, #tpu.memory_space<vmem>>, vector<16xi32>,
      tpu.vector_store %arg6[%swap3A_562, %swap3A_563], %add3A_560 {strides = array<i32>} : memref<26x128xi32, #tpu.memory_space<vmem>>, vector<16xi32>,
      %add3A_565 = arith.constant 1267 : i32
      %add3A_566 = vector.broadcast %add3A_565 : i32 to vector<16xi32>
      %add3A_567 = arith.addi %mul3A_16, %add3A_566 : vector<16xi32>
      %gather3A_568 = tpu.vector_load_idx %arg5[%add3A_567] : memref<4992xi32, #tpu.memory_space<vmem>>[vector<16xi32>], vector<16xi32>,
      %add3A_569 = arith.constant 600000 : i32
      %add3A_570 = vector.broadcast %add3A_569 : i32 to vector<16xi32>
      %add3A_571 = arith.addi %gather3A_568, %add3A_570 : vector<16xi32>
      %swap3A_572 = arith.constant 6 : i32
      %swap3A_573 = arith.index_cast %swap3A_572 : i32 to index
      %swap3A_574 = arith.constant 32 : index
      %swap3A_575 = tpu.vector_load %arg6[%swap3A_573, %swap3A_574] {strides = array<i32>} : memref<26x128xi32, #tpu.memory_space<vmem>>, vector<16xi32>,
      tpu.vector_store %arg6[%swap3A_573, %swap3A_574], %add3A_571 {strides = array<i32>} : memref<26x128xi32, #tpu.memory_space<vmem>>, vector<16xi32>,
      %add3A_576 = arith.constant 1891 : i32
      %add3A_577 = vector.broadcast %add3A_576 : i32 to vector<16xi32>
      %add3A_578 = arith.addi %mul3A_16, %add3A_577 : vector<16xi32>
      %gather3A_579 = tpu.vector_load_idx %arg5[%add3A_578] : memref<4992xi32, #tpu.memory_space<vmem>>[vector<16xi32>], vector<16xi32>,
      %add3A_580 = arith.constant 600000 : i32
      %add3A_581 = vector.broadcast %add3A_580 : i32 to vector<16xi32>
      %add3A_582 = arith.addi %gather3A_579, %add3A_581 : vector<16xi32>
      %swap3A_583 = arith.constant 6 : i32
      %swap3A_584 = arith.index_cast %swap3A_583 : i32 to index
      %swap3A_585 = arith.constant 48 : index
      %swap3A_586 = tpu.vector_load %arg6[%swap3A_584, %swap3A_585] {strides = array<i32>} : memref<26x128xi32, #tpu.memory_space<vmem>>, vector<16xi32>,
      tpu.vector_store %arg6[%swap3A_584, %swap3A_585], %add3A_582 {strides = array<i32>} : memref<26x128xi32, #tpu.memory_space<vmem>>, vector<16xi32>,
      %add3A_587 = arith.constant 2515 : i32
      %add3A_588 = vector.broadcast %add3A_587 : i32 to vector<16xi32>
      %add3A_589 = arith.addi %mul3A_16, %add3A_588 : vector<16xi32>
      %gather3A_590 = tpu.vector_load_idx %arg5[%add3A_589] : memref<4992xi32, #tpu.memory_space<vmem>>[vector<16xi32>], vector<16xi32>,
      %add3A_591 = arith.constant 600000 : i32
      %add3A_592 = vector.broadcast %add3A_591 : i32 to vector<16xi32>
      %add3A_593 = arith.addi %gather3A_590, %add3A_592 : vector<16xi32>
      %swap3A_594 = arith.constant 6 : i32
      %swap3A_595 = arith.index_cast %swap3A_594 : i32 to index
      %swap3A_596 = arith.constant 64 : index
      %swap3A_597 = tpu.vector_load %arg6[%swap3A_595, %swap3A_596] {strides = array<i32>} : memref<26x128xi32, #tpu.memory_space<vmem>>, vector<16xi32>,
      tpu.vector_store %arg6[%swap3A_595, %swap3A_596], %add3A_593 {strides = array<i32>} : memref<26x128xi32, #tpu.memory_space<vmem>>, vector<16xi32>,
      %add3A_598 = arith.constant 3139 : i32
      %add3A_599 = vector.broadcast %add3A_598 : i32 to vector<16xi32>
      %add3A_600 = arith.addi %mul3A_16, %add3A_599 : vector<16xi32>
      %gather3A_601 = tpu.vector_load_idx %arg5[%add3A_600] : memref<4992xi32, #tpu.memory_space<vmem>>[vector<16xi32>], vector<16xi32>,
      %add3A_602 = arith.constant 600000 : i32
      %add3A_603 = vector.broadcast %add3A_602 : i32 to vector<16xi32>
      %add3A_604 = arith.addi %gather3A_601, %add3A_603 : vector<16xi32>
      %swap3A_605 = arith.constant 6 : i32
      %swap3A_606 = arith.index_cast %swap3A_605 : i32 to index
      %swap3A_607 = arith.constant 80 : index
      %swap3A_608 = tpu.vector_load %arg6[%swap3A_606, %swap3A_607] {strides = array<i32>} : memref<26x128xi32, #tpu.memory_space<vmem>>, vector<16xi32>,
      tpu.vector_store %arg6[%swap3A_606, %swap3A_607], %add3A_604 {strides = array<i32>} : memref<26x128xi32, #tpu.memory_space<vmem>>, vector<16xi32>,
      %add3A_609 = arith.constant 3763 : i32
      %add3A_610 = vector.broadcast %add3A_609 : i32 to vector<16xi32>
      %add3A_611 = arith.addi %mul3A_16, %add3A_610 : vector<16xi32>
      %gather3A_612 = tpu.vector_load_idx %arg5[%add3A_611] : memref<4992xi32, #tpu.memory_space<vmem>>[vector<16xi32>], vector<16xi32>,
      %add3A_613 = arith.constant 600000 : i32
      %add3A_614 = vector.broadcast %add3A_613 : i32 to vector<16xi32>
      %add3A_615 = arith.addi %gather3A_612, %add3A_614 : vector<16xi32>
      %swap3A_616 = arith.constant 6 : i32
      %swap3A_617 = arith.index_cast %swap3A_616 : i32 to index
      %swap3A_618 = arith.constant 96 : index
      %swap3A_619 = tpu.vector_load %arg6[%swap3A_617, %swap3A_618] {strides = array<i32>} : memref<26x128xi32, #tpu.memory_space<vmem>>, vector<16xi32>,
      tpu.vector_store %arg6[%swap3A_617, %swap3A_618], %add3A_615 {strides = array<i32>} : memref<26x128xi32, #tpu.memory_space<vmem>>, vector<16xi32>,
      %add3A_620 = arith.constant 4387 : i32
      %add3A_621 = vector.broadcast %add3A_620 : i32 to vector<16xi32>
      %add3A_622 = arith.addi %mul3A_16, %add3A_621 : vector<16xi32>
      %gather3A_623 = tpu.vector_load_idx %arg5[%add3A_622] : memref<4992xi32, #tpu.memory_space<vmem>>[vector<16xi32>], vector<16xi32>,
      %add3A_624 = arith.constant 600000 : i32
      %add3A_625 = vector.broadcast %add3A_624 : i32 to vector<16xi32>
      %add3A_626 = arith.addi %gather3A_623, %add3A_625 : vector<16xi32>
      %swap3A_627 = arith.constant 6 : i32
      %swap3A_628 = arith.index_cast %swap3A_627 : i32 to index
      %swap3A_629 = arith.constant 112 : index
      %swap3A_630 = tpu.vector_load %arg6[%swap3A_628, %swap3A_629] {strides = array<i32>} : memref<26x128xi32, #tpu.memory_space<vmem>>, vector<16xi32>,
      tpu.vector_store %arg6[%swap3A_628, %swap3A_629], %add3A_626 {strides = array<i32>} : memref<26x128xi32, #tpu.memory_space<vmem>>, vector<16xi32>,
      %add3A_631 = arith.constant 20 : i32
      %add3A_632 = vector.broadcast %add3A_631 : i32 to vector<16xi32>
      %add3A_633 = arith.addi %mul3A_16, %add3A_632 : vector<16xi32>
      %gather3A_634 = tpu.vector_load_idx %arg5[%add3A_633] : memref<4992xi32, #tpu.memory_space<vmem>>[vector<16xi32>], vector<16xi32>,
      %add3A_635 = arith.constant 700000 : i32
      %add3A_636 = vector.broadcast %add3A_635 : i32 to vector<16xi32>
      %add3A_637 = arith.addi %gather3A_634, %add3A_636 : vector<16xi32>
      %swap3A_638 = arith.constant 7 : i32
      %swap3A_639 = arith.index_cast %swap3A_638 : i32 to index
      %swap3A_640 = arith.constant 0 : index
      %swap3A_641 = tpu.vector_load %arg6[%swap3A_639, %swap3A_640] {strides = array<i32>} : memref<26x128xi32, #tpu.memory_space<vmem>>, vector<16xi32>,
      tpu.vector_store %arg6[%swap3A_639, %swap3A_640], %add3A_637 {strides = array<i32>} : memref<26x128xi32, #tpu.memory_space<vmem>>, vector<16xi32>,
      %add3A_642 = arith.constant 644 : i32
      %add3A_643 = vector.broadcast %add3A_642 : i32 to vector<16xi32>
      %add3A_644 = arith.addi %mul3A_16, %add3A_643 : vector<16xi32>
      %gather3A_645 = tpu.vector_load_idx %arg5[%add3A_644] : memref<4992xi32, #tpu.memory_space<vmem>>[vector<16xi32>], vector<16xi32>,
      %add3A_646 = arith.constant 700000 : i32
      %add3A_647 = vector.broadcast %add3A_646 : i32 to vector<16xi32>
      %add3A_648 = arith.addi %gather3A_645, %add3A_647 : vector<16xi32>
      %swap3A_649 = arith.constant 7 : i32
      %swap3A_650 = arith.index_cast %swap3A_649 : i32 to index
      %swap3A_651 = arith.constant 16 : index
      %swap3A_652 = tpu.vector_load %arg6[%swap3A_650, %swap3A_651] {strides = array<i32>} : memref<26x128xi32, #tpu.memory_space<vmem>>, vector<16xi32>,
      tpu.vector_store %arg6[%swap3A_650, %swap3A_651], %add3A_648 {strides = array<i32>} : memref<26x128xi32, #tpu.memory_space<vmem>>, vector<16xi32>,
      %add3A_653 = arith.constant 1268 : i32
      %add3A_654 = vector.broadcast %add3A_653 : i32 to vector<16xi32>
      %add3A_655 = arith.addi %mul3A_16, %add3A_654 : vector<16xi32>
      %gather3A_656 = tpu.vector_load_idx %arg5[%add3A_655] : memref<4992xi32, #tpu.memory_space<vmem>>[vector<16xi32>], vector<16xi32>,
      %add3A_657 = arith.constant 700000 : i32
      %add3A_658 = vector.broadcast %add3A_657 : i32 to vector<16xi32>
      %add3A_659 = arith.addi %gather3A_656, %add3A_658 : vector<16xi32>
      %swap3A_660 = arith.constant 7 : i32
      %swap3A_661 = arith.index_cast %swap3A_660 : i32 to index
      %swap3A_662 = arith.constant 32 : index
      %swap3A_663 = tpu.vector_load %arg6[%swap3A_661, %swap3A_662] {strides = array<i32>} : memref<26x128xi32, #tpu.memory_space<vmem>>, vector<16xi32>,
      tpu.vector_store %arg6[%swap3A_661, %swap3A_662], %add3A_659 {strides = array<i32>} : memref<26x128xi32, #tpu.memory_space<vmem>>, vector<16xi32>,
      %add3A_664 = arith.constant 1892 : i32
      %add3A_665 = vector.broadcast %add3A_664 : i32 to vector<16xi32>
      %add3A_666 = arith.addi %mul3A_16, %add3A_665 : vector<16xi32>
      %gather3A_667 = tpu.vector_load_idx %arg5[%add3A_666] : memref<4992xi32, #tpu.memory_space<vmem>>[vector<16xi32>], vector<16xi32>,
      %add3A_668 = arith.constant 700000 : i32
      %add3A_669 = vector.broadcast %add3A_668 : i32 to vector<16xi32>
      %add3A_670 = arith.addi %gather3A_667, %add3A_669 : vector<16xi32>
      %swap3A_671 = arith.constant 7 : i32
      %swap3A_672 = arith.index_cast %swap3A_671 : i32 to index
      %swap3A_673 = arith.constant 48 : index
      %swap3A_674 = tpu.vector_load %arg6[%swap3A_672, %swap3A_673] {strides = array<i32>} : memref<26x128xi32, #tpu.memory_space<vmem>>, vector<16xi32>,
      tpu.vector_store %arg6[%swap3A_672, %swap3A_673], %add3A_670 {strides = array<i32>} : memref<26x128xi32, #tpu.memory_space<vmem>>, vector<16xi32>,
      %add3A_675 = arith.constant 2516 : i32
      %add3A_676 = vector.broadcast %add3A_675 : i32 to vector<16xi32>
      %add3A_677 = arith.addi %mul3A_16, %add3A_676 : vector<16xi32>
      %gather3A_678 = tpu.vector_load_idx %arg5[%add3A_677] : memref<4992xi32, #tpu.memory_space<vmem>>[vector<16xi32>], vector<16xi32>,
      %add3A_679 = arith.constant 700000 : i32
      %add3A_680 = vector.broadcast %add3A_679 : i32 to vector<16xi32>
      %add3A_681 = arith.addi %gather3A_678, %add3A_680 : vector<16xi32>
      %swap3A_682 = arith.constant 7 : i32
      %swap3A_683 = arith.index_cast %swap3A_682 : i32 to index
      %swap3A_684 = arith.constant 64 : index
      %swap3A_685 = tpu.vector_load %arg6[%swap3A_683, %swap3A_684] {strides = array<i32>} : memref<26x128xi32, #tpu.memory_space<vmem>>, vector<16xi32>,
      tpu.vector_store %arg6[%swap3A_683, %swap3A_684], %add3A_681 {strides = array<i32>} : memref<26x128xi32, #tpu.memory_space<vmem>>, vector<16xi32>,
      %add3A_686 = arith.constant 3140 : i32
      %add3A_687 = vector.broadcast %add3A_686 : i32 to vector<16xi32>
      %add3A_688 = arith.addi %mul3A_16, %add3A_687 : vector<16xi32>
      %gather3A_689 = tpu.vector_load_idx %arg5[%add3A_688] : memref<4992xi32, #tpu.memory_space<vmem>>[vector<16xi32>], vector<16xi32>,
      %add3A_690 = arith.constant 700000 : i32
      %add3A_691 = vector.broadcast %add3A_690 : i32 to vector<16xi32>
      %add3A_692 = arith.addi %gather3A_689, %add3A_691 : vector<16xi32>
      %swap3A_693 = arith.constant 7 : i32
      %swap3A_694 = arith.index_cast %swap3A_693 : i32 to index
      %swap3A_695 = arith.constant 80 : index
      %swap3A_696 = tpu.vector_load %arg6[%swap3A_694, %swap3A_695] {strides = array<i32>} : memref<26x128xi32, #tpu.memory_space<vmem>>, vector<16xi32>,
      tpu.vector_store %arg6[%swap3A_694, %swap3A_695], %add3A_692 {strides = array<i32>} : memref<26x128xi32, #tpu.memory_space<vmem>>, vector<16xi32>,
      %add3A_697 = arith.constant 3764 : i32
      %add3A_698 = vector.broadcast %add3A_697 : i32 to vector<16xi32>
      %add3A_699 = arith.addi %mul3A_16, %add3A_698 : vector<16xi32>
      %gather3A_700 = tpu.vector_load_idx %arg5[%add3A_699] : memref<4992xi32, #tpu.memory_space<vmem>>[vector<16xi32>], vector<16xi32>,
      %add3A_701 = arith.constant 700000 : i32
      %add3A_702 = vector.broadcast %add3A_701 : i32 to vector<16xi32>
      %add3A_703 = arith.addi %gather3A_700, %add3A_702 : vector<16xi32>
      %swap3A_704 = arith.constant 7 : i32
      %swap3A_705 = arith.index_cast %swap3A_704 : i32 to index
      %swap3A_706 = arith.constant 96 : index
      %swap3A_707 = tpu.vector_load %arg6[%swap3A_705, %swap3A_706] {strides = array<i32>} : memref<26x128xi32, #tpu.memory_space<vmem>>, vector<16xi32>,
      tpu.vector_store %arg6[%swap3A_705, %swap3A_706], %add3A_703 {strides = array<i32>} : memref<26x128xi32, #tpu.memory_space<vmem>>, vector<16xi32>,
      %add3A_708 = arith.constant 4388 : i32
      %add3A_709 = vector.broadcast %add3A_708 : i32 to vector<16xi32>
      %add3A_710 = arith.addi %mul3A_16, %add3A_709 : vector<16xi32>
      %gather3A_711 = tpu.vector_load_idx %arg5[%add3A_710] : memref<4992xi32, #tpu.memory_space<vmem>>[vector<16xi32>], vector<16xi32>,
      %add3A_712 = arith.constant 700000 : i32
      %add3A_713 = vector.broadcast %add3A_712 : i32 to vector<16xi32>
      %add3A_714 = arith.addi %gather3A_711, %add3A_713 : vector<16xi32>
      %swap3A_715 = arith.constant 7 : i32
      %swap3A_716 = arith.index_cast %swap3A_715 : i32 to index
      %swap3A_717 = arith.constant 112 : index
      %swap3A_718 = tpu.vector_load %arg6[%swap3A_716, %swap3A_717] {strides = array<i32>} : memref<26x128xi32, #tpu.memory_space<vmem>>, vector<16xi32>,
      tpu.vector_store %arg6[%swap3A_716, %swap3A_717], %add3A_714 {strides = array<i32>} : memref<26x128xi32, #tpu.memory_space<vmem>>, vector<16xi32>,
      %add3A_719 = arith.constant 21 : i32
      %add3A_720 = vector.broadcast %add3A_719 : i32 to vector<16xi32>
      %add3A_721 = arith.addi %mul3A_16, %add3A_720 : vector<16xi32>
      %gather3A_722 = tpu.vector_load_idx %arg5[%add3A_721] : memref<4992xi32, #tpu.memory_space<vmem>>[vector<16xi32>], vector<16xi32>,
      %add3A_723 = arith.constant 800000 : i32
      %add3A_724 = vector.broadcast %add3A_723 : i32 to vector<16xi32>
      %add3A_725 = arith.addi %gather3A_722, %add3A_724 : vector<16xi32>
      %swap3A_726 = arith.constant 8 : i32
      %swap3A_727 = arith.index_cast %swap3A_726 : i32 to index
      %swap3A_728 = arith.constant 0 : index
      %swap3A_729 = tpu.vector_load %arg6[%swap3A_727, %swap3A_728] {strides = array<i32>} : memref<26x128xi32, #tpu.memory_space<vmem>>, vector<16xi32>,
      tpu.vector_store %arg6[%swap3A_727, %swap3A_728], %add3A_725 {strides = array<i32>} : memref<26x128xi32, #tpu.memory_space<vmem>>, vector<16xi32>,
      %add3A_730 = arith.constant 645 : i32
      %add3A_731 = vector.broadcast %add3A_730 : i32 to vector<16xi32>
      %add3A_732 = arith.addi %mul3A_16, %add3A_731 : vector<16xi32>
      %gather3A_733 = tpu.vector_load_idx %arg5[%add3A_732] : memref<4992xi32, #tpu.memory_space<vmem>>[vector<16xi32>], vector<16xi32>,
      %add3A_734 = arith.constant 800000 : i32
      %add3A_735 = vector.broadcast %add3A_734 : i32 to vector<16xi32>
      %add3A_736 = arith.addi %gather3A_733, %add3A_735 : vector<16xi32>
      %swap3A_737 = arith.constant 8 : i32
      %swap3A_738 = arith.index_cast %swap3A_737 : i32 to index
      %swap3A_739 = arith.constant 16 : index
      %swap3A_740 = tpu.vector_load %arg6[%swap3A_738, %swap3A_739] {strides = array<i32>} : memref<26x128xi32, #tpu.memory_space<vmem>>, vector<16xi32>,
      tpu.vector_store %arg6[%swap3A_738, %swap3A_739], %add3A_736 {strides = array<i32>} : memref<26x128xi32, #tpu.memory_space<vmem>>, vector<16xi32>,
      %add3A_741 = arith.constant 1269 : i32
      %add3A_742 = vector.broadcast %add3A_741 : i32 to vector<16xi32>
      %add3A_743 = arith.addi %mul3A_16, %add3A_742 : vector<16xi32>
      %gather3A_744 = tpu.vector_load_idx %arg5[%add3A_743] : memref<4992xi32, #tpu.memory_space<vmem>>[vector<16xi32>], vector<16xi32>,
      %add3A_745 = arith.constant 800000 : i32
      %add3A_746 = vector.broadcast %add3A_745 : i32 to vector<16xi32>
      %add3A_747 = arith.addi %gather3A_744, %add3A_746 : vector<16xi32>
      %swap3A_748 = arith.constant 8 : i32
      %swap3A_749 = arith.index_cast %swap3A_748 : i32 to index
      %swap3A_750 = arith.constant 32 : index
      %swap3A_751 = tpu.vector_load %arg6[%swap3A_749, %swap3A_750] {strides = array<i32>} : memref<26x128xi32, #tpu.memory_space<vmem>>, vector<16xi32>,
      tpu.vector_store %arg6[%swap3A_749, %swap3A_750], %add3A_747 {strides = array<i32>} : memref<26x128xi32, #tpu.memory_space<vmem>>, vector<16xi32>,
      %add3A_752 = arith.constant 1893 : i32
      %add3A_753 = vector.broadcast %add3A_752 : i32 to vector<16xi32>
      %add3A_754 = arith.addi %mul3A_16, %add3A_753 : vector<16xi32>
      %gather3A_755 = tpu.vector_load_idx %arg5[%add3A_754] : memref<4992xi32, #tpu.memory_space<vmem>>[vector<16xi32>], vector<16xi32>,
      %add3A_756 = arith.constant 800000 : i32
      %add3A_757 = vector.broadcast %add3A_756 : i32 to vector<16xi32>
      %add3A_758 = arith.addi %gather3A_755, %add3A_757 : vector<16xi32>
      %swap3A_759 = arith.constant 8 : i32
      %swap3A_760 = arith.index_cast %swap3A_759 : i32 to index
      %swap3A_761 = arith.constant 48 : index
      %swap3A_762 = tpu.vector_load %arg6[%swap3A_760, %swap3A_761] {strides = array<i32>} : memref<26x128xi32, #tpu.memory_space<vmem>>, vector<16xi32>,
      tpu.vector_store %arg6[%swap3A_760, %swap3A_761], %add3A_758 {strides = array<i32>} : memref<26x128xi32, #tpu.memory_space<vmem>>, vector<16xi32>,
      %add3A_763 = arith.constant 2517 : i32
      %add3A_764 = vector.broadcast %add3A_763 : i32 to vector<16xi32>
      %add3A_765 = arith.addi %mul3A_16, %add3A_764 : vector<16xi32>
      %gather3A_766 = tpu.vector_load_idx %arg5[%add3A_765] : memref<4992xi32, #tpu.memory_space<vmem>>[vector<16xi32>], vector<16xi32>,
      %add3A_767 = arith.constant 800000 : i32
      %add3A_768 = vector.broadcast %add3A_767 : i32 to vector<16xi32>
      %add3A_769 = arith.addi %gather3A_766, %add3A_768 : vector<16xi32>
      %swap3A_770 = arith.constant 8 : i32
      %swap3A_771 = arith.index_cast %swap3A_770 : i32 to index
      %swap3A_772 = arith.constant 64 : index
      %swap3A_773 = tpu.vector_load %arg6[%swap3A_771, %swap3A_772] {strides = array<i32>} : memref<26x128xi32, #tpu.memory_space<vmem>>, vector<16xi32>,
      tpu.vector_store %arg6[%swap3A_771, %swap3A_772], %add3A_769 {strides = array<i32>} : memref<26x128xi32, #tpu.memory_space<vmem>>, vector<16xi32>,
      %add3A_774 = arith.constant 3141 : i32
      %add3A_775 = vector.broadcast %add3A_774 : i32 to vector<16xi32>
      %add3A_776 = arith.addi %mul3A_16, %add3A_775 : vector<16xi32>
      %gather3A_777 = tpu.vector_load_idx %arg5[%add3A_776] : memref<4992xi32, #tpu.memory_space<vmem>>[vector<16xi32>], vector<16xi32>,
      %add3A_778 = arith.constant 800000 : i32
      %add3A_779 = vector.broadcast %add3A_778 : i32 to vector<16xi32>
      %add3A_780 = arith.addi %gather3A_777, %add3A_779 : vector<16xi32>
      %swap3A_781 = arith.constant 8 : i32
      %swap3A_782 = arith.index_cast %swap3A_781 : i32 to index
      %swap3A_783 = arith.constant 80 : index
      %swap3A_784 = tpu.vector_load %arg6[%swap3A_782, %swap3A_783] {strides = array<i32>} : memref<26x128xi32, #tpu.memory_space<vmem>>, vector<16xi32>,
      tpu.vector_store %arg6[%swap3A_782, %swap3A_783], %add3A_780 {strides = array<i32>} : memref<26x128xi32, #tpu.memory_space<vmem>>, vector<16xi32>,
      %add3A_785 = arith.constant 3765 : i32
      %add3A_786 = vector.broadcast %add3A_785 : i32 to vector<16xi32>
      %add3A_787 = arith.addi %mul3A_16, %add3A_786 : vector<16xi32>
      %gather3A_788 = tpu.vector_load_idx %arg5[%add3A_787] : memref<4992xi32, #tpu.memory_space<vmem>>[vector<16xi32>], vector<16xi32>,
      %add3A_789 = arith.constant 800000 : i32
      %add3A_790 = vector.broadcast %add3A_789 : i32 to vector<16xi32>
      %add3A_791 = arith.addi %gather3A_788, %add3A_790 : vector<16xi32>
      %swap3A_792 = arith.constant 8 : i32
      %swap3A_793 = arith.index_cast %swap3A_792 : i32 to index
      %swap3A_794 = arith.constant 96 : index
      %swap3A_795 = tpu.vector_load %arg6[%swap3A_793, %swap3A_794] {strides = array<i32>} : memref<26x128xi32, #tpu.memory_space<vmem>>, vector<16xi32>,
      tpu.vector_store %arg6[%swap3A_793, %swap3A_794], %add3A_791 {strides = array<i32>} : memref<26x128xi32, #tpu.memory_space<vmem>>, vector<16xi32>,
      %add3A_796 = arith.constant 4389 : i32
      %add3A_797 = vector.broadcast %add3A_796 : i32 to vector<16xi32>
      %add3A_798 = arith.addi %mul3A_16, %add3A_797 : vector<16xi32>
      %gather3A_799 = tpu.vector_load_idx %arg5[%add3A_798] : memref<4992xi32, #tpu.memory_space<vmem>>[vector<16xi32>], vector<16xi32>,
      %add3A_800 = arith.constant 800000 : i32
      %add3A_801 = vector.broadcast %add3A_800 : i32 to vector<16xi32>
      %add3A_802 = arith.addi %gather3A_799, %add3A_801 : vector<16xi32>
      %swap3A_803 = arith.constant 8 : i32
      %swap3A_804 = arith.index_cast %swap3A_803 : i32 to index
      %swap3A_805 = arith.constant 112 : index
      %swap3A_806 = tpu.vector_load %arg6[%swap3A_804, %swap3A_805] {strides = array<i32>} : memref<26x128xi32, #tpu.memory_space<vmem>>, vector<16xi32>,
      tpu.vector_store %arg6[%swap3A_804, %swap3A_805], %add3A_802 {strides = array<i32>} : memref<26x128xi32, #tpu.memory_space<vmem>>, vector<16xi32>,
      %add3A_807 = arith.constant 22 : i32
      %add3A_808 = vector.broadcast %add3A_807 : i32 to vector<16xi32>
      %add3A_809 = arith.addi %mul3A_16, %add3A_808 : vector<16xi32>
      %gather3A_810 = tpu.vector_load_idx %arg5[%add3A_809] : memref<4992xi32, #tpu.memory_space<vmem>>[vector<16xi32>], vector<16xi32>,
      %add3A_811 = arith.constant 900000 : i32
      %add3A_812 = vector.broadcast %add3A_811 : i32 to vector<16xi32>
      %add3A_813 = arith.addi %gather3A_810, %add3A_812 : vector<16xi32>
      %swap3A_814 = arith.constant 9 : i32
      %swap3A_815 = arith.index_cast %swap3A_814 : i32 to index
      %swap3A_816 = arith.constant 0 : index
      %swap3A_817 = tpu.vector_load %arg6[%swap3A_815, %swap3A_816] {strides = array<i32>} : memref<26x128xi32, #tpu.memory_space<vmem>>, vector<16xi32>,
      tpu.vector_store %arg6[%swap3A_815, %swap3A_816], %add3A_813 {strides = array<i32>} : memref<26x128xi32, #tpu.memory_space<vmem>>, vector<16xi32>,
      %add3A_818 = arith.constant 646 : i32
      %add3A_819 = vector.broadcast %add3A_818 : i32 to vector<16xi32>
      %add3A_820 = arith.addi %mul3A_16, %add3A_819 : vector<16xi32>
      %gather3A_821 = tpu.vector_load_idx %arg5[%add3A_820] : memref<4992xi32, #tpu.memory_space<vmem>>[vector<16xi32>], vector<16xi32>,
      %add3A_822 = arith.constant 900000 : i32
      %add3A_823 = vector.broadcast %add3A_822 : i32 to vector<16xi32>
      %add3A_824 = arith.addi %gather3A_821, %add3A_823 : vector<16xi32>
      %swap3A_825 = arith.constant 9 : i32
      %swap3A_826 = arith.index_cast %swap3A_825 : i32 to index
      %swap3A_827 = arith.constant 16 : index
      %swap3A_828 = tpu.vector_load %arg6[%swap3A_826, %swap3A_827] {strides = array<i32>} : memref<26x128xi32, #tpu.memory_space<vmem>>, vector<16xi32>,
      tpu.vector_store %arg6[%swap3A_826, %swap3A_827], %add3A_824 {strides = array<i32>} : memref<26x128xi32, #tpu.memory_space<vmem>>, vector<16xi32>,
      %add3A_829 = arith.constant 1270 : i32
      %add3A_830 = vector.broadcast %add3A_829 : i32 to vector<16xi32>
      %add3A_831 = arith.addi %mul3A_16, %add3A_830 : vector<16xi32>
      %gather3A_832 = tpu.vector_load_idx %arg5[%add3A_831] : memref<4992xi32, #tpu.memory_space<vmem>>[vector<16xi32>], vector<16xi32>,
      %add3A_833 = arith.constant 900000 : i32
      %add3A_834 = vector.broadcast %add3A_833 : i32 to vector<16xi32>
      %add3A_835 = arith.addi %gather3A_832, %add3A_834 : vector<16xi32>
      %swap3A_836 = arith.constant 9 : i32
      %swap3A_837 = arith.index_cast %swap3A_836 : i32 to index
      %swap3A_838 = arith.constant 32 : index
      %swap3A_839 = tpu.vector_load %arg6[%swap3A_837, %swap3A_838] {strides = array<i32>} : memref<26x128xi32, #tpu.memory_space<vmem>>, vector<16xi32>,
      tpu.vector_store %arg6[%swap3A_837, %swap3A_838], %add3A_835 {strides = array<i32>} : memref<26x128xi32, #tpu.memory_space<vmem>>, vector<16xi32>,
      %add3A_840 = arith.constant 1894 : i32
      %add3A_841 = vector.broadcast %add3A_840 : i32 to vector<16xi32>
      %add3A_842 = arith.addi %mul3A_16, %add3A_841 : vector<16xi32>
      %gather3A_843 = tpu.vector_load_idx %arg5[%add3A_842] : memref<4992xi32, #tpu.memory_space<vmem>>[vector<16xi32>], vector<16xi32>,
      %add3A_844 = arith.constant 900000 : i32
      %add3A_845 = vector.broadcast %add3A_844 : i32 to vector<16xi32>
      %add3A_846 = arith.addi %gather3A_843, %add3A_845 : vector<16xi32>
      %swap3A_847 = arith.constant 9 : i32
      %swap3A_848 = arith.index_cast %swap3A_847 : i32 to index
      %swap3A_849 = arith.constant 48 : index
      %swap3A_850 = tpu.vector_load %arg6[%swap3A_848, %swap3A_849] {strides = array<i32>} : memref<26x128xi32, #tpu.memory_space<vmem>>, vector<16xi32>,
      tpu.vector_store %arg6[%swap3A_848, %swap3A_849], %add3A_846 {strides = array<i32>} : memref<26x128xi32, #tpu.memory_space<vmem>>, vector<16xi32>,
      %add3A_851 = arith.constant 2518 : i32
      %add3A_852 = vector.broadcast %add3A_851 : i32 to vector<16xi32>
      %add3A_853 = arith.addi %mul3A_16, %add3A_852 : vector<16xi32>
      %gather3A_854 = tpu.vector_load_idx %arg5[%add3A_853] : memref<4992xi32, #tpu.memory_space<vmem>>[vector<16xi32>], vector<16xi32>,
      %add3A_855 = arith.constant 900000 : i32
      %add3A_856 = vector.broadcast %add3A_855 : i32 to vector<16xi32>
      %add3A_857 = arith.addi %gather3A_854, %add3A_856 : vector<16xi32>
      %swap3A_858 = arith.constant 9 : i32
      %swap3A_859 = arith.index_cast %swap3A_858 : i32 to index
      %swap3A_860 = arith.constant 64 : index
      %swap3A_861 = tpu.vector_load %arg6[%swap3A_859, %swap3A_860] {strides = array<i32>} : memref<26x128xi32, #tpu.memory_space<vmem>>, vector<16xi32>,
      tpu.vector_store %arg6[%swap3A_859, %swap3A_860], %add3A_857 {strides = array<i32>} : memref<26x128xi32, #tpu.memory_space<vmem>>, vector<16xi32>,
      %add3A_862 = arith.constant 3142 : i32
      %add3A_863 = vector.broadcast %add3A_862 : i32 to vector<16xi32>
      %add3A_864 = arith.addi %mul3A_16, %add3A_863 : vector<16xi32>
      %gather3A_865 = tpu.vector_load_idx %arg5[%add3A_864] : memref<4992xi32, #tpu.memory_space<vmem>>[vector<16xi32>], vector<16xi32>,
      %add3A_866 = arith.constant 900000 : i32
      %add3A_867 = vector.broadcast %add3A_866 : i32 to vector<16xi32>
      %add3A_868 = arith.addi %gather3A_865, %add3A_867 : vector<16xi32>
      %swap3A_869 = arith.constant 9 : i32
      %swap3A_870 = arith.index_cast %swap3A_869 : i32 to index
      %swap3A_871 = arith.constant 80 : index
      %swap3A_872 = tpu.vector_load %arg6[%swap3A_870, %swap3A_871] {strides = array<i32>} : memref<26x128xi32, #tpu.memory_space<vmem>>, vector<16xi32>,
      tpu.vector_store %arg6[%swap3A_870, %swap3A_871], %add3A_868 {strides = array<i32>} : memref<26x128xi32, #tpu.memory_space<vmem>>, vector<16xi32>,
      %add3A_873 = arith.constant 3766 : i32
      %add3A_874 = vector.broadcast %add3A_873 : i32 to vector<16xi32>
      %add3A_875 = arith.addi %mul3A_16, %add3A_874 : vector<16xi32>
      %gather3A_876 = tpu.vector_load_idx %arg5[%add3A_875] : memref<4992xi32, #tpu.memory_space<vmem>>[vector<16xi32>], vector<16xi32>,
      %add3A_877 = arith.constant 900000 : i32
      %add3A_878 = vector.broadcast %add3A_877 : i32 to vector<16xi32>
      %add3A_879 = arith.addi %gather3A_876, %add3A_878 : vector<16xi32>
      %swap3A_880 = arith.constant 9 : i32
      %swap3A_881 = arith.index_cast %swap3A_880 : i32 to index
      %swap3A_882 = arith.constant 96 : index
      %swap3A_883 = tpu.vector_load %arg6[%swap3A_881, %swap3A_882] {strides = array<i32>} : memref<26x128xi32, #tpu.memory_space<vmem>>, vector<16xi32>,
      tpu.vector_store %arg6[%swap3A_881, %swap3A_882], %add3A_879 {strides = array<i32>} : memref<26x128xi32, #tpu.memory_space<vmem>>, vector<16xi32>,
      %add3A_884 = arith.constant 4390 : i32
      %add3A_885 = vector.broadcast %add3A_884 : i32 to vector<16xi32>
      %add3A_886 = arith.addi %mul3A_16, %add3A_885 : vector<16xi32>
      %gather3A_887 = tpu.vector_load_idx %arg5[%add3A_886] : memref<4992xi32, #tpu.memory_space<vmem>>[vector<16xi32>], vector<16xi32>,
      %add3A_888 = arith.constant 900000 : i32
      %add3A_889 = vector.broadcast %add3A_888 : i32 to vector<16xi32>
      %add3A_890 = arith.addi %gather3A_887, %add3A_889 : vector<16xi32>
      %swap3A_891 = arith.constant 9 : i32
      %swap3A_892 = arith.index_cast %swap3A_891 : i32 to index
      %swap3A_893 = arith.constant 112 : index
      %swap3A_894 = tpu.vector_load %arg6[%swap3A_892, %swap3A_893] {strides = array<i32>} : memref<26x128xi32, #tpu.memory_space<vmem>>, vector<16xi32>,
      tpu.vector_store %arg6[%swap3A_892, %swap3A_893], %add3A_890 {strides = array<i32>} : memref<26x128xi32, #tpu.memory_space<vmem>>, vector<16xi32>,
      %add3A_895 = arith.constant 23 : i32
      %add3A_896 = vector.broadcast %add3A_895 : i32 to vector<16xi32>
      %add3A_897 = arith.addi %mul3A_16, %add3A_896 : vector<16xi32>
      %gather3A_898 = tpu.vector_load_idx %arg5[%add3A_897] : memref<4992xi32, #tpu.memory_space<vmem>>[vector<16xi32>], vector<16xi32>,
      %add3A_899 = arith.constant 1000000 : i32
      %add3A_900 = vector.broadcast %add3A_899 : i32 to vector<16xi32>
      %add3A_901 = arith.addi %gather3A_898, %add3A_900 : vector<16xi32>
      %swap3A_902 = arith.constant 10 : i32
      %swap3A_903 = arith.index_cast %swap3A_902 : i32 to index
      %swap3A_904 = arith.constant 0 : index
      %swap3A_905 = tpu.vector_load %arg6[%swap3A_903, %swap3A_904] {strides = array<i32>} : memref<26x128xi32, #tpu.memory_space<vmem>>, vector<16xi32>,
      tpu.vector_store %arg6[%swap3A_903, %swap3A_904], %add3A_901 {strides = array<i32>} : memref<26x128xi32, #tpu.memory_space<vmem>>, vector<16xi32>,
      %add3A_906 = arith.constant 647 : i32
      %add3A_907 = vector.broadcast %add3A_906 : i32 to vector<16xi32>
      %add3A_908 = arith.addi %mul3A_16, %add3A_907 : vector<16xi32>
      %gather3A_909 = tpu.vector_load_idx %arg5[%add3A_908] : memref<4992xi32, #tpu.memory_space<vmem>>[vector<16xi32>], vector<16xi32>,
      %add3A_910 = arith.constant 1000000 : i32
      %add3A_911 = vector.broadcast %add3A_910 : i32 to vector<16xi32>
      %add3A_912 = arith.addi %gather3A_909, %add3A_911 : vector<16xi32>
      %swap3A_913 = arith.constant 10 : i32
      %swap3A_914 = arith.index_cast %swap3A_913 : i32 to index
      %swap3A_915 = arith.constant 16 : index
      %swap3A_916 = tpu.vector_load %arg6[%swap3A_914, %swap3A_915] {strides = array<i32>} : memref<26x128xi32, #tpu.memory_space<vmem>>, vector<16xi32>,
      tpu.vector_store %arg6[%swap3A_914, %swap3A_915], %add3A_912 {strides = array<i32>} : memref<26x128xi32, #tpu.memory_space<vmem>>, vector<16xi32>,
      %add3A_917 = arith.constant 1271 : i32
      %add3A_918 = vector.broadcast %add3A_917 : i32 to vector<16xi32>
      %add3A_919 = arith.addi %mul3A_16, %add3A_918 : vector<16xi32>
      %gather3A_920 = tpu.vector_load_idx %arg5[%add3A_919] : memref<4992xi32, #tpu.memory_space<vmem>>[vector<16xi32>], vector<16xi32>,
      %add3A_921 = arith.constant 1000000 : i32
      %add3A_922 = vector.broadcast %add3A_921 : i32 to vector<16xi32>
      %add3A_923 = arith.addi %gather3A_920, %add3A_922 : vector<16xi32>
      %swap3A_924 = arith.constant 10 : i32
      %swap3A_925 = arith.index_cast %swap3A_924 : i32 to index
      %swap3A_926 = arith.constant 32 : index
      %swap3A_927 = tpu.vector_load %arg6[%swap3A_925, %swap3A_926] {strides = array<i32>} : memref<26x128xi32, #tpu.memory_space<vmem>>, vector<16xi32>,
      tpu.vector_store %arg6[%swap3A_925, %swap3A_926], %add3A_923 {strides = array<i32>} : memref<26x128xi32, #tpu.memory_space<vmem>>, vector<16xi32>,
      %add3A_928 = arith.constant 1895 : i32
      %add3A_929 = vector.broadcast %add3A_928 : i32 to vector<16xi32>
      %add3A_930 = arith.addi %mul3A_16, %add3A_929 : vector<16xi32>
      %gather3A_931 = tpu.vector_load_idx %arg5[%add3A_930] : memref<4992xi32, #tpu.memory_space<vmem>>[vector<16xi32>], vector<16xi32>,
      %add3A_932 = arith.constant 1000000 : i32
      %add3A_933 = vector.broadcast %add3A_932 : i32 to vector<16xi32>
      %add3A_934 = arith.addi %gather3A_931, %add3A_933 : vector<16xi32>
      %swap3A_935 = arith.constant 10 : i32
      %swap3A_936 = arith.index_cast %swap3A_935 : i32 to index
      %swap3A_937 = arith.constant 48 : index
      %swap3A_938 = tpu.vector_load %arg6[%swap3A_936, %swap3A_937] {strides = array<i32>} : memref<26x128xi32, #tpu.memory_space<vmem>>, vector<16xi32>,
      tpu.vector_store %arg6[%swap3A_936, %swap3A_937], %add3A_934 {strides = array<i32>} : memref<26x128xi32, #tpu.memory_space<vmem>>, vector<16xi32>,
      %add3A_939 = arith.constant 2519 : i32
      %add3A_940 = vector.broadcast %add3A_939 : i32 to vector<16xi32>
      %add3A_941 = arith.addi %mul3A_16, %add3A_940 : vector<16xi32>
      %gather3A_942 = tpu.vector_load_idx %arg5[%add3A_941] : memref<4992xi32, #tpu.memory_space<vmem>>[vector<16xi32>], vector<16xi32>,
      %add3A_943 = arith.constant 1000000 : i32
      %add3A_944 = vector.broadcast %add3A_943 : i32 to vector<16xi32>
      %add3A_945 = arith.addi %gather3A_942, %add3A_944 : vector<16xi32>
      %swap3A_946 = arith.constant 10 : i32
      %swap3A_947 = arith.index_cast %swap3A_946 : i32 to index
      %swap3A_948 = arith.constant 64 : index
      %swap3A_949 = tpu.vector_load %arg6[%swap3A_947, %swap3A_948] {strides = array<i32>} : memref<26x128xi32, #tpu.memory_space<vmem>>, vector<16xi32>,
      tpu.vector_store %arg6[%swap3A_947, %swap3A_948], %add3A_945 {strides = array<i32>} : memref<26x128xi32, #tpu.memory_space<vmem>>, vector<16xi32>,
      %add3A_950 = arith.constant 3143 : i32
      %add3A_951 = vector.broadcast %add3A_950 : i32 to vector<16xi32>
      %add3A_952 = arith.addi %mul3A_16, %add3A_951 : vector<16xi32>
      %gather3A_953 = tpu.vector_load_idx %arg5[%add3A_952] : memref<4992xi32, #tpu.memory_space<vmem>>[vector<16xi32>], vector<16xi32>,
      %add3A_954 = arith.constant 1000000 : i32
      %add3A_955 = vector.broadcast %add3A_954 : i32 to vector<16xi32>
      %add3A_956 = arith.addi %gather3A_953, %add3A_955 : vector<16xi32>
      %swap3A_957 = arith.constant 10 : i32
      %swap3A_958 = arith.index_cast %swap3A_957 : i32 to index
      %swap3A_959 = arith.constant 80 : index
      %swap3A_960 = tpu.vector_load %arg6[%swap3A_958, %swap3A_959] {strides = array<i32>} : memref<26x128xi32, #tpu.memory_space<vmem>>, vector<16xi32>,
      tpu.vector_store %arg6[%swap3A_958, %swap3A_959], %add3A_956 {strides = array<i32>} : memref<26x128xi32, #tpu.memory_space<vmem>>, vector<16xi32>,
      %add3A_961 = arith.constant 3767 : i32
      %add3A_962 = vector.broadcast %add3A_961 : i32 to vector<16xi32>
      %add3A_963 = arith.addi %mul3A_16, %add3A_962 : vector<16xi32>
      %gather3A_964 = tpu.vector_load_idx %arg5[%add3A_963] : memref<4992xi32, #tpu.memory_space<vmem>>[vector<16xi32>], vector<16xi32>,
      %add3A_965 = arith.constant 1000000 : i32
      %add3A_966 = vector.broadcast %add3A_965 : i32 to vector<16xi32>
      %add3A_967 = arith.addi %gather3A_964, %add3A_966 : vector<16xi32>
      %swap3A_968 = arith.constant 10 : i32
      %swap3A_969 = arith.index_cast %swap3A_968 : i32 to index
      %swap3A_970 = arith.constant 96 : index
      %swap3A_971 = tpu.vector_load %arg6[%swap3A_969, %swap3A_970] {strides = array<i32>} : memref<26x128xi32, #tpu.memory_space<vmem>>, vector<16xi32>,
      tpu.vector_store %arg6[%swap3A_969, %swap3A_970], %add3A_967 {strides = array<i32>} : memref<26x128xi32, #tpu.memory_space<vmem>>, vector<16xi32>,
      %add3A_972 = arith.constant 4391 : i32
      %add3A_973 = vector.broadcast %add3A_972 : i32 to vector<16xi32>
      %add3A_974 = arith.addi %mul3A_16, %add3A_973 : vector<16xi32>
      %gather3A_975 = tpu.vector_load_idx %arg5[%add3A_974] : memref<4992xi32, #tpu.memory_space<vmem>>[vector<16xi32>], vector<16xi32>,
      %add3A_976 = arith.constant 1000000 : i32
      %add3A_977 = vector.broadcast %add3A_976 : i32 to vector<16xi32>
      %add3A_978 = arith.addi %gather3A_975, %add3A_977 : vector<16xi32>
      %swap3A_979 = arith.constant 10 : i32
      %swap3A_980 = arith.index_cast %swap3A_979 : i32 to index
      %swap3A_981 = arith.constant 112 : index
      %swap3A_982 = tpu.vector_load %arg6[%swap3A_980, %swap3A_981] {strides = array<i32>} : memref<26x128xi32, #tpu.memory_space<vmem>>, vector<16xi32>,
      tpu.vector_store %arg6[%swap3A_980, %swap3A_981], %add3A_978 {strides = array<i32>} : memref<26x128xi32, #tpu.memory_space<vmem>>, vector<16xi32>,
      %add3A_983 = arith.constant 24 : i32
      %add3A_984 = vector.broadcast %add3A_983 : i32 to vector<16xi32>
      %add3A_985 = arith.addi %mul3A_16, %add3A_984 : vector<16xi32>
      %gather3A_986 = tpu.vector_load_idx %arg5[%add3A_985] : memref<4992xi32, #tpu.memory_space<vmem>>[vector<16xi32>], vector<16xi32>,
      %add3A_987 = arith.constant 1100000 : i32
      %add3A_988 = vector.broadcast %add3A_987 : i32 to vector<16xi32>
      %add3A_989 = arith.addi %gather3A_986, %add3A_988 : vector<16xi32>
      %swap3A_990 = arith.constant 11 : i32
      %swap3A_991 = arith.index_cast %swap3A_990 : i32 to index
      %swap3A_992 = arith.constant 0 : index
      %swap3A_993 = tpu.vector_load %arg6[%swap3A_991, %swap3A_992] {strides = array<i32>} : memref<26x128xi32, #tpu.memory_space<vmem>>, vector<16xi32>,
      tpu.vector_store %arg6[%swap3A_991, %swap3A_992], %add3A_989 {strides = array<i32>} : memref<26x128xi32, #tpu.memory_space<vmem>>, vector<16xi32>,
      %add3A_994 = arith.constant 648 : i32
      %add3A_995 = vector.broadcast %add3A_994 : i32 to vector<16xi32>
      %add3A_996 = arith.addi %mul3A_16, %add3A_995 : vector<16xi32>
      %gather3A_997 = tpu.vector_load_idx %arg5[%add3A_996] : memref<4992xi32, #tpu.memory_space<vmem>>[vector<16xi32>], vector<16xi32>,
      %add3A_998 = arith.constant 1100000 : i32
      %add3A_999 = vector.broadcast %add3A_998 : i32 to vector<16xi32>
      %add3A_1000 = arith.addi %gather3A_997, %add3A_999 : vector<16xi32>
      %swap3A_1001 = arith.constant 11 : i32
      %swap3A_1002 = arith.index_cast %swap3A_1001 : i32 to index
      %swap3A_1003 = arith.constant 16 : index
      %swap3A_1004 = tpu.vector_load %arg6[%swap3A_1002, %swap3A_1003] {strides = array<i32>} : memref<26x128xi32, #tpu.memory_space<vmem>>, vector<16xi32>,
      tpu.vector_store %arg6[%swap3A_1002, %swap3A_1003], %add3A_1000 {strides = array<i32>} : memref<26x128xi32, #tpu.memory_space<vmem>>, vector<16xi32>,
      %add3A_1005 = arith.constant 1272 : i32
      %add3A_1006 = vector.broadcast %add3A_1005 : i32 to vector<16xi32>
      %add3A_1007 = arith.addi %mul3A_16, %add3A_1006 : vector<16xi32>
      %gather3A_1008 = tpu.vector_load_idx %arg5[%add3A_1007] : memref<4992xi32, #tpu.memory_space<vmem>>[vector<16xi32>], vector<16xi32>,
      %add3A_1009 = arith.constant 1100000 : i32
      %add3A_1010 = vector.broadcast %add3A_1009 : i32 to vector<16xi32>
      %add3A_1011 = arith.addi %gather3A_1008, %add3A_1010 : vector<16xi32>
      %swap3A_1012 = arith.constant 11 : i32
      %swap3A_1013 = arith.index_cast %swap3A_1012 : i32 to index
      %swap3A_1014 = arith.constant 32 : index
      %swap3A_1015 = tpu.vector_load %arg6[%swap3A_1013, %swap3A_1014] {strides = array<i32>} : memref<26x128xi32, #tpu.memory_space<vmem>>, vector<16xi32>,
      tpu.vector_store %arg6[%swap3A_1013, %swap3A_1014], %add3A_1011 {strides = array<i32>} : memref<26x128xi32, #tpu.memory_space<vmem>>, vector<16xi32>,
      %add3A_1016 = arith.constant 1896 : i32
      %add3A_1017 = vector.broadcast %add3A_1016 : i32 to vector<16xi32>
      %add3A_1018 = arith.addi %mul3A_16, %add3A_1017 : vector<16xi32>
      %gather3A_1019 = tpu.vector_load_idx %arg5[%add3A_1018] : memref<4992xi32, #tpu.memory_space<vmem>>[vector<16xi32>], vector<16xi32>,
      %add3A_1020 = arith.constant 1100000 : i32
      %add3A_1021 = vector.broadcast %add3A_1020 : i32 to vector<16xi32>
      %add3A_1022 = arith.addi %gather3A_1019, %add3A_1021 : vector<16xi32>
      %swap3A_1023 = arith.constant 11 : i32
      %swap3A_1024 = arith.index_cast %swap3A_1023 : i32 to index
      %swap3A_1025 = arith.constant 48 : index
      %swap3A_1026 = tpu.vector_load %arg6[%swap3A_1024, %swap3A_1025] {strides = array<i32>} : memref<26x128xi32, #tpu.memory_space<vmem>>, vector<16xi32>,
      tpu.vector_store %arg6[%swap3A_1024, %swap3A_1025], %add3A_1022 {strides = array<i32>} : memref<26x128xi32, #tpu.memory_space<vmem>>, vector<16xi32>,
      %add3A_1027 = arith.constant 2520 : i32
      %add3A_1028 = vector.broadcast %add3A_1027 : i32 to vector<16xi32>
      %add3A_1029 = arith.addi %mul3A_16, %add3A_1028 : vector<16xi32>
      %gather3A_1030 = tpu.vector_load_idx %arg5[%add3A_1029] : memref<4992xi32, #tpu.memory_space<vmem>>[vector<16xi32>], vector<16xi32>,
      %add3A_1031 = arith.constant 1100000 : i32
      %add3A_1032 = vector.broadcast %add3A_1031 : i32 to vector<16xi32>
      %add3A_1033 = arith.addi %gather3A_1030, %add3A_1032 : vector<16xi32>
      %swap3A_1034 = arith.constant 11 : i32
      %swap3A_1035 = arith.index_cast %swap3A_1034 : i32 to index
      %swap3A_1036 = arith.constant 64 : index
      %swap3A_1037 = tpu.vector_load %arg6[%swap3A_1035, %swap3A_1036] {strides = array<i32>} : memref<26x128xi32, #tpu.memory_space<vmem>>, vector<16xi32>,
      tpu.vector_store %arg6[%swap3A_1035, %swap3A_1036], %add3A_1033 {strides = array<i32>} : memref<26x128xi32, #tpu.memory_space<vmem>>, vector<16xi32>,
      %add3A_1038 = arith.constant 3144 : i32
      %add3A_1039 = vector.broadcast %add3A_1038 : i32 to vector<16xi32>
      %add3A_1040 = arith.addi %mul3A_16, %add3A_1039 : vector<16xi32>
      %gather3A_1041 = tpu.vector_load_idx %arg5[%add3A_1040] : memref<4992xi32, #tpu.memory_space<vmem>>[vector<16xi32>], vector<16xi32>,
      %add3A_1042 = arith.constant 1100000 : i32
      %add3A_1043 = vector.broadcast %add3A_1042 : i32 to vector<16xi32>
      %add3A_1044 = arith.addi %gather3A_1041, %add3A_1043 : vector<16xi32>
      %swap3A_1045 = arith.constant 11 : i32
      %swap3A_1046 = arith.index_cast %swap3A_1045 : i32 to index
      %swap3A_1047 = arith.constant 80 : index
      %swap3A_1048 = tpu.vector_load %arg6[%swap3A_1046, %swap3A_1047] {strides = array<i32>} : memref<26x128xi32, #tpu.memory_space<vmem>>, vector<16xi32>,
      tpu.vector_store %arg6[%swap3A_1046, %swap3A_1047], %add3A_1044 {strides = array<i32>} : memref<26x128xi32, #tpu.memory_space<vmem>>, vector<16xi32>,
      %add3A_1049 = arith.constant 3768 : i32
      %add3A_1050 = vector.broadcast %add3A_1049 : i32 to vector<16xi32>
      %add3A_1051 = arith.addi %mul3A_16, %add3A_1050 : vector<16xi32>
      %gather3A_1052 = tpu.vector_load_idx %arg5[%add3A_1051] : memref<4992xi32, #tpu.memory_space<vmem>>[vector<16xi32>], vector<16xi32>,
      %add3A_1053 = arith.constant 1100000 : i32
      %add3A_1054 = vector.broadcast %add3A_1053 : i32 to vector<16xi32>
      %add3A_1055 = arith.addi %gather3A_1052, %add3A_1054 : vector<16xi32>
      %swap3A_1056 = arith.constant 11 : i32
      %swap3A_1057 = arith.index_cast %swap3A_1056 : i32 to index
      %swap3A_1058 = arith.constant 96 : index
      %swap3A_1059 = tpu.vector_load %arg6[%swap3A_1057, %swap3A_1058] {strides = array<i32>} : memref<26x128xi32, #tpu.memory_space<vmem>>, vector<16xi32>,
      tpu.vector_store %arg6[%swap3A_1057, %swap3A_1058], %add3A_1055 {strides = array<i32>} : memref<26x128xi32, #tpu.memory_space<vmem>>, vector<16xi32>,
      %add3A_1060 = arith.constant 4392 : i32
      %add3A_1061 = vector.broadcast %add3A_1060 : i32 to vector<16xi32>
      %add3A_1062 = arith.addi %mul3A_16, %add3A_1061 : vector<16xi32>
      %gather3A_1063 = tpu.vector_load_idx %arg5[%add3A_1062] : memref<4992xi32, #tpu.memory_space<vmem>>[vector<16xi32>], vector<16xi32>,
      %add3A_1064 = arith.constant 1100000 : i32
      %add3A_1065 = vector.broadcast %add3A_1064 : i32 to vector<16xi32>
      %add3A_1066 = arith.addi %gather3A_1063, %add3A_1065 : vector<16xi32>
      %swap3A_1067 = arith.constant 11 : i32
      %swap3A_1068 = arith.index_cast %swap3A_1067 : i32 to index
      %swap3A_1069 = arith.constant 112 : index
      %swap3A_1070 = tpu.vector_load %arg6[%swap3A_1068, %swap3A_1069] {strides = array<i32>} : memref<26x128xi32, #tpu.memory_space<vmem>>, vector<16xi32>,
      tpu.vector_store %arg6[%swap3A_1068, %swap3A_1069], %add3A_1066 {strides = array<i32>} : memref<26x128xi32, #tpu.memory_space<vmem>>, vector<16xi32>,
      %add3A_1071 = arith.constant 25 : i32
      %add3A_1072 = vector.broadcast %add3A_1071 : i32 to vector<16xi32>
      %add3A_1073 = arith.addi %mul3A_16, %add3A_1072 : vector<16xi32>
      %gather3A_1074 = tpu.vector_load_idx %arg5[%add3A_1073] : memref<4992xi32, #tpu.memory_space<vmem>>[vector<16xi32>], vector<16xi32>,
      %add3A_1075 = arith.constant 1200000 : i32
      %add3A_1076 = vector.broadcast %add3A_1075 : i32 to vector<16xi32>
      %add3A_1077 = arith.addi %gather3A_1074, %add3A_1076 : vector<16xi32>
      %swap3A_1078 = arith.constant 12 : i32
      %swap3A_1079 = arith.index_cast %swap3A_1078 : i32 to index
      %swap3A_1080 = arith.constant 0 : index
      %swap3A_1081 = tpu.vector_load %arg6[%swap3A_1079, %swap3A_1080] {strides = array<i32>} : memref<26x128xi32, #tpu.memory_space<vmem>>, vector<16xi32>,
      tpu.vector_store %arg6[%swap3A_1079, %swap3A_1080], %add3A_1077 {strides = array<i32>} : memref<26x128xi32, #tpu.memory_space<vmem>>, vector<16xi32>,
      %add3A_1082 = arith.constant 649 : i32
      %add3A_1083 = vector.broadcast %add3A_1082 : i32 to vector<16xi32>
      %add3A_1084 = arith.addi %mul3A_16, %add3A_1083 : vector<16xi32>
      %gather3A_1085 = tpu.vector_load_idx %arg5[%add3A_1084] : memref<4992xi32, #tpu.memory_space<vmem>>[vector<16xi32>], vector<16xi32>,
      %add3A_1086 = arith.constant 1200000 : i32
      %add3A_1087 = vector.broadcast %add3A_1086 : i32 to vector<16xi32>
      %add3A_1088 = arith.addi %gather3A_1085, %add3A_1087 : vector<16xi32>
      %swap3A_1089 = arith.constant 12 : i32
      %swap3A_1090 = arith.index_cast %swap3A_1089 : i32 to index
      %swap3A_1091 = arith.constant 16 : index
      %swap3A_1092 = tpu.vector_load %arg6[%swap3A_1090, %swap3A_1091] {strides = array<i32>} : memref<26x128xi32, #tpu.memory_space<vmem>>, vector<16xi32>,
      tpu.vector_store %arg6[%swap3A_1090, %swap3A_1091], %add3A_1088 {strides = array<i32>} : memref<26x128xi32, #tpu.memory_space<vmem>>, vector<16xi32>,
      %add3A_1093 = arith.constant 1273 : i32
      %add3A_1094 = vector.broadcast %add3A_1093 : i32 to vector<16xi32>
      %add3A_1095 = arith.addi %mul3A_16, %add3A_1094 : vector<16xi32>
      %gather3A_1096 = tpu.vector_load_idx %arg5[%add3A_1095] : memref<4992xi32, #tpu.memory_space<vmem>>[vector<16xi32>], vector<16xi32>,
      %add3A_1097 = arith.constant 1200000 : i32
      %add3A_1098 = vector.broadcast %add3A_1097 : i32 to vector<16xi32>
      %add3A_1099 = arith.addi %gather3A_1096, %add3A_1098 : vector<16xi32>
      %swap3A_1100 = arith.constant 12 : i32
      %swap3A_1101 = arith.index_cast %swap3A_1100 : i32 to index
      %swap3A_1102 = arith.constant 32 : index
      %swap3A_1103 = tpu.vector_load %arg6[%swap3A_1101, %swap3A_1102] {strides = array<i32>} : memref<26x128xi32, #tpu.memory_space<vmem>>, vector<16xi32>,
      tpu.vector_store %arg6[%swap3A_1101, %swap3A_1102], %add3A_1099 {strides = array<i32>} : memref<26x128xi32, #tpu.memory_space<vmem>>, vector<16xi32>,
      %add3A_1104 = arith.constant 1897 : i32
      %add3A_1105 = vector.broadcast %add3A_1104 : i32 to vector<16xi32>
      %add3A_1106 = arith.addi %mul3A_16, %add3A_1105 : vector<16xi32>
      %gather3A_1107 = tpu.vector_load_idx %arg5[%add3A_1106] : memref<4992xi32, #tpu.memory_space<vmem>>[vector<16xi32>], vector<16xi32>,
      %add3A_1108 = arith.constant 1200000 : i32
      %add3A_1109 = vector.broadcast %add3A_1108 : i32 to vector<16xi32>
      %add3A_1110 = arith.addi %gather3A_1107, %add3A_1109 : vector<16xi32>
      %swap3A_1111 = arith.constant 12 : i32
      %swap3A_1112 = arith.index_cast %swap3A_1111 : i32 to index
      %swap3A_1113 = arith.constant 48 : index
      %swap3A_1114 = tpu.vector_load %arg6[%swap3A_1112, %swap3A_1113] {strides = array<i32>} : memref<26x128xi32, #tpu.memory_space<vmem>>, vector<16xi32>,
      tpu.vector_store %arg6[%swap3A_1112, %swap3A_1113], %add3A_1110 {strides = array<i32>} : memref<26x128xi32, #tpu.memory_space<vmem>>, vector<16xi32>,
      %add3A_1115 = arith.constant 2521 : i32
      %add3A_1116 = vector.broadcast %add3A_1115 : i32 to vector<16xi32>
      %add3A_1117 = arith.addi %mul3A_16, %add3A_1116 : vector<16xi32>
      %gather3A_1118 = tpu.vector_load_idx %arg5[%add3A_1117] : memref<4992xi32, #tpu.memory_space<vmem>>[vector<16xi32>], vector<16xi32>,
      %add3A_1119 = arith.constant 1200000 : i32
      %add3A_1120 = vector.broadcast %add3A_1119 : i32 to vector<16xi32>
      %add3A_1121 = arith.addi %gather3A_1118, %add3A_1120 : vector<16xi32>
      %swap3A_1122 = arith.constant 12 : i32
      %swap3A_1123 = arith.index_cast %swap3A_1122 : i32 to index
      %swap3A_1124 = arith.constant 64 : index
      %swap3A_1125 = tpu.vector_load %arg6[%swap3A_1123, %swap3A_1124] {strides = array<i32>} : memref<26x128xi32, #tpu.memory_space<vmem>>, vector<16xi32>,
      tpu.vector_store %arg6[%swap3A_1123, %swap3A_1124], %add3A_1121 {strides = array<i32>} : memref<26x128xi32, #tpu.memory_space<vmem>>, vector<16xi32>,
      %add3A_1126 = arith.constant 3145 : i32
      %add3A_1127 = vector.broadcast %add3A_1126 : i32 to vector<16xi32>
      %add3A_1128 = arith.addi %mul3A_16, %add3A_1127 : vector<16xi32>
      %gather3A_1129 = tpu.vector_load_idx %arg5[%add3A_1128] : memref<4992xi32, #tpu.memory_space<vmem>>[vector<16xi32>], vector<16xi32>,
      %add3A_1130 = arith.constant 1200000 : i32
      %add3A_1131 = vector.broadcast %add3A_1130 : i32 to vector<16xi32>
      %add3A_1132 = arith.addi %gather3A_1129, %add3A_1131 : vector<16xi32>
      %swap3A_1133 = arith.constant 12 : i32
      %swap3A_1134 = arith.index_cast %swap3A_1133 : i32 to index
      %swap3A_1135 = arith.constant 80 : index
      %swap3A_1136 = tpu.vector_load %arg6[%swap3A_1134, %swap3A_1135] {strides = array<i32>} : memref<26x128xi32, #tpu.memory_space<vmem>>, vector<16xi32>,
      tpu.vector_store %arg6[%swap3A_1134, %swap3A_1135], %add3A_1132 {strides = array<i32>} : memref<26x128xi32, #tpu.memory_space<vmem>>, vector<16xi32>,
      %add3A_1137 = arith.constant 3769 : i32
      %add3A_1138 = vector.broadcast %add3A_1137 : i32 to vector<16xi32>
      %add3A_1139 = arith.addi %mul3A_16, %add3A_1138 : vector<16xi32>
      %gather3A_1140 = tpu.vector_load_idx %arg5[%add3A_1139] : memref<4992xi32, #tpu.memory_space<vmem>>[vector<16xi32>], vector<16xi32>,
      %add3A_1141 = arith.constant 1200000 : i32
      %add3A_1142 = vector.broadcast %add3A_1141 : i32 to vector<16xi32>
      %add3A_1143 = arith.addi %gather3A_1140, %add3A_1142 : vector<16xi32>
      %swap3A_1144 = arith.constant 12 : i32
      %swap3A_1145 = arith.index_cast %swap3A_1144 : i32 to index
      %swap3A_1146 = arith.constant 96 : index
      %swap3A_1147 = tpu.vector_load %arg6[%swap3A_1145, %swap3A_1146] {strides = array<i32>} : memref<26x128xi32, #tpu.memory_space<vmem>>, vector<16xi32>,
      tpu.vector_store %arg6[%swap3A_1145, %swap3A_1146], %add3A_1143 {strides = array<i32>} : memref<26x128xi32, #tpu.memory_space<vmem>>, vector<16xi32>,
      %add3A_1148 = arith.constant 4393 : i32
      %add3A_1149 = vector.broadcast %add3A_1148 : i32 to vector<16xi32>
      %add3A_1150 = arith.addi %mul3A_16, %add3A_1149 : vector<16xi32>
      %gather3A_1151 = tpu.vector_load_idx %arg5[%add3A_1150] : memref<4992xi32, #tpu.memory_space<vmem>>[vector<16xi32>], vector<16xi32>,
      %add3A_1152 = arith.constant 1200000 : i32
      %add3A_1153 = vector.broadcast %add3A_1152 : i32 to vector<16xi32>
      %add3A_1154 = arith.addi %gather3A_1151, %add3A_1153 : vector<16xi32>
      %swap3A_1155 = arith.constant 12 : i32
      %swap3A_1156 = arith.index_cast %swap3A_1155 : i32 to index
      %swap3A_1157 = arith.constant 112 : index
      %swap3A_1158 = tpu.vector_load %arg6[%swap3A_1156, %swap3A_1157] {strides = array<i32>} : memref<26x128xi32, #tpu.memory_space<vmem>>, vector<16xi32>,
      tpu.vector_store %arg6[%swap3A_1156, %swap3A_1157], %add3A_1154 {strides = array<i32>} : memref<26x128xi32, #tpu.memory_space<vmem>>, vector<16xi32>,
      %add3A_1159 = arith.constant 26 : i32
      %add3A_1160 = vector.broadcast %add3A_1159 : i32 to vector<16xi32>
      %add3A_1161 = arith.addi %mul3A_16, %add3A_1160 : vector<16xi32>
      %gather3A_1162 = tpu.vector_load_idx %arg5[%add3A_1161] : memref<4992xi32, #tpu.memory_space<vmem>>[vector<16xi32>], vector<16xi32>,
      %add3A_1163 = arith.constant 1300000 : i32
      %add3A_1164 = vector.broadcast %add3A_1163 : i32 to vector<16xi32>
      %add3A_1165 = arith.addi %gather3A_1162, %add3A_1164 : vector<16xi32>
      %swap3A_1166 = arith.constant 13 : i32
      %swap3A_1167 = arith.index_cast %swap3A_1166 : i32 to index
      %swap3A_1168 = arith.constant 0 : index
      %swap3A_1169 = tpu.vector_load %arg6[%swap3A_1167, %swap3A_1168] {strides = array<i32>} : memref<26x128xi32, #tpu.memory_space<vmem>>, vector<16xi32>,
      tpu.vector_store %arg6[%swap3A_1167, %swap3A_1168], %add3A_1165 {strides = array<i32>} : memref<26x128xi32, #tpu.memory_space<vmem>>, vector<16xi32>,
      %add3A_1170 = arith.constant 650 : i32
      %add3A_1171 = vector.broadcast %add3A_1170 : i32 to vector<16xi32>
      %add3A_1172 = arith.addi %mul3A_16, %add3A_1171 : vector<16xi32>
      %gather3A_1173 = tpu.vector_load_idx %arg5[%add3A_1172] : memref<4992xi32, #tpu.memory_space<vmem>>[vector<16xi32>], vector<16xi32>,
      %add3A_1174 = arith.constant 1300000 : i32
      %add3A_1175 = vector.broadcast %add3A_1174 : i32 to vector<16xi32>
      %add3A_1176 = arith.addi %gather3A_1173, %add3A_1175 : vector<16xi32>
      %swap3A_1177 = arith.constant 13 : i32
      %swap3A_1178 = arith.index_cast %swap3A_1177 : i32 to index
      %swap3A_1179 = arith.constant 16 : index
      %swap3A_1180 = tpu.vector_load %arg6[%swap3A_1178, %swap3A_1179] {strides = array<i32>} : memref<26x128xi32, #tpu.memory_space<vmem>>, vector<16xi32>,
      tpu.vector_store %arg6[%swap3A_1178, %swap3A_1179], %add3A_1176 {strides = array<i32>} : memref<26x128xi32, #tpu.memory_space<vmem>>, vector<16xi32>,
      %add3A_1181 = arith.constant 1274 : i32
      %add3A_1182 = vector.broadcast %add3A_1181 : i32 to vector<16xi32>
      %add3A_1183 = arith.addi %mul3A_16, %add3A_1182 : vector<16xi32>
      %gather3A_1184 = tpu.vector_load_idx %arg5[%add3A_1183] : memref<4992xi32, #tpu.memory_space<vmem>>[vector<16xi32>], vector<16xi32>,
      %add3A_1185 = arith.constant 1300000 : i32
      %add3A_1186 = vector.broadcast %add3A_1185 : i32 to vector<16xi32>
      %add3A_1187 = arith.addi %gather3A_1184, %add3A_1186 : vector<16xi32>
      %swap3A_1188 = arith.constant 13 : i32
      %swap3A_1189 = arith.index_cast %swap3A_1188 : i32 to index
      %swap3A_1190 = arith.constant 32 : index
      %swap3A_1191 = tpu.vector_load %arg6[%swap3A_1189, %swap3A_1190] {strides = array<i32>} : memref<26x128xi32, #tpu.memory_space<vmem>>, vector<16xi32>,
      tpu.vector_store %arg6[%swap3A_1189, %swap3A_1190], %add3A_1187 {strides = array<i32>} : memref<26x128xi32, #tpu.memory_space<vmem>>, vector<16xi32>,
      %add3A_1192 = arith.constant 1898 : i32
      %add3A_1193 = vector.broadcast %add3A_1192 : i32 to vector<16xi32>
      %add3A_1194 = arith.addi %mul3A_16, %add3A_1193 : vector<16xi32>
      %gather3A_1195 = tpu.vector_load_idx %arg5[%add3A_1194] : memref<4992xi32, #tpu.memory_space<vmem>>[vector<16xi32>], vector<16xi32>,
      %add3A_1196 = arith.constant 1300000 : i32
      %add3A_1197 = vector.broadcast %add3A_1196 : i32 to vector<16xi32>
      %add3A_1198 = arith.addi %gather3A_1195, %add3A_1197 : vector<16xi32>
      %swap3A_1199 = arith.constant 13 : i32
      %swap3A_1200 = arith.index_cast %swap3A_1199 : i32 to index
      %swap3A_1201 = arith.constant 48 : index
      %swap3A_1202 = tpu.vector_load %arg6[%swap3A_1200, %swap3A_1201] {strides = array<i32>} : memref<26x128xi32, #tpu.memory_space<vmem>>, vector<16xi32>,
      tpu.vector_store %arg6[%swap3A_1200, %swap3A_1201], %add3A_1198 {strides = array<i32>} : memref<26x128xi32, #tpu.memory_space<vmem>>, vector<16xi32>,
      %add3A_1203 = arith.constant 2522 : i32
      %add3A_1204 = vector.broadcast %add3A_1203 : i32 to vector<16xi32>
      %add3A_1205 = arith.addi %mul3A_16, %add3A_1204 : vector<16xi32>
      %gather3A_1206 = tpu.vector_load_idx %arg5[%add3A_1205] : memref<4992xi32, #tpu.memory_space<vmem>>[vector<16xi32>], vector<16xi32>,
      %add3A_1207 = arith.constant 1300000 : i32
      %add3A_1208 = vector.broadcast %add3A_1207 : i32 to vector<16xi32>
      %add3A_1209 = arith.addi %gather3A_1206, %add3A_1208 : vector<16xi32>
      %swap3A_1210 = arith.constant 13 : i32
      %swap3A_1211 = arith.index_cast %swap3A_1210 : i32 to index
      %swap3A_1212 = arith.constant 64 : index
      %swap3A_1213 = tpu.vector_load %arg6[%swap3A_1211, %swap3A_1212] {strides = array<i32>} : memref<26x128xi32, #tpu.memory_space<vmem>>, vector<16xi32>,
      tpu.vector_store %arg6[%swap3A_1211, %swap3A_1212], %add3A_1209 {strides = array<i32>} : memref<26x128xi32, #tpu.memory_space<vmem>>, vector<16xi32>,
      %add3A_1214 = arith.constant 3146 : i32
      %add3A_1215 = vector.broadcast %add3A_1214 : i32 to vector<16xi32>
      %add3A_1216 = arith.addi %mul3A_16, %add3A_1215 : vector<16xi32>
      %gather3A_1217 = tpu.vector_load_idx %arg5[%add3A_1216] : memref<4992xi32, #tpu.memory_space<vmem>>[vector<16xi32>], vector<16xi32>,
      %add3A_1218 = arith.constant 1300000 : i32
      %add3A_1219 = vector.broadcast %add3A_1218 : i32 to vector<16xi32>
      %add3A_1220 = arith.addi %gather3A_1217, %add3A_1219 : vector<16xi32>
      %swap3A_1221 = arith.constant 13 : i32
      %swap3A_1222 = arith.index_cast %swap3A_1221 : i32 to index
      %swap3A_1223 = arith.constant 80 : index
      %swap3A_1224 = tpu.vector_load %arg6[%swap3A_1222, %swap3A_1223] {strides = array<i32>} : memref<26x128xi32, #tpu.memory_space<vmem>>, vector<16xi32>,
      tpu.vector_store %arg6[%swap3A_1222, %swap3A_1223], %add3A_1220 {strides = array<i32>} : memref<26x128xi32, #tpu.memory_space<vmem>>, vector<16xi32>,
      %add3A_1225 = arith.constant 3770 : i32
      %add3A_1226 = vector.broadcast %add3A_1225 : i32 to vector<16xi32>
      %add3A_1227 = arith.addi %mul3A_16, %add3A_1226 : vector<16xi32>
      %gather3A_1228 = tpu.vector_load_idx %arg5[%add3A_1227] : memref<4992xi32, #tpu.memory_space<vmem>>[vector<16xi32>], vector<16xi32>,
      %add3A_1229 = arith.constant 1300000 : i32
      %add3A_1230 = vector.broadcast %add3A_1229 : i32 to vector<16xi32>
      %add3A_1231 = arith.addi %gather3A_1228, %add3A_1230 : vector<16xi32>
      %swap3A_1232 = arith.constant 13 : i32
      %swap3A_1233 = arith.index_cast %swap3A_1232 : i32 to index
      %swap3A_1234 = arith.constant 96 : index
      %swap3A_1235 = tpu.vector_load %arg6[%swap3A_1233, %swap3A_1234] {strides = array<i32>} : memref<26x128xi32, #tpu.memory_space<vmem>>, vector<16xi32>,
      tpu.vector_store %arg6[%swap3A_1233, %swap3A_1234], %add3A_1231 {strides = array<i32>} : memref<26x128xi32, #tpu.memory_space<vmem>>, vector<16xi32>,
      %add3A_1236 = arith.constant 4394 : i32
      %add3A_1237 = vector.broadcast %add3A_1236 : i32 to vector<16xi32>
      %add3A_1238 = arith.addi %mul3A_16, %add3A_1237 : vector<16xi32>
      %gather3A_1239 = tpu.vector_load_idx %arg5[%add3A_1238] : memref<4992xi32, #tpu.memory_space<vmem>>[vector<16xi32>], vector<16xi32>,
      %add3A_1240 = arith.constant 1300000 : i32
      %add3A_1241 = vector.broadcast %add3A_1240 : i32 to vector<16xi32>
      %add3A_1242 = arith.addi %gather3A_1239, %add3A_1241 : vector<16xi32>
      %swap3A_1243 = arith.constant 13 : i32
      %swap3A_1244 = arith.index_cast %swap3A_1243 : i32 to index
      %swap3A_1245 = arith.constant 112 : index
      %swap3A_1246 = tpu.vector_load %arg6[%swap3A_1244, %swap3A_1245] {strides = array<i32>} : memref<26x128xi32, #tpu.memory_space<vmem>>, vector<16xi32>,
      tpu.vector_store %arg6[%swap3A_1244, %swap3A_1245], %add3A_1242 {strides = array<i32>} : memref<26x128xi32, #tpu.memory_space<vmem>>, vector<16xi32>,
      %add3A_1247 = arith.constant 27 : i32
      %add3A_1248 = vector.broadcast %add3A_1247 : i32 to vector<16xi32>
      %add3A_1249 = arith.addi %mul3A_16, %add3A_1248 : vector<16xi32>
      %gather3A_1250 = tpu.vector_load_idx %arg5[%add3A_1249] : memref<4992xi32, #tpu.memory_space<vmem>>[vector<16xi32>], vector<16xi32>,
      %add3A_1251 = arith.constant 1400000 : i32
      %add3A_1252 = vector.broadcast %add3A_1251 : i32 to vector<16xi32>
      %add3A_1253 = arith.addi %gather3A_1250, %add3A_1252 : vector<16xi32>
      %swap3A_1254 = arith.constant 14 : i32
      %swap3A_1255 = arith.index_cast %swap3A_1254 : i32 to index
      %swap3A_1256 = arith.constant 0 : index
      %swap3A_1257 = tpu.vector_load %arg6[%swap3A_1255, %swap3A_1256] {strides = array<i32>} : memref<26x128xi32, #tpu.memory_space<vmem>>, vector<16xi32>,
      tpu.vector_store %arg6[%swap3A_1255, %swap3A_1256], %add3A_1253 {strides = array<i32>} : memref<26x128xi32, #tpu.memory_space<vmem>>, vector<16xi32>,
      %add3A_1258 = arith.constant 651 : i32
      %add3A_1259 = vector.broadcast %add3A_1258 : i32 to vector<16xi32>
      %add3A_1260 = arith.addi %mul3A_16, %add3A_1259 : vector<16xi32>
      %gather3A_1261 = tpu.vector_load_idx %arg5[%add3A_1260] : memref<4992xi32, #tpu.memory_space<vmem>>[vector<16xi32>], vector<16xi32>,
      %add3A_1262 = arith.constant 1400000 : i32
      %add3A_1263 = vector.broadcast %add3A_1262 : i32 to vector<16xi32>
      %add3A_1264 = arith.addi %gather3A_1261, %add3A_1263 : vector<16xi32>
      %swap3A_1265 = arith.constant 14 : i32
      %swap3A_1266 = arith.index_cast %swap3A_1265 : i32 to index
      %swap3A_1267 = arith.constant 16 : index
      %swap3A_1268 = tpu.vector_load %arg6[%swap3A_1266, %swap3A_1267] {strides = array<i32>} : memref<26x128xi32, #tpu.memory_space<vmem>>, vector<16xi32>,
      tpu.vector_store %arg6[%swap3A_1266, %swap3A_1267], %add3A_1264 {strides = array<i32>} : memref<26x128xi32, #tpu.memory_space<vmem>>, vector<16xi32>,
      %add3A_1269 = arith.constant 1275 : i32
      %add3A_1270 = vector.broadcast %add3A_1269 : i32 to vector<16xi32>
      %add3A_1271 = arith.addi %mul3A_16, %add3A_1270 : vector<16xi32>
      %gather3A_1272 = tpu.vector_load_idx %arg5[%add3A_1271] : memref<4992xi32, #tpu.memory_space<vmem>>[vector<16xi32>], vector<16xi32>,
      %add3A_1273 = arith.constant 1400000 : i32
      %add3A_1274 = vector.broadcast %add3A_1273 : i32 to vector<16xi32>
      %add3A_1275 = arith.addi %gather3A_1272, %add3A_1274 : vector<16xi32>
      %swap3A_1276 = arith.constant 14 : i32
      %swap3A_1277 = arith.index_cast %swap3A_1276 : i32 to index
      %swap3A_1278 = arith.constant 32 : index
      %swap3A_1279 = tpu.vector_load %arg6[%swap3A_1277, %swap3A_1278] {strides = array<i32>} : memref<26x128xi32, #tpu.memory_space<vmem>>, vector<16xi32>,
      tpu.vector_store %arg6[%swap3A_1277, %swap3A_1278], %add3A_1275 {strides = array<i32>} : memref<26x128xi32, #tpu.memory_space<vmem>>, vector<16xi32>,
      %add3A_1280 = arith.constant 1899 : i32
      %add3A_1281 = vector.broadcast %add3A_1280 : i32 to vector<16xi32>
      %add3A_1282 = arith.addi %mul3A_16, %add3A_1281 : vector<16xi32>
      %gather3A_1283 = tpu.vector_load_idx %arg5[%add3A_1282] : memref<4992xi32, #tpu.memory_space<vmem>>[vector<16xi32>], vector<16xi32>,
      %add3A_1284 = arith.constant 1400000 : i32
      %add3A_1285 = vector.broadcast %add3A_1284 : i32 to vector<16xi32>
      %add3A_1286 = arith.addi %gather3A_1283, %add3A_1285 : vector<16xi32>
      %swap3A_1287 = arith.constant 14 : i32
      %swap3A_1288 = arith.index_cast %swap3A_1287 : i32 to index
      %swap3A_1289 = arith.constant 48 : index
      %swap3A_1290 = tpu.vector_load %arg6[%swap3A_1288, %swap3A_1289] {strides = array<i32>} : memref<26x128xi32, #tpu.memory_space<vmem>>, vector<16xi32>,
      tpu.vector_store %arg6[%swap3A_1288, %swap3A_1289], %add3A_1286 {strides = array<i32>} : memref<26x128xi32, #tpu.memory_space<vmem>>, vector<16xi32>,
      %add3A_1291 = arith.constant 2523 : i32
      %add3A_1292 = vector.broadcast %add3A_1291 : i32 to vector<16xi32>
      %add3A_1293 = arith.addi %mul3A_16, %add3A_1292 : vector<16xi32>
      %gather3A_1294 = tpu.vector_load_idx %arg5[%add3A_1293] : memref<4992xi32, #tpu.memory_space<vmem>>[vector<16xi32>], vector<16xi32>,
      %add3A_1295 = arith.constant 1400000 : i32
      %add3A_1296 = vector.broadcast %add3A_1295 : i32 to vector<16xi32>
      %add3A_1297 = arith.addi %gather3A_1294, %add3A_1296 : vector<16xi32>
      %swap3A_1298 = arith.constant 14 : i32
      %swap3A_1299 = arith.index_cast %swap3A_1298 : i32 to index
      %swap3A_1300 = arith.constant 64 : index
      %swap3A_1301 = tpu.vector_load %arg6[%swap3A_1299, %swap3A_1300] {strides = array<i32>} : memref<26x128xi32, #tpu.memory_space<vmem>>, vector<16xi32>,
      tpu.vector_store %arg6[%swap3A_1299, %swap3A_1300], %add3A_1297 {strides = array<i32>} : memref<26x128xi32, #tpu.memory_space<vmem>>, vector<16xi32>,
      %add3A_1302 = arith.constant 3147 : i32
      %add3A_1303 = vector.broadcast %add3A_1302 : i32 to vector<16xi32>
      %add3A_1304 = arith.addi %mul3A_16, %add3A_1303 : vector<16xi32>
      %gather3A_1305 = tpu.vector_load_idx %arg5[%add3A_1304] : memref<4992xi32, #tpu.memory_space<vmem>>[vector<16xi32>], vector<16xi32>,
      %add3A_1306 = arith.constant 1400000 : i32
      %add3A_1307 = vector.broadcast %add3A_1306 : i32 to vector<16xi32>
      %add3A_1308 = arith.addi %gather3A_1305, %add3A_1307 : vector<16xi32>
      %swap3A_1309 = arith.constant 14 : i32
      %swap3A_1310 = arith.index_cast %swap3A_1309 : i32 to index
      %swap3A_1311 = arith.constant 80 : index
      %swap3A_1312 = tpu.vector_load %arg6[%swap3A_1310, %swap3A_1311] {strides = array<i32>} : memref<26x128xi32, #tpu.memory_space<vmem>>, vector<16xi32>,
      tpu.vector_store %arg6[%swap3A_1310, %swap3A_1311], %add3A_1308 {strides = array<i32>} : memref<26x128xi32, #tpu.memory_space<vmem>>, vector<16xi32>,
      %add3A_1313 = arith.constant 3771 : i32
      %add3A_1314 = vector.broadcast %add3A_1313 : i32 to vector<16xi32>
      %add3A_1315 = arith.addi %mul3A_16, %add3A_1314 : vector<16xi32>
      %gather3A_1316 = tpu.vector_load_idx %arg5[%add3A_1315] : memref<4992xi32, #tpu.memory_space<vmem>>[vector<16xi32>], vector<16xi32>,
      %add3A_1317 = arith.constant 1400000 : i32
      %add3A_1318 = vector.broadcast %add3A_1317 : i32 to vector<16xi32>
      %add3A_1319 = arith.addi %gather3A_1316, %add3A_1318 : vector<16xi32>
      %swap3A_1320 = arith.constant 14 : i32
      %swap3A_1321 = arith.index_cast %swap3A_1320 : i32 to index
      %swap3A_1322 = arith.constant 96 : index
      %swap3A_1323 = tpu.vector_load %arg6[%swap3A_1321, %swap3A_1322] {strides = array<i32>} : memref<26x128xi32, #tpu.memory_space<vmem>>, vector<16xi32>,
      tpu.vector_store %arg6[%swap3A_1321, %swap3A_1322], %add3A_1319 {strides = array<i32>} : memref<26x128xi32, #tpu.memory_space<vmem>>, vector<16xi32>,
      %add3A_1324 = arith.constant 4395 : i32
      %add3A_1325 = vector.broadcast %add3A_1324 : i32 to vector<16xi32>
      %add3A_1326 = arith.addi %mul3A_16, %add3A_1325 : vector<16xi32>
      %gather3A_1327 = tpu.vector_load_idx %arg5[%add3A_1326] : memref<4992xi32, #tpu.memory_space<vmem>>[vector<16xi32>], vector<16xi32>,
      %add3A_1328 = arith.constant 1400000 : i32
      %add3A_1329 = vector.broadcast %add3A_1328 : i32 to vector<16xi32>
      %add3A_1330 = arith.addi %gather3A_1327, %add3A_1329 : vector<16xi32>
      %swap3A_1331 = arith.constant 14 : i32
      %swap3A_1332 = arith.index_cast %swap3A_1331 : i32 to index
      %swap3A_1333 = arith.constant 112 : index
      %swap3A_1334 = tpu.vector_load %arg6[%swap3A_1332, %swap3A_1333] {strides = array<i32>} : memref<26x128xi32, #tpu.memory_space<vmem>>, vector<16xi32>,
      tpu.vector_store %arg6[%swap3A_1332, %swap3A_1333], %add3A_1330 {strides = array<i32>} : memref<26x128xi32, #tpu.memory_space<vmem>>, vector<16xi32>,
      %add3A_1335 = arith.constant 28 : i32
      %add3A_1336 = vector.broadcast %add3A_1335 : i32 to vector<16xi32>
      %add3A_1337 = arith.addi %mul3A_16, %add3A_1336 : vector<16xi32>
      %gather3A_1338 = tpu.vector_load_idx %arg5[%add3A_1337] : memref<4992xi32, #tpu.memory_space<vmem>>[vector<16xi32>], vector<16xi32>,
      %add3A_1339 = arith.constant 1500000 : i32
      %add3A_1340 = vector.broadcast %add3A_1339 : i32 to vector<16xi32>
      %add3A_1341 = arith.addi %gather3A_1338, %add3A_1340 : vector<16xi32>
      %swap3A_1342 = arith.constant 15 : i32
      %swap3A_1343 = arith.index_cast %swap3A_1342 : i32 to index
      %swap3A_1344 = arith.constant 0 : index
      %swap3A_1345 = tpu.vector_load %arg6[%swap3A_1343, %swap3A_1344] {strides = array<i32>} : memref<26x128xi32, #tpu.memory_space<vmem>>, vector<16xi32>,
      tpu.vector_store %arg6[%swap3A_1343, %swap3A_1344], %add3A_1341 {strides = array<i32>} : memref<26x128xi32, #tpu.memory_space<vmem>>, vector<16xi32>,
      %add3A_1346 = arith.constant 652 : i32
      %add3A_1347 = vector.broadcast %add3A_1346 : i32 to vector<16xi32>
      %add3A_1348 = arith.addi %mul3A_16, %add3A_1347 : vector<16xi32>
      %gather3A_1349 = tpu.vector_load_idx %arg5[%add3A_1348] : memref<4992xi32, #tpu.memory_space<vmem>>[vector<16xi32>], vector<16xi32>,
      %add3A_1350 = arith.constant 1500000 : i32
      %add3A_1351 = vector.broadcast %add3A_1350 : i32 to vector<16xi32>
      %add3A_1352 = arith.addi %gather3A_1349, %add3A_1351 : vector<16xi32>
      %swap3A_1353 = arith.constant 15 : i32
      %swap3A_1354 = arith.index_cast %swap3A_1353 : i32 to index
      %swap3A_1355 = arith.constant 16 : index
      %swap3A_1356 = tpu.vector_load %arg6[%swap3A_1354, %swap3A_1355] {strides = array<i32>} : memref<26x128xi32, #tpu.memory_space<vmem>>, vector<16xi32>,
      tpu.vector_store %arg6[%swap3A_1354, %swap3A_1355], %add3A_1352 {strides = array<i32>} : memref<26x128xi32, #tpu.memory_space<vmem>>, vector<16xi32>,
      %add3A_1357 = arith.constant 1276 : i32
      %add3A_1358 = vector.broadcast %add3A_1357 : i32 to vector<16xi32>
      %add3A_1359 = arith.addi %mul3A_16, %add3A_1358 : vector<16xi32>
      %gather3A_1360 = tpu.vector_load_idx %arg5[%add3A_1359] : memref<4992xi32, #tpu.memory_space<vmem>>[vector<16xi32>], vector<16xi32>,
      %add3A_1361 = arith.constant 1500000 : i32
      %add3A_1362 = vector.broadcast %add3A_1361 : i32 to vector<16xi32>
      %add3A_1363 = arith.addi %gather3A_1360, %add3A_1362 : vector<16xi32>
      %swap3A_1364 = arith.constant 15 : i32
      %swap3A_1365 = arith.index_cast %swap3A_1364 : i32 to index
      %swap3A_1366 = arith.constant 32 : index
      %swap3A_1367 = tpu.vector_load %arg6[%swap3A_1365, %swap3A_1366] {strides = array<i32>} : memref<26x128xi32, #tpu.memory_space<vmem>>, vector<16xi32>,
      tpu.vector_store %arg6[%swap3A_1365, %swap3A_1366], %add3A_1363 {strides = array<i32>} : memref<26x128xi32, #tpu.memory_space<vmem>>, vector<16xi32>,
      %add3A_1368 = arith.constant 1900 : i32
      %add3A_1369 = vector.broadcast %add3A_1368 : i32 to vector<16xi32>
      %add3A_1370 = arith.addi %mul3A_16, %add3A_1369 : vector<16xi32>
      %gather3A_1371 = tpu.vector_load_idx %arg5[%add3A_1370] : memref<4992xi32, #tpu.memory_space<vmem>>[vector<16xi32>], vector<16xi32>,
      %add3A_1372 = arith.constant 1500000 : i32
      %add3A_1373 = vector.broadcast %add3A_1372 : i32 to vector<16xi32>
      %add3A_1374 = arith.addi %gather3A_1371, %add3A_1373 : vector<16xi32>
      %swap3A_1375 = arith.constant 15 : i32
      %swap3A_1376 = arith.index_cast %swap3A_1375 : i32 to index
      %swap3A_1377 = arith.constant 48 : index
      %swap3A_1378 = tpu.vector_load %arg6[%swap3A_1376, %swap3A_1377] {strides = array<i32>} : memref<26x128xi32, #tpu.memory_space<vmem>>, vector<16xi32>,
      tpu.vector_store %arg6[%swap3A_1376, %swap3A_1377], %add3A_1374 {strides = array<i32>} : memref<26x128xi32, #tpu.memory_space<vmem>>, vector<16xi32>,
      %add3A_1379 = arith.constant 2524 : i32
      %add3A_1380 = vector.broadcast %add3A_1379 : i32 to vector<16xi32>
      %add3A_1381 = arith.addi %mul3A_16, %add3A_1380 : vector<16xi32>
      %gather3A_1382 = tpu.vector_load_idx %arg5[%add3A_1381] : memref<4992xi32, #tpu.memory_space<vmem>>[vector<16xi32>], vector<16xi32>,
      %add3A_1383 = arith.constant 1500000 : i32
      %add3A_1384 = vector.broadcast %add3A_1383 : i32 to vector<16xi32>
      %add3A_1385 = arith.addi %gather3A_1382, %add3A_1384 : vector<16xi32>
      %swap3A_1386 = arith.constant 15 : i32
      %swap3A_1387 = arith.index_cast %swap3A_1386 : i32 to index
      %swap3A_1388 = arith.constant 64 : index
      %swap3A_1389 = tpu.vector_load %arg6[%swap3A_1387, %swap3A_1388] {strides = array<i32>} : memref<26x128xi32, #tpu.memory_space<vmem>>, vector<16xi32>,
      tpu.vector_store %arg6[%swap3A_1387, %swap3A_1388], %add3A_1385 {strides = array<i32>} : memref<26x128xi32, #tpu.memory_space<vmem>>, vector<16xi32>,
      %add3A_1390 = arith.constant 3148 : i32
      %add3A_1391 = vector.broadcast %add3A_1390 : i32 to vector<16xi32>
      %add3A_1392 = arith.addi %mul3A_16, %add3A_1391 : vector<16xi32>
      %gather3A_1393 = tpu.vector_load_idx %arg5[%add3A_1392] : memref<4992xi32, #tpu.memory_space<vmem>>[vector<16xi32>], vector<16xi32>,
      %add3A_1394 = arith.constant 1500000 : i32
      %add3A_1395 = vector.broadcast %add3A_1394 : i32 to vector<16xi32>
      %add3A_1396 = arith.addi %gather3A_1393, %add3A_1395 : vector<16xi32>
      %swap3A_1397 = arith.constant 15 : i32
      %swap3A_1398 = arith.index_cast %swap3A_1397 : i32 to index
      %swap3A_1399 = arith.constant 80 : index
      %swap3A_1400 = tpu.vector_load %arg6[%swap3A_1398, %swap3A_1399] {strides = array<i32>} : memref<26x128xi32, #tpu.memory_space<vmem>>, vector<16xi32>,
      tpu.vector_store %arg6[%swap3A_1398, %swap3A_1399], %add3A_1396 {strides = array<i32>} : memref<26x128xi32, #tpu.memory_space<vmem>>, vector<16xi32>,
      %add3A_1401 = arith.constant 3772 : i32
      %add3A_1402 = vector.broadcast %add3A_1401 : i32 to vector<16xi32>
      %add3A_1403 = arith.addi %mul3A_16, %add3A_1402 : vector<16xi32>
      %gather3A_1404 = tpu.vector_load_idx %arg5[%add3A_1403] : memref<4992xi32, #tpu.memory_space<vmem>>[vector<16xi32>], vector<16xi32>,
      %add3A_1405 = arith.constant 1500000 : i32
      %add3A_1406 = vector.broadcast %add3A_1405 : i32 to vector<16xi32>
      %add3A_1407 = arith.addi %gather3A_1404, %add3A_1406 : vector<16xi32>
      %swap3A_1408 = arith.constant 15 : i32
      %swap3A_1409 = arith.index_cast %swap3A_1408 : i32 to index
      %swap3A_1410 = arith.constant 96 : index
      %swap3A_1411 = tpu.vector_load %arg6[%swap3A_1409, %swap3A_1410] {strides = array<i32>} : memref<26x128xi32, #tpu.memory_space<vmem>>, vector<16xi32>,
      tpu.vector_store %arg6[%swap3A_1409, %swap3A_1410], %add3A_1407 {strides = array<i32>} : memref<26x128xi32, #tpu.memory_space<vmem>>, vector<16xi32>,
      %add3A_1412 = arith.constant 4396 : i32
      %add3A_1413 = vector.broadcast %add3A_1412 : i32 to vector<16xi32>
      %add3A_1414 = arith.addi %mul3A_16, %add3A_1413 : vector<16xi32>
      %gather3A_1415 = tpu.vector_load_idx %arg5[%add3A_1414] : memref<4992xi32, #tpu.memory_space<vmem>>[vector<16xi32>], vector<16xi32>,
      %add3A_1416 = arith.constant 1500000 : i32
      %add3A_1417 = vector.broadcast %add3A_1416 : i32 to vector<16xi32>
      %add3A_1418 = arith.addi %gather3A_1415, %add3A_1417 : vector<16xi32>
      %swap3A_1419 = arith.constant 15 : i32
      %swap3A_1420 = arith.index_cast %swap3A_1419 : i32 to index
      %swap3A_1421 = arith.constant 112 : index
      %swap3A_1422 = tpu.vector_load %arg6[%swap3A_1420, %swap3A_1421] {strides = array<i32>} : memref<26x128xi32, #tpu.memory_space<vmem>>, vector<16xi32>,
      tpu.vector_store %arg6[%swap3A_1420, %swap3A_1421], %add3A_1418 {strides = array<i32>} : memref<26x128xi32, #tpu.memory_space<vmem>>, vector<16xi32>,
      %add3A_1423 = arith.constant 29 : i32
      %add3A_1424 = vector.broadcast %add3A_1423 : i32 to vector<16xi32>
      %add3A_1425 = arith.addi %mul3A_16, %add3A_1424 : vector<16xi32>
      %gather3A_1426 = tpu.vector_load_idx %arg5[%add3A_1425] : memref<4992xi32, #tpu.memory_space<vmem>>[vector<16xi32>], vector<16xi32>,
      %add3A_1427 = arith.constant 1600000 : i32
      %add3A_1428 = vector.broadcast %add3A_1427 : i32 to vector<16xi32>
      %add3A_1429 = arith.addi %gather3A_1426, %add3A_1428 : vector<16xi32>
      %swap3A_1430 = arith.constant 16 : i32
      %swap3A_1431 = arith.index_cast %swap3A_1430 : i32 to index
      %swap3A_1432 = arith.constant 0 : index
      %swap3A_1433 = tpu.vector_load %arg6[%swap3A_1431, %swap3A_1432] {strides = array<i32>} : memref<26x128xi32, #tpu.memory_space<vmem>>, vector<16xi32>,
      tpu.vector_store %arg6[%swap3A_1431, %swap3A_1432], %add3A_1429 {strides = array<i32>} : memref<26x128xi32, #tpu.memory_space<vmem>>, vector<16xi32>,
      %add3A_1434 = arith.constant 653 : i32
      %add3A_1435 = vector.broadcast %add3A_1434 : i32 to vector<16xi32>
      %add3A_1436 = arith.addi %mul3A_16, %add3A_1435 : vector<16xi32>
      %gather3A_1437 = tpu.vector_load_idx %arg5[%add3A_1436] : memref<4992xi32, #tpu.memory_space<vmem>>[vector<16xi32>], vector<16xi32>,
      %add3A_1438 = arith.constant 1600000 : i32
      %add3A_1439 = vector.broadcast %add3A_1438 : i32 to vector<16xi32>
      %add3A_1440 = arith.addi %gather3A_1437, %add3A_1439 : vector<16xi32>
      %swap3A_1441 = arith.constant 16 : i32
      %swap3A_1442 = arith.index_cast %swap3A_1441 : i32 to index
      %swap3A_1443 = arith.constant 16 : index
      %swap3A_1444 = tpu.vector_load %arg6[%swap3A_1442, %swap3A_1443] {strides = array<i32>} : memref<26x128xi32, #tpu.memory_space<vmem>>, vector<16xi32>,
      tpu.vector_store %arg6[%swap3A_1442, %swap3A_1443], %add3A_1440 {strides = array<i32>} : memref<26x128xi32, #tpu.memory_space<vmem>>, vector<16xi32>,
      %add3A_1445 = arith.constant 1277 : i32
      %add3A_1446 = vector.broadcast %add3A_1445 : i32 to vector<16xi32>
      %add3A_1447 = arith.addi %mul3A_16, %add3A_1446 : vector<16xi32>
      %gather3A_1448 = tpu.vector_load_idx %arg5[%add3A_1447] : memref<4992xi32, #tpu.memory_space<vmem>>[vector<16xi32>], vector<16xi32>,
      %add3A_1449 = arith.constant 1600000 : i32
      %add3A_1450 = vector.broadcast %add3A_1449 : i32 to vector<16xi32>
      %add3A_1451 = arith.addi %gather3A_1448, %add3A_1450 : vector<16xi32>
      %swap3A_1452 = arith.constant 16 : i32
      %swap3A_1453 = arith.index_cast %swap3A_1452 : i32 to index
      %swap3A_1454 = arith.constant 32 : index
      %swap3A_1455 = tpu.vector_load %arg6[%swap3A_1453, %swap3A_1454] {strides = array<i32>} : memref<26x128xi32, #tpu.memory_space<vmem>>, vector<16xi32>,
      tpu.vector_store %arg6[%swap3A_1453, %swap3A_1454], %add3A_1451 {strides = array<i32>} : memref<26x128xi32, #tpu.memory_space<vmem>>, vector<16xi32>,
      %add3A_1456 = arith.constant 1901 : i32
      %add3A_1457 = vector.broadcast %add3A_1456 : i32 to vector<16xi32>
      %add3A_1458 = arith.addi %mul3A_16, %add3A_1457 : vector<16xi32>
      %gather3A_1459 = tpu.vector_load_idx %arg5[%add3A_1458] : memref<4992xi32, #tpu.memory_space<vmem>>[vector<16xi32>], vector<16xi32>,
      %add3A_1460 = arith.constant 1600000 : i32
      %add3A_1461 = vector.broadcast %add3A_1460 : i32 to vector<16xi32>
      %add3A_1462 = arith.addi %gather3A_1459, %add3A_1461 : vector<16xi32>
      %swap3A_1463 = arith.constant 16 : i32
      %swap3A_1464 = arith.index_cast %swap3A_1463 : i32 to index
      %swap3A_1465 = arith.constant 48 : index
      %swap3A_1466 = tpu.vector_load %arg6[%swap3A_1464, %swap3A_1465] {strides = array<i32>} : memref<26x128xi32, #tpu.memory_space<vmem>>, vector<16xi32>,
      tpu.vector_store %arg6[%swap3A_1464, %swap3A_1465], %add3A_1462 {strides = array<i32>} : memref<26x128xi32, #tpu.memory_space<vmem>>, vector<16xi32>,
      %add3A_1467 = arith.constant 2525 : i32
      %add3A_1468 = vector.broadcast %add3A_1467 : i32 to vector<16xi32>
      %add3A_1469 = arith.addi %mul3A_16, %add3A_1468 : vector<16xi32>
      %gather3A_1470 = tpu.vector_load_idx %arg5[%add3A_1469] : memref<4992xi32, #tpu.memory_space<vmem>>[vector<16xi32>], vector<16xi32>,
      %add3A_1471 = arith.constant 1600000 : i32
      %add3A_1472 = vector.broadcast %add3A_1471 : i32 to vector<16xi32>
      %add3A_1473 = arith.addi %gather3A_1470, %add3A_1472 : vector<16xi32>
      %swap3A_1474 = arith.constant 16 : i32
      %swap3A_1475 = arith.index_cast %swap3A_1474 : i32 to index
      %swap3A_1476 = arith.constant 64 : index
      %swap3A_1477 = tpu.vector_load %arg6[%swap3A_1475, %swap3A_1476] {strides = array<i32>} : memref<26x128xi32, #tpu.memory_space<vmem>>, vector<16xi32>,
      tpu.vector_store %arg6[%swap3A_1475, %swap3A_1476], %add3A_1473 {strides = array<i32>} : memref<26x128xi32, #tpu.memory_space<vmem>>, vector<16xi32>,
      %add3A_1478 = arith.constant 3149 : i32
      %add3A_1479 = vector.broadcast %add3A_1478 : i32 to vector<16xi32>
      %add3A_1480 = arith.addi %mul3A_16, %add3A_1479 : vector<16xi32>
      %gather3A_1481 = tpu.vector_load_idx %arg5[%add3A_1480] : memref<4992xi32, #tpu.memory_space<vmem>>[vector<16xi32>], vector<16xi32>,
      %add3A_1482 = arith.constant 1600000 : i32
      %add3A_1483 = vector.broadcast %add3A_1482 : i32 to vector<16xi32>
      %add3A_1484 = arith.addi %gather3A_1481, %add3A_1483 : vector<16xi32>
      %swap3A_1485 = arith.constant 16 : i32
      %swap3A_1486 = arith.index_cast %swap3A_1485 : i32 to index
      %swap3A_1487 = arith.constant 80 : index
      %swap3A_1488 = tpu.vector_load %arg6[%swap3A_1486, %swap3A_1487] {strides = array<i32>} : memref<26x128xi32, #tpu.memory_space<vmem>>, vector<16xi32>,
      tpu.vector_store %arg6[%swap3A_1486, %swap3A_1487], %add3A_1484 {strides = array<i32>} : memref<26x128xi32, #tpu.memory_space<vmem>>, vector<16xi32>,
      %add3A_1489 = arith.constant 3773 : i32
      %add3A_1490 = vector.broadcast %add3A_1489 : i32 to vector<16xi32>
      %add3A_1491 = arith.addi %mul3A_16, %add3A_1490 : vector<16xi32>
      %gather3A_1492 = tpu.vector_load_idx %arg5[%add3A_1491] : memref<4992xi32, #tpu.memory_space<vmem>>[vector<16xi32>], vector<16xi32>,
      %add3A_1493 = arith.constant 1600000 : i32
      %add3A_1494 = vector.broadcast %add3A_1493 : i32 to vector<16xi32>
      %add3A_1495 = arith.addi %gather3A_1492, %add3A_1494 : vector<16xi32>
      %swap3A_1496 = arith.constant 16 : i32
      %swap3A_1497 = arith.index_cast %swap3A_1496 : i32 to index
      %swap3A_1498 = arith.constant 96 : index
      %swap3A_1499 = tpu.vector_load %arg6[%swap3A_1497, %swap3A_1498] {strides = array<i32>} : memref<26x128xi32, #tpu.memory_space<vmem>>, vector<16xi32>,
      tpu.vector_store %arg6[%swap3A_1497, %swap3A_1498], %add3A_1495 {strides = array<i32>} : memref<26x128xi32, #tpu.memory_space<vmem>>, vector<16xi32>,
      %add3A_1500 = arith.constant 4397 : i32
      %add3A_1501 = vector.broadcast %add3A_1500 : i32 to vector<16xi32>
      %add3A_1502 = arith.addi %mul3A_16, %add3A_1501 : vector<16xi32>
      %gather3A_1503 = tpu.vector_load_idx %arg5[%add3A_1502] : memref<4992xi32, #tpu.memory_space<vmem>>[vector<16xi32>], vector<16xi32>,
      %add3A_1504 = arith.constant 1600000 : i32
      %add3A_1505 = vector.broadcast %add3A_1504 : i32 to vector<16xi32>
      %add3A_1506 = arith.addi %gather3A_1503, %add3A_1505 : vector<16xi32>
      %swap3A_1507 = arith.constant 16 : i32
      %swap3A_1508 = arith.index_cast %swap3A_1507 : i32 to index
      %swap3A_1509 = arith.constant 112 : index
      %swap3A_1510 = tpu.vector_load %arg6[%swap3A_1508, %swap3A_1509] {strides = array<i32>} : memref<26x128xi32, #tpu.memory_space<vmem>>, vector<16xi32>,
      tpu.vector_store %arg6[%swap3A_1508, %swap3A_1509], %add3A_1506 {strides = array<i32>} : memref<26x128xi32, #tpu.memory_space<vmem>>, vector<16xi32>,
      %add3A_1511 = arith.constant 30 : i32
      %add3A_1512 = vector.broadcast %add3A_1511 : i32 to vector<16xi32>
      %add3A_1513 = arith.addi %mul3A_16, %add3A_1512 : vector<16xi32>
      %gather3A_1514 = tpu.vector_load_idx %arg5[%add3A_1513] : memref<4992xi32, #tpu.memory_space<vmem>>[vector<16xi32>], vector<16xi32>,
      %add3A_1515 = arith.constant 1700000 : i32
      %add3A_1516 = vector.broadcast %add3A_1515 : i32 to vector<16xi32>
      %add3A_1517 = arith.addi %gather3A_1514, %add3A_1516 : vector<16xi32>
      %swap3A_1518 = arith.constant 17 : i32
      %swap3A_1519 = arith.index_cast %swap3A_1518 : i32 to index
      %swap3A_1520 = arith.constant 0 : index
      %swap3A_1521 = tpu.vector_load %arg6[%swap3A_1519, %swap3A_1520] {strides = array<i32>} : memref<26x128xi32, #tpu.memory_space<vmem>>, vector<16xi32>,
      tpu.vector_store %arg6[%swap3A_1519, %swap3A_1520], %add3A_1517 {strides = array<i32>} : memref<26x128xi32, #tpu.memory_space<vmem>>, vector<16xi32>,
      %add3A_1522 = arith.constant 654 : i32
      %add3A_1523 = vector.broadcast %add3A_1522 : i32 to vector<16xi32>
      %add3A_1524 = arith.addi %mul3A_16, %add3A_1523 : vector<16xi32>
      %gather3A_1525 = tpu.vector_load_idx %arg5[%add3A_1524] : memref<4992xi32, #tpu.memory_space<vmem>>[vector<16xi32>], vector<16xi32>,
      %add3A_1526 = arith.constant 1700000 : i32
      %add3A_1527 = vector.broadcast %add3A_1526 : i32 to vector<16xi32>
      %add3A_1528 = arith.addi %gather3A_1525, %add3A_1527 : vector<16xi32>
      %swap3A_1529 = arith.constant 17 : i32
      %swap3A_1530 = arith.index_cast %swap3A_1529 : i32 to index
      %swap3A_1531 = arith.constant 16 : index
      %swap3A_1532 = tpu.vector_load %arg6[%swap3A_1530, %swap3A_1531] {strides = array<i32>} : memref<26x128xi32, #tpu.memory_space<vmem>>, vector<16xi32>,
      tpu.vector_store %arg6[%swap3A_1530, %swap3A_1531], %add3A_1528 {strides = array<i32>} : memref<26x128xi32, #tpu.memory_space<vmem>>, vector<16xi32>,
      %add3A_1533 = arith.constant 1278 : i32
      %add3A_1534 = vector.broadcast %add3A_1533 : i32 to vector<16xi32>
      %add3A_1535 = arith.addi %mul3A_16, %add3A_1534 : vector<16xi32>
      %gather3A_1536 = tpu.vector_load_idx %arg5[%add3A_1535] : memref<4992xi32, #tpu.memory_space<vmem>>[vector<16xi32>], vector<16xi32>,
      %add3A_1537 = arith.constant 1700000 : i32
      %add3A_1538 = vector.broadcast %add3A_1537 : i32 to vector<16xi32>
      %add3A_1539 = arith.addi %gather3A_1536, %add3A_1538 : vector<16xi32>
      %swap3A_1540 = arith.constant 17 : i32
      %swap3A_1541 = arith.index_cast %swap3A_1540 : i32 to index
      %swap3A_1542 = arith.constant 32 : index
      %swap3A_1543 = tpu.vector_load %arg6[%swap3A_1541, %swap3A_1542] {strides = array<i32>} : memref<26x128xi32, #tpu.memory_space<vmem>>, vector<16xi32>,
      tpu.vector_store %arg6[%swap3A_1541, %swap3A_1542], %add3A_1539 {strides = array<i32>} : memref<26x128xi32, #tpu.memory_space<vmem>>, vector<16xi32>,
      %add3A_1544 = arith.constant 1902 : i32
      %add3A_1545 = vector.broadcast %add3A_1544 : i32 to vector<16xi32>
      %add3A_1546 = arith.addi %mul3A_16, %add3A_1545 : vector<16xi32>
      %gather3A_1547 = tpu.vector_load_idx %arg5[%add3A_1546] : memref<4992xi32, #tpu.memory_space<vmem>>[vector<16xi32>], vector<16xi32>,
      %add3A_1548 = arith.constant 1700000 : i32
      %add3A_1549 = vector.broadcast %add3A_1548 : i32 to vector<16xi32>
      %add3A_1550 = arith.addi %gather3A_1547, %add3A_1549 : vector<16xi32>
      %swap3A_1551 = arith.constant 17 : i32
      %swap3A_1552 = arith.index_cast %swap3A_1551 : i32 to index
      %swap3A_1553 = arith.constant 48 : index
      %swap3A_1554 = tpu.vector_load %arg6[%swap3A_1552, %swap3A_1553] {strides = array<i32>} : memref<26x128xi32, #tpu.memory_space<vmem>>, vector<16xi32>,
      tpu.vector_store %arg6[%swap3A_1552, %swap3A_1553], %add3A_1550 {strides = array<i32>} : memref<26x128xi32, #tpu.memory_space<vmem>>, vector<16xi32>,
      %add3A_1555 = arith.constant 2526 : i32
      %add3A_1556 = vector.broadcast %add3A_1555 : i32 to vector<16xi32>
      %add3A_1557 = arith.addi %mul3A_16, %add3A_1556 : vector<16xi32>
      %gather3A_1558 = tpu.vector_load_idx %arg5[%add3A_1557] : memref<4992xi32, #tpu.memory_space<vmem>>[vector<16xi32>], vector<16xi32>,
      %add3A_1559 = arith.constant 1700000 : i32
      %add3A_1560 = vector.broadcast %add3A_1559 : i32 to vector<16xi32>
      %add3A_1561 = arith.addi %gather3A_1558, %add3A_1560 : vector<16xi32>
      %swap3A_1562 = arith.constant 17 : i32
      %swap3A_1563 = arith.index_cast %swap3A_1562 : i32 to index
      %swap3A_1564 = arith.constant 64 : index
      %swap3A_1565 = tpu.vector_load %arg6[%swap3A_1563, %swap3A_1564] {strides = array<i32>} : memref<26x128xi32, #tpu.memory_space<vmem>>, vector<16xi32>,
      tpu.vector_store %arg6[%swap3A_1563, %swap3A_1564], %add3A_1561 {strides = array<i32>} : memref<26x128xi32, #tpu.memory_space<vmem>>, vector<16xi32>,
      %add3A_1566 = arith.constant 3150 : i32
      %add3A_1567 = vector.broadcast %add3A_1566 : i32 to vector<16xi32>
      %add3A_1568 = arith.addi %mul3A_16, %add3A_1567 : vector<16xi32>
      %gather3A_1569 = tpu.vector_load_idx %arg5[%add3A_1568] : memref<4992xi32, #tpu.memory_space<vmem>>[vector<16xi32>], vector<16xi32>,
      %add3A_1570 = arith.constant 1700000 : i32
      %add3A_1571 = vector.broadcast %add3A_1570 : i32 to vector<16xi32>
      %add3A_1572 = arith.addi %gather3A_1569, %add3A_1571 : vector<16xi32>
      %swap3A_1573 = arith.constant 17 : i32
      %swap3A_1574 = arith.index_cast %swap3A_1573 : i32 to index
      %swap3A_1575 = arith.constant 80 : index
      %swap3A_1576 = tpu.vector_load %arg6[%swap3A_1574, %swap3A_1575] {strides = array<i32>} : memref<26x128xi32, #tpu.memory_space<vmem>>, vector<16xi32>,
      tpu.vector_store %arg6[%swap3A_1574, %swap3A_1575], %add3A_1572 {strides = array<i32>} : memref<26x128xi32, #tpu.memory_space<vmem>>, vector<16xi32>,
      %add3A_1577 = arith.constant 3774 : i32
      %add3A_1578 = vector.broadcast %add3A_1577 : i32 to vector<16xi32>
      %add3A_1579 = arith.addi %mul3A_16, %add3A_1578 : vector<16xi32>
      %gather3A_1580 = tpu.vector_load_idx %arg5[%add3A_1579] : memref<4992xi32, #tpu.memory_space<vmem>>[vector<16xi32>], vector<16xi32>,
      %add3A_1581 = arith.constant 1700000 : i32
      %add3A_1582 = vector.broadcast %add3A_1581 : i32 to vector<16xi32>
      %add3A_1583 = arith.addi %gather3A_1580, %add3A_1582 : vector<16xi32>
      %swap3A_1584 = arith.constant 17 : i32
      %swap3A_1585 = arith.index_cast %swap3A_1584 : i32 to index
      %swap3A_1586 = arith.constant 96 : index
      %swap3A_1587 = tpu.vector_load %arg6[%swap3A_1585, %swap3A_1586] {strides = array<i32>} : memref<26x128xi32, #tpu.memory_space<vmem>>, vector<16xi32>,
      tpu.vector_store %arg6[%swap3A_1585, %swap3A_1586], %add3A_1583 {strides = array<i32>} : memref<26x128xi32, #tpu.memory_space<vmem>>, vector<16xi32>,
      %add3A_1588 = arith.constant 4398 : i32
      %add3A_1589 = vector.broadcast %add3A_1588 : i32 to vector<16xi32>
      %add3A_1590 = arith.addi %mul3A_16, %add3A_1589 : vector<16xi32>
      %gather3A_1591 = tpu.vector_load_idx %arg5[%add3A_1590] : memref<4992xi32, #tpu.memory_space<vmem>>[vector<16xi32>], vector<16xi32>,
      %add3A_1592 = arith.constant 1700000 : i32
      %add3A_1593 = vector.broadcast %add3A_1592 : i32 to vector<16xi32>
      %add3A_1594 = arith.addi %gather3A_1591, %add3A_1593 : vector<16xi32>
      %swap3A_1595 = arith.constant 17 : i32
      %swap3A_1596 = arith.index_cast %swap3A_1595 : i32 to index
      %swap3A_1597 = arith.constant 112 : index
      %swap3A_1598 = tpu.vector_load %arg6[%swap3A_1596, %swap3A_1597] {strides = array<i32>} : memref<26x128xi32, #tpu.memory_space<vmem>>, vector<16xi32>,
      tpu.vector_store %arg6[%swap3A_1596, %swap3A_1597], %add3A_1594 {strides = array<i32>} : memref<26x128xi32, #tpu.memory_space<vmem>>, vector<16xi32>,
      %add3A_1599 = arith.constant 31 : i32
      %add3A_1600 = vector.broadcast %add3A_1599 : i32 to vector<16xi32>
      %add3A_1601 = arith.addi %mul3A_16, %add3A_1600 : vector<16xi32>
      %gather3A_1602 = tpu.vector_load_idx %arg5[%add3A_1601] : memref<4992xi32, #tpu.memory_space<vmem>>[vector<16xi32>], vector<16xi32>,
      %add3A_1603 = arith.constant 1800000 : i32
      %add3A_1604 = vector.broadcast %add3A_1603 : i32 to vector<16xi32>
      %add3A_1605 = arith.addi %gather3A_1602, %add3A_1604 : vector<16xi32>
      %swap3A_1606 = arith.constant 18 : i32
      %swap3A_1607 = arith.index_cast %swap3A_1606 : i32 to index
      %swap3A_1608 = arith.constant 0 : index
      %swap3A_1609 = tpu.vector_load %arg6[%swap3A_1607, %swap3A_1608] {strides = array<i32>} : memref<26x128xi32, #tpu.memory_space<vmem>>, vector<16xi32>,
      tpu.vector_store %arg6[%swap3A_1607, %swap3A_1608], %add3A_1605 {strides = array<i32>} : memref<26x128xi32, #tpu.memory_space<vmem>>, vector<16xi32>,
      %add3A_1610 = arith.constant 655 : i32
      %add3A_1611 = vector.broadcast %add3A_1610 : i32 to vector<16xi32>
      %add3A_1612 = arith.addi %mul3A_16, %add3A_1611 : vector<16xi32>
      %gather3A_1613 = tpu.vector_load_idx %arg5[%add3A_1612] : memref<4992xi32, #tpu.memory_space<vmem>>[vector<16xi32>], vector<16xi32>,
      %add3A_1614 = arith.constant 1800000 : i32
      %add3A_1615 = vector.broadcast %add3A_1614 : i32 to vector<16xi32>
      %add3A_1616 = arith.addi %gather3A_1613, %add3A_1615 : vector<16xi32>
      %swap3A_1617 = arith.constant 18 : i32
      %swap3A_1618 = arith.index_cast %swap3A_1617 : i32 to index
      %swap3A_1619 = arith.constant 16 : index
      %swap3A_1620 = tpu.vector_load %arg6[%swap3A_1618, %swap3A_1619] {strides = array<i32>} : memref<26x128xi32, #tpu.memory_space<vmem>>, vector<16xi32>,
      tpu.vector_store %arg6[%swap3A_1618, %swap3A_1619], %add3A_1616 {strides = array<i32>} : memref<26x128xi32, #tpu.memory_space<vmem>>, vector<16xi32>,
      %add3A_1621 = arith.constant 1279 : i32
      %add3A_1622 = vector.broadcast %add3A_1621 : i32 to vector<16xi32>
      %add3A_1623 = arith.addi %mul3A_16, %add3A_1622 : vector<16xi32>
      %gather3A_1624 = tpu.vector_load_idx %arg5[%add3A_1623] : memref<4992xi32, #tpu.memory_space<vmem>>[vector<16xi32>], vector<16xi32>,
      %add3A_1625 = arith.constant 1800000 : i32
      %add3A_1626 = vector.broadcast %add3A_1625 : i32 to vector<16xi32>
      %add3A_1627 = arith.addi %gather3A_1624, %add3A_1626 : vector<16xi32>
      %swap3A_1628 = arith.constant 18 : i32
      %swap3A_1629 = arith.index_cast %swap3A_1628 : i32 to index
      %swap3A_1630 = arith.constant 32 : index
      %swap3A_1631 = tpu.vector_load %arg6[%swap3A_1629, %swap3A_1630] {strides = array<i32>} : memref<26x128xi32, #tpu.memory_space<vmem>>, vector<16xi32>,
      tpu.vector_store %arg6[%swap3A_1629, %swap3A_1630], %add3A_1627 {strides = array<i32>} : memref<26x128xi32, #tpu.memory_space<vmem>>, vector<16xi32>,
      %add3A_1632 = arith.constant 1903 : i32
      %add3A_1633 = vector.broadcast %add3A_1632 : i32 to vector<16xi32>
      %add3A_1634 = arith.addi %mul3A_16, %add3A_1633 : vector<16xi32>
      %gather3A_1635 = tpu.vector_load_idx %arg5[%add3A_1634] : memref<4992xi32, #tpu.memory_space<vmem>>[vector<16xi32>], vector<16xi32>,
      %add3A_1636 = arith.constant 1800000 : i32
      %add3A_1637 = vector.broadcast %add3A_1636 : i32 to vector<16xi32>
      %add3A_1638 = arith.addi %gather3A_1635, %add3A_1637 : vector<16xi32>
      %swap3A_1639 = arith.constant 18 : i32
      %swap3A_1640 = arith.index_cast %swap3A_1639 : i32 to index
      %swap3A_1641 = arith.constant 48 : index
      %swap3A_1642 = tpu.vector_load %arg6[%swap3A_1640, %swap3A_1641] {strides = array<i32>} : memref<26x128xi32, #tpu.memory_space<vmem>>, vector<16xi32>,
      tpu.vector_store %arg6[%swap3A_1640, %swap3A_1641], %add3A_1638 {strides = array<i32>} : memref<26x128xi32, #tpu.memory_space<vmem>>, vector<16xi32>,
      %add3A_1643 = arith.constant 2527 : i32
      %add3A_1644 = vector.broadcast %add3A_1643 : i32 to vector<16xi32>
      %add3A_1645 = arith.addi %mul3A_16, %add3A_1644 : vector<16xi32>
      %gather3A_1646 = tpu.vector_load_idx %arg5[%add3A_1645] : memref<4992xi32, #tpu.memory_space<vmem>>[vector<16xi32>], vector<16xi32>,
      %add3A_1647 = arith.constant 1800000 : i32
      %add3A_1648 = vector.broadcast %add3A_1647 : i32 to vector<16xi32>
      %add3A_1649 = arith.addi %gather3A_1646, %add3A_1648 : vector<16xi32>
      %swap3A_1650 = arith.constant 18 : i32
      %swap3A_1651 = arith.index_cast %swap3A_1650 : i32 to index
      %swap3A_1652 = arith.constant 64 : index
      %swap3A_1653 = tpu.vector_load %arg6[%swap3A_1651, %swap3A_1652] {strides = array<i32>} : memref<26x128xi32, #tpu.memory_space<vmem>>, vector<16xi32>,
      tpu.vector_store %arg6[%swap3A_1651, %swap3A_1652], %add3A_1649 {strides = array<i32>} : memref<26x128xi32, #tpu.memory_space<vmem>>, vector<16xi32>,
      %add3A_1654 = arith.constant 3151 : i32
      %add3A_1655 = vector.broadcast %add3A_1654 : i32 to vector<16xi32>
      %add3A_1656 = arith.addi %mul3A_16, %add3A_1655 : vector<16xi32>
      %gather3A_1657 = tpu.vector_load_idx %arg5[%add3A_1656] : memref<4992xi32, #tpu.memory_space<vmem>>[vector<16xi32>], vector<16xi32>,
      %add3A_1658 = arith.constant 1800000 : i32
      %add3A_1659 = vector.broadcast %add3A_1658 : i32 to vector<16xi32>
      %add3A_1660 = arith.addi %gather3A_1657, %add3A_1659 : vector<16xi32>
      %swap3A_1661 = arith.constant 18 : i32
      %swap3A_1662 = arith.index_cast %swap3A_1661 : i32 to index
      %swap3A_1663 = arith.constant 80 : index
      %swap3A_1664 = tpu.vector_load %arg6[%swap3A_1662, %swap3A_1663] {strides = array<i32>} : memref<26x128xi32, #tpu.memory_space<vmem>>, vector<16xi32>,
      tpu.vector_store %arg6[%swap3A_1662, %swap3A_1663], %add3A_1660 {strides = array<i32>} : memref<26x128xi32, #tpu.memory_space<vmem>>, vector<16xi32>,
      %add3A_1665 = arith.constant 3775 : i32
      %add3A_1666 = vector.broadcast %add3A_1665 : i32 to vector<16xi32>
      %add3A_1667 = arith.addi %mul3A_16, %add3A_1666 : vector<16xi32>
      %gather3A_1668 = tpu.vector_load_idx %arg5[%add3A_1667] : memref<4992xi32, #tpu.memory_space<vmem>>[vector<16xi32>], vector<16xi32>,
      %add3A_1669 = arith.constant 1800000 : i32
      %add3A_1670 = vector.broadcast %add3A_1669 : i32 to vector<16xi32>
      %add3A_1671 = arith.addi %gather3A_1668, %add3A_1670 : vector<16xi32>
      %swap3A_1672 = arith.constant 18 : i32
      %swap3A_1673 = arith.index_cast %swap3A_1672 : i32 to index
      %swap3A_1674 = arith.constant 96 : index
      %swap3A_1675 = tpu.vector_load %arg6[%swap3A_1673, %swap3A_1674] {strides = array<i32>} : memref<26x128xi32, #tpu.memory_space<vmem>>, vector<16xi32>,
      tpu.vector_store %arg6[%swap3A_1673, %swap3A_1674], %add3A_1671 {strides = array<i32>} : memref<26x128xi32, #tpu.memory_space<vmem>>, vector<16xi32>,
      %add3A_1676 = arith.constant 4399 : i32
      %add3A_1677 = vector.broadcast %add3A_1676 : i32 to vector<16xi32>
      %add3A_1678 = arith.addi %mul3A_16, %add3A_1677 : vector<16xi32>
      %gather3A_1679 = tpu.vector_load_idx %arg5[%add3A_1678] : memref<4992xi32, #tpu.memory_space<vmem>>[vector<16xi32>], vector<16xi32>,
      %add3A_1680 = arith.constant 1800000 : i32
      %add3A_1681 = vector.broadcast %add3A_1680 : i32 to vector<16xi32>
      %add3A_1682 = arith.addi %gather3A_1679, %add3A_1681 : vector<16xi32>
      %swap3A_1683 = arith.constant 18 : i32
      %swap3A_1684 = arith.index_cast %swap3A_1683 : i32 to index
      %swap3A_1685 = arith.constant 112 : index
      %swap3A_1686 = tpu.vector_load %arg6[%swap3A_1684, %swap3A_1685] {strides = array<i32>} : memref<26x128xi32, #tpu.memory_space<vmem>>, vector<16xi32>,
      tpu.vector_store %arg6[%swap3A_1684, %swap3A_1685], %add3A_1682 {strides = array<i32>} : memref<26x128xi32, #tpu.memory_space<vmem>>, vector<16xi32>,
      %add3A_1687 = arith.constant 32 : i32
      %add3A_1688 = vector.broadcast %add3A_1687 : i32 to vector<16xi32>
      %add3A_1689 = arith.addi %mul3A_16, %add3A_1688 : vector<16xi32>
      %gather3A_1690 = tpu.vector_load_idx %arg5[%add3A_1689] : memref<4992xi32, #tpu.memory_space<vmem>>[vector<16xi32>], vector<16xi32>,
      %add3A_1691 = arith.constant 1900000 : i32
      %add3A_1692 = vector.broadcast %add3A_1691 : i32 to vector<16xi32>
      %add3A_1693 = arith.addi %gather3A_1690, %add3A_1692 : vector<16xi32>
      %swap3A_1694 = arith.constant 19 : i32
      %swap3A_1695 = arith.index_cast %swap3A_1694 : i32 to index
      %swap3A_1696 = arith.constant 0 : index
      %swap3A_1697 = tpu.vector_load %arg6[%swap3A_1695, %swap3A_1696] {strides = array<i32>} : memref<26x128xi32, #tpu.memory_space<vmem>>, vector<16xi32>,
      tpu.vector_store %arg6[%swap3A_1695, %swap3A_1696], %add3A_1693 {strides = array<i32>} : memref<26x128xi32, #tpu.memory_space<vmem>>, vector<16xi32>,
      %add3A_1698 = arith.constant 656 : i32
      %add3A_1699 = vector.broadcast %add3A_1698 : i32 to vector<16xi32>
      %add3A_1700 = arith.addi %mul3A_16, %add3A_1699 : vector<16xi32>
      %gather3A_1701 = tpu.vector_load_idx %arg5[%add3A_1700] : memref<4992xi32, #tpu.memory_space<vmem>>[vector<16xi32>], vector<16xi32>,
      %add3A_1702 = arith.constant 1900000 : i32
      %add3A_1703 = vector.broadcast %add3A_1702 : i32 to vector<16xi32>
      %add3A_1704 = arith.addi %gather3A_1701, %add3A_1703 : vector<16xi32>
      %swap3A_1705 = arith.constant 19 : i32
      %swap3A_1706 = arith.index_cast %swap3A_1705 : i32 to index
      %swap3A_1707 = arith.constant 16 : index
      %swap3A_1708 = tpu.vector_load %arg6[%swap3A_1706, %swap3A_1707] {strides = array<i32>} : memref<26x128xi32, #tpu.memory_space<vmem>>, vector<16xi32>,
      tpu.vector_store %arg6[%swap3A_1706, %swap3A_1707], %add3A_1704 {strides = array<i32>} : memref<26x128xi32, #tpu.memory_space<vmem>>, vector<16xi32>,
      %add3A_1709 = arith.constant 1280 : i32
      %add3A_1710 = vector.broadcast %add3A_1709 : i32 to vector<16xi32>
      %add3A_1711 = arith.addi %mul3A_16, %add3A_1710 : vector<16xi32>
      %gather3A_1712 = tpu.vector_load_idx %arg5[%add3A_1711] : memref<4992xi32, #tpu.memory_space<vmem>>[vector<16xi32>], vector<16xi32>,
      %add3A_1713 = arith.constant 1900000 : i32
      %add3A_1714 = vector.broadcast %add3A_1713 : i32 to vector<16xi32>
      %add3A_1715 = arith.addi %gather3A_1712, %add3A_1714 : vector<16xi32>
      %swap3A_1716 = arith.constant 19 : i32
      %swap3A_1717 = arith.index_cast %swap3A_1716 : i32 to index
      %swap3A_1718 = arith.constant 32 : index
      %swap3A_1719 = tpu.vector_load %arg6[%swap3A_1717, %swap3A_1718] {strides = array<i32>} : memref<26x128xi32, #tpu.memory_space<vmem>>, vector<16xi32>,
      tpu.vector_store %arg6[%swap3A_1717, %swap3A_1718], %add3A_1715 {strides = array<i32>} : memref<26x128xi32, #tpu.memory_space<vmem>>, vector<16xi32>,
      %add3A_1720 = arith.constant 1904 : i32
      %add3A_1721 = vector.broadcast %add3A_1720 : i32 to vector<16xi32>
      %add3A_1722 = arith.addi %mul3A_16, %add3A_1721 : vector<16xi32>
      %gather3A_1723 = tpu.vector_load_idx %arg5[%add3A_1722] : memref<4992xi32, #tpu.memory_space<vmem>>[vector<16xi32>], vector<16xi32>,
      %add3A_1724 = arith.constant 1900000 : i32
      %add3A_1725 = vector.broadcast %add3A_1724 : i32 to vector<16xi32>
      %add3A_1726 = arith.addi %gather3A_1723, %add3A_1725 : vector<16xi32>
      %swap3A_1727 = arith.constant 19 : i32
      %swap3A_1728 = arith.index_cast %swap3A_1727 : i32 to index
      %swap3A_1729 = arith.constant 48 : index
      %swap3A_1730 = tpu.vector_load %arg6[%swap3A_1728, %swap3A_1729] {strides = array<i32>} : memref<26x128xi32, #tpu.memory_space<vmem>>, vector<16xi32>,
      tpu.vector_store %arg6[%swap3A_1728, %swap3A_1729], %add3A_1726 {strides = array<i32>} : memref<26x128xi32, #tpu.memory_space<vmem>>, vector<16xi32>,
      %add3A_1731 = arith.constant 2528 : i32
      %add3A_1732 = vector.broadcast %add3A_1731 : i32 to vector<16xi32>
      %add3A_1733 = arith.addi %mul3A_16, %add3A_1732 : vector<16xi32>
      %gather3A_1734 = tpu.vector_load_idx %arg5[%add3A_1733] : memref<4992xi32, #tpu.memory_space<vmem>>[vector<16xi32>], vector<16xi32>,
      %add3A_1735 = arith.constant 1900000 : i32
      %add3A_1736 = vector.broadcast %add3A_1735 : i32 to vector<16xi32>
      %add3A_1737 = arith.addi %gather3A_1734, %add3A_1736 : vector<16xi32>
      %swap3A_1738 = arith.constant 19 : i32
      %swap3A_1739 = arith.index_cast %swap3A_1738 : i32 to index
      %swap3A_1740 = arith.constant 64 : index
      %swap3A_1741 = tpu.vector_load %arg6[%swap3A_1739, %swap3A_1740] {strides = array<i32>} : memref<26x128xi32, #tpu.memory_space<vmem>>, vector<16xi32>,
      tpu.vector_store %arg6[%swap3A_1739, %swap3A_1740], %add3A_1737 {strides = array<i32>} : memref<26x128xi32, #tpu.memory_space<vmem>>, vector<16xi32>,
      %add3A_1742 = arith.constant 3152 : i32
      %add3A_1743 = vector.broadcast %add3A_1742 : i32 to vector<16xi32>
      %add3A_1744 = arith.addi %mul3A_16, %add3A_1743 : vector<16xi32>
      %gather3A_1745 = tpu.vector_load_idx %arg5[%add3A_1744] : memref<4992xi32, #tpu.memory_space<vmem>>[vector<16xi32>], vector<16xi32>,
      %add3A_1746 = arith.constant 1900000 : i32
      %add3A_1747 = vector.broadcast %add3A_1746 : i32 to vector<16xi32>
      %add3A_1748 = arith.addi %gather3A_1745, %add3A_1747 : vector<16xi32>
      %swap3A_1749 = arith.constant 19 : i32
      %swap3A_1750 = arith.index_cast %swap3A_1749 : i32 to index
      %swap3A_1751 = arith.constant 80 : index
      %swap3A_1752 = tpu.vector_load %arg6[%swap3A_1750, %swap3A_1751] {strides = array<i32>} : memref<26x128xi32, #tpu.memory_space<vmem>>, vector<16xi32>,
      tpu.vector_store %arg6[%swap3A_1750, %swap3A_1751], %add3A_1748 {strides = array<i32>} : memref<26x128xi32, #tpu.memory_space<vmem>>, vector<16xi32>,
      %add3A_1753 = arith.constant 3776 : i32
      %add3A_1754 = vector.broadcast %add3A_1753 : i32 to vector<16xi32>
      %add3A_1755 = arith.addi %mul3A_16, %add3A_1754 : vector<16xi32>
      %gather3A_1756 = tpu.vector_load_idx %arg5[%add3A_1755] : memref<4992xi32, #tpu.memory_space<vmem>>[vector<16xi32>], vector<16xi32>,
      %add3A_1757 = arith.constant 1900000 : i32
      %add3A_1758 = vector.broadcast %add3A_1757 : i32 to vector<16xi32>
      %add3A_1759 = arith.addi %gather3A_1756, %add3A_1758 : vector<16xi32>
      %swap3A_1760 = arith.constant 19 : i32
      %swap3A_1761 = arith.index_cast %swap3A_1760 : i32 to index
      %swap3A_1762 = arith.constant 96 : index
      %swap3A_1763 = tpu.vector_load %arg6[%swap3A_1761, %swap3A_1762] {strides = array<i32>} : memref<26x128xi32, #tpu.memory_space<vmem>>, vector<16xi32>,
      tpu.vector_store %arg6[%swap3A_1761, %swap3A_1762], %add3A_1759 {strides = array<i32>} : memref<26x128xi32, #tpu.memory_space<vmem>>, vector<16xi32>,
      %add3A_1764 = arith.constant 4400 : i32
      %add3A_1765 = vector.broadcast %add3A_1764 : i32 to vector<16xi32>
      %add3A_1766 = arith.addi %mul3A_16, %add3A_1765 : vector<16xi32>
      %gather3A_1767 = tpu.vector_load_idx %arg5[%add3A_1766] : memref<4992xi32, #tpu.memory_space<vmem>>[vector<16xi32>], vector<16xi32>,
      %add3A_1768 = arith.constant 1900000 : i32
      %add3A_1769 = vector.broadcast %add3A_1768 : i32 to vector<16xi32>
      %add3A_1770 = arith.addi %gather3A_1767, %add3A_1769 : vector<16xi32>
      %swap3A_1771 = arith.constant 19 : i32
      %swap3A_1772 = arith.index_cast %swap3A_1771 : i32 to index
      %swap3A_1773 = arith.constant 112 : index
      %swap3A_1774 = tpu.vector_load %arg6[%swap3A_1772, %swap3A_1773] {strides = array<i32>} : memref<26x128xi32, #tpu.memory_space<vmem>>, vector<16xi32>,
      tpu.vector_store %arg6[%swap3A_1772, %swap3A_1773], %add3A_1770 {strides = array<i32>} : memref<26x128xi32, #tpu.memory_space<vmem>>, vector<16xi32>,
      %add3A_1775 = arith.constant 33 : i32
      %add3A_1776 = vector.broadcast %add3A_1775 : i32 to vector<16xi32>
      %add3A_1777 = arith.addi %mul3A_16, %add3A_1776 : vector<16xi32>
      %gather3A_1778 = tpu.vector_load_idx %arg5[%add3A_1777] : memref<4992xi32, #tpu.memory_space<vmem>>[vector<16xi32>], vector<16xi32>,
      %add3A_1779 = arith.constant 2000000 : i32
      %add3A_1780 = vector.broadcast %add3A_1779 : i32 to vector<16xi32>
      %add3A_1781 = arith.addi %gather3A_1778, %add3A_1780 : vector<16xi32>
      %swap3A_1782 = arith.constant 20 : i32
      %swap3A_1783 = arith.index_cast %swap3A_1782 : i32 to index
      %swap3A_1784 = arith.constant 0 : index
      %swap3A_1785 = tpu.vector_load %arg6[%swap3A_1783, %swap3A_1784] {strides = array<i32>} : memref<26x128xi32, #tpu.memory_space<vmem>>, vector<16xi32>,
      tpu.vector_store %arg6[%swap3A_1783, %swap3A_1784], %add3A_1781 {strides = array<i32>} : memref<26x128xi32, #tpu.memory_space<vmem>>, vector<16xi32>,
      %add3A_1786 = arith.constant 657 : i32
      %add3A_1787 = vector.broadcast %add3A_1786 : i32 to vector<16xi32>
      %add3A_1788 = arith.addi %mul3A_16, %add3A_1787 : vector<16xi32>
      %gather3A_1789 = tpu.vector_load_idx %arg5[%add3A_1788] : memref<4992xi32, #tpu.memory_space<vmem>>[vector<16xi32>], vector<16xi32>,
      %add3A_1790 = arith.constant 2000000 : i32
      %add3A_1791 = vector.broadcast %add3A_1790 : i32 to vector<16xi32>
      %add3A_1792 = arith.addi %gather3A_1789, %add3A_1791 : vector<16xi32>
      %swap3A_1793 = arith.constant 20 : i32
      %swap3A_1794 = arith.index_cast %swap3A_1793 : i32 to index
      %swap3A_1795 = arith.constant 16 : index
      %swap3A_1796 = tpu.vector_load %arg6[%swap3A_1794, %swap3A_1795] {strides = array<i32>} : memref<26x128xi32, #tpu.memory_space<vmem>>, vector<16xi32>,
      tpu.vector_store %arg6[%swap3A_1794, %swap3A_1795], %add3A_1792 {strides = array<i32>} : memref<26x128xi32, #tpu.memory_space<vmem>>, vector<16xi32>,
      %add3A_1797 = arith.constant 1281 : i32
      %add3A_1798 = vector.broadcast %add3A_1797 : i32 to vector<16xi32>
      %add3A_1799 = arith.addi %mul3A_16, %add3A_1798 : vector<16xi32>
      %gather3A_1800 = tpu.vector_load_idx %arg5[%add3A_1799] : memref<4992xi32, #tpu.memory_space<vmem>>[vector<16xi32>], vector<16xi32>,
      %add3A_1801 = arith.constant 2000000 : i32
      %add3A_1802 = vector.broadcast %add3A_1801 : i32 to vector<16xi32>
      %add3A_1803 = arith.addi %gather3A_1800, %add3A_1802 : vector<16xi32>
      %swap3A_1804 = arith.constant 20 : i32
      %swap3A_1805 = arith.index_cast %swap3A_1804 : i32 to index
      %swap3A_1806 = arith.constant 32 : index
      %swap3A_1807 = tpu.vector_load %arg6[%swap3A_1805, %swap3A_1806] {strides = array<i32>} : memref<26x128xi32, #tpu.memory_space<vmem>>, vector<16xi32>,
      tpu.vector_store %arg6[%swap3A_1805, %swap3A_1806], %add3A_1803 {strides = array<i32>} : memref<26x128xi32, #tpu.memory_space<vmem>>, vector<16xi32>,
      %add3A_1808 = arith.constant 1905 : i32
      %add3A_1809 = vector.broadcast %add3A_1808 : i32 to vector<16xi32>
      %add3A_1810 = arith.addi %mul3A_16, %add3A_1809 : vector<16xi32>
      %gather3A_1811 = tpu.vector_load_idx %arg5[%add3A_1810] : memref<4992xi32, #tpu.memory_space<vmem>>[vector<16xi32>], vector<16xi32>,
      %add3A_1812 = arith.constant 2000000 : i32
      %add3A_1813 = vector.broadcast %add3A_1812 : i32 to vector<16xi32>
      %add3A_1814 = arith.addi %gather3A_1811, %add3A_1813 : vector<16xi32>
      %swap3A_1815 = arith.constant 20 : i32
      %swap3A_1816 = arith.index_cast %swap3A_1815 : i32 to index
      %swap3A_1817 = arith.constant 48 : index
      %swap3A_1818 = tpu.vector_load %arg6[%swap3A_1816, %swap3A_1817] {strides = array<i32>} : memref<26x128xi32, #tpu.memory_space<vmem>>, vector<16xi32>,
      tpu.vector_store %arg6[%swap3A_1816, %swap3A_1817], %add3A_1814 {strides = array<i32>} : memref<26x128xi32, #tpu.memory_space<vmem>>, vector<16xi32>,
      %add3A_1819 = arith.constant 2529 : i32
      %add3A_1820 = vector.broadcast %add3A_1819 : i32 to vector<16xi32>
      %add3A_1821 = arith.addi %mul3A_16, %add3A_1820 : vector<16xi32>
      %gather3A_1822 = tpu.vector_load_idx %arg5[%add3A_1821] : memref<4992xi32, #tpu.memory_space<vmem>>[vector<16xi32>], vector<16xi32>,
      %add3A_1823 = arith.constant 2000000 : i32
      %add3A_1824 = vector.broadcast %add3A_1823 : i32 to vector<16xi32>
      %add3A_1825 = arith.addi %gather3A_1822, %add3A_1824 : vector<16xi32>
      %swap3A_1826 = arith.constant 20 : i32
      %swap3A_1827 = arith.index_cast %swap3A_1826 : i32 to index
      %swap3A_1828 = arith.constant 64 : index
      %swap3A_1829 = tpu.vector_load %arg6[%swap3A_1827, %swap3A_1828] {strides = array<i32>} : memref<26x128xi32, #tpu.memory_space<vmem>>, vector<16xi32>,
      tpu.vector_store %arg6[%swap3A_1827, %swap3A_1828], %add3A_1825 {strides = array<i32>} : memref<26x128xi32, #tpu.memory_space<vmem>>, vector<16xi32>,
      %add3A_1830 = arith.constant 3153 : i32
      %add3A_1831 = vector.broadcast %add3A_1830 : i32 to vector<16xi32>
      %add3A_1832 = arith.addi %mul3A_16, %add3A_1831 : vector<16xi32>
      %gather3A_1833 = tpu.vector_load_idx %arg5[%add3A_1832] : memref<4992xi32, #tpu.memory_space<vmem>>[vector<16xi32>], vector<16xi32>,
      %add3A_1834 = arith.constant 2000000 : i32
      %add3A_1835 = vector.broadcast %add3A_1834 : i32 to vector<16xi32>
      %add3A_1836 = arith.addi %gather3A_1833, %add3A_1835 : vector<16xi32>
      %swap3A_1837 = arith.constant 20 : i32
      %swap3A_1838 = arith.index_cast %swap3A_1837 : i32 to index
      %swap3A_1839 = arith.constant 80 : index
      %swap3A_1840 = tpu.vector_load %arg6[%swap3A_1838, %swap3A_1839] {strides = array<i32>} : memref<26x128xi32, #tpu.memory_space<vmem>>, vector<16xi32>,
      tpu.vector_store %arg6[%swap3A_1838, %swap3A_1839], %add3A_1836 {strides = array<i32>} : memref<26x128xi32, #tpu.memory_space<vmem>>, vector<16xi32>,
      %add3A_1841 = arith.constant 3777 : i32
      %add3A_1842 = vector.broadcast %add3A_1841 : i32 to vector<16xi32>
      %add3A_1843 = arith.addi %mul3A_16, %add3A_1842 : vector<16xi32>
      %gather3A_1844 = tpu.vector_load_idx %arg5[%add3A_1843] : memref<4992xi32, #tpu.memory_space<vmem>>[vector<16xi32>], vector<16xi32>,
      %add3A_1845 = arith.constant 2000000 : i32
      %add3A_1846 = vector.broadcast %add3A_1845 : i32 to vector<16xi32>
      %add3A_1847 = arith.addi %gather3A_1844, %add3A_1846 : vector<16xi32>
      %swap3A_1848 = arith.constant 20 : i32
      %swap3A_1849 = arith.index_cast %swap3A_1848 : i32 to index
      %swap3A_1850 = arith.constant 96 : index
      %swap3A_1851 = tpu.vector_load %arg6[%swap3A_1849, %swap3A_1850] {strides = array<i32>} : memref<26x128xi32, #tpu.memory_space<vmem>>, vector<16xi32>,
      tpu.vector_store %arg6[%swap3A_1849, %swap3A_1850], %add3A_1847 {strides = array<i32>} : memref<26x128xi32, #tpu.memory_space<vmem>>, vector<16xi32>,
      %add3A_1852 = arith.constant 4401 : i32
      %add3A_1853 = vector.broadcast %add3A_1852 : i32 to vector<16xi32>
      %add3A_1854 = arith.addi %mul3A_16, %add3A_1853 : vector<16xi32>
      %gather3A_1855 = tpu.vector_load_idx %arg5[%add3A_1854] : memref<4992xi32, #tpu.memory_space<vmem>>[vector<16xi32>], vector<16xi32>,
      %add3A_1856 = arith.constant 2000000 : i32
      %add3A_1857 = vector.broadcast %add3A_1856 : i32 to vector<16xi32>
      %add3A_1858 = arith.addi %gather3A_1855, %add3A_1857 : vector<16xi32>
      %swap3A_1859 = arith.constant 20 : i32
      %swap3A_1860 = arith.index_cast %swap3A_1859 : i32 to index
      %swap3A_1861 = arith.constant 112 : index
      %swap3A_1862 = tpu.vector_load %arg6[%swap3A_1860, %swap3A_1861] {strides = array<i32>} : memref<26x128xi32, #tpu.memory_space<vmem>>, vector<16xi32>,
      tpu.vector_store %arg6[%swap3A_1860, %swap3A_1861], %add3A_1858 {strides = array<i32>} : memref<26x128xi32, #tpu.memory_space<vmem>>, vector<16xi32>,
      %add3A_1863 = arith.constant 34 : i32
      %add3A_1864 = vector.broadcast %add3A_1863 : i32 to vector<16xi32>
      %add3A_1865 = arith.addi %mul3A_16, %add3A_1864 : vector<16xi32>
      %gather3A_1866 = tpu.vector_load_idx %arg5[%add3A_1865] : memref<4992xi32, #tpu.memory_space<vmem>>[vector<16xi32>], vector<16xi32>,
      %add3A_1867 = arith.constant 2100000 : i32
      %add3A_1868 = vector.broadcast %add3A_1867 : i32 to vector<16xi32>
      %add3A_1869 = arith.addi %gather3A_1866, %add3A_1868 : vector<16xi32>
      %swap3A_1870 = arith.constant 21 : i32
      %swap3A_1871 = arith.index_cast %swap3A_1870 : i32 to index
      %swap3A_1872 = arith.constant 0 : index
      %swap3A_1873 = tpu.vector_load %arg6[%swap3A_1871, %swap3A_1872] {strides = array<i32>} : memref<26x128xi32, #tpu.memory_space<vmem>>, vector<16xi32>,
      tpu.vector_store %arg6[%swap3A_1871, %swap3A_1872], %add3A_1869 {strides = array<i32>} : memref<26x128xi32, #tpu.memory_space<vmem>>, vector<16xi32>,
      %add3A_1874 = arith.constant 658 : i32
      %add3A_1875 = vector.broadcast %add3A_1874 : i32 to vector<16xi32>
      %add3A_1876 = arith.addi %mul3A_16, %add3A_1875 : vector<16xi32>
      %gather3A_1877 = tpu.vector_load_idx %arg5[%add3A_1876] : memref<4992xi32, #tpu.memory_space<vmem>>[vector<16xi32>], vector<16xi32>,
      %add3A_1878 = arith.constant 2100000 : i32
      %add3A_1879 = vector.broadcast %add3A_1878 : i32 to vector<16xi32>
      %add3A_1880 = arith.addi %gather3A_1877, %add3A_1879 : vector<16xi32>
      %swap3A_1881 = arith.constant 21 : i32
      %swap3A_1882 = arith.index_cast %swap3A_1881 : i32 to index
      %swap3A_1883 = arith.constant 16 : index
      %swap3A_1884 = tpu.vector_load %arg6[%swap3A_1882, %swap3A_1883] {strides = array<i32>} : memref<26x128xi32, #tpu.memory_space<vmem>>, vector<16xi32>,
      tpu.vector_store %arg6[%swap3A_1882, %swap3A_1883], %add3A_1880 {strides = array<i32>} : memref<26x128xi32, #tpu.memory_space<vmem>>, vector<16xi32>,
      %add3A_1885 = arith.constant 1282 : i32
      %add3A_1886 = vector.broadcast %add3A_1885 : i32 to vector<16xi32>
      %add3A_1887 = arith.addi %mul3A_16, %add3A_1886 : vector<16xi32>
      %gather3A_1888 = tpu.vector_load_idx %arg5[%add3A_1887] : memref<4992xi32, #tpu.memory_space<vmem>>[vector<16xi32>], vector<16xi32>,
      %add3A_1889 = arith.constant 2100000 : i32
      %add3A_1890 = vector.broadcast %add3A_1889 : i32 to vector<16xi32>
      %add3A_1891 = arith.addi %gather3A_1888, %add3A_1890 : vector<16xi32>
      %swap3A_1892 = arith.constant 21 : i32
      %swap3A_1893 = arith.index_cast %swap3A_1892 : i32 to index
      %swap3A_1894 = arith.constant 32 : index
      %swap3A_1895 = tpu.vector_load %arg6[%swap3A_1893, %swap3A_1894] {strides = array<i32>} : memref<26x128xi32, #tpu.memory_space<vmem>>, vector<16xi32>,
      tpu.vector_store %arg6[%swap3A_1893, %swap3A_1894], %add3A_1891 {strides = array<i32>} : memref<26x128xi32, #tpu.memory_space<vmem>>, vector<16xi32>,
      %add3A_1896 = arith.constant 1906 : i32
      %add3A_1897 = vector.broadcast %add3A_1896 : i32 to vector<16xi32>
      %add3A_1898 = arith.addi %mul3A_16, %add3A_1897 : vector<16xi32>
      %gather3A_1899 = tpu.vector_load_idx %arg5[%add3A_1898] : memref<4992xi32, #tpu.memory_space<vmem>>[vector<16xi32>], vector<16xi32>,
      %add3A_1900 = arith.constant 2100000 : i32
      %add3A_1901 = vector.broadcast %add3A_1900 : i32 to vector<16xi32>
      %add3A_1902 = arith.addi %gather3A_1899, %add3A_1901 : vector<16xi32>
      %swap3A_1903 = arith.constant 21 : i32
      %swap3A_1904 = arith.index_cast %swap3A_1903 : i32 to index
      %swap3A_1905 = arith.constant 48 : index
      %swap3A_1906 = tpu.vector_load %arg6[%swap3A_1904, %swap3A_1905] {strides = array<i32>} : memref<26x128xi32, #tpu.memory_space<vmem>>, vector<16xi32>,
      tpu.vector_store %arg6[%swap3A_1904, %swap3A_1905], %add3A_1902 {strides = array<i32>} : memref<26x128xi32, #tpu.memory_space<vmem>>, vector<16xi32>,
      %add3A_1907 = arith.constant 2530 : i32
      %add3A_1908 = vector.broadcast %add3A_1907 : i32 to vector<16xi32>
      %add3A_1909 = arith.addi %mul3A_16, %add3A_1908 : vector<16xi32>
      %gather3A_1910 = tpu.vector_load_idx %arg5[%add3A_1909] : memref<4992xi32, #tpu.memory_space<vmem>>[vector<16xi32>], vector<16xi32>,
      %add3A_1911 = arith.constant 2100000 : i32
      %add3A_1912 = vector.broadcast %add3A_1911 : i32 to vector<16xi32>
      %add3A_1913 = arith.addi %gather3A_1910, %add3A_1912 : vector<16xi32>
      %swap3A_1914 = arith.constant 21 : i32
      %swap3A_1915 = arith.index_cast %swap3A_1914 : i32 to index
      %swap3A_1916 = arith.constant 64 : index
      %swap3A_1917 = tpu.vector_load %arg6[%swap3A_1915, %swap3A_1916] {strides = array<i32>} : memref<26x128xi32, #tpu.memory_space<vmem>>, vector<16xi32>,
      tpu.vector_store %arg6[%swap3A_1915, %swap3A_1916], %add3A_1913 {strides = array<i32>} : memref<26x128xi32, #tpu.memory_space<vmem>>, vector<16xi32>,
      %add3A_1918 = arith.constant 3154 : i32
      %add3A_1919 = vector.broadcast %add3A_1918 : i32 to vector<16xi32>
      %add3A_1920 = arith.addi %mul3A_16, %add3A_1919 : vector<16xi32>
      %gather3A_1921 = tpu.vector_load_idx %arg5[%add3A_1920] : memref<4992xi32, #tpu.memory_space<vmem>>[vector<16xi32>], vector<16xi32>,
      %add3A_1922 = arith.constant 2100000 : i32
      %add3A_1923 = vector.broadcast %add3A_1922 : i32 to vector<16xi32>
      %add3A_1924 = arith.addi %gather3A_1921, %add3A_1923 : vector<16xi32>
      %swap3A_1925 = arith.constant 21 : i32
      %swap3A_1926 = arith.index_cast %swap3A_1925 : i32 to index
      %swap3A_1927 = arith.constant 80 : index
      %swap3A_1928 = tpu.vector_load %arg6[%swap3A_1926, %swap3A_1927] {strides = array<i32>} : memref<26x128xi32, #tpu.memory_space<vmem>>, vector<16xi32>,
      tpu.vector_store %arg6[%swap3A_1926, %swap3A_1927], %add3A_1924 {strides = array<i32>} : memref<26x128xi32, #tpu.memory_space<vmem>>, vector<16xi32>,
      %add3A_1929 = arith.constant 3778 : i32
      %add3A_1930 = vector.broadcast %add3A_1929 : i32 to vector<16xi32>
      %add3A_1931 = arith.addi %mul3A_16, %add3A_1930 : vector<16xi32>
      %gather3A_1932 = tpu.vector_load_idx %arg5[%add3A_1931] : memref<4992xi32, #tpu.memory_space<vmem>>[vector<16xi32>], vector<16xi32>,
      %add3A_1933 = arith.constant 2100000 : i32
      %add3A_1934 = vector.broadcast %add3A_1933 : i32 to vector<16xi32>
      %add3A_1935 = arith.addi %gather3A_1932, %add3A_1934 : vector<16xi32>
      %swap3A_1936 = arith.constant 21 : i32
      %swap3A_1937 = arith.index_cast %swap3A_1936 : i32 to index
      %swap3A_1938 = arith.constant 96 : index
      %swap3A_1939 = tpu.vector_load %arg6[%swap3A_1937, %swap3A_1938] {strides = array<i32>} : memref<26x128xi32, #tpu.memory_space<vmem>>, vector<16xi32>,
      tpu.vector_store %arg6[%swap3A_1937, %swap3A_1938], %add3A_1935 {strides = array<i32>} : memref<26x128xi32, #tpu.memory_space<vmem>>, vector<16xi32>,
      %add3A_1940 = arith.constant 4402 : i32
      %add3A_1941 = vector.broadcast %add3A_1940 : i32 to vector<16xi32>
      %add3A_1942 = arith.addi %mul3A_16, %add3A_1941 : vector<16xi32>
      %gather3A_1943 = tpu.vector_load_idx %arg5[%add3A_1942] : memref<4992xi32, #tpu.memory_space<vmem>>[vector<16xi32>], vector<16xi32>,
      %add3A_1944 = arith.constant 2100000 : i32
      %add3A_1945 = vector.broadcast %add3A_1944 : i32 to vector<16xi32>
      %add3A_1946 = arith.addi %gather3A_1943, %add3A_1945 : vector<16xi32>
      %swap3A_1947 = arith.constant 21 : i32
      %swap3A_1948 = arith.index_cast %swap3A_1947 : i32 to index
      %swap3A_1949 = arith.constant 112 : index
      %swap3A_1950 = tpu.vector_load %arg6[%swap3A_1948, %swap3A_1949] {strides = array<i32>} : memref<26x128xi32, #tpu.memory_space<vmem>>, vector<16xi32>,
      tpu.vector_store %arg6[%swap3A_1948, %swap3A_1949], %add3A_1946 {strides = array<i32>} : memref<26x128xi32, #tpu.memory_space<vmem>>, vector<16xi32>,
      %add3A_1951 = arith.constant 35 : i32
      %add3A_1952 = vector.broadcast %add3A_1951 : i32 to vector<16xi32>
      %add3A_1953 = arith.addi %mul3A_16, %add3A_1952 : vector<16xi32>
      %gather3A_1954 = tpu.vector_load_idx %arg5[%add3A_1953] : memref<4992xi32, #tpu.memory_space<vmem>>[vector<16xi32>], vector<16xi32>,
      %add3A_1955 = arith.constant 2200000 : i32
      %add3A_1956 = vector.broadcast %add3A_1955 : i32 to vector<16xi32>
      %add3A_1957 = arith.addi %gather3A_1954, %add3A_1956 : vector<16xi32>
      %swap3A_1958 = arith.constant 22 : i32
      %swap3A_1959 = arith.index_cast %swap3A_1958 : i32 to index
      %swap3A_1960 = arith.constant 0 : index
      %swap3A_1961 = tpu.vector_load %arg6[%swap3A_1959, %swap3A_1960] {strides = array<i32>} : memref<26x128xi32, #tpu.memory_space<vmem>>, vector<16xi32>,
      tpu.vector_store %arg6[%swap3A_1959, %swap3A_1960], %add3A_1957 {strides = array<i32>} : memref<26x128xi32, #tpu.memory_space<vmem>>, vector<16xi32>,
      %add3A_1962 = arith.constant 659 : i32
      %add3A_1963 = vector.broadcast %add3A_1962 : i32 to vector<16xi32>
      %add3A_1964 = arith.addi %mul3A_16, %add3A_1963 : vector<16xi32>
      %gather3A_1965 = tpu.vector_load_idx %arg5[%add3A_1964] : memref<4992xi32, #tpu.memory_space<vmem>>[vector<16xi32>], vector<16xi32>,
      %add3A_1966 = arith.constant 2200000 : i32
      %add3A_1967 = vector.broadcast %add3A_1966 : i32 to vector<16xi32>
      %add3A_1968 = arith.addi %gather3A_1965, %add3A_1967 : vector<16xi32>
      %swap3A_1969 = arith.constant 22 : i32
      %swap3A_1970 = arith.index_cast %swap3A_1969 : i32 to index
      %swap3A_1971 = arith.constant 16 : index
      %swap3A_1972 = tpu.vector_load %arg6[%swap3A_1970, %swap3A_1971] {strides = array<i32>} : memref<26x128xi32, #tpu.memory_space<vmem>>, vector<16xi32>,
      tpu.vector_store %arg6[%swap3A_1970, %swap3A_1971], %add3A_1968 {strides = array<i32>} : memref<26x128xi32, #tpu.memory_space<vmem>>, vector<16xi32>,
      %add3A_1973 = arith.constant 1283 : i32
      %add3A_1974 = vector.broadcast %add3A_1973 : i32 to vector<16xi32>
      %add3A_1975 = arith.addi %mul3A_16, %add3A_1974 : vector<16xi32>
      %gather3A_1976 = tpu.vector_load_idx %arg5[%add3A_1975] : memref<4992xi32, #tpu.memory_space<vmem>>[vector<16xi32>], vector<16xi32>,
      %add3A_1977 = arith.constant 2200000 : i32
      %add3A_1978 = vector.broadcast %add3A_1977 : i32 to vector<16xi32>
      %add3A_1979 = arith.addi %gather3A_1976, %add3A_1978 : vector<16xi32>
      %swap3A_1980 = arith.constant 22 : i32
      %swap3A_1981 = arith.index_cast %swap3A_1980 : i32 to index
      %swap3A_1982 = arith.constant 32 : index
      %swap3A_1983 = tpu.vector_load %arg6[%swap3A_1981, %swap3A_1982] {strides = array<i32>} : memref<26x128xi32, #tpu.memory_space<vmem>>, vector<16xi32>,
      tpu.vector_store %arg6[%swap3A_1981, %swap3A_1982], %add3A_1979 {strides = array<i32>} : memref<26x128xi32, #tpu.memory_space<vmem>>, vector<16xi32>,
      %add3A_1984 = arith.constant 1907 : i32
      %add3A_1985 = vector.broadcast %add3A_1984 : i32 to vector<16xi32>
      %add3A_1986 = arith.addi %mul3A_16, %add3A_1985 : vector<16xi32>
      %gather3A_1987 = tpu.vector_load_idx %arg5[%add3A_1986] : memref<4992xi32, #tpu.memory_space<vmem>>[vector<16xi32>], vector<16xi32>,
      %add3A_1988 = arith.constant 2200000 : i32
      %add3A_1989 = vector.broadcast %add3A_1988 : i32 to vector<16xi32>
      %add3A_1990 = arith.addi %gather3A_1987, %add3A_1989 : vector<16xi32>
      %swap3A_1991 = arith.constant 22 : i32
      %swap3A_1992 = arith.index_cast %swap3A_1991 : i32 to index
      %swap3A_1993 = arith.constant 48 : index
      %swap3A_1994 = tpu.vector_load %arg6[%swap3A_1992, %swap3A_1993] {strides = array<i32>} : memref<26x128xi32, #tpu.memory_space<vmem>>, vector<16xi32>,
      tpu.vector_store %arg6[%swap3A_1992, %swap3A_1993], %add3A_1990 {strides = array<i32>} : memref<26x128xi32, #tpu.memory_space<vmem>>, vector<16xi32>,
      %add3A_1995 = arith.constant 2531 : i32
      %add3A_1996 = vector.broadcast %add3A_1995 : i32 to vector<16xi32>
      %add3A_1997 = arith.addi %mul3A_16, %add3A_1996 : vector<16xi32>
      %gather3A_1998 = tpu.vector_load_idx %arg5[%add3A_1997] : memref<4992xi32, #tpu.memory_space<vmem>>[vector<16xi32>], vector<16xi32>,
      %add3A_1999 = arith.constant 2200000 : i32
      %add3A_2000 = vector.broadcast %add3A_1999 : i32 to vector<16xi32>
      %add3A_2001 = arith.addi %gather3A_1998, %add3A_2000 : vector<16xi32>
      %swap3A_2002 = arith.constant 22 : i32
      %swap3A_2003 = arith.index_cast %swap3A_2002 : i32 to index
      %swap3A_2004 = arith.constant 64 : index
      %swap3A_2005 = tpu.vector_load %arg6[%swap3A_2003, %swap3A_2004] {strides = array<i32>} : memref<26x128xi32, #tpu.memory_space<vmem>>, vector<16xi32>,
      tpu.vector_store %arg6[%swap3A_2003, %swap3A_2004], %add3A_2001 {strides = array<i32>} : memref<26x128xi32, #tpu.memory_space<vmem>>, vector<16xi32>,
      %add3A_2006 = arith.constant 3155 : i32
      %add3A_2007 = vector.broadcast %add3A_2006 : i32 to vector<16xi32>
      %add3A_2008 = arith.addi %mul3A_16, %add3A_2007 : vector<16xi32>
      %gather3A_2009 = tpu.vector_load_idx %arg5[%add3A_2008] : memref<4992xi32, #tpu.memory_space<vmem>>[vector<16xi32>], vector<16xi32>,
      %add3A_2010 = arith.constant 2200000 : i32
      %add3A_2011 = vector.broadcast %add3A_2010 : i32 to vector<16xi32>
      %add3A_2012 = arith.addi %gather3A_2009, %add3A_2011 : vector<16xi32>
      %swap3A_2013 = arith.constant 22 : i32
      %swap3A_2014 = arith.index_cast %swap3A_2013 : i32 to index
      %swap3A_2015 = arith.constant 80 : index
      %swap3A_2016 = tpu.vector_load %arg6[%swap3A_2014, %swap3A_2015] {strides = array<i32>} : memref<26x128xi32, #tpu.memory_space<vmem>>, vector<16xi32>,
      tpu.vector_store %arg6[%swap3A_2014, %swap3A_2015], %add3A_2012 {strides = array<i32>} : memref<26x128xi32, #tpu.memory_space<vmem>>, vector<16xi32>,
      %add3A_2017 = arith.constant 3779 : i32
      %add3A_2018 = vector.broadcast %add3A_2017 : i32 to vector<16xi32>
      %add3A_2019 = arith.addi %mul3A_16, %add3A_2018 : vector<16xi32>
      %gather3A_2020 = tpu.vector_load_idx %arg5[%add3A_2019] : memref<4992xi32, #tpu.memory_space<vmem>>[vector<16xi32>], vector<16xi32>,
      %add3A_2021 = arith.constant 2200000 : i32
      %add3A_2022 = vector.broadcast %add3A_2021 : i32 to vector<16xi32>
      %add3A_2023 = arith.addi %gather3A_2020, %add3A_2022 : vector<16xi32>
      %swap3A_2024 = arith.constant 22 : i32
      %swap3A_2025 = arith.index_cast %swap3A_2024 : i32 to index
      %swap3A_2026 = arith.constant 96 : index
      %swap3A_2027 = tpu.vector_load %arg6[%swap3A_2025, %swap3A_2026] {strides = array<i32>} : memref<26x128xi32, #tpu.memory_space<vmem>>, vector<16xi32>,
      tpu.vector_store %arg6[%swap3A_2025, %swap3A_2026], %add3A_2023 {strides = array<i32>} : memref<26x128xi32, #tpu.memory_space<vmem>>, vector<16xi32>,
      %add3A_2028 = arith.constant 4403 : i32
      %add3A_2029 = vector.broadcast %add3A_2028 : i32 to vector<16xi32>
      %add3A_2030 = arith.addi %mul3A_16, %add3A_2029 : vector<16xi32>
      %gather3A_2031 = tpu.vector_load_idx %arg5[%add3A_2030] : memref<4992xi32, #tpu.memory_space<vmem>>[vector<16xi32>], vector<16xi32>,
      %add3A_2032 = arith.constant 2200000 : i32
      %add3A_2033 = vector.broadcast %add3A_2032 : i32 to vector<16xi32>
      %add3A_2034 = arith.addi %gather3A_2031, %add3A_2033 : vector<16xi32>
      %swap3A_2035 = arith.constant 22 : i32
      %swap3A_2036 = arith.index_cast %swap3A_2035 : i32 to index
      %swap3A_2037 = arith.constant 112 : index
      %swap3A_2038 = tpu.vector_load %arg6[%swap3A_2036, %swap3A_2037] {strides = array<i32>} : memref<26x128xi32, #tpu.memory_space<vmem>>, vector<16xi32>,
      tpu.vector_store %arg6[%swap3A_2036, %swap3A_2037], %add3A_2034 {strides = array<i32>} : memref<26x128xi32, #tpu.memory_space<vmem>>, vector<16xi32>,
      %add3A_2039 = arith.constant 36 : i32
      %add3A_2040 = vector.broadcast %add3A_2039 : i32 to vector<16xi32>
      %add3A_2041 = arith.addi %mul3A_16, %add3A_2040 : vector<16xi32>
      %gather3A_2042 = tpu.vector_load_idx %arg5[%add3A_2041] : memref<4992xi32, #tpu.memory_space<vmem>>[vector<16xi32>], vector<16xi32>,
      %add3A_2043 = arith.constant 2300000 : i32
      %add3A_2044 = vector.broadcast %add3A_2043 : i32 to vector<16xi32>
      %add3A_2045 = arith.addi %gather3A_2042, %add3A_2044 : vector<16xi32>
      %swap3A_2046 = arith.constant 23 : i32
      %swap3A_2047 = arith.index_cast %swap3A_2046 : i32 to index
      %swap3A_2048 = arith.constant 0 : index
      %swap3A_2049 = tpu.vector_load %arg6[%swap3A_2047, %swap3A_2048] {strides = array<i32>} : memref<26x128xi32, #tpu.memory_space<vmem>>, vector<16xi32>,
      tpu.vector_store %arg6[%swap3A_2047, %swap3A_2048], %add3A_2045 {strides = array<i32>} : memref<26x128xi32, #tpu.memory_space<vmem>>, vector<16xi32>,
      %add3A_2050 = arith.constant 660 : i32
      %add3A_2051 = vector.broadcast %add3A_2050 : i32 to vector<16xi32>
      %add3A_2052 = arith.addi %mul3A_16, %add3A_2051 : vector<16xi32>
      %gather3A_2053 = tpu.vector_load_idx %arg5[%add3A_2052] : memref<4992xi32, #tpu.memory_space<vmem>>[vector<16xi32>], vector<16xi32>,
      %add3A_2054 = arith.constant 2300000 : i32
      %add3A_2055 = vector.broadcast %add3A_2054 : i32 to vector<16xi32>
      %add3A_2056 = arith.addi %gather3A_2053, %add3A_2055 : vector<16xi32>
      %swap3A_2057 = arith.constant 23 : i32
      %swap3A_2058 = arith.index_cast %swap3A_2057 : i32 to index
      %swap3A_2059 = arith.constant 16 : index
      %swap3A_2060 = tpu.vector_load %arg6[%swap3A_2058, %swap3A_2059] {strides = array<i32>} : memref<26x128xi32, #tpu.memory_space<vmem>>, vector<16xi32>,
      tpu.vector_store %arg6[%swap3A_2058, %swap3A_2059], %add3A_2056 {strides = array<i32>} : memref<26x128xi32, #tpu.memory_space<vmem>>, vector<16xi32>,
      %add3A_2061 = arith.constant 1284 : i32
      %add3A_2062 = vector.broadcast %add3A_2061 : i32 to vector<16xi32>
      %add3A_2063 = arith.addi %mul3A_16, %add3A_2062 : vector<16xi32>
      %gather3A_2064 = tpu.vector_load_idx %arg5[%add3A_2063] : memref<4992xi32, #tpu.memory_space<vmem>>[vector<16xi32>], vector<16xi32>,
      %add3A_2065 = arith.constant 2300000 : i32
      %add3A_2066 = vector.broadcast %add3A_2065 : i32 to vector<16xi32>
      %add3A_2067 = arith.addi %gather3A_2064, %add3A_2066 : vector<16xi32>
      %swap3A_2068 = arith.constant 23 : i32
      %swap3A_2069 = arith.index_cast %swap3A_2068 : i32 to index
      %swap3A_2070 = arith.constant 32 : index
      %swap3A_2071 = tpu.vector_load %arg6[%swap3A_2069, %swap3A_2070] {strides = array<i32>} : memref<26x128xi32, #tpu.memory_space<vmem>>, vector<16xi32>,
      tpu.vector_store %arg6[%swap3A_2069, %swap3A_2070], %add3A_2067 {strides = array<i32>} : memref<26x128xi32, #tpu.memory_space<vmem>>, vector<16xi32>,
      %add3A_2072 = arith.constant 1908 : i32
      %add3A_2073 = vector.broadcast %add3A_2072 : i32 to vector<16xi32>
      %add3A_2074 = arith.addi %mul3A_16, %add3A_2073 : vector<16xi32>
      %gather3A_2075 = tpu.vector_load_idx %arg5[%add3A_2074] : memref<4992xi32, #tpu.memory_space<vmem>>[vector<16xi32>], vector<16xi32>,
      %add3A_2076 = arith.constant 2300000 : i32
      %add3A_2077 = vector.broadcast %add3A_2076 : i32 to vector<16xi32>
      %add3A_2078 = arith.addi %gather3A_2075, %add3A_2077 : vector<16xi32>
      %swap3A_2079 = arith.constant 23 : i32
      %swap3A_2080 = arith.index_cast %swap3A_2079 : i32 to index
      %swap3A_2081 = arith.constant 48 : index
      %swap3A_2082 = tpu.vector_load %arg6[%swap3A_2080, %swap3A_2081] {strides = array<i32>} : memref<26x128xi32, #tpu.memory_space<vmem>>, vector<16xi32>,
      tpu.vector_store %arg6[%swap3A_2080, %swap3A_2081], %add3A_2078 {strides = array<i32>} : memref<26x128xi32, #tpu.memory_space<vmem>>, vector<16xi32>,
      %add3A_2083 = arith.constant 2532 : i32
      %add3A_2084 = vector.broadcast %add3A_2083 : i32 to vector<16xi32>
      %add3A_2085 = arith.addi %mul3A_16, %add3A_2084 : vector<16xi32>
      %gather3A_2086 = tpu.vector_load_idx %arg5[%add3A_2085] : memref<4992xi32, #tpu.memory_space<vmem>>[vector<16xi32>], vector<16xi32>,
      %add3A_2087 = arith.constant 2300000 : i32
      %add3A_2088 = vector.broadcast %add3A_2087 : i32 to vector<16xi32>
      %add3A_2089 = arith.addi %gather3A_2086, %add3A_2088 : vector<16xi32>
      %swap3A_2090 = arith.constant 23 : i32
      %swap3A_2091 = arith.index_cast %swap3A_2090 : i32 to index
      %swap3A_2092 = arith.constant 64 : index
      %swap3A_2093 = tpu.vector_load %arg6[%swap3A_2091, %swap3A_2092] {strides = array<i32>} : memref<26x128xi32, #tpu.memory_space<vmem>>, vector<16xi32>,
      tpu.vector_store %arg6[%swap3A_2091, %swap3A_2092], %add3A_2089 {strides = array<i32>} : memref<26x128xi32, #tpu.memory_space<vmem>>, vector<16xi32>,
      %add3A_2094 = arith.constant 3156 : i32
      %add3A_2095 = vector.broadcast %add3A_2094 : i32 to vector<16xi32>
      %add3A_2096 = arith.addi %mul3A_16, %add3A_2095 : vector<16xi32>
      %gather3A_2097 = tpu.vector_load_idx %arg5[%add3A_2096] : memref<4992xi32, #tpu.memory_space<vmem>>[vector<16xi32>], vector<16xi32>,
      %add3A_2098 = arith.constant 2300000 : i32
      %add3A_2099 = vector.broadcast %add3A_2098 : i32 to vector<16xi32>
      %add3A_2100 = arith.addi %gather3A_2097, %add3A_2099 : vector<16xi32>
      %swap3A_2101 = arith.constant 23 : i32
      %swap3A_2102 = arith.index_cast %swap3A_2101 : i32 to index
      %swap3A_2103 = arith.constant 80 : index
      %swap3A_2104 = tpu.vector_load %arg6[%swap3A_2102, %swap3A_2103] {strides = array<i32>} : memref<26x128xi32, #tpu.memory_space<vmem>>, vector<16xi32>,
      tpu.vector_store %arg6[%swap3A_2102, %swap3A_2103], %add3A_2100 {strides = array<i32>} : memref<26x128xi32, #tpu.memory_space<vmem>>, vector<16xi32>,
      %add3A_2105 = arith.constant 3780 : i32
      %add3A_2106 = vector.broadcast %add3A_2105 : i32 to vector<16xi32>
      %add3A_2107 = arith.addi %mul3A_16, %add3A_2106 : vector<16xi32>
      %gather3A_2108 = tpu.vector_load_idx %arg5[%add3A_2107] : memref<4992xi32, #tpu.memory_space<vmem>>[vector<16xi32>], vector<16xi32>,
      %add3A_2109 = arith.constant 2300000 : i32
      %add3A_2110 = vector.broadcast %add3A_2109 : i32 to vector<16xi32>
      %add3A_2111 = arith.addi %gather3A_2108, %add3A_2110 : vector<16xi32>
      %swap3A_2112 = arith.constant 23 : i32
      %swap3A_2113 = arith.index_cast %swap3A_2112 : i32 to index
      %swap3A_2114 = arith.constant 96 : index
      %swap3A_2115 = tpu.vector_load %arg6[%swap3A_2113, %swap3A_2114] {strides = array<i32>} : memref<26x128xi32, #tpu.memory_space<vmem>>, vector<16xi32>,
      tpu.vector_store %arg6[%swap3A_2113, %swap3A_2114], %add3A_2111 {strides = array<i32>} : memref<26x128xi32, #tpu.memory_space<vmem>>, vector<16xi32>,
      %add3A_2116 = arith.constant 4404 : i32
      %add3A_2117 = vector.broadcast %add3A_2116 : i32 to vector<16xi32>
      %add3A_2118 = arith.addi %mul3A_16, %add3A_2117 : vector<16xi32>
      %gather3A_2119 = tpu.vector_load_idx %arg5[%add3A_2118] : memref<4992xi32, #tpu.memory_space<vmem>>[vector<16xi32>], vector<16xi32>,
      %add3A_2120 = arith.constant 2300000 : i32
      %add3A_2121 = vector.broadcast %add3A_2120 : i32 to vector<16xi32>
      %add3A_2122 = arith.addi %gather3A_2119, %add3A_2121 : vector<16xi32>
      %swap3A_2123 = arith.constant 23 : i32
      %swap3A_2124 = arith.index_cast %swap3A_2123 : i32 to index
      %swap3A_2125 = arith.constant 112 : index
      %swap3A_2126 = tpu.vector_load %arg6[%swap3A_2124, %swap3A_2125] {strides = array<i32>} : memref<26x128xi32, #tpu.memory_space<vmem>>, vector<16xi32>,
      tpu.vector_store %arg6[%swap3A_2124, %swap3A_2125], %add3A_2122 {strides = array<i32>} : memref<26x128xi32, #tpu.memory_space<vmem>>, vector<16xi32>,
      %add3A_2127 = arith.constant 37 : i32
      %add3A_2128 = vector.broadcast %add3A_2127 : i32 to vector<16xi32>
      %add3A_2129 = arith.addi %mul3A_16, %add3A_2128 : vector<16xi32>
      %gather3A_2130 = tpu.vector_load_idx %arg5[%add3A_2129] : memref<4992xi32, #tpu.memory_space<vmem>>[vector<16xi32>], vector<16xi32>,
      %add3A_2131 = arith.constant 2400000 : i32
      %add3A_2132 = vector.broadcast %add3A_2131 : i32 to vector<16xi32>
      %add3A_2133 = arith.addi %gather3A_2130, %add3A_2132 : vector<16xi32>
      %swap3A_2134 = arith.constant 24 : i32
      %swap3A_2135 = arith.index_cast %swap3A_2134 : i32 to index
      %swap3A_2136 = arith.constant 0 : index
      %swap3A_2137 = tpu.vector_load %arg6[%swap3A_2135, %swap3A_2136] {strides = array<i32>} : memref<26x128xi32, #tpu.memory_space<vmem>>, vector<16xi32>,
      tpu.vector_store %arg6[%swap3A_2135, %swap3A_2136], %add3A_2133 {strides = array<i32>} : memref<26x128xi32, #tpu.memory_space<vmem>>, vector<16xi32>,
      %add3A_2138 = arith.constant 661 : i32
      %add3A_2139 = vector.broadcast %add3A_2138 : i32 to vector<16xi32>
      %add3A_2140 = arith.addi %mul3A_16, %add3A_2139 : vector<16xi32>
      %gather3A_2141 = tpu.vector_load_idx %arg5[%add3A_2140] : memref<4992xi32, #tpu.memory_space<vmem>>[vector<16xi32>], vector<16xi32>,
      %add3A_2142 = arith.constant 2400000 : i32
      %add3A_2143 = vector.broadcast %add3A_2142 : i32 to vector<16xi32>
      %add3A_2144 = arith.addi %gather3A_2141, %add3A_2143 : vector<16xi32>
      %swap3A_2145 = arith.constant 24 : i32
      %swap3A_2146 = arith.index_cast %swap3A_2145 : i32 to index
      %swap3A_2147 = arith.constant 16 : index
      %swap3A_2148 = tpu.vector_load %arg6[%swap3A_2146, %swap3A_2147] {strides = array<i32>} : memref<26x128xi32, #tpu.memory_space<vmem>>, vector<16xi32>,
      tpu.vector_store %arg6[%swap3A_2146, %swap3A_2147], %add3A_2144 {strides = array<i32>} : memref<26x128xi32, #tpu.memory_space<vmem>>, vector<16xi32>,
      %add3A_2149 = arith.constant 1285 : i32
      %add3A_2150 = vector.broadcast %add3A_2149 : i32 to vector<16xi32>
      %add3A_2151 = arith.addi %mul3A_16, %add3A_2150 : vector<16xi32>
      %gather3A_2152 = tpu.vector_load_idx %arg5[%add3A_2151] : memref<4992xi32, #tpu.memory_space<vmem>>[vector<16xi32>], vector<16xi32>,
      %add3A_2153 = arith.constant 2400000 : i32
      %add3A_2154 = vector.broadcast %add3A_2153 : i32 to vector<16xi32>
      %add3A_2155 = arith.addi %gather3A_2152, %add3A_2154 : vector<16xi32>
      %swap3A_2156 = arith.constant 24 : i32
      %swap3A_2157 = arith.index_cast %swap3A_2156 : i32 to index
      %swap3A_2158 = arith.constant 32 : index
      %swap3A_2159 = tpu.vector_load %arg6[%swap3A_2157, %swap3A_2158] {strides = array<i32>} : memref<26x128xi32, #tpu.memory_space<vmem>>, vector<16xi32>,
      tpu.vector_store %arg6[%swap3A_2157, %swap3A_2158], %add3A_2155 {strides = array<i32>} : memref<26x128xi32, #tpu.memory_space<vmem>>, vector<16xi32>,
      %add3A_2160 = arith.constant 1909 : i32
      %add3A_2161 = vector.broadcast %add3A_2160 : i32 to vector<16xi32>
      %add3A_2162 = arith.addi %mul3A_16, %add3A_2161 : vector<16xi32>
      %gather3A_2163 = tpu.vector_load_idx %arg5[%add3A_2162] : memref<4992xi32, #tpu.memory_space<vmem>>[vector<16xi32>], vector<16xi32>,
      %add3A_2164 = arith.constant 2400000 : i32
      %add3A_2165 = vector.broadcast %add3A_2164 : i32 to vector<16xi32>
      %add3A_2166 = arith.addi %gather3A_2163, %add3A_2165 : vector<16xi32>
      %swap3A_2167 = arith.constant 24 : i32
      %swap3A_2168 = arith.index_cast %swap3A_2167 : i32 to index
      %swap3A_2169 = arith.constant 48 : index
      %swap3A_2170 = tpu.vector_load %arg6[%swap3A_2168, %swap3A_2169] {strides = array<i32>} : memref<26x128xi32, #tpu.memory_space<vmem>>, vector<16xi32>,
      tpu.vector_store %arg6[%swap3A_2168, %swap3A_2169], %add3A_2166 {strides = array<i32>} : memref<26x128xi32, #tpu.memory_space<vmem>>, vector<16xi32>,
      %add3A_2171 = arith.constant 2533 : i32
      %add3A_2172 = vector.broadcast %add3A_2171 : i32 to vector<16xi32>
      %add3A_2173 = arith.addi %mul3A_16, %add3A_2172 : vector<16xi32>
      %gather3A_2174 = tpu.vector_load_idx %arg5[%add3A_2173] : memref<4992xi32, #tpu.memory_space<vmem>>[vector<16xi32>], vector<16xi32>,
      %add3A_2175 = arith.constant 2400000 : i32
      %add3A_2176 = vector.broadcast %add3A_2175 : i32 to vector<16xi32>
      %add3A_2177 = arith.addi %gather3A_2174, %add3A_2176 : vector<16xi32>
      %swap3A_2178 = arith.constant 24 : i32
      %swap3A_2179 = arith.index_cast %swap3A_2178 : i32 to index
      %swap3A_2180 = arith.constant 64 : index
      %swap3A_2181 = tpu.vector_load %arg6[%swap3A_2179, %swap3A_2180] {strides = array<i32>} : memref<26x128xi32, #tpu.memory_space<vmem>>, vector<16xi32>,
      tpu.vector_store %arg6[%swap3A_2179, %swap3A_2180], %add3A_2177 {strides = array<i32>} : memref<26x128xi32, #tpu.memory_space<vmem>>, vector<16xi32>,
      %add3A_2182 = arith.constant 3157 : i32
      %add3A_2183 = vector.broadcast %add3A_2182 : i32 to vector<16xi32>
      %add3A_2184 = arith.addi %mul3A_16, %add3A_2183 : vector<16xi32>
      %gather3A_2185 = tpu.vector_load_idx %arg5[%add3A_2184] : memref<4992xi32, #tpu.memory_space<vmem>>[vector<16xi32>], vector<16xi32>,
      %add3A_2186 = arith.constant 2400000 : i32
      %add3A_2187 = vector.broadcast %add3A_2186 : i32 to vector<16xi32>
      %add3A_2188 = arith.addi %gather3A_2185, %add3A_2187 : vector<16xi32>
      %swap3A_2189 = arith.constant 24 : i32
      %swap3A_2190 = arith.index_cast %swap3A_2189 : i32 to index
      %swap3A_2191 = arith.constant 80 : index
      %swap3A_2192 = tpu.vector_load %arg6[%swap3A_2190, %swap3A_2191] {strides = array<i32>} : memref<26x128xi32, #tpu.memory_space<vmem>>, vector<16xi32>,
      tpu.vector_store %arg6[%swap3A_2190, %swap3A_2191], %add3A_2188 {strides = array<i32>} : memref<26x128xi32, #tpu.memory_space<vmem>>, vector<16xi32>,
      %add3A_2193 = arith.constant 3781 : i32
      %add3A_2194 = vector.broadcast %add3A_2193 : i32 to vector<16xi32>
      %add3A_2195 = arith.addi %mul3A_16, %add3A_2194 : vector<16xi32>
      %gather3A_2196 = tpu.vector_load_idx %arg5[%add3A_2195] : memref<4992xi32, #tpu.memory_space<vmem>>[vector<16xi32>], vector<16xi32>,
      %add3A_2197 = arith.constant 2400000 : i32
      %add3A_2198 = vector.broadcast %add3A_2197 : i32 to vector<16xi32>
      %add3A_2199 = arith.addi %gather3A_2196, %add3A_2198 : vector<16xi32>
      %swap3A_2200 = arith.constant 24 : i32
      %swap3A_2201 = arith.index_cast %swap3A_2200 : i32 to index
      %swap3A_2202 = arith.constant 96 : index
      %swap3A_2203 = tpu.vector_load %arg6[%swap3A_2201, %swap3A_2202] {strides = array<i32>} : memref<26x128xi32, #tpu.memory_space<vmem>>, vector<16xi32>,
      tpu.vector_store %arg6[%swap3A_2201, %swap3A_2202], %add3A_2199 {strides = array<i32>} : memref<26x128xi32, #tpu.memory_space<vmem>>, vector<16xi32>,
      %add3A_2204 = arith.constant 4405 : i32
      %add3A_2205 = vector.broadcast %add3A_2204 : i32 to vector<16xi32>
      %add3A_2206 = arith.addi %mul3A_16, %add3A_2205 : vector<16xi32>
      %gather3A_2207 = tpu.vector_load_idx %arg5[%add3A_2206] : memref<4992xi32, #tpu.memory_space<vmem>>[vector<16xi32>], vector<16xi32>,
      %add3A_2208 = arith.constant 2400000 : i32
      %add3A_2209 = vector.broadcast %add3A_2208 : i32 to vector<16xi32>
      %add3A_2210 = arith.addi %gather3A_2207, %add3A_2209 : vector<16xi32>
      %swap3A_2211 = arith.constant 24 : i32
      %swap3A_2212 = arith.index_cast %swap3A_2211 : i32 to index
      %swap3A_2213 = arith.constant 112 : index
      %swap3A_2214 = tpu.vector_load %arg6[%swap3A_2212, %swap3A_2213] {strides = array<i32>} : memref<26x128xi32, #tpu.memory_space<vmem>>, vector<16xi32>,
      tpu.vector_store %arg6[%swap3A_2212, %swap3A_2213], %add3A_2210 {strides = array<i32>} : memref<26x128xi32, #tpu.memory_space<vmem>>, vector<16xi32>,
      %add3A_2215 = arith.constant 38 : i32
      %add3A_2216 = vector.broadcast %add3A_2215 : i32 to vector<16xi32>
      %add3A_2217 = arith.addi %mul3A_16, %add3A_2216 : vector<16xi32>
      %gather3A_2218 = tpu.vector_load_idx %arg5[%add3A_2217] : memref<4992xi32, #tpu.memory_space<vmem>>[vector<16xi32>], vector<16xi32>,
      %add3A_2219 = arith.constant 2500000 : i32
      %add3A_2220 = vector.broadcast %add3A_2219 : i32 to vector<16xi32>
      %add3A_2221 = arith.addi %gather3A_2218, %add3A_2220 : vector<16xi32>
      %swap3A_2222 = arith.constant 25 : i32
      %swap3A_2223 = arith.index_cast %swap3A_2222 : i32 to index
      %swap3A_2224 = arith.constant 0 : index
      %swap3A_2225 = tpu.vector_load %arg6[%swap3A_2223, %swap3A_2224] {strides = array<i32>} : memref<26x128xi32, #tpu.memory_space<vmem>>, vector<16xi32>,
      tpu.vector_store %arg6[%swap3A_2223, %swap3A_2224], %add3A_2221 {strides = array<i32>} : memref<26x128xi32, #tpu.memory_space<vmem>>, vector<16xi32>,
      %add3A_2226 = arith.constant 662 : i32
      %add3A_2227 = vector.broadcast %add3A_2226 : i32 to vector<16xi32>
      %add3A_2228 = arith.addi %mul3A_16, %add3A_2227 : vector<16xi32>
      %gather3A_2229 = tpu.vector_load_idx %arg5[%add3A_2228] : memref<4992xi32, #tpu.memory_space<vmem>>[vector<16xi32>], vector<16xi32>,
      %add3A_2230 = arith.constant 2500000 : i32
      %add3A_2231 = vector.broadcast %add3A_2230 : i32 to vector<16xi32>
      %add3A_2232 = arith.addi %gather3A_2229, %add3A_2231 : vector<16xi32>
      %swap3A_2233 = arith.constant 25 : i32
      %swap3A_2234 = arith.index_cast %swap3A_2233 : i32 to index
      %swap3A_2235 = arith.constant 16 : index
      %swap3A_2236 = tpu.vector_load %arg6[%swap3A_2234, %swap3A_2235] {strides = array<i32>} : memref<26x128xi32, #tpu.memory_space<vmem>>, vector<16xi32>,
      tpu.vector_store %arg6[%swap3A_2234, %swap3A_2235], %add3A_2232 {strides = array<i32>} : memref<26x128xi32, #tpu.memory_space<vmem>>, vector<16xi32>,
      %add3A_2237 = arith.constant 1286 : i32
      %add3A_2238 = vector.broadcast %add3A_2237 : i32 to vector<16xi32>
      %add3A_2239 = arith.addi %mul3A_16, %add3A_2238 : vector<16xi32>
      %gather3A_2240 = tpu.vector_load_idx %arg5[%add3A_2239] : memref<4992xi32, #tpu.memory_space<vmem>>[vector<16xi32>], vector<16xi32>,
      %add3A_2241 = arith.constant 2500000 : i32
      %add3A_2242 = vector.broadcast %add3A_2241 : i32 to vector<16xi32>
      %add3A_2243 = arith.addi %gather3A_2240, %add3A_2242 : vector<16xi32>
      %swap3A_2244 = arith.constant 25 : i32
      %swap3A_2245 = arith.index_cast %swap3A_2244 : i32 to index
      %swap3A_2246 = arith.constant 32 : index
      %swap3A_2247 = tpu.vector_load %arg6[%swap3A_2245, %swap3A_2246] {strides = array<i32>} : memref<26x128xi32, #tpu.memory_space<vmem>>, vector<16xi32>,
      tpu.vector_store %arg6[%swap3A_2245, %swap3A_2246], %add3A_2243 {strides = array<i32>} : memref<26x128xi32, #tpu.memory_space<vmem>>, vector<16xi32>,
      %add3A_2248 = arith.constant 1910 : i32
      %add3A_2249 = vector.broadcast %add3A_2248 : i32 to vector<16xi32>
      %add3A_2250 = arith.addi %mul3A_16, %add3A_2249 : vector<16xi32>
      %gather3A_2251 = tpu.vector_load_idx %arg5[%add3A_2250] : memref<4992xi32, #tpu.memory_space<vmem>>[vector<16xi32>], vector<16xi32>,
      %add3A_2252 = arith.constant 2500000 : i32
      %add3A_2253 = vector.broadcast %add3A_2252 : i32 to vector<16xi32>
      %add3A_2254 = arith.addi %gather3A_2251, %add3A_2253 : vector<16xi32>
      %swap3A_2255 = arith.constant 25 : i32
      %swap3A_2256 = arith.index_cast %swap3A_2255 : i32 to index
      %swap3A_2257 = arith.constant 48 : index
      %swap3A_2258 = tpu.vector_load %arg6[%swap3A_2256, %swap3A_2257] {strides = array<i32>} : memref<26x128xi32, #tpu.memory_space<vmem>>, vector<16xi32>,
      tpu.vector_store %arg6[%swap3A_2256, %swap3A_2257], %add3A_2254 {strides = array<i32>} : memref<26x128xi32, #tpu.memory_space<vmem>>, vector<16xi32>,
      %add3A_2259 = arith.constant 2534 : i32
      %add3A_2260 = vector.broadcast %add3A_2259 : i32 to vector<16xi32>
      %add3A_2261 = arith.addi %mul3A_16, %add3A_2260 : vector<16xi32>
      %gather3A_2262 = tpu.vector_load_idx %arg5[%add3A_2261] : memref<4992xi32, #tpu.memory_space<vmem>>[vector<16xi32>], vector<16xi32>,
      %add3A_2263 = arith.constant 2500000 : i32
      %add3A_2264 = vector.broadcast %add3A_2263 : i32 to vector<16xi32>
      %add3A_2265 = arith.addi %gather3A_2262, %add3A_2264 : vector<16xi32>
      %swap3A_2266 = arith.constant 25 : i32
      %swap3A_2267 = arith.index_cast %swap3A_2266 : i32 to index
      %swap3A_2268 = arith.constant 64 : index
      %swap3A_2269 = tpu.vector_load %arg6[%swap3A_2267, %swap3A_2268] {strides = array<i32>} : memref<26x128xi32, #tpu.memory_space<vmem>>, vector<16xi32>,
      tpu.vector_store %arg6[%swap3A_2267, %swap3A_2268], %add3A_2265 {strides = array<i32>} : memref<26x128xi32, #tpu.memory_space<vmem>>, vector<16xi32>,
      %add3A_2270 = arith.constant 3158 : i32
      %add3A_2271 = vector.broadcast %add3A_2270 : i32 to vector<16xi32>
      %add3A_2272 = arith.addi %mul3A_16, %add3A_2271 : vector<16xi32>
      %gather3A_2273 = tpu.vector_load_idx %arg5[%add3A_2272] : memref<4992xi32, #tpu.memory_space<vmem>>[vector<16xi32>], vector<16xi32>,
      %add3A_2274 = arith.constant 2500000 : i32
      %add3A_2275 = vector.broadcast %add3A_2274 : i32 to vector<16xi32>
      %add3A_2276 = arith.addi %gather3A_2273, %add3A_2275 : vector<16xi32>
      %swap3A_2277 = arith.constant 25 : i32
      %swap3A_2278 = arith.index_cast %swap3A_2277 : i32 to index
      %swap3A_2279 = arith.constant 80 : index
      %swap3A_2280 = tpu.vector_load %arg6[%swap3A_2278, %swap3A_2279] {strides = array<i32>} : memref<26x128xi32, #tpu.memory_space<vmem>>, vector<16xi32>,
      tpu.vector_store %arg6[%swap3A_2278, %swap3A_2279], %add3A_2276 {strides = array<i32>} : memref<26x128xi32, #tpu.memory_space<vmem>>, vector<16xi32>,
      %add3A_2281 = arith.constant 3782 : i32
      %add3A_2282 = vector.broadcast %add3A_2281 : i32 to vector<16xi32>
      %add3A_2283 = arith.addi %mul3A_16, %add3A_2282 : vector<16xi32>
      %gather3A_2284 = tpu.vector_load_idx %arg5[%add3A_2283] : memref<4992xi32, #tpu.memory_space<vmem>>[vector<16xi32>], vector<16xi32>,
      %add3A_2285 = arith.constant 2500000 : i32
      %add3A_2286 = vector.broadcast %add3A_2285 : i32 to vector<16xi32>
      %add3A_2287 = arith.addi %gather3A_2284, %add3A_2286 : vector<16xi32>
      %swap3A_2288 = arith.constant 25 : i32
      %swap3A_2289 = arith.index_cast %swap3A_2288 : i32 to index
      %swap3A_2290 = arith.constant 96 : index
      %swap3A_2291 = tpu.vector_load %arg6[%swap3A_2289, %swap3A_2290] {strides = array<i32>} : memref<26x128xi32, #tpu.memory_space<vmem>>, vector<16xi32>,
      tpu.vector_store %arg6[%swap3A_2289, %swap3A_2290], %add3A_2287 {strides = array<i32>} : memref<26x128xi32, #tpu.memory_space<vmem>>, vector<16xi32>,
      %add3A_2292 = arith.constant 4406 : i32
      %add3A_2293 = vector.broadcast %add3A_2292 : i32 to vector<16xi32>
      %add3A_2294 = arith.addi %mul3A_16, %add3A_2293 : vector<16xi32>
      %gather3A_2295 = tpu.vector_load_idx %arg5[%add3A_2294] : memref<4992xi32, #tpu.memory_space<vmem>>[vector<16xi32>], vector<16xi32>,
      %add3A_2296 = arith.constant 2500000 : i32
      %add3A_2297 = vector.broadcast %add3A_2296 : i32 to vector<16xi32>
      %add3A_2298 = arith.addi %gather3A_2295, %add3A_2297 : vector<16xi32>
      %swap3A_2299 = arith.constant 25 : i32
      %swap3A_2300 = arith.index_cast %swap3A_2299 : i32 to index
      %swap3A_2301 = arith.constant 112 : index
      %swap3A_2302 = tpu.vector_load %arg6[%swap3A_2300, %swap3A_2301] {strides = array<i32>} : memref<26x128xi32, #tpu.memory_space<vmem>>, vector<16xi32>,
      tpu.vector_store %arg6[%swap3A_2300, %swap3A_2301], %add3A_2298 {strides = array<i32>} : memref<26x128xi32, #tpu.memory_space<vmem>>, vector<16xi32>,
      %dma_start3A = arith.constant 0 : i32
      %dma_start3A_2303 = arith.constant 0 : i32
      %dma_start3A_2304 = arith.constant 0 : i32
      %dma_start3A_2305 = arith.constant 0 : i32
      %dma_start3A_2306 = tpu.memref_slice %arg7[%dma_start3A_2303, %dma_start3A_2304, %dma_start3A_2305] : memref<26x128x16xf32, #tpu.memory_space<vmem>> -> memref<1x128x16xf32, #tpu.memory_space<vmem>>
      %dma_start3A_2307 = tpu.memref_squeeze %dma_start3A_2306 : memref<1x128x16xf32, #tpu.memory_space<vmem>> -> memref<128x16xf32, #tpu.memory_space<vmem>>
      %dma_start3A_2308 = arith.constant 0 : i32
      %dma_start3A_2309 = tpu.memref_slice %arg6[%dma_start3A, %dma_start3A_2308] : memref<26x128xi32, #tpu.memory_space<vmem>> -> memref<1x128xi32, #tpu.memory_space<vmem>>
      %dma_start3A_2310 = tpu.memref_squeeze %dma_start3A_2309 : memref<1x128xi32, #tpu.memory_space<vmem>> -> memref<128xi32, #tpu.memory_space<vmem>>
      %dma_start3A_2311 = arith.constant 0 : i32
      %dma_start3A_2312 = arith.constant 0 : i32
      %dma_start3A_2313 = tpu.memref_slice %arg3[%dma_start3A_2311, %dma_start3A_2312] : memref<2600000x16xf32, #tpu.memory_space<hbm>> -> memref<2600000x16xf32, #tpu.memory_space<hbm>>
      tpu.enqueue_indirect_dma source(%dma_start3A_2313 : memref<2600000x16xf32, #tpu.memory_space<hbm>>) target(%dma_start3A_2307 : memref<128x16xf32, #tpu.memory_space<vmem>>) offsets(%dma_start3A_2310 : memref<128xi32, #tpu.memory_space<vmem>>) semaphore(%arg9 : memref<!tpu.dma_semaphore, #tpu.memory_space<semaphore_mem>>)
      %dma_start3A_2314 = arith.constant 1 : i32
      %dma_start3A_2315 = arith.constant 1 : i32
      %dma_start3A_2316 = arith.constant 0 : i32
      %dma_start3A_2317 = arith.constant 0 : i32
      %dma_start3A_2318 = tpu.memref_slice %arg7[%dma_start3A_2315, %dma_start3A_2316, %dma_start3A_2317] : memref<26x128x16xf32, #tpu.memory_space<vmem>> -> memref<1x128x16xf32, #tpu.memory_space<vmem>>
      %dma_start3A_2319 = tpu.memref_squeeze %dma_start3A_2318 : memref<1x128x16xf32, #tpu.memory_space<vmem>> -> memref<128x16xf32, #tpu.memory_space<vmem>>
      %dma_start3A_2320 = arith.constant 0 : i32
      %dma_start3A_2321 = tpu.memref_slice %arg6[%dma_start3A_2314, %dma_start3A_2320] : memref<26x128xi32, #tpu.memory_space<vmem>> -> memref<1x128xi32, #tpu.memory_space<vmem>>
      %dma_start3A_2322 = tpu.memref_squeeze %dma_start3A_2321 : memref<1x128xi32, #tpu.memory_space<vmem>> -> memref<128xi32, #tpu.memory_space<vmem>>
      %dma_start3A_2323 = arith.constant 0 : i32
      %dma_start3A_2324 = arith.constant 0 : i32
      %dma_start3A_2325 = tpu.memref_slice %arg3[%dma_start3A_2323, %dma_start3A_2324] : memref<2600000x16xf32, #tpu.memory_space<hbm>> -> memref<2600000x16xf32, #tpu.memory_space<hbm>>
      tpu.enqueue_indirect_dma source(%dma_start3A_2325 : memref<2600000x16xf32, #tpu.memory_space<hbm>>) target(%dma_start3A_2319 : memref<128x16xf32, #tpu.memory_space<vmem>>) offsets(%dma_start3A_2322 : memref<128xi32, #tpu.memory_space<vmem>>) semaphore(%arg9 : memref<!tpu.dma_semaphore, #tpu.memory_space<semaphore_mem>>)
      %dma_start3A_2326 = arith.constant 2 : i32
      %dma_start3A_2327 = arith.constant 2 : i32
      %dma_start3A_2328 = arith.constant 0 : i32
      %dma_start3A_2329 = arith.constant 0 : i32
      %dma_start3A_2330 = tpu.memref_slice %arg7[%dma_start3A_2327, %dma_start3A_2328, %dma_start3A_2329] : memref<26x128x16xf32, #tpu.memory_space<vmem>> -> memref<1x128x16xf32, #tpu.memory_space<vmem>>
      %dma_start3A_2331 = tpu.memref_squeeze %dma_start3A_2330 : memref<1x128x16xf32, #tpu.memory_space<vmem>> -> memref<128x16xf32, #tpu.memory_space<vmem>>
      %dma_start3A_2332 = arith.constant 0 : i32
      %dma_start3A_2333 = tpu.memref_slice %arg6[%dma_start3A_2326, %dma_start3A_2332] : memref<26x128xi32, #tpu.memory_space<vmem>> -> memref<1x128xi32, #tpu.memory_space<vmem>>
      %dma_start3A_2334 = tpu.memref_squeeze %dma_start3A_2333 : memref<1x128xi32, #tpu.memory_space<vmem>> -> memref<128xi32, #tpu.memory_space<vmem>>
      %dma_start3A_2335 = arith.constant 0 : i32
      %dma_start3A_2336 = arith.constant 0 : i32
      %dma_start3A_2337 = tpu.memref_slice %arg3[%dma_start3A_2335, %dma_start3A_2336] : memref<2600000x16xf32, #tpu.memory_space<hbm>> -> memref<2600000x16xf32, #tpu.memory_space<hbm>>
      tpu.enqueue_indirect_dma source(%dma_start3A_2337 : memref<2600000x16xf32, #tpu.memory_space<hbm>>) target(%dma_start3A_2331 : memref<128x16xf32, #tpu.memory_space<vmem>>) offsets(%dma_start3A_2334 : memref<128xi32, #tpu.memory_space<vmem>>) semaphore(%arg9 : memref<!tpu.dma_semaphore, #tpu.memory_space<semaphore_mem>>)
      %dma_start3A_2338 = arith.constant 3 : i32
      %dma_start3A_2339 = arith.constant 3 : i32
      %dma_start3A_2340 = arith.constant 0 : i32
      %dma_start3A_2341 = arith.constant 0 : i32
      %dma_start3A_2342 = tpu.memref_slice %arg7[%dma_start3A_2339, %dma_start3A_2340, %dma_start3A_2341] : memref<26x128x16xf32, #tpu.memory_space<vmem>> -> memref<1x128x16xf32, #tpu.memory_space<vmem>>
      %dma_start3A_2343 = tpu.memref_squeeze %dma_start3A_2342 : memref<1x128x16xf32, #tpu.memory_space<vmem>> -> memref<128x16xf32, #tpu.memory_space<vmem>>
      %dma_start3A_2344 = arith.constant 0 : i32
      %dma_start3A_2345 = tpu.memref_slice %arg6[%dma_start3A_2338, %dma_start3A_2344] : memref<26x128xi32, #tpu.memory_space<vmem>> -> memref<1x128xi32, #tpu.memory_space<vmem>>
      %dma_start3A_2346 = tpu.memref_squeeze %dma_start3A_2345 : memref<1x128xi32, #tpu.memory_space<vmem>> -> memref<128xi32, #tpu.memory_space<vmem>>
      %dma_start3A_2347 = arith.constant 0 : i32
      %dma_start3A_2348 = arith.constant 0 : i32
      %dma_start3A_2349 = tpu.memref_slice %arg3[%dma_start3A_2347, %dma_start3A_2348] : memref<2600000x16xf32, #tpu.memory_space<hbm>> -> memref<2600000x16xf32, #tpu.memory_space<hbm>>
      tpu.enqueue_indirect_dma source(%dma_start3A_2349 : memref<2600000x16xf32, #tpu.memory_space<hbm>>) target(%dma_start3A_2343 : memref<128x16xf32, #tpu.memory_space<vmem>>) offsets(%dma_start3A_2346 : memref<128xi32, #tpu.memory_space<vmem>>) semaphore(%arg9 : memref<!tpu.dma_semaphore, #tpu.memory_space<semaphore_mem>>)
      %dma_start3A_2350 = arith.constant 4 : i32
      %dma_start3A_2351 = arith.constant 4 : i32
      %dma_start3A_2352 = arith.constant 0 : i32
      %dma_start3A_2353 = arith.constant 0 : i32
      %dma_start3A_2354 = tpu.memref_slice %arg7[%dma_start3A_2351, %dma_start3A_2352, %dma_start3A_2353] : memref<26x128x16xf32, #tpu.memory_space<vmem>> -> memref<1x128x16xf32, #tpu.memory_space<vmem>>
      %dma_start3A_2355 = tpu.memref_squeeze %dma_start3A_2354 : memref<1x128x16xf32, #tpu.memory_space<vmem>> -> memref<128x16xf32, #tpu.memory_space<vmem>>
      %dma_start3A_2356 = arith.constant 0 : i32
      %dma_start3A_2357 = tpu.memref_slice %arg6[%dma_start3A_2350, %dma_start3A_2356] : memref<26x128xi32, #tpu.memory_space<vmem>> -> memref<1x128xi32, #tpu.memory_space<vmem>>
      %dma_start3A_2358 = tpu.memref_squeeze %dma_start3A_2357 : memref<1x128xi32, #tpu.memory_space<vmem>> -> memref<128xi32, #tpu.memory_space<vmem>>
      %dma_start3A_2359 = arith.constant 0 : i32
      %dma_start3A_2360 = arith.constant 0 : i32
      %dma_start3A_2361 = tpu.memref_slice %arg3[%dma_start3A_2359, %dma_start3A_2360] : memref<2600000x16xf32, #tpu.memory_space<hbm>> -> memref<2600000x16xf32, #tpu.memory_space<hbm>>
      tpu.enqueue_indirect_dma source(%dma_start3A_2361 : memref<2600000x16xf32, #tpu.memory_space<hbm>>) target(%dma_start3A_2355 : memref<128x16xf32, #tpu.memory_space<vmem>>) offsets(%dma_start3A_2358 : memref<128xi32, #tpu.memory_space<vmem>>) semaphore(%arg9 : memref<!tpu.dma_semaphore, #tpu.memory_space<semaphore_mem>>)
      %dma_start3A_2362 = arith.constant 5 : i32
      %dma_start3A_2363 = arith.constant 5 : i32
      %dma_start3A_2364 = arith.constant 0 : i32
      %dma_start3A_2365 = arith.constant 0 : i32
      %dma_start3A_2366 = tpu.memref_slice %arg7[%dma_start3A_2363, %dma_start3A_2364, %dma_start3A_2365] : memref<26x128x16xf32, #tpu.memory_space<vmem>> -> memref<1x128x16xf32, #tpu.memory_space<vmem>>
      %dma_start3A_2367 = tpu.memref_squeeze %dma_start3A_2366 : memref<1x128x16xf32, #tpu.memory_space<vmem>> -> memref<128x16xf32, #tpu.memory_space<vmem>>
      %dma_start3A_2368 = arith.constant 0 : i32
      %dma_start3A_2369 = tpu.memref_slice %arg6[%dma_start3A_2362, %dma_start3A_2368] : memref<26x128xi32, #tpu.memory_space<vmem>> -> memref<1x128xi32, #tpu.memory_space<vmem>>
      %dma_start3A_2370 = tpu.memref_squeeze %dma_start3A_2369 : memref<1x128xi32, #tpu.memory_space<vmem>> -> memref<128xi32, #tpu.memory_space<vmem>>
      %dma_start3A_2371 = arith.constant 0 : i32
      %dma_start3A_2372 = arith.constant 0 : i32
      %dma_start3A_2373 = tpu.memref_slice %arg3[%dma_start3A_2371, %dma_start3A_2372] : memref<2600000x16xf32, #tpu.memory_space<hbm>> -> memref<2600000x16xf32, #tpu.memory_space<hbm>>
      tpu.enqueue_indirect_dma source(%dma_start3A_2373 : memref<2600000x16xf32, #tpu.memory_space<hbm>>) target(%dma_start3A_2367 : memref<128x16xf32, #tpu.memory_space<vmem>>) offsets(%dma_start3A_2370 : memref<128xi32, #tpu.memory_space<vmem>>) semaphore(%arg9 : memref<!tpu.dma_semaphore, #tpu.memory_space<semaphore_mem>>)
      %dma_start3A_2374 = arith.constant 6 : i32
      %dma_start3A_2375 = arith.constant 6 : i32
      %dma_start3A_2376 = arith.constant 0 : i32
      %dma_start3A_2377 = arith.constant 0 : i32
      %dma_start3A_2378 = tpu.memref_slice %arg7[%dma_start3A_2375, %dma_start3A_2376, %dma_start3A_2377] : memref<26x128x16xf32, #tpu.memory_space<vmem>> -> memref<1x128x16xf32, #tpu.memory_space<vmem>>
      %dma_start3A_2379 = tpu.memref_squeeze %dma_start3A_2378 : memref<1x128x16xf32, #tpu.memory_space<vmem>> -> memref<128x16xf32, #tpu.memory_space<vmem>>
      %dma_start3A_2380 = arith.constant 0 : i32
      %dma_start3A_2381 = tpu.memref_slice %arg6[%dma_start3A_2374, %dma_start3A_2380] : memref<26x128xi32, #tpu.memory_space<vmem>> -> memref<1x128xi32, #tpu.memory_space<vmem>>
      %dma_start3A_2382 = tpu.memref_squeeze %dma_start3A_2381 : memref<1x128xi32, #tpu.memory_space<vmem>> -> memref<128xi32, #tpu.memory_space<vmem>>
      %dma_start3A_2383 = arith.constant 0 : i32
      %dma_start3A_2384 = arith.constant 0 : i32
      %dma_start3A_2385 = tpu.memref_slice %arg3[%dma_start3A_2383, %dma_start3A_2384] : memref<2600000x16xf32, #tpu.memory_space<hbm>> -> memref<2600000x16xf32, #tpu.memory_space<hbm>>
      tpu.enqueue_indirect_dma source(%dma_start3A_2385 : memref<2600000x16xf32, #tpu.memory_space<hbm>>) target(%dma_start3A_2379 : memref<128x16xf32, #tpu.memory_space<vmem>>) offsets(%dma_start3A_2382 : memref<128xi32, #tpu.memory_space<vmem>>) semaphore(%arg9 : memref<!tpu.dma_semaphore, #tpu.memory_space<semaphore_mem>>)
      %dma_start3A_2386 = arith.constant 7 : i32
      %dma_start3A_2387 = arith.constant 7 : i32
      %dma_start3A_2388 = arith.constant 0 : i32
      %dma_start3A_2389 = arith.constant 0 : i32
      %dma_start3A_2390 = tpu.memref_slice %arg7[%dma_start3A_2387, %dma_start3A_2388, %dma_start3A_2389] : memref<26x128x16xf32, #tpu.memory_space<vmem>> -> memref<1x128x16xf32, #tpu.memory_space<vmem>>
      %dma_start3A_2391 = tpu.memref_squeeze %dma_start3A_2390 : memref<1x128x16xf32, #tpu.memory_space<vmem>> -> memref<128x16xf32, #tpu.memory_space<vmem>>
      %dma_start3A_2392 = arith.constant 0 : i32
      %dma_start3A_2393 = tpu.memref_slice %arg6[%dma_start3A_2386, %dma_start3A_2392] : memref<26x128xi32, #tpu.memory_space<vmem>> -> memref<1x128xi32, #tpu.memory_space<vmem>>
      %dma_start3A_2394 = tpu.memref_squeeze %dma_start3A_2393 : memref<1x128xi32, #tpu.memory_space<vmem>> -> memref<128xi32, #tpu.memory_space<vmem>>
      %dma_start3A_2395 = arith.constant 0 : i32
      %dma_start3A_2396 = arith.constant 0 : i32
      %dma_start3A_2397 = tpu.memref_slice %arg3[%dma_start3A_2395, %dma_start3A_2396] : memref<2600000x16xf32, #tpu.memory_space<hbm>> -> memref<2600000x16xf32, #tpu.memory_space<hbm>>
      tpu.enqueue_indirect_dma source(%dma_start3A_2397 : memref<2600000x16xf32, #tpu.memory_space<hbm>>) target(%dma_start3A_2391 : memref<128x16xf32, #tpu.memory_space<vmem>>) offsets(%dma_start3A_2394 : memref<128xi32, #tpu.memory_space<vmem>>) semaphore(%arg9 : memref<!tpu.dma_semaphore, #tpu.memory_space<semaphore_mem>>)
      %dma_start3A_2398 = arith.constant 8 : i32
      %dma_start3A_2399 = arith.constant 8 : i32
      %dma_start3A_2400 = arith.constant 0 : i32
      %dma_start3A_2401 = arith.constant 0 : i32
      %dma_start3A_2402 = tpu.memref_slice %arg7[%dma_start3A_2399, %dma_start3A_2400, %dma_start3A_2401] : memref<26x128x16xf32, #tpu.memory_space<vmem>> -> memref<1x128x16xf32, #tpu.memory_space<vmem>>
      %dma_start3A_2403 = tpu.memref_squeeze %dma_start3A_2402 : memref<1x128x16xf32, #tpu.memory_space<vmem>> -> memref<128x16xf32, #tpu.memory_space<vmem>>
      %dma_start3A_2404 = arith.constant 0 : i32
      %dma_start3A_2405 = tpu.memref_slice %arg6[%dma_start3A_2398, %dma_start3A_2404] : memref<26x128xi32, #tpu.memory_space<vmem>> -> memref<1x128xi32, #tpu.memory_space<vmem>>
      %dma_start3A_2406 = tpu.memref_squeeze %dma_start3A_2405 : memref<1x128xi32, #tpu.memory_space<vmem>> -> memref<128xi32, #tpu.memory_space<vmem>>
      %dma_start3A_2407 = arith.constant 0 : i32
      %dma_start3A_2408 = arith.constant 0 : i32
      %dma_start3A_2409 = tpu.memref_slice %arg3[%dma_start3A_2407, %dma_start3A_2408] : memref<2600000x16xf32, #tpu.memory_space<hbm>> -> memref<2600000x16xf32, #tpu.memory_space<hbm>>
      tpu.enqueue_indirect_dma source(%dma_start3A_2409 : memref<2600000x16xf32, #tpu.memory_space<hbm>>) target(%dma_start3A_2403 : memref<128x16xf32, #tpu.memory_space<vmem>>) offsets(%dma_start3A_2406 : memref<128xi32, #tpu.memory_space<vmem>>) semaphore(%arg9 : memref<!tpu.dma_semaphore, #tpu.memory_space<semaphore_mem>>)
      %dma_start3A_2410 = arith.constant 9 : i32
      %dma_start3A_2411 = arith.constant 9 : i32
      %dma_start3A_2412 = arith.constant 0 : i32
      %dma_start3A_2413 = arith.constant 0 : i32
      %dma_start3A_2414 = tpu.memref_slice %arg7[%dma_start3A_2411, %dma_start3A_2412, %dma_start3A_2413] : memref<26x128x16xf32, #tpu.memory_space<vmem>> -> memref<1x128x16xf32, #tpu.memory_space<vmem>>
      %dma_start3A_2415 = tpu.memref_squeeze %dma_start3A_2414 : memref<1x128x16xf32, #tpu.memory_space<vmem>> -> memref<128x16xf32, #tpu.memory_space<vmem>>
      %dma_start3A_2416 = arith.constant 0 : i32
      %dma_start3A_2417 = tpu.memref_slice %arg6[%dma_start3A_2410, %dma_start3A_2416] : memref<26x128xi32, #tpu.memory_space<vmem>> -> memref<1x128xi32, #tpu.memory_space<vmem>>
      %dma_start3A_2418 = tpu.memref_squeeze %dma_start3A_2417 : memref<1x128xi32, #tpu.memory_space<vmem>> -> memref<128xi32, #tpu.memory_space<vmem>>
      %dma_start3A_2419 = arith.constant 0 : i32
      %dma_start3A_2420 = arith.constant 0 : i32
      %dma_start3A_2421 = tpu.memref_slice %arg3[%dma_start3A_2419, %dma_start3A_2420] : memref<2600000x16xf32, #tpu.memory_space<hbm>> -> memref<2600000x16xf32, #tpu.memory_space<hbm>>
      tpu.enqueue_indirect_dma source(%dma_start3A_2421 : memref<2600000x16xf32, #tpu.memory_space<hbm>>) target(%dma_start3A_2415 : memref<128x16xf32, #tpu.memory_space<vmem>>) offsets(%dma_start3A_2418 : memref<128xi32, #tpu.memory_space<vmem>>) semaphore(%arg9 : memref<!tpu.dma_semaphore, #tpu.memory_space<semaphore_mem>>)
      %dma_start3A_2422 = arith.constant 10 : i32
      %dma_start3A_2423 = arith.constant 10 : i32
      %dma_start3A_2424 = arith.constant 0 : i32
      %dma_start3A_2425 = arith.constant 0 : i32
      %dma_start3A_2426 = tpu.memref_slice %arg7[%dma_start3A_2423, %dma_start3A_2424, %dma_start3A_2425] : memref<26x128x16xf32, #tpu.memory_space<vmem>> -> memref<1x128x16xf32, #tpu.memory_space<vmem>>
      %dma_start3A_2427 = tpu.memref_squeeze %dma_start3A_2426 : memref<1x128x16xf32, #tpu.memory_space<vmem>> -> memref<128x16xf32, #tpu.memory_space<vmem>>
      %dma_start3A_2428 = arith.constant 0 : i32
      %dma_start3A_2429 = tpu.memref_slice %arg6[%dma_start3A_2422, %dma_start3A_2428] : memref<26x128xi32, #tpu.memory_space<vmem>> -> memref<1x128xi32, #tpu.memory_space<vmem>>
      %dma_start3A_2430 = tpu.memref_squeeze %dma_start3A_2429 : memref<1x128xi32, #tpu.memory_space<vmem>> -> memref<128xi32, #tpu.memory_space<vmem>>
      %dma_start3A_2431 = arith.constant 0 : i32
      %dma_start3A_2432 = arith.constant 0 : i32
      %dma_start3A_2433 = tpu.memref_slice %arg3[%dma_start3A_2431, %dma_start3A_2432] : memref<2600000x16xf32, #tpu.memory_space<hbm>> -> memref<2600000x16xf32, #tpu.memory_space<hbm>>
      tpu.enqueue_indirect_dma source(%dma_start3A_2433 : memref<2600000x16xf32, #tpu.memory_space<hbm>>) target(%dma_start3A_2427 : memref<128x16xf32, #tpu.memory_space<vmem>>) offsets(%dma_start3A_2430 : memref<128xi32, #tpu.memory_space<vmem>>) semaphore(%arg9 : memref<!tpu.dma_semaphore, #tpu.memory_space<semaphore_mem>>)
      %dma_start3A_2434 = arith.constant 11 : i32
      %dma_start3A_2435 = arith.constant 11 : i32
      %dma_start3A_2436 = arith.constant 0 : i32
      %dma_start3A_2437 = arith.constant 0 : i32
      %dma_start3A_2438 = tpu.memref_slice %arg7[%dma_start3A_2435, %dma_start3A_2436, %dma_start3A_2437] : memref<26x128x16xf32, #tpu.memory_space<vmem>> -> memref<1x128x16xf32, #tpu.memory_space<vmem>>
      %dma_start3A_2439 = tpu.memref_squeeze %dma_start3A_2438 : memref<1x128x16xf32, #tpu.memory_space<vmem>> -> memref<128x16xf32, #tpu.memory_space<vmem>>
      %dma_start3A_2440 = arith.constant 0 : i32
      %dma_start3A_2441 = tpu.memref_slice %arg6[%dma_start3A_2434, %dma_start3A_2440] : memref<26x128xi32, #tpu.memory_space<vmem>> -> memref<1x128xi32, #tpu.memory_space<vmem>>
      %dma_start3A_2442 = tpu.memref_squeeze %dma_start3A_2441 : memref<1x128xi32, #tpu.memory_space<vmem>> -> memref<128xi32, #tpu.memory_space<vmem>>
      %dma_start3A_2443 = arith.constant 0 : i32
      %dma_start3A_2444 = arith.constant 0 : i32
      %dma_start3A_2445 = tpu.memref_slice %arg3[%dma_start3A_2443, %dma_start3A_2444] : memref<2600000x16xf32, #tpu.memory_space<hbm>> -> memref<2600000x16xf32, #tpu.memory_space<hbm>>
      tpu.enqueue_indirect_dma source(%dma_start3A_2445 : memref<2600000x16xf32, #tpu.memory_space<hbm>>) target(%dma_start3A_2439 : memref<128x16xf32, #tpu.memory_space<vmem>>) offsets(%dma_start3A_2442 : memref<128xi32, #tpu.memory_space<vmem>>) semaphore(%arg9 : memref<!tpu.dma_semaphore, #tpu.memory_space<semaphore_mem>>)
      %dma_start3A_2446 = arith.constant 12 : i32
      %dma_start3A_2447 = arith.constant 12 : i32
      %dma_start3A_2448 = arith.constant 0 : i32
      %dma_start3A_2449 = arith.constant 0 : i32
      %dma_start3A_2450 = tpu.memref_slice %arg7[%dma_start3A_2447, %dma_start3A_2448, %dma_start3A_2449] : memref<26x128x16xf32, #tpu.memory_space<vmem>> -> memref<1x128x16xf32, #tpu.memory_space<vmem>>
      %dma_start3A_2451 = tpu.memref_squeeze %dma_start3A_2450 : memref<1x128x16xf32, #tpu.memory_space<vmem>> -> memref<128x16xf32, #tpu.memory_space<vmem>>
      %dma_start3A_2452 = arith.constant 0 : i32
      %dma_start3A_2453 = tpu.memref_slice %arg6[%dma_start3A_2446, %dma_start3A_2452] : memref<26x128xi32, #tpu.memory_space<vmem>> -> memref<1x128xi32, #tpu.memory_space<vmem>>
      %dma_start3A_2454 = tpu.memref_squeeze %dma_start3A_2453 : memref<1x128xi32, #tpu.memory_space<vmem>> -> memref<128xi32, #tpu.memory_space<vmem>>
      %dma_start3A_2455 = arith.constant 0 : i32
      %dma_start3A_2456 = arith.constant 0 : i32
      %dma_start3A_2457 = tpu.memref_slice %arg3[%dma_start3A_2455, %dma_start3A_2456] : memref<2600000x16xf32, #tpu.memory_space<hbm>> -> memref<2600000x16xf32, #tpu.memory_space<hbm>>
      tpu.enqueue_indirect_dma source(%dma_start3A_2457 : memref<2600000x16xf32, #tpu.memory_space<hbm>>) target(%dma_start3A_2451 : memref<128x16xf32, #tpu.memory_space<vmem>>) offsets(%dma_start3A_2454 : memref<128xi32, #tpu.memory_space<vmem>>) semaphore(%arg9 : memref<!tpu.dma_semaphore, #tpu.memory_space<semaphore_mem>>)
      %dma_start3A_2458 = arith.constant 13 : i32
      %dma_start3A_2459 = arith.constant 13 : i32
      %dma_start3A_2460 = arith.constant 0 : i32
      %dma_start3A_2461 = arith.constant 0 : i32
      %dma_start3A_2462 = tpu.memref_slice %arg7[%dma_start3A_2459, %dma_start3A_2460, %dma_start3A_2461] : memref<26x128x16xf32, #tpu.memory_space<vmem>> -> memref<1x128x16xf32, #tpu.memory_space<vmem>>
      %dma_start3A_2463 = tpu.memref_squeeze %dma_start3A_2462 : memref<1x128x16xf32, #tpu.memory_space<vmem>> -> memref<128x16xf32, #tpu.memory_space<vmem>>
      %dma_start3A_2464 = arith.constant 0 : i32
      %dma_start3A_2465 = tpu.memref_slice %arg6[%dma_start3A_2458, %dma_start3A_2464] : memref<26x128xi32, #tpu.memory_space<vmem>> -> memref<1x128xi32, #tpu.memory_space<vmem>>
      %dma_start3A_2466 = tpu.memref_squeeze %dma_start3A_2465 : memref<1x128xi32, #tpu.memory_space<vmem>> -> memref<128xi32, #tpu.memory_space<vmem>>
      %dma_start3A_2467 = arith.constant 0 : i32
      %dma_start3A_2468 = arith.constant 0 : i32
      %dma_start3A_2469 = tpu.memref_slice %arg3[%dma_start3A_2467, %dma_start3A_2468] : memref<2600000x16xf32, #tpu.memory_space<hbm>> -> memref<2600000x16xf32, #tpu.memory_space<hbm>>
      tpu.enqueue_indirect_dma source(%dma_start3A_2469 : memref<2600000x16xf32, #tpu.memory_space<hbm>>) target(%dma_start3A_2463 : memref<128x16xf32, #tpu.memory_space<vmem>>) offsets(%dma_start3A_2466 : memref<128xi32, #tpu.memory_space<vmem>>) semaphore(%arg9 : memref<!tpu.dma_semaphore, #tpu.memory_space<semaphore_mem>>)
      %dma_start3A_2470 = arith.constant 14 : i32
      %dma_start3A_2471 = arith.constant 14 : i32
      %dma_start3A_2472 = arith.constant 0 : i32
      %dma_start3A_2473 = arith.constant 0 : i32
      %dma_start3A_2474 = tpu.memref_slice %arg7[%dma_start3A_2471, %dma_start3A_2472, %dma_start3A_2473] : memref<26x128x16xf32, #tpu.memory_space<vmem>> -> memref<1x128x16xf32, #tpu.memory_space<vmem>>
      %dma_start3A_2475 = tpu.memref_squeeze %dma_start3A_2474 : memref<1x128x16xf32, #tpu.memory_space<vmem>> -> memref<128x16xf32, #tpu.memory_space<vmem>>
      %dma_start3A_2476 = arith.constant 0 : i32
      %dma_start3A_2477 = tpu.memref_slice %arg6[%dma_start3A_2470, %dma_start3A_2476] : memref<26x128xi32, #tpu.memory_space<vmem>> -> memref<1x128xi32, #tpu.memory_space<vmem>>
      %dma_start3A_2478 = tpu.memref_squeeze %dma_start3A_2477 : memref<1x128xi32, #tpu.memory_space<vmem>> -> memref<128xi32, #tpu.memory_space<vmem>>
      %dma_start3A_2479 = arith.constant 0 : i32
      %dma_start3A_2480 = arith.constant 0 : i32
      %dma_start3A_2481 = tpu.memref_slice %arg3[%dma_start3A_2479, %dma_start3A_2480] : memref<2600000x16xf32, #tpu.memory_space<hbm>> -> memref<2600000x16xf32, #tpu.memory_space<hbm>>
      tpu.enqueue_indirect_dma source(%dma_start3A_2481 : memref<2600000x16xf32, #tpu.memory_space<hbm>>) target(%dma_start3A_2475 : memref<128x16xf32, #tpu.memory_space<vmem>>) offsets(%dma_start3A_2478 : memref<128xi32, #tpu.memory_space<vmem>>) semaphore(%arg9 : memref<!tpu.dma_semaphore, #tpu.memory_space<semaphore_mem>>)
      %dma_start3A_2482 = arith.constant 15 : i32
      %dma_start3A_2483 = arith.constant 15 : i32
      %dma_start3A_2484 = arith.constant 0 : i32
      %dma_start3A_2485 = arith.constant 0 : i32
      %dma_start3A_2486 = tpu.memref_slice %arg7[%dma_start3A_2483, %dma_start3A_2484, %dma_start3A_2485] : memref<26x128x16xf32, #tpu.memory_space<vmem>> -> memref<1x128x16xf32, #tpu.memory_space<vmem>>
      %dma_start3A_2487 = tpu.memref_squeeze %dma_start3A_2486 : memref<1x128x16xf32, #tpu.memory_space<vmem>> -> memref<128x16xf32, #tpu.memory_space<vmem>>
      %dma_start3A_2488 = arith.constant 0 : i32
      %dma_start3A_2489 = tpu.memref_slice %arg6[%dma_start3A_2482, %dma_start3A_2488] : memref<26x128xi32, #tpu.memory_space<vmem>> -> memref<1x128xi32, #tpu.memory_space<vmem>>
      %dma_start3A_2490 = tpu.memref_squeeze %dma_start3A_2489 : memref<1x128xi32, #tpu.memory_space<vmem>> -> memref<128xi32, #tpu.memory_space<vmem>>
      %dma_start3A_2491 = arith.constant 0 : i32
      %dma_start3A_2492 = arith.constant 0 : i32
      %dma_start3A_2493 = tpu.memref_slice %arg3[%dma_start3A_2491, %dma_start3A_2492] : memref<2600000x16xf32, #tpu.memory_space<hbm>> -> memref<2600000x16xf32, #tpu.memory_space<hbm>>
      tpu.enqueue_indirect_dma source(%dma_start3A_2493 : memref<2600000x16xf32, #tpu.memory_space<hbm>>) target(%dma_start3A_2487 : memref<128x16xf32, #tpu.memory_space<vmem>>) offsets(%dma_start3A_2490 : memref<128xi32, #tpu.memory_space<vmem>>) semaphore(%arg9 : memref<!tpu.dma_semaphore, #tpu.memory_space<semaphore_mem>>)
      %dma_start3A_2494 = arith.constant 16 : i32
      %dma_start3A_2495 = arith.constant 16 : i32
      %dma_start3A_2496 = arith.constant 0 : i32
      %dma_start3A_2497 = arith.constant 0 : i32
      %dma_start3A_2498 = tpu.memref_slice %arg7[%dma_start3A_2495, %dma_start3A_2496, %dma_start3A_2497] : memref<26x128x16xf32, #tpu.memory_space<vmem>> -> memref<1x128x16xf32, #tpu.memory_space<vmem>>
      %dma_start3A_2499 = tpu.memref_squeeze %dma_start3A_2498 : memref<1x128x16xf32, #tpu.memory_space<vmem>> -> memref<128x16xf32, #tpu.memory_space<vmem>>
      %dma_start3A_2500 = arith.constant 0 : i32
      %dma_start3A_2501 = tpu.memref_slice %arg6[%dma_start3A_2494, %dma_start3A_2500] : memref<26x128xi32, #tpu.memory_space<vmem>> -> memref<1x128xi32, #tpu.memory_space<vmem>>
      %dma_start3A_2502 = tpu.memref_squeeze %dma_start3A_2501 : memref<1x128xi32, #tpu.memory_space<vmem>> -> memref<128xi32, #tpu.memory_space<vmem>>
      %dma_start3A_2503 = arith.constant 0 : i32
      %dma_start3A_2504 = arith.constant 0 : i32
      %dma_start3A_2505 = tpu.memref_slice %arg3[%dma_start3A_2503, %dma_start3A_2504] : memref<2600000x16xf32, #tpu.memory_space<hbm>> -> memref<2600000x16xf32, #tpu.memory_space<hbm>>
      tpu.enqueue_indirect_dma source(%dma_start3A_2505 : memref<2600000x16xf32, #tpu.memory_space<hbm>>) target(%dma_start3A_2499 : memref<128x16xf32, #tpu.memory_space<vmem>>) offsets(%dma_start3A_2502 : memref<128xi32, #tpu.memory_space<vmem>>) semaphore(%arg9 : memref<!tpu.dma_semaphore, #tpu.memory_space<semaphore_mem>>)
      %dma_start3A_2506 = arith.constant 17 : i32
      %dma_start3A_2507 = arith.constant 17 : i32
      %dma_start3A_2508 = arith.constant 0 : i32
      %dma_start3A_2509 = arith.constant 0 : i32
      %dma_start3A_2510 = tpu.memref_slice %arg7[%dma_start3A_2507, %dma_start3A_2508, %dma_start3A_2509] : memref<26x128x16xf32, #tpu.memory_space<vmem>> -> memref<1x128x16xf32, #tpu.memory_space<vmem>>
      %dma_start3A_2511 = tpu.memref_squeeze %dma_start3A_2510 : memref<1x128x16xf32, #tpu.memory_space<vmem>> -> memref<128x16xf32, #tpu.memory_space<vmem>>
      %dma_start3A_2512 = arith.constant 0 : i32
      %dma_start3A_2513 = tpu.memref_slice %arg6[%dma_start3A_2506, %dma_start3A_2512] : memref<26x128xi32, #tpu.memory_space<vmem>> -> memref<1x128xi32, #tpu.memory_space<vmem>>
      %dma_start3A_2514 = tpu.memref_squeeze %dma_start3A_2513 : memref<1x128xi32, #tpu.memory_space<vmem>> -> memref<128xi32, #tpu.memory_space<vmem>>
      %dma_start3A_2515 = arith.constant 0 : i32
      %dma_start3A_2516 = arith.constant 0 : i32
      %dma_start3A_2517 = tpu.memref_slice %arg3[%dma_start3A_2515, %dma_start3A_2516] : memref<2600000x16xf32, #tpu.memory_space<hbm>> -> memref<2600000x16xf32, #tpu.memory_space<hbm>>
      tpu.enqueue_indirect_dma source(%dma_start3A_2517 : memref<2600000x16xf32, #tpu.memory_space<hbm>>) target(%dma_start3A_2511 : memref<128x16xf32, #tpu.memory_space<vmem>>) offsets(%dma_start3A_2514 : memref<128xi32, #tpu.memory_space<vmem>>) semaphore(%arg9 : memref<!tpu.dma_semaphore, #tpu.memory_space<semaphore_mem>>)
      %dma_start3A_2518 = arith.constant 18 : i32
      %dma_start3A_2519 = arith.constant 18 : i32
      %dma_start3A_2520 = arith.constant 0 : i32
      %dma_start3A_2521 = arith.constant 0 : i32
      %dma_start3A_2522 = tpu.memref_slice %arg7[%dma_start3A_2519, %dma_start3A_2520, %dma_start3A_2521] : memref<26x128x16xf32, #tpu.memory_space<vmem>> -> memref<1x128x16xf32, #tpu.memory_space<vmem>>
      %dma_start3A_2523 = tpu.memref_squeeze %dma_start3A_2522 : memref<1x128x16xf32, #tpu.memory_space<vmem>> -> memref<128x16xf32, #tpu.memory_space<vmem>>
      %dma_start3A_2524 = arith.constant 0 : i32
      %dma_start3A_2525 = tpu.memref_slice %arg6[%dma_start3A_2518, %dma_start3A_2524] : memref<26x128xi32, #tpu.memory_space<vmem>> -> memref<1x128xi32, #tpu.memory_space<vmem>>
      %dma_start3A_2526 = tpu.memref_squeeze %dma_start3A_2525 : memref<1x128xi32, #tpu.memory_space<vmem>> -> memref<128xi32, #tpu.memory_space<vmem>>
      %dma_start3A_2527 = arith.constant 0 : i32
      %dma_start3A_2528 = arith.constant 0 : i32
      %dma_start3A_2529 = tpu.memref_slice %arg3[%dma_start3A_2527, %dma_start3A_2528] : memref<2600000x16xf32, #tpu.memory_space<hbm>> -> memref<2600000x16xf32, #tpu.memory_space<hbm>>
      tpu.enqueue_indirect_dma source(%dma_start3A_2529 : memref<2600000x16xf32, #tpu.memory_space<hbm>>) target(%dma_start3A_2523 : memref<128x16xf32, #tpu.memory_space<vmem>>) offsets(%dma_start3A_2526 : memref<128xi32, #tpu.memory_space<vmem>>) semaphore(%arg9 : memref<!tpu.dma_semaphore, #tpu.memory_space<semaphore_mem>>)
      %dma_start3A_2530 = arith.constant 19 : i32
      %dma_start3A_2531 = arith.constant 19 : i32
      %dma_start3A_2532 = arith.constant 0 : i32
      %dma_start3A_2533 = arith.constant 0 : i32
      %dma_start3A_2534 = tpu.memref_slice %arg7[%dma_start3A_2531, %dma_start3A_2532, %dma_start3A_2533] : memref<26x128x16xf32, #tpu.memory_space<vmem>> -> memref<1x128x16xf32, #tpu.memory_space<vmem>>
      %dma_start3A_2535 = tpu.memref_squeeze %dma_start3A_2534 : memref<1x128x16xf32, #tpu.memory_space<vmem>> -> memref<128x16xf32, #tpu.memory_space<vmem>>
      %dma_start3A_2536 = arith.constant 0 : i32
      %dma_start3A_2537 = tpu.memref_slice %arg6[%dma_start3A_2530, %dma_start3A_2536] : memref<26x128xi32, #tpu.memory_space<vmem>> -> memref<1x128xi32, #tpu.memory_space<vmem>>
      %dma_start3A_2538 = tpu.memref_squeeze %dma_start3A_2537 : memref<1x128xi32, #tpu.memory_space<vmem>> -> memref<128xi32, #tpu.memory_space<vmem>>
      %dma_start3A_2539 = arith.constant 0 : i32
      %dma_start3A_2540 = arith.constant 0 : i32
      %dma_start3A_2541 = tpu.memref_slice %arg3[%dma_start3A_2539, %dma_start3A_2540] : memref<2600000x16xf32, #tpu.memory_space<hbm>> -> memref<2600000x16xf32, #tpu.memory_space<hbm>>
      tpu.enqueue_indirect_dma source(%dma_start3A_2541 : memref<2600000x16xf32, #tpu.memory_space<hbm>>) target(%dma_start3A_2535 : memref<128x16xf32, #tpu.memory_space<vmem>>) offsets(%dma_start3A_2538 : memref<128xi32, #tpu.memory_space<vmem>>) semaphore(%arg9 : memref<!tpu.dma_semaphore, #tpu.memory_space<semaphore_mem>>)
      %dma_start3A_2542 = arith.constant 20 : i32
      %dma_start3A_2543 = arith.constant 20 : i32
      %dma_start3A_2544 = arith.constant 0 : i32
      %dma_start3A_2545 = arith.constant 0 : i32
      %dma_start3A_2546 = tpu.memref_slice %arg7[%dma_start3A_2543, %dma_start3A_2544, %dma_start3A_2545] : memref<26x128x16xf32, #tpu.memory_space<vmem>> -> memref<1x128x16xf32, #tpu.memory_space<vmem>>
      %dma_start3A_2547 = tpu.memref_squeeze %dma_start3A_2546 : memref<1x128x16xf32, #tpu.memory_space<vmem>> -> memref<128x16xf32, #tpu.memory_space<vmem>>
      %dma_start3A_2548 = arith.constant 0 : i32
      %dma_start3A_2549 = tpu.memref_slice %arg6[%dma_start3A_2542, %dma_start3A_2548] : memref<26x128xi32, #tpu.memory_space<vmem>> -> memref<1x128xi32, #tpu.memory_space<vmem>>
      %dma_start3A_2550 = tpu.memref_squeeze %dma_start3A_2549 : memref<1x128xi32, #tpu.memory_space<vmem>> -> memref<128xi32, #tpu.memory_space<vmem>>
      %dma_start3A_2551 = arith.constant 0 : i32
      %dma_start3A_2552 = arith.constant 0 : i32
      %dma_start3A_2553 = tpu.memref_slice %arg3[%dma_start3A_2551, %dma_start3A_2552] : memref<2600000x16xf32, #tpu.memory_space<hbm>> -> memref<2600000x16xf32, #tpu.memory_space<hbm>>
      tpu.enqueue_indirect_dma source(%dma_start3A_2553 : memref<2600000x16xf32, #tpu.memory_space<hbm>>) target(%dma_start3A_2547 : memref<128x16xf32, #tpu.memory_space<vmem>>) offsets(%dma_start3A_2550 : memref<128xi32, #tpu.memory_space<vmem>>) semaphore(%arg9 : memref<!tpu.dma_semaphore, #tpu.memory_space<semaphore_mem>>)
      %dma_start3A_2554 = arith.constant 21 : i32
      %dma_start3A_2555 = arith.constant 21 : i32
      %dma_start3A_2556 = arith.constant 0 : i32
      %dma_start3A_2557 = arith.constant 0 : i32
      %dma_start3A_2558 = tpu.memref_slice %arg7[%dma_start3A_2555, %dma_start3A_2556, %dma_start3A_2557] : memref<26x128x16xf32, #tpu.memory_space<vmem>> -> memref<1x128x16xf32, #tpu.memory_space<vmem>>
      %dma_start3A_2559 = tpu.memref_squeeze %dma_start3A_2558 : memref<1x128x16xf32, #tpu.memory_space<vmem>> -> memref<128x16xf32, #tpu.memory_space<vmem>>
      %dma_start3A_2560 = arith.constant 0 : i32
      %dma_start3A_2561 = tpu.memref_slice %arg6[%dma_start3A_2554, %dma_start3A_2560] : memref<26x128xi32, #tpu.memory_space<vmem>> -> memref<1x128xi32, #tpu.memory_space<vmem>>
      %dma_start3A_2562 = tpu.memref_squeeze %dma_start3A_2561 : memref<1x128xi32, #tpu.memory_space<vmem>> -> memref<128xi32, #tpu.memory_space<vmem>>
      %dma_start3A_2563 = arith.constant 0 : i32
      %dma_start3A_2564 = arith.constant 0 : i32
      %dma_start3A_2565 = tpu.memref_slice %arg3[%dma_start3A_2563, %dma_start3A_2564] : memref<2600000x16xf32, #tpu.memory_space<hbm>> -> memref<2600000x16xf32, #tpu.memory_space<hbm>>
      tpu.enqueue_indirect_dma source(%dma_start3A_2565 : memref<2600000x16xf32, #tpu.memory_space<hbm>>) target(%dma_start3A_2559 : memref<128x16xf32, #tpu.memory_space<vmem>>) offsets(%dma_start3A_2562 : memref<128xi32, #tpu.memory_space<vmem>>) semaphore(%arg9 : memref<!tpu.dma_semaphore, #tpu.memory_space<semaphore_mem>>)
      %dma_start3A_2566 = arith.constant 22 : i32
      %dma_start3A_2567 = arith.constant 22 : i32
      %dma_start3A_2568 = arith.constant 0 : i32
      %dma_start3A_2569 = arith.constant 0 : i32
      %dma_start3A_2570 = tpu.memref_slice %arg7[%dma_start3A_2567, %dma_start3A_2568, %dma_start3A_2569] : memref<26x128x16xf32, #tpu.memory_space<vmem>> -> memref<1x128x16xf32, #tpu.memory_space<vmem>>
      %dma_start3A_2571 = tpu.memref_squeeze %dma_start3A_2570 : memref<1x128x16xf32, #tpu.memory_space<vmem>> -> memref<128x16xf32, #tpu.memory_space<vmem>>
      %dma_start3A_2572 = arith.constant 0 : i32
      %dma_start3A_2573 = tpu.memref_slice %arg6[%dma_start3A_2566, %dma_start3A_2572] : memref<26x128xi32, #tpu.memory_space<vmem>> -> memref<1x128xi32, #tpu.memory_space<vmem>>
      %dma_start3A_2574 = tpu.memref_squeeze %dma_start3A_2573 : memref<1x128xi32, #tpu.memory_space<vmem>> -> memref<128xi32, #tpu.memory_space<vmem>>
      %dma_start3A_2575 = arith.constant 0 : i32
      %dma_start3A_2576 = arith.constant 0 : i32
      %dma_start3A_2577 = tpu.memref_slice %arg3[%dma_start3A_2575, %dma_start3A_2576] : memref<2600000x16xf32, #tpu.memory_space<hbm>> -> memref<2600000x16xf32, #tpu.memory_space<hbm>>
      tpu.enqueue_indirect_dma source(%dma_start3A_2577 : memref<2600000x16xf32, #tpu.memory_space<hbm>>) target(%dma_start3A_2571 : memref<128x16xf32, #tpu.memory_space<vmem>>) offsets(%dma_start3A_2574 : memref<128xi32, #tpu.memory_space<vmem>>) semaphore(%arg9 : memref<!tpu.dma_semaphore, #tpu.memory_space<semaphore_mem>>)
      %dma_start3A_2578 = arith.constant 23 : i32
      %dma_start3A_2579 = arith.constant 23 : i32
      %dma_start3A_2580 = arith.constant 0 : i32
      %dma_start3A_2581 = arith.constant 0 : i32
      %dma_start3A_2582 = tpu.memref_slice %arg7[%dma_start3A_2579, %dma_start3A_2580, %dma_start3A_2581] : memref<26x128x16xf32, #tpu.memory_space<vmem>> -> memref<1x128x16xf32, #tpu.memory_space<vmem>>
      %dma_start3A_2583 = tpu.memref_squeeze %dma_start3A_2582 : memref<1x128x16xf32, #tpu.memory_space<vmem>> -> memref<128x16xf32, #tpu.memory_space<vmem>>
      %dma_start3A_2584 = arith.constant 0 : i32
      %dma_start3A_2585 = tpu.memref_slice %arg6[%dma_start3A_2578, %dma_start3A_2584] : memref<26x128xi32, #tpu.memory_space<vmem>> -> memref<1x128xi32, #tpu.memory_space<vmem>>
      %dma_start3A_2586 = tpu.memref_squeeze %dma_start3A_2585 : memref<1x128xi32, #tpu.memory_space<vmem>> -> memref<128xi32, #tpu.memory_space<vmem>>
      %dma_start3A_2587 = arith.constant 0 : i32
      %dma_start3A_2588 = arith.constant 0 : i32
      %dma_start3A_2589 = tpu.memref_slice %arg3[%dma_start3A_2587, %dma_start3A_2588] : memref<2600000x16xf32, #tpu.memory_space<hbm>> -> memref<2600000x16xf32, #tpu.memory_space<hbm>>
      tpu.enqueue_indirect_dma source(%dma_start3A_2589 : memref<2600000x16xf32, #tpu.memory_space<hbm>>) target(%dma_start3A_2583 : memref<128x16xf32, #tpu.memory_space<vmem>>) offsets(%dma_start3A_2586 : memref<128xi32, #tpu.memory_space<vmem>>) semaphore(%arg9 : memref<!tpu.dma_semaphore, #tpu.memory_space<semaphore_mem>>)
      %dma_start3A_2590 = arith.constant 24 : i32
      %dma_start3A_2591 = arith.constant 24 : i32
      %dma_start3A_2592 = arith.constant 0 : i32
      %dma_start3A_2593 = arith.constant 0 : i32
      %dma_start3A_2594 = tpu.memref_slice %arg7[%dma_start3A_2591, %dma_start3A_2592, %dma_start3A_2593] : memref<26x128x16xf32, #tpu.memory_space<vmem>> -> memref<1x128x16xf32, #tpu.memory_space<vmem>>
      %dma_start3A_2595 = tpu.memref_squeeze %dma_start3A_2594 : memref<1x128x16xf32, #tpu.memory_space<vmem>> -> memref<128x16xf32, #tpu.memory_space<vmem>>
      %dma_start3A_2596 = arith.constant 0 : i32
      %dma_start3A_2597 = tpu.memref_slice %arg6[%dma_start3A_2590, %dma_start3A_2596] : memref<26x128xi32, #tpu.memory_space<vmem>> -> memref<1x128xi32, #tpu.memory_space<vmem>>
      %dma_start3A_2598 = tpu.memref_squeeze %dma_start3A_2597 : memref<1x128xi32, #tpu.memory_space<vmem>> -> memref<128xi32, #tpu.memory_space<vmem>>
      %dma_start3A_2599 = arith.constant 0 : i32
      %dma_start3A_2600 = arith.constant 0 : i32
      %dma_start3A_2601 = tpu.memref_slice %arg3[%dma_start3A_2599, %dma_start3A_2600] : memref<2600000x16xf32, #tpu.memory_space<hbm>> -> memref<2600000x16xf32, #tpu.memory_space<hbm>>
      tpu.enqueue_indirect_dma source(%dma_start3A_2601 : memref<2600000x16xf32, #tpu.memory_space<hbm>>) target(%dma_start3A_2595 : memref<128x16xf32, #tpu.memory_space<vmem>>) offsets(%dma_start3A_2598 : memref<128xi32, #tpu.memory_space<vmem>>) semaphore(%arg9 : memref<!tpu.dma_semaphore, #tpu.memory_space<semaphore_mem>>)
      %dma_start3A_2602 = arith.constant 25 : i32
      %dma_start3A_2603 = arith.constant 25 : i32
      %dma_start3A_2604 = arith.constant 0 : i32
      %dma_start3A_2605 = arith.constant 0 : i32
      %dma_start3A_2606 = tpu.memref_slice %arg7[%dma_start3A_2603, %dma_start3A_2604, %dma_start3A_2605] : memref<26x128x16xf32, #tpu.memory_space<vmem>> -> memref<1x128x16xf32, #tpu.memory_space<vmem>>
      %dma_start3A_2607 = tpu.memref_squeeze %dma_start3A_2606 : memref<1x128x16xf32, #tpu.memory_space<vmem>> -> memref<128x16xf32, #tpu.memory_space<vmem>>
      %dma_start3A_2608 = arith.constant 0 : i32
      %dma_start3A_2609 = tpu.memref_slice %arg6[%dma_start3A_2602, %dma_start3A_2608] : memref<26x128xi32, #tpu.memory_space<vmem>> -> memref<1x128xi32, #tpu.memory_space<vmem>>
      %dma_start3A_2610 = tpu.memref_squeeze %dma_start3A_2609 : memref<1x128xi32, #tpu.memory_space<vmem>> -> memref<128xi32, #tpu.memory_space<vmem>>
      %dma_start3A_2611 = arith.constant 0 : i32
      %dma_start3A_2612 = arith.constant 0 : i32
      %dma_start3A_2613 = tpu.memref_slice %arg3[%dma_start3A_2611, %dma_start3A_2612] : memref<2600000x16xf32, #tpu.memory_space<hbm>> -> memref<2600000x16xf32, #tpu.memory_space<hbm>>
      tpu.enqueue_indirect_dma source(%dma_start3A_2613 : memref<2600000x16xf32, #tpu.memory_space<hbm>>) target(%dma_start3A_2607 : memref<128x16xf32, #tpu.memory_space<vmem>>) offsets(%dma_start3A_2610 : memref<128xi32, #tpu.memory_space<vmem>>) semaphore(%arg9 : memref<!tpu.dma_semaphore, #tpu.memory_space<semaphore_mem>>)
      %dma_wait3A = arith.constant 0 : i32
      %dma_wait3A_2614 = arith.constant 0 : i32
      %dma_wait3A_2615 = arith.constant 0 : i32
      %dma_wait3A_2616 = arith.constant 0 : i32
      %dma_wait3A_2617 = tpu.memref_slice %arg7[%dma_wait3A_2614, %dma_wait3A_2615, %dma_wait3A_2616] : memref<26x128x16xf32, #tpu.memory_space<vmem>> -> memref<1x128x16xf32, #tpu.memory_space<vmem>>
      %dma_wait3A_2618 = tpu.memref_squeeze %dma_wait3A_2617 : memref<1x128x16xf32, #tpu.memory_space<vmem>> -> memref<128x16xf32, #tpu.memory_space<vmem>>
      %dma_wait3A_2619 = arith.constant 0 : i32
      %dma_wait3A_2620 = tpu.memref_slice %arg6[%dma_wait3A, %dma_wait3A_2619] : memref<26x128xi32, #tpu.memory_space<vmem>> -> memref<1x128xi32, #tpu.memory_space<vmem>>
      %dma_wait3A_2621 = tpu.memref_squeeze %dma_wait3A_2620 : memref<1x128xi32, #tpu.memory_space<vmem>> -> memref<128xi32, #tpu.memory_space<vmem>>
      %dma_wait3A_2622 = arith.constant 0 : i32
      %dma_wait3A_2623 = arith.constant 0 : i32
      %dma_wait3A_2624 = tpu.memref_slice %arg3[%dma_wait3A_2622, %dma_wait3A_2623] : memref<2600000x16xf32, #tpu.memory_space<hbm>> -> memref<2600000x16xf32, #tpu.memory_space<hbm>>
      tpu.wait_indirect_dma semaphore(%arg9 : memref<!tpu.dma_semaphore, #tpu.memory_space<semaphore_mem>>) src(%dma_wait3A_2624 : memref<2600000x16xf32, #tpu.memory_space<hbm>>) dst(%dma_wait3A_2618 : memref<128x16xf32, #tpu.memory_space<vmem>>)
      %dma_wait3A_2625 = arith.constant 1 : i32
      %dma_wait3A_2626 = arith.constant 1 : i32
      %dma_wait3A_2627 = arith.constant 0 : i32
      %dma_wait3A_2628 = arith.constant 0 : i32
      %dma_wait3A_2629 = tpu.memref_slice %arg7[%dma_wait3A_2626, %dma_wait3A_2627, %dma_wait3A_2628] : memref<26x128x16xf32, #tpu.memory_space<vmem>> -> memref<1x128x16xf32, #tpu.memory_space<vmem>>
      %dma_wait3A_2630 = tpu.memref_squeeze %dma_wait3A_2629 : memref<1x128x16xf32, #tpu.memory_space<vmem>> -> memref<128x16xf32, #tpu.memory_space<vmem>>
      %dma_wait3A_2631 = arith.constant 0 : i32
      %dma_wait3A_2632 = tpu.memref_slice %arg6[%dma_wait3A_2625, %dma_wait3A_2631] : memref<26x128xi32, #tpu.memory_space<vmem>> -> memref<1x128xi32, #tpu.memory_space<vmem>>
      %dma_wait3A_2633 = tpu.memref_squeeze %dma_wait3A_2632 : memref<1x128xi32, #tpu.memory_space<vmem>> -> memref<128xi32, #tpu.memory_space<vmem>>
      %dma_wait3A_2634 = arith.constant 0 : i32
      %dma_wait3A_2635 = arith.constant 0 : i32
      %dma_wait3A_2636 = tpu.memref_slice %arg3[%dma_wait3A_2634, %dma_wait3A_2635] : memref<2600000x16xf32, #tpu.memory_space<hbm>> -> memref<2600000x16xf32, #tpu.memory_space<hbm>>
      tpu.wait_indirect_dma semaphore(%arg9 : memref<!tpu.dma_semaphore, #tpu.memory_space<semaphore_mem>>) src(%dma_wait3A_2636 : memref<2600000x16xf32, #tpu.memory_space<hbm>>) dst(%dma_wait3A_2630 : memref<128x16xf32, #tpu.memory_space<vmem>>)
      %dma_wait3A_2637 = arith.constant 2 : i32
      %dma_wait3A_2638 = arith.constant 2 : i32
      %dma_wait3A_2639 = arith.constant 0 : i32
      %dma_wait3A_2640 = arith.constant 0 : i32
      %dma_wait3A_2641 = tpu.memref_slice %arg7[%dma_wait3A_2638, %dma_wait3A_2639, %dma_wait3A_2640] : memref<26x128x16xf32, #tpu.memory_space<vmem>> -> memref<1x128x16xf32, #tpu.memory_space<vmem>>
      %dma_wait3A_2642 = tpu.memref_squeeze %dma_wait3A_2641 : memref<1x128x16xf32, #tpu.memory_space<vmem>> -> memref<128x16xf32, #tpu.memory_space<vmem>>
      %dma_wait3A_2643 = arith.constant 0 : i32
      %dma_wait3A_2644 = tpu.memref_slice %arg6[%dma_wait3A_2637, %dma_wait3A_2643] : memref<26x128xi32, #tpu.memory_space<vmem>> -> memref<1x128xi32, #tpu.memory_space<vmem>>
      %dma_wait3A_2645 = tpu.memref_squeeze %dma_wait3A_2644 : memref<1x128xi32, #tpu.memory_space<vmem>> -> memref<128xi32, #tpu.memory_space<vmem>>
      %dma_wait3A_2646 = arith.constant 0 : i32
      %dma_wait3A_2647 = arith.constant 0 : i32
      %dma_wait3A_2648 = tpu.memref_slice %arg3[%dma_wait3A_2646, %dma_wait3A_2647] : memref<2600000x16xf32, #tpu.memory_space<hbm>> -> memref<2600000x16xf32, #tpu.memory_space<hbm>>
      tpu.wait_indirect_dma semaphore(%arg9 : memref<!tpu.dma_semaphore, #tpu.memory_space<semaphore_mem>>) src(%dma_wait3A_2648 : memref<2600000x16xf32, #tpu.memory_space<hbm>>) dst(%dma_wait3A_2642 : memref<128x16xf32, #tpu.memory_space<vmem>>)
      %dma_wait3A_2649 = arith.constant 3 : i32
      %dma_wait3A_2650 = arith.constant 3 : i32
      %dma_wait3A_2651 = arith.constant 0 : i32
      %dma_wait3A_2652 = arith.constant 0 : i32
      %dma_wait3A_2653 = tpu.memref_slice %arg7[%dma_wait3A_2650, %dma_wait3A_2651, %dma_wait3A_2652] : memref<26x128x16xf32, #tpu.memory_space<vmem>> -> memref<1x128x16xf32, #tpu.memory_space<vmem>>
      %dma_wait3A_2654 = tpu.memref_squeeze %dma_wait3A_2653 : memref<1x128x16xf32, #tpu.memory_space<vmem>> -> memref<128x16xf32, #tpu.memory_space<vmem>>
      %dma_wait3A_2655 = arith.constant 0 : i32
      %dma_wait3A_2656 = tpu.memref_slice %arg6[%dma_wait3A_2649, %dma_wait3A_2655] : memref<26x128xi32, #tpu.memory_space<vmem>> -> memref<1x128xi32, #tpu.memory_space<vmem>>
      %dma_wait3A_2657 = tpu.memref_squeeze %dma_wait3A_2656 : memref<1x128xi32, #tpu.memory_space<vmem>> -> memref<128xi32, #tpu.memory_space<vmem>>
      %dma_wait3A_2658 = arith.constant 0 : i32
      %dma_wait3A_2659 = arith.constant 0 : i32
      %dma_wait3A_2660 = tpu.memref_slice %arg3[%dma_wait3A_2658, %dma_wait3A_2659] : memref<2600000x16xf32, #tpu.memory_space<hbm>> -> memref<2600000x16xf32, #tpu.memory_space<hbm>>
      tpu.wait_indirect_dma semaphore(%arg9 : memref<!tpu.dma_semaphore, #tpu.memory_space<semaphore_mem>>) src(%dma_wait3A_2660 : memref<2600000x16xf32, #tpu.memory_space<hbm>>) dst(%dma_wait3A_2654 : memref<128x16xf32, #tpu.memory_space<vmem>>)
      %dma_wait3A_2661 = arith.constant 4 : i32
      %dma_wait3A_2662 = arith.constant 4 : i32
      %dma_wait3A_2663 = arith.constant 0 : i32
      %dma_wait3A_2664 = arith.constant 0 : i32
      %dma_wait3A_2665 = tpu.memref_slice %arg7[%dma_wait3A_2662, %dma_wait3A_2663, %dma_wait3A_2664] : memref<26x128x16xf32, #tpu.memory_space<vmem>> -> memref<1x128x16xf32, #tpu.memory_space<vmem>>
      %dma_wait3A_2666 = tpu.memref_squeeze %dma_wait3A_2665 : memref<1x128x16xf32, #tpu.memory_space<vmem>> -> memref<128x16xf32, #tpu.memory_space<vmem>>
      %dma_wait3A_2667 = arith.constant 0 : i32
      %dma_wait3A_2668 = tpu.memref_slice %arg6[%dma_wait3A_2661, %dma_wait3A_2667] : memref<26x128xi32, #tpu.memory_space<vmem>> -> memref<1x128xi32, #tpu.memory_space<vmem>>
      %dma_wait3A_2669 = tpu.memref_squeeze %dma_wait3A_2668 : memref<1x128xi32, #tpu.memory_space<vmem>> -> memref<128xi32, #tpu.memory_space<vmem>>
      %dma_wait3A_2670 = arith.constant 0 : i32
      %dma_wait3A_2671 = arith.constant 0 : i32
      %dma_wait3A_2672 = tpu.memref_slice %arg3[%dma_wait3A_2670, %dma_wait3A_2671] : memref<2600000x16xf32, #tpu.memory_space<hbm>> -> memref<2600000x16xf32, #tpu.memory_space<hbm>>
      tpu.wait_indirect_dma semaphore(%arg9 : memref<!tpu.dma_semaphore, #tpu.memory_space<semaphore_mem>>) src(%dma_wait3A_2672 : memref<2600000x16xf32, #tpu.memory_space<hbm>>) dst(%dma_wait3A_2666 : memref<128x16xf32, #tpu.memory_space<vmem>>)
      %dma_wait3A_2673 = arith.constant 5 : i32
      %dma_wait3A_2674 = arith.constant 5 : i32
      %dma_wait3A_2675 = arith.constant 0 : i32
      %dma_wait3A_2676 = arith.constant 0 : i32
      %dma_wait3A_2677 = tpu.memref_slice %arg7[%dma_wait3A_2674, %dma_wait3A_2675, %dma_wait3A_2676] : memref<26x128x16xf32, #tpu.memory_space<vmem>> -> memref<1x128x16xf32, #tpu.memory_space<vmem>>
      %dma_wait3A_2678 = tpu.memref_squeeze %dma_wait3A_2677 : memref<1x128x16xf32, #tpu.memory_space<vmem>> -> memref<128x16xf32, #tpu.memory_space<vmem>>
      %dma_wait3A_2679 = arith.constant 0 : i32
      %dma_wait3A_2680 = tpu.memref_slice %arg6[%dma_wait3A_2673, %dma_wait3A_2679] : memref<26x128xi32, #tpu.memory_space<vmem>> -> memref<1x128xi32, #tpu.memory_space<vmem>>
      %dma_wait3A_2681 = tpu.memref_squeeze %dma_wait3A_2680 : memref<1x128xi32, #tpu.memory_space<vmem>> -> memref<128xi32, #tpu.memory_space<vmem>>
      %dma_wait3A_2682 = arith.constant 0 : i32
      %dma_wait3A_2683 = arith.constant 0 : i32
      %dma_wait3A_2684 = tpu.memref_slice %arg3[%dma_wait3A_2682, %dma_wait3A_2683] : memref<2600000x16xf32, #tpu.memory_space<hbm>> -> memref<2600000x16xf32, #tpu.memory_space<hbm>>
      tpu.wait_indirect_dma semaphore(%arg9 : memref<!tpu.dma_semaphore, #tpu.memory_space<semaphore_mem>>) src(%dma_wait3A_2684 : memref<2600000x16xf32, #tpu.memory_space<hbm>>) dst(%dma_wait3A_2678 : memref<128x16xf32, #tpu.memory_space<vmem>>)
      %dma_wait3A_2685 = arith.constant 6 : i32
      %dma_wait3A_2686 = arith.constant 6 : i32
      %dma_wait3A_2687 = arith.constant 0 : i32
      %dma_wait3A_2688 = arith.constant 0 : i32
      %dma_wait3A_2689 = tpu.memref_slice %arg7[%dma_wait3A_2686, %dma_wait3A_2687, %dma_wait3A_2688] : memref<26x128x16xf32, #tpu.memory_space<vmem>> -> memref<1x128x16xf32, #tpu.memory_space<vmem>>
      %dma_wait3A_2690 = tpu.memref_squeeze %dma_wait3A_2689 : memref<1x128x16xf32, #tpu.memory_space<vmem>> -> memref<128x16xf32, #tpu.memory_space<vmem>>
      %dma_wait3A_2691 = arith.constant 0 : i32
      %dma_wait3A_2692 = tpu.memref_slice %arg6[%dma_wait3A_2685, %dma_wait3A_2691] : memref<26x128xi32, #tpu.memory_space<vmem>> -> memref<1x128xi32, #tpu.memory_space<vmem>>
      %dma_wait3A_2693 = tpu.memref_squeeze %dma_wait3A_2692 : memref<1x128xi32, #tpu.memory_space<vmem>> -> memref<128xi32, #tpu.memory_space<vmem>>
      %dma_wait3A_2694 = arith.constant 0 : i32
      %dma_wait3A_2695 = arith.constant 0 : i32
      %dma_wait3A_2696 = tpu.memref_slice %arg3[%dma_wait3A_2694, %dma_wait3A_2695] : memref<2600000x16xf32, #tpu.memory_space<hbm>> -> memref<2600000x16xf32, #tpu.memory_space<hbm>>
      tpu.wait_indirect_dma semaphore(%arg9 : memref<!tpu.dma_semaphore, #tpu.memory_space<semaphore_mem>>) src(%dma_wait3A_2696 : memref<2600000x16xf32, #tpu.memory_space<hbm>>) dst(%dma_wait3A_2690 : memref<128x16xf32, #tpu.memory_space<vmem>>)
      %dma_wait3A_2697 = arith.constant 7 : i32
      %dma_wait3A_2698 = arith.constant 7 : i32
      %dma_wait3A_2699 = arith.constant 0 : i32
      %dma_wait3A_2700 = arith.constant 0 : i32
      %dma_wait3A_2701 = tpu.memref_slice %arg7[%dma_wait3A_2698, %dma_wait3A_2699, %dma_wait3A_2700] : memref<26x128x16xf32, #tpu.memory_space<vmem>> -> memref<1x128x16xf32, #tpu.memory_space<vmem>>
      %dma_wait3A_2702 = tpu.memref_squeeze %dma_wait3A_2701 : memref<1x128x16xf32, #tpu.memory_space<vmem>> -> memref<128x16xf32, #tpu.memory_space<vmem>>
      %dma_wait3A_2703 = arith.constant 0 : i32
      %dma_wait3A_2704 = tpu.memref_slice %arg6[%dma_wait3A_2697, %dma_wait3A_2703] : memref<26x128xi32, #tpu.memory_space<vmem>> -> memref<1x128xi32, #tpu.memory_space<vmem>>
      %dma_wait3A_2705 = tpu.memref_squeeze %dma_wait3A_2704 : memref<1x128xi32, #tpu.memory_space<vmem>> -> memref<128xi32, #tpu.memory_space<vmem>>
      %dma_wait3A_2706 = arith.constant 0 : i32
      %dma_wait3A_2707 = arith.constant 0 : i32
      %dma_wait3A_2708 = tpu.memref_slice %arg3[%dma_wait3A_2706, %dma_wait3A_2707] : memref<2600000x16xf32, #tpu.memory_space<hbm>> -> memref<2600000x16xf32, #tpu.memory_space<hbm>>
      tpu.wait_indirect_dma semaphore(%arg9 : memref<!tpu.dma_semaphore, #tpu.memory_space<semaphore_mem>>) src(%dma_wait3A_2708 : memref<2600000x16xf32, #tpu.memory_space<hbm>>) dst(%dma_wait3A_2702 : memref<128x16xf32, #tpu.memory_space<vmem>>)
      %dma_wait3A_2709 = arith.constant 8 : i32
      %dma_wait3A_2710 = arith.constant 8 : i32
      %dma_wait3A_2711 = arith.constant 0 : i32
      %dma_wait3A_2712 = arith.constant 0 : i32
      %dma_wait3A_2713 = tpu.memref_slice %arg7[%dma_wait3A_2710, %dma_wait3A_2711, %dma_wait3A_2712] : memref<26x128x16xf32, #tpu.memory_space<vmem>> -> memref<1x128x16xf32, #tpu.memory_space<vmem>>
      %dma_wait3A_2714 = tpu.memref_squeeze %dma_wait3A_2713 : memref<1x128x16xf32, #tpu.memory_space<vmem>> -> memref<128x16xf32, #tpu.memory_space<vmem>>
      %dma_wait3A_2715 = arith.constant 0 : i32
      %dma_wait3A_2716 = tpu.memref_slice %arg6[%dma_wait3A_2709, %dma_wait3A_2715] : memref<26x128xi32, #tpu.memory_space<vmem>> -> memref<1x128xi32, #tpu.memory_space<vmem>>
      %dma_wait3A_2717 = tpu.memref_squeeze %dma_wait3A_2716 : memref<1x128xi32, #tpu.memory_space<vmem>> -> memref<128xi32, #tpu.memory_space<vmem>>
      %dma_wait3A_2718 = arith.constant 0 : i32
      %dma_wait3A_2719 = arith.constant 0 : i32
      %dma_wait3A_2720 = tpu.memref_slice %arg3[%dma_wait3A_2718, %dma_wait3A_2719] : memref<2600000x16xf32, #tpu.memory_space<hbm>> -> memref<2600000x16xf32, #tpu.memory_space<hbm>>
      tpu.wait_indirect_dma semaphore(%arg9 : memref<!tpu.dma_semaphore, #tpu.memory_space<semaphore_mem>>) src(%dma_wait3A_2720 : memref<2600000x16xf32, #tpu.memory_space<hbm>>) dst(%dma_wait3A_2714 : memref<128x16xf32, #tpu.memory_space<vmem>>)
      %dma_wait3A_2721 = arith.constant 9 : i32
      %dma_wait3A_2722 = arith.constant 9 : i32
      %dma_wait3A_2723 = arith.constant 0 : i32
      %dma_wait3A_2724 = arith.constant 0 : i32
      %dma_wait3A_2725 = tpu.memref_slice %arg7[%dma_wait3A_2722, %dma_wait3A_2723, %dma_wait3A_2724] : memref<26x128x16xf32, #tpu.memory_space<vmem>> -> memref<1x128x16xf32, #tpu.memory_space<vmem>>
      %dma_wait3A_2726 = tpu.memref_squeeze %dma_wait3A_2725 : memref<1x128x16xf32, #tpu.memory_space<vmem>> -> memref<128x16xf32, #tpu.memory_space<vmem>>
      %dma_wait3A_2727 = arith.constant 0 : i32
      %dma_wait3A_2728 = tpu.memref_slice %arg6[%dma_wait3A_2721, %dma_wait3A_2727] : memref<26x128xi32, #tpu.memory_space<vmem>> -> memref<1x128xi32, #tpu.memory_space<vmem>>
      %dma_wait3A_2729 = tpu.memref_squeeze %dma_wait3A_2728 : memref<1x128xi32, #tpu.memory_space<vmem>> -> memref<128xi32, #tpu.memory_space<vmem>>
      %dma_wait3A_2730 = arith.constant 0 : i32
      %dma_wait3A_2731 = arith.constant 0 : i32
      %dma_wait3A_2732 = tpu.memref_slice %arg3[%dma_wait3A_2730, %dma_wait3A_2731] : memref<2600000x16xf32, #tpu.memory_space<hbm>> -> memref<2600000x16xf32, #tpu.memory_space<hbm>>
      tpu.wait_indirect_dma semaphore(%arg9 : memref<!tpu.dma_semaphore, #tpu.memory_space<semaphore_mem>>) src(%dma_wait3A_2732 : memref<2600000x16xf32, #tpu.memory_space<hbm>>) dst(%dma_wait3A_2726 : memref<128x16xf32, #tpu.memory_space<vmem>>)
      %dma_wait3A_2733 = arith.constant 10 : i32
      %dma_wait3A_2734 = arith.constant 10 : i32
      %dma_wait3A_2735 = arith.constant 0 : i32
      %dma_wait3A_2736 = arith.constant 0 : i32
      %dma_wait3A_2737 = tpu.memref_slice %arg7[%dma_wait3A_2734, %dma_wait3A_2735, %dma_wait3A_2736] : memref<26x128x16xf32, #tpu.memory_space<vmem>> -> memref<1x128x16xf32, #tpu.memory_space<vmem>>
      %dma_wait3A_2738 = tpu.memref_squeeze %dma_wait3A_2737 : memref<1x128x16xf32, #tpu.memory_space<vmem>> -> memref<128x16xf32, #tpu.memory_space<vmem>>
      %dma_wait3A_2739 = arith.constant 0 : i32
      %dma_wait3A_2740 = tpu.memref_slice %arg6[%dma_wait3A_2733, %dma_wait3A_2739] : memref<26x128xi32, #tpu.memory_space<vmem>> -> memref<1x128xi32, #tpu.memory_space<vmem>>
      %dma_wait3A_2741 = tpu.memref_squeeze %dma_wait3A_2740 : memref<1x128xi32, #tpu.memory_space<vmem>> -> memref<128xi32, #tpu.memory_space<vmem>>
      %dma_wait3A_2742 = arith.constant 0 : i32
      %dma_wait3A_2743 = arith.constant 0 : i32
      %dma_wait3A_2744 = tpu.memref_slice %arg3[%dma_wait3A_2742, %dma_wait3A_2743] : memref<2600000x16xf32, #tpu.memory_space<hbm>> -> memref<2600000x16xf32, #tpu.memory_space<hbm>>
      tpu.wait_indirect_dma semaphore(%arg9 : memref<!tpu.dma_semaphore, #tpu.memory_space<semaphore_mem>>) src(%dma_wait3A_2744 : memref<2600000x16xf32, #tpu.memory_space<hbm>>) dst(%dma_wait3A_2738 : memref<128x16xf32, #tpu.memory_space<vmem>>)
      %dma_wait3A_2745 = arith.constant 11 : i32
      %dma_wait3A_2746 = arith.constant 11 : i32
      %dma_wait3A_2747 = arith.constant 0 : i32
      %dma_wait3A_2748 = arith.constant 0 : i32
      %dma_wait3A_2749 = tpu.memref_slice %arg7[%dma_wait3A_2746, %dma_wait3A_2747, %dma_wait3A_2748] : memref<26x128x16xf32, #tpu.memory_space<vmem>> -> memref<1x128x16xf32, #tpu.memory_space<vmem>>
      %dma_wait3A_2750 = tpu.memref_squeeze %dma_wait3A_2749 : memref<1x128x16xf32, #tpu.memory_space<vmem>> -> memref<128x16xf32, #tpu.memory_space<vmem>>
      %dma_wait3A_2751 = arith.constant 0 : i32
      %dma_wait3A_2752 = tpu.memref_slice %arg6[%dma_wait3A_2745, %dma_wait3A_2751] : memref<26x128xi32, #tpu.memory_space<vmem>> -> memref<1x128xi32, #tpu.memory_space<vmem>>
      %dma_wait3A_2753 = tpu.memref_squeeze %dma_wait3A_2752 : memref<1x128xi32, #tpu.memory_space<vmem>> -> memref<128xi32, #tpu.memory_space<vmem>>
      %dma_wait3A_2754 = arith.constant 0 : i32
      %dma_wait3A_2755 = arith.constant 0 : i32
      %dma_wait3A_2756 = tpu.memref_slice %arg3[%dma_wait3A_2754, %dma_wait3A_2755] : memref<2600000x16xf32, #tpu.memory_space<hbm>> -> memref<2600000x16xf32, #tpu.memory_space<hbm>>
      tpu.wait_indirect_dma semaphore(%arg9 : memref<!tpu.dma_semaphore, #tpu.memory_space<semaphore_mem>>) src(%dma_wait3A_2756 : memref<2600000x16xf32, #tpu.memory_space<hbm>>) dst(%dma_wait3A_2750 : memref<128x16xf32, #tpu.memory_space<vmem>>)
      %dma_wait3A_2757 = arith.constant 12 : i32
      %dma_wait3A_2758 = arith.constant 12 : i32
      %dma_wait3A_2759 = arith.constant 0 : i32
      %dma_wait3A_2760 = arith.constant 0 : i32
      %dma_wait3A_2761 = tpu.memref_slice %arg7[%dma_wait3A_2758, %dma_wait3A_2759, %dma_wait3A_2760] : memref<26x128x16xf32, #tpu.memory_space<vmem>> -> memref<1x128x16xf32, #tpu.memory_space<vmem>>
      %dma_wait3A_2762 = tpu.memref_squeeze %dma_wait3A_2761 : memref<1x128x16xf32, #tpu.memory_space<vmem>> -> memref<128x16xf32, #tpu.memory_space<vmem>>
      %dma_wait3A_2763 = arith.constant 0 : i32
      %dma_wait3A_2764 = tpu.memref_slice %arg6[%dma_wait3A_2757, %dma_wait3A_2763] : memref<26x128xi32, #tpu.memory_space<vmem>> -> memref<1x128xi32, #tpu.memory_space<vmem>>
      %dma_wait3A_2765 = tpu.memref_squeeze %dma_wait3A_2764 : memref<1x128xi32, #tpu.memory_space<vmem>> -> memref<128xi32, #tpu.memory_space<vmem>>
      %dma_wait3A_2766 = arith.constant 0 : i32
      %dma_wait3A_2767 = arith.constant 0 : i32
      %dma_wait3A_2768 = tpu.memref_slice %arg3[%dma_wait3A_2766, %dma_wait3A_2767] : memref<2600000x16xf32, #tpu.memory_space<hbm>> -> memref<2600000x16xf32, #tpu.memory_space<hbm>>
      tpu.wait_indirect_dma semaphore(%arg9 : memref<!tpu.dma_semaphore, #tpu.memory_space<semaphore_mem>>) src(%dma_wait3A_2768 : memref<2600000x16xf32, #tpu.memory_space<hbm>>) dst(%dma_wait3A_2762 : memref<128x16xf32, #tpu.memory_space<vmem>>)
      %dma_wait3A_2769 = arith.constant 13 : i32
      %dma_wait3A_2770 = arith.constant 13 : i32
      %dma_wait3A_2771 = arith.constant 0 : i32
      %dma_wait3A_2772 = arith.constant 0 : i32
      %dma_wait3A_2773 = tpu.memref_slice %arg7[%dma_wait3A_2770, %dma_wait3A_2771, %dma_wait3A_2772] : memref<26x128x16xf32, #tpu.memory_space<vmem>> -> memref<1x128x16xf32, #tpu.memory_space<vmem>>
      %dma_wait3A_2774 = tpu.memref_squeeze %dma_wait3A_2773 : memref<1x128x16xf32, #tpu.memory_space<vmem>> -> memref<128x16xf32, #tpu.memory_space<vmem>>
      %dma_wait3A_2775 = arith.constant 0 : i32
      %dma_wait3A_2776 = tpu.memref_slice %arg6[%dma_wait3A_2769, %dma_wait3A_2775] : memref<26x128xi32, #tpu.memory_space<vmem>> -> memref<1x128xi32, #tpu.memory_space<vmem>>
      %dma_wait3A_2777 = tpu.memref_squeeze %dma_wait3A_2776 : memref<1x128xi32, #tpu.memory_space<vmem>> -> memref<128xi32, #tpu.memory_space<vmem>>
      %dma_wait3A_2778 = arith.constant 0 : i32
      %dma_wait3A_2779 = arith.constant 0 : i32
      %dma_wait3A_2780 = tpu.memref_slice %arg3[%dma_wait3A_2778, %dma_wait3A_2779] : memref<2600000x16xf32, #tpu.memory_space<hbm>> -> memref<2600000x16xf32, #tpu.memory_space<hbm>>
      tpu.wait_indirect_dma semaphore(%arg9 : memref<!tpu.dma_semaphore, #tpu.memory_space<semaphore_mem>>) src(%dma_wait3A_2780 : memref<2600000x16xf32, #tpu.memory_space<hbm>>) dst(%dma_wait3A_2774 : memref<128x16xf32, #tpu.memory_space<vmem>>)
      %dma_wait3A_2781 = arith.constant 14 : i32
      %dma_wait3A_2782 = arith.constant 14 : i32
      %dma_wait3A_2783 = arith.constant 0 : i32
      %dma_wait3A_2784 = arith.constant 0 : i32
      %dma_wait3A_2785 = tpu.memref_slice %arg7[%dma_wait3A_2782, %dma_wait3A_2783, %dma_wait3A_2784] : memref<26x128x16xf32, #tpu.memory_space<vmem>> -> memref<1x128x16xf32, #tpu.memory_space<vmem>>
      %dma_wait3A_2786 = tpu.memref_squeeze %dma_wait3A_2785 : memref<1x128x16xf32, #tpu.memory_space<vmem>> -> memref<128x16xf32, #tpu.memory_space<vmem>>
      %dma_wait3A_2787 = arith.constant 0 : i32
      %dma_wait3A_2788 = tpu.memref_slice %arg6[%dma_wait3A_2781, %dma_wait3A_2787] : memref<26x128xi32, #tpu.memory_space<vmem>> -> memref<1x128xi32, #tpu.memory_space<vmem>>
      %dma_wait3A_2789 = tpu.memref_squeeze %dma_wait3A_2788 : memref<1x128xi32, #tpu.memory_space<vmem>> -> memref<128xi32, #tpu.memory_space<vmem>>
      %dma_wait3A_2790 = arith.constant 0 : i32
      %dma_wait3A_2791 = arith.constant 0 : i32
      %dma_wait3A_2792 = tpu.memref_slice %arg3[%dma_wait3A_2790, %dma_wait3A_2791] : memref<2600000x16xf32, #tpu.memory_space<hbm>> -> memref<2600000x16xf32, #tpu.memory_space<hbm>>
      tpu.wait_indirect_dma semaphore(%arg9 : memref<!tpu.dma_semaphore, #tpu.memory_space<semaphore_mem>>) src(%dma_wait3A_2792 : memref<2600000x16xf32, #tpu.memory_space<hbm>>) dst(%dma_wait3A_2786 : memref<128x16xf32, #tpu.memory_space<vmem>>)
      %dma_wait3A_2793 = arith.constant 15 : i32
      %dma_wait3A_2794 = arith.constant 15 : i32
      %dma_wait3A_2795 = arith.constant 0 : i32
      %dma_wait3A_2796 = arith.constant 0 : i32
      %dma_wait3A_2797 = tpu.memref_slice %arg7[%dma_wait3A_2794, %dma_wait3A_2795, %dma_wait3A_2796] : memref<26x128x16xf32, #tpu.memory_space<vmem>> -> memref<1x128x16xf32, #tpu.memory_space<vmem>>
      %dma_wait3A_2798 = tpu.memref_squeeze %dma_wait3A_2797 : memref<1x128x16xf32, #tpu.memory_space<vmem>> -> memref<128x16xf32, #tpu.memory_space<vmem>>
      %dma_wait3A_2799 = arith.constant 0 : i32
      %dma_wait3A_2800 = tpu.memref_slice %arg6[%dma_wait3A_2793, %dma_wait3A_2799] : memref<26x128xi32, #tpu.memory_space<vmem>> -> memref<1x128xi32, #tpu.memory_space<vmem>>
      %dma_wait3A_2801 = tpu.memref_squeeze %dma_wait3A_2800 : memref<1x128xi32, #tpu.memory_space<vmem>> -> memref<128xi32, #tpu.memory_space<vmem>>
      %dma_wait3A_2802 = arith.constant 0 : i32
      %dma_wait3A_2803 = arith.constant 0 : i32
      %dma_wait3A_2804 = tpu.memref_slice %arg3[%dma_wait3A_2802, %dma_wait3A_2803] : memref<2600000x16xf32, #tpu.memory_space<hbm>> -> memref<2600000x16xf32, #tpu.memory_space<hbm>>
      tpu.wait_indirect_dma semaphore(%arg9 : memref<!tpu.dma_semaphore, #tpu.memory_space<semaphore_mem>>) src(%dma_wait3A_2804 : memref<2600000x16xf32, #tpu.memory_space<hbm>>) dst(%dma_wait3A_2798 : memref<128x16xf32, #tpu.memory_space<vmem>>)
      %dma_wait3A_2805 = arith.constant 16 : i32
      %dma_wait3A_2806 = arith.constant 16 : i32
      %dma_wait3A_2807 = arith.constant 0 : i32
      %dma_wait3A_2808 = arith.constant 0 : i32
      %dma_wait3A_2809 = tpu.memref_slice %arg7[%dma_wait3A_2806, %dma_wait3A_2807, %dma_wait3A_2808] : memref<26x128x16xf32, #tpu.memory_space<vmem>> -> memref<1x128x16xf32, #tpu.memory_space<vmem>>
      %dma_wait3A_2810 = tpu.memref_squeeze %dma_wait3A_2809 : memref<1x128x16xf32, #tpu.memory_space<vmem>> -> memref<128x16xf32, #tpu.memory_space<vmem>>
      %dma_wait3A_2811 = arith.constant 0 : i32
      %dma_wait3A_2812 = tpu.memref_slice %arg6[%dma_wait3A_2805, %dma_wait3A_2811] : memref<26x128xi32, #tpu.memory_space<vmem>> -> memref<1x128xi32, #tpu.memory_space<vmem>>
      %dma_wait3A_2813 = tpu.memref_squeeze %dma_wait3A_2812 : memref<1x128xi32, #tpu.memory_space<vmem>> -> memref<128xi32, #tpu.memory_space<vmem>>
      %dma_wait3A_2814 = arith.constant 0 : i32
      %dma_wait3A_2815 = arith.constant 0 : i32
      %dma_wait3A_2816 = tpu.memref_slice %arg3[%dma_wait3A_2814, %dma_wait3A_2815] : memref<2600000x16xf32, #tpu.memory_space<hbm>> -> memref<2600000x16xf32, #tpu.memory_space<hbm>>
      tpu.wait_indirect_dma semaphore(%arg9 : memref<!tpu.dma_semaphore, #tpu.memory_space<semaphore_mem>>) src(%dma_wait3A_2816 : memref<2600000x16xf32, #tpu.memory_space<hbm>>) dst(%dma_wait3A_2810 : memref<128x16xf32, #tpu.memory_space<vmem>>)
      %dma_wait3A_2817 = arith.constant 17 : i32
      %dma_wait3A_2818 = arith.constant 17 : i32
      %dma_wait3A_2819 = arith.constant 0 : i32
      %dma_wait3A_2820 = arith.constant 0 : i32
      %dma_wait3A_2821 = tpu.memref_slice %arg7[%dma_wait3A_2818, %dma_wait3A_2819, %dma_wait3A_2820] : memref<26x128x16xf32, #tpu.memory_space<vmem>> -> memref<1x128x16xf32, #tpu.memory_space<vmem>>
      %dma_wait3A_2822 = tpu.memref_squeeze %dma_wait3A_2821 : memref<1x128x16xf32, #tpu.memory_space<vmem>> -> memref<128x16xf32, #tpu.memory_space<vmem>>
      %dma_wait3A_2823 = arith.constant 0 : i32
      %dma_wait3A_2824 = tpu.memref_slice %arg6[%dma_wait3A_2817, %dma_wait3A_2823] : memref<26x128xi32, #tpu.memory_space<vmem>> -> memref<1x128xi32, #tpu.memory_space<vmem>>
      %dma_wait3A_2825 = tpu.memref_squeeze %dma_wait3A_2824 : memref<1x128xi32, #tpu.memory_space<vmem>> -> memref<128xi32, #tpu.memory_space<vmem>>
      %dma_wait3A_2826 = arith.constant 0 : i32
      %dma_wait3A_2827 = arith.constant 0 : i32
      %dma_wait3A_2828 = tpu.memref_slice %arg3[%dma_wait3A_2826, %dma_wait3A_2827] : memref<2600000x16xf32, #tpu.memory_space<hbm>> -> memref<2600000x16xf32, #tpu.memory_space<hbm>>
      tpu.wait_indirect_dma semaphore(%arg9 : memref<!tpu.dma_semaphore, #tpu.memory_space<semaphore_mem>>) src(%dma_wait3A_2828 : memref<2600000x16xf32, #tpu.memory_space<hbm>>) dst(%dma_wait3A_2822 : memref<128x16xf32, #tpu.memory_space<vmem>>)
      %dma_wait3A_2829 = arith.constant 18 : i32
      %dma_wait3A_2830 = arith.constant 18 : i32
      %dma_wait3A_2831 = arith.constant 0 : i32
      %dma_wait3A_2832 = arith.constant 0 : i32
      %dma_wait3A_2833 = tpu.memref_slice %arg7[%dma_wait3A_2830, %dma_wait3A_2831, %dma_wait3A_2832] : memref<26x128x16xf32, #tpu.memory_space<vmem>> -> memref<1x128x16xf32, #tpu.memory_space<vmem>>
      %dma_wait3A_2834 = tpu.memref_squeeze %dma_wait3A_2833 : memref<1x128x16xf32, #tpu.memory_space<vmem>> -> memref<128x16xf32, #tpu.memory_space<vmem>>
      %dma_wait3A_2835 = arith.constant 0 : i32
      %dma_wait3A_2836 = tpu.memref_slice %arg6[%dma_wait3A_2829, %dma_wait3A_2835] : memref<26x128xi32, #tpu.memory_space<vmem>> -> memref<1x128xi32, #tpu.memory_space<vmem>>
      %dma_wait3A_2837 = tpu.memref_squeeze %dma_wait3A_2836 : memref<1x128xi32, #tpu.memory_space<vmem>> -> memref<128xi32, #tpu.memory_space<vmem>>
      %dma_wait3A_2838 = arith.constant 0 : i32
      %dma_wait3A_2839 = arith.constant 0 : i32
      %dma_wait3A_2840 = tpu.memref_slice %arg3[%dma_wait3A_2838, %dma_wait3A_2839] : memref<2600000x16xf32, #tpu.memory_space<hbm>> -> memref<2600000x16xf32, #tpu.memory_space<hbm>>
      tpu.wait_indirect_dma semaphore(%arg9 : memref<!tpu.dma_semaphore, #tpu.memory_space<semaphore_mem>>) src(%dma_wait3A_2840 : memref<2600000x16xf32, #tpu.memory_space<hbm>>) dst(%dma_wait3A_2834 : memref<128x16xf32, #tpu.memory_space<vmem>>)
      %dma_wait3A_2841 = arith.constant 19 : i32
      %dma_wait3A_2842 = arith.constant 19 : i32
      %dma_wait3A_2843 = arith.constant 0 : i32
      %dma_wait3A_2844 = arith.constant 0 : i32
      %dma_wait3A_2845 = tpu.memref_slice %arg7[%dma_wait3A_2842, %dma_wait3A_2843, %dma_wait3A_2844] : memref<26x128x16xf32, #tpu.memory_space<vmem>> -> memref<1x128x16xf32, #tpu.memory_space<vmem>>
      %dma_wait3A_2846 = tpu.memref_squeeze %dma_wait3A_2845 : memref<1x128x16xf32, #tpu.memory_space<vmem>> -> memref<128x16xf32, #tpu.memory_space<vmem>>
      %dma_wait3A_2847 = arith.constant 0 : i32
      %dma_wait3A_2848 = tpu.memref_slice %arg6[%dma_wait3A_2841, %dma_wait3A_2847] : memref<26x128xi32, #tpu.memory_space<vmem>> -> memref<1x128xi32, #tpu.memory_space<vmem>>
      %dma_wait3A_2849 = tpu.memref_squeeze %dma_wait3A_2848 : memref<1x128xi32, #tpu.memory_space<vmem>> -> memref<128xi32, #tpu.memory_space<vmem>>
      %dma_wait3A_2850 = arith.constant 0 : i32
      %dma_wait3A_2851 = arith.constant 0 : i32
      %dma_wait3A_2852 = tpu.memref_slice %arg3[%dma_wait3A_2850, %dma_wait3A_2851] : memref<2600000x16xf32, #tpu.memory_space<hbm>> -> memref<2600000x16xf32, #tpu.memory_space<hbm>>
      tpu.wait_indirect_dma semaphore(%arg9 : memref<!tpu.dma_semaphore, #tpu.memory_space<semaphore_mem>>) src(%dma_wait3A_2852 : memref<2600000x16xf32, #tpu.memory_space<hbm>>) dst(%dma_wait3A_2846 : memref<128x16xf32, #tpu.memory_space<vmem>>)
      %dma_wait3A_2853 = arith.constant 20 : i32
      %dma_wait3A_2854 = arith.constant 20 : i32
      %dma_wait3A_2855 = arith.constant 0 : i32
      %dma_wait3A_2856 = arith.constant 0 : i32
      %dma_wait3A_2857 = tpu.memref_slice %arg7[%dma_wait3A_2854, %dma_wait3A_2855, %dma_wait3A_2856] : memref<26x128x16xf32, #tpu.memory_space<vmem>> -> memref<1x128x16xf32, #tpu.memory_space<vmem>>
      %dma_wait3A_2858 = tpu.memref_squeeze %dma_wait3A_2857 : memref<1x128x16xf32, #tpu.memory_space<vmem>> -> memref<128x16xf32, #tpu.memory_space<vmem>>
      %dma_wait3A_2859 = arith.constant 0 : i32
      %dma_wait3A_2860 = tpu.memref_slice %arg6[%dma_wait3A_2853, %dma_wait3A_2859] : memref<26x128xi32, #tpu.memory_space<vmem>> -> memref<1x128xi32, #tpu.memory_space<vmem>>
      %dma_wait3A_2861 = tpu.memref_squeeze %dma_wait3A_2860 : memref<1x128xi32, #tpu.memory_space<vmem>> -> memref<128xi32, #tpu.memory_space<vmem>>
      %dma_wait3A_2862 = arith.constant 0 : i32
      %dma_wait3A_2863 = arith.constant 0 : i32
      %dma_wait3A_2864 = tpu.memref_slice %arg3[%dma_wait3A_2862, %dma_wait3A_2863] : memref<2600000x16xf32, #tpu.memory_space<hbm>> -> memref<2600000x16xf32, #tpu.memory_space<hbm>>
      tpu.wait_indirect_dma semaphore(%arg9 : memref<!tpu.dma_semaphore, #tpu.memory_space<semaphore_mem>>) src(%dma_wait3A_2864 : memref<2600000x16xf32, #tpu.memory_space<hbm>>) dst(%dma_wait3A_2858 : memref<128x16xf32, #tpu.memory_space<vmem>>)
      %dma_wait3A_2865 = arith.constant 21 : i32
      %dma_wait3A_2866 = arith.constant 21 : i32
      %dma_wait3A_2867 = arith.constant 0 : i32
      %dma_wait3A_2868 = arith.constant 0 : i32
      %dma_wait3A_2869 = tpu.memref_slice %arg7[%dma_wait3A_2866, %dma_wait3A_2867, %dma_wait3A_2868] : memref<26x128x16xf32, #tpu.memory_space<vmem>> -> memref<1x128x16xf32, #tpu.memory_space<vmem>>
      %dma_wait3A_2870 = tpu.memref_squeeze %dma_wait3A_2869 : memref<1x128x16xf32, #tpu.memory_space<vmem>> -> memref<128x16xf32, #tpu.memory_space<vmem>>
      %dma_wait3A_2871 = arith.constant 0 : i32
      %dma_wait3A_2872 = tpu.memref_slice %arg6[%dma_wait3A_2865, %dma_wait3A_2871] : memref<26x128xi32, #tpu.memory_space<vmem>> -> memref<1x128xi32, #tpu.memory_space<vmem>>
      %dma_wait3A_2873 = tpu.memref_squeeze %dma_wait3A_2872 : memref<1x128xi32, #tpu.memory_space<vmem>> -> memref<128xi32, #tpu.memory_space<vmem>>
      %dma_wait3A_2874 = arith.constant 0 : i32
      %dma_wait3A_2875 = arith.constant 0 : i32
      %dma_wait3A_2876 = tpu.memref_slice %arg3[%dma_wait3A_2874, %dma_wait3A_2875] : memref<2600000x16xf32, #tpu.memory_space<hbm>> -> memref<2600000x16xf32, #tpu.memory_space<hbm>>
      tpu.wait_indirect_dma semaphore(%arg9 : memref<!tpu.dma_semaphore, #tpu.memory_space<semaphore_mem>>) src(%dma_wait3A_2876 : memref<2600000x16xf32, #tpu.memory_space<hbm>>) dst(%dma_wait3A_2870 : memref<128x16xf32, #tpu.memory_space<vmem>>)
      %dma_wait3A_2877 = arith.constant 22 : i32
      %dma_wait3A_2878 = arith.constant 22 : i32
      %dma_wait3A_2879 = arith.constant 0 : i32
      %dma_wait3A_2880 = arith.constant 0 : i32
      %dma_wait3A_2881 = tpu.memref_slice %arg7[%dma_wait3A_2878, %dma_wait3A_2879, %dma_wait3A_2880] : memref<26x128x16xf32, #tpu.memory_space<vmem>> -> memref<1x128x16xf32, #tpu.memory_space<vmem>>
      %dma_wait3A_2882 = tpu.memref_squeeze %dma_wait3A_2881 : memref<1x128x16xf32, #tpu.memory_space<vmem>> -> memref<128x16xf32, #tpu.memory_space<vmem>>
      %dma_wait3A_2883 = arith.constant 0 : i32
      %dma_wait3A_2884 = tpu.memref_slice %arg6[%dma_wait3A_2877, %dma_wait3A_2883] : memref<26x128xi32, #tpu.memory_space<vmem>> -> memref<1x128xi32, #tpu.memory_space<vmem>>
      %dma_wait3A_2885 = tpu.memref_squeeze %dma_wait3A_2884 : memref<1x128xi32, #tpu.memory_space<vmem>> -> memref<128xi32, #tpu.memory_space<vmem>>
      %dma_wait3A_2886 = arith.constant 0 : i32
      %dma_wait3A_2887 = arith.constant 0 : i32
      %dma_wait3A_2888 = tpu.memref_slice %arg3[%dma_wait3A_2886, %dma_wait3A_2887] : memref<2600000x16xf32, #tpu.memory_space<hbm>> -> memref<2600000x16xf32, #tpu.memory_space<hbm>>
      tpu.wait_indirect_dma semaphore(%arg9 : memref<!tpu.dma_semaphore, #tpu.memory_space<semaphore_mem>>) src(%dma_wait3A_2888 : memref<2600000x16xf32, #tpu.memory_space<hbm>>) dst(%dma_wait3A_2882 : memref<128x16xf32, #tpu.memory_space<vmem>>)
      %dma_wait3A_2889 = arith.constant 23 : i32
      %dma_wait3A_2890 = arith.constant 23 : i32
      %dma_wait3A_2891 = arith.constant 0 : i32
      %dma_wait3A_2892 = arith.constant 0 : i32
      %dma_wait3A_2893 = tpu.memref_slice %arg7[%dma_wait3A_2890, %dma_wait3A_2891, %dma_wait3A_2892] : memref<26x128x16xf32, #tpu.memory_space<vmem>> -> memref<1x128x16xf32, #tpu.memory_space<vmem>>
      %dma_wait3A_2894 = tpu.memref_squeeze %dma_wait3A_2893 : memref<1x128x16xf32, #tpu.memory_space<vmem>> -> memref<128x16xf32, #tpu.memory_space<vmem>>
      %dma_wait3A_2895 = arith.constant 0 : i32
      %dma_wait3A_2896 = tpu.memref_slice %arg6[%dma_wait3A_2889, %dma_wait3A_2895] : memref<26x128xi32, #tpu.memory_space<vmem>> -> memref<1x128xi32, #tpu.memory_space<vmem>>
      %dma_wait3A_2897 = tpu.memref_squeeze %dma_wait3A_2896 : memref<1x128xi32, #tpu.memory_space<vmem>> -> memref<128xi32, #tpu.memory_space<vmem>>
      %dma_wait3A_2898 = arith.constant 0 : i32
      %dma_wait3A_2899 = arith.constant 0 : i32
      %dma_wait3A_2900 = tpu.memref_slice %arg3[%dma_wait3A_2898, %dma_wait3A_2899] : memref<2600000x16xf32, #tpu.memory_space<hbm>> -> memref<2600000x16xf32, #tpu.memory_space<hbm>>
      tpu.wait_indirect_dma semaphore(%arg9 : memref<!tpu.dma_semaphore, #tpu.memory_space<semaphore_mem>>) src(%dma_wait3A_2900 : memref<2600000x16xf32, #tpu.memory_space<hbm>>) dst(%dma_wait3A_2894 : memref<128x16xf32, #tpu.memory_space<vmem>>)
      %dma_wait3A_2901 = arith.constant 24 : i32
      %dma_wait3A_2902 = arith.constant 24 : i32
      %dma_wait3A_2903 = arith.constant 0 : i32
      %dma_wait3A_2904 = arith.constant 0 : i32
      %dma_wait3A_2905 = tpu.memref_slice %arg7[%dma_wait3A_2902, %dma_wait3A_2903, %dma_wait3A_2904] : memref<26x128x16xf32, #tpu.memory_space<vmem>> -> memref<1x128x16xf32, #tpu.memory_space<vmem>>
      %dma_wait3A_2906 = tpu.memref_squeeze %dma_wait3A_2905 : memref<1x128x16xf32, #tpu.memory_space<vmem>> -> memref<128x16xf32, #tpu.memory_space<vmem>>
      %dma_wait3A_2907 = arith.constant 0 : i32
      %dma_wait3A_2908 = tpu.memref_slice %arg6[%dma_wait3A_2901, %dma_wait3A_2907] : memref<26x128xi32, #tpu.memory_space<vmem>> -> memref<1x128xi32, #tpu.memory_space<vmem>>
      %dma_wait3A_2909 = tpu.memref_squeeze %dma_wait3A_2908 : memref<1x128xi32, #tpu.memory_space<vmem>> -> memref<128xi32, #tpu.memory_space<vmem>>
      %dma_wait3A_2910 = arith.constant 0 : i32
      %dma_wait3A_2911 = arith.constant 0 : i32
      %dma_wait3A_2912 = tpu.memref_slice %arg3[%dma_wait3A_2910, %dma_wait3A_2911] : memref<2600000x16xf32, #tpu.memory_space<hbm>> -> memref<2600000x16xf32, #tpu.memory_space<hbm>>
      tpu.wait_indirect_dma semaphore(%arg9 : memref<!tpu.dma_semaphore, #tpu.memory_space<semaphore_mem>>) src(%dma_wait3A_2912 : memref<2600000x16xf32, #tpu.memory_space<hbm>>) dst(%dma_wait3A_2906 : memref<128x16xf32, #tpu.memory_space<vmem>>)
      %dma_wait3A_2913 = arith.constant 25 : i32
      %dma_wait3A_2914 = arith.constant 25 : i32
      %dma_wait3A_2915 = arith.constant 0 : i32
      %dma_wait3A_2916 = arith.constant 0 : i32
      %dma_wait3A_2917 = tpu.memref_slice %arg7[%dma_wait3A_2914, %dma_wait3A_2915, %dma_wait3A_2916] : memref<26x128x16xf32, #tpu.memory_space<vmem>> -> memref<1x128x16xf32, #tpu.memory_space<vmem>>
      %dma_wait3A_2918 = tpu.memref_squeeze %dma_wait3A_2917 : memref<1x128x16xf32, #tpu.memory_space<vmem>> -> memref<128x16xf32, #tpu.memory_space<vmem>>
      %dma_wait3A_2919 = arith.constant 0 : i32
      %dma_wait3A_2920 = tpu.memref_slice %arg6[%dma_wait3A_2913, %dma_wait3A_2919] : memref<26x128xi32, #tpu.memory_space<vmem>> -> memref<1x128xi32, #tpu.memory_space<vmem>>
      %dma_wait3A_2921 = tpu.memref_squeeze %dma_wait3A_2920 : memref<1x128xi32, #tpu.memory_space<vmem>> -> memref<128xi32, #tpu.memory_space<vmem>>
      %dma_wait3A_2922 = arith.constant 0 : i32
      %dma_wait3A_2923 = arith.constant 0 : i32
      %dma_wait3A_2924 = tpu.memref_slice %arg3[%dma_wait3A_2922, %dma_wait3A_2923] : memref<2600000x16xf32, #tpu.memory_space<hbm>> -> memref<2600000x16xf32, #tpu.memory_space<hbm>>
      tpu.wait_indirect_dma semaphore(%arg9 : memref<!tpu.dma_semaphore, #tpu.memory_space<semaphore_mem>>) src(%dma_wait3A_2924 : memref<2600000x16xf32, #tpu.memory_space<hbm>>) dst(%dma_wait3A_2918 : memref<128x16xf32, #tpu.memory_space<vmem>>)
      %scan3A_2925 = arith.constant 0 : i32
      %scan3A_2926 = arith.constant 0 : i32
      %scan3A_2927 = arith.constant 128 : i32
      %scan3A_2928 = arith.addi %scan3A_2926, %scan3A_2927 : i32
      %scan3A_2929 = arith.constant 1 : i32
      scf.for %scan3A_2934 = %scan3A_2926 to %scan3A_2928 step %scan3A_2929  : i32 {
        %mul3A_2935 = arith.constant 39 : i32
        %mul3A_2936 = arith.muli %scan3A_2934, %mul3A_2935 : i32
        %get3A = arith.index_cast %mul3A_2936 : i32 to index
        %get3A_2937 = tpu.vector_load %arg5[%get3A] {strides = array<i32>} : memref<4992xi32, #tpu.memory_space<vmem>>, vector<16xi32>,
        %convert_element_type3A = arith.sitofp %get3A_2937 : vector<16xi32> to vector<16xf32>
        %mul3A_2938 = arith.constant 429 : i32
        %mul3A_2939 = arith.muli %scan3A_2934, %mul3A_2938 : i32
        %swap3A_2940 = arith.index_cast %mul3A_2939 : i32 to index
        %swap3A_2941 = tpu.vector_load %arg8[%swap3A_2940] {strides = array<i32>} : memref<54912xf32, #tpu.memory_space<vmem>>, vector<16xf32>,
        tpu.vector_store %arg8[%swap3A_2940], %convert_element_type3A {strides = array<i32>} : memref<54912xf32, #tpu.memory_space<vmem>>, vector<16xf32>,
        %get3A_2942 = arith.constant 0 : i32
        %get3A_2943 = arith.index_cast %get3A_2942 : i32 to index
        %get3A_2944 = arith.index_cast %scan3A_2934 : i32 to index
        %get3A_2945 = arith.constant 0 : index
        %get3A_2946 = tpu.vector_load %arg7[%get3A_2943, %get3A_2944, %get3A_2945] {strides = array<i32>} : memref<26x128x16xf32, #tpu.memory_space<vmem>>, vector<16xf32>,
        %mul3A_2947 = arith.constant 429 : i32
        %mul3A_2948 = arith.muli %scan3A_2934, %mul3A_2947 : i32
        %add3A_2949 = arith.constant 13 : i32
        %add3A_2950 = arith.addi %mul3A_2948, %add3A_2949 : i32
        %add3A_2951 = arith.constant 0 : i32
        %add3A_2952 = arith.addi %add3A_2950, %add3A_2951 : i32
        %swap3A_2953 = arith.index_cast %add3A_2952 : i32 to index
        %swap3A_2954 = tpu.vector_load %arg8[%swap3A_2953] {strides = array<i32>} : memref<54912xf32, #tpu.memory_space<vmem>>, vector<16xf32>,
        tpu.vector_store %arg8[%swap3A_2953], %get3A_2946 {strides = array<i32>} : memref<54912xf32, #tpu.memory_space<vmem>>, vector<16xf32>,
        %get3A_2955 = arith.constant 1 : i32
        %get3A_2956 = arith.index_cast %get3A_2955 : i32 to index
        %get3A_2957 = arith.index_cast %scan3A_2934 : i32 to index
        %get3A_2958 = arith.constant 0 : index
        %get3A_2959 = tpu.vector_load %arg7[%get3A_2956, %get3A_2957, %get3A_2958] {strides = array<i32>} : memref<26x128x16xf32, #tpu.memory_space<vmem>>, vector<16xf32>,
        %mul3A_2960 = arith.constant 429 : i32
        %mul3A_2961 = arith.muli %scan3A_2934, %mul3A_2960 : i32
        %add3A_2962 = arith.constant 13 : i32
        %add3A_2963 = arith.addi %mul3A_2961, %add3A_2962 : i32
        %add3A_2964 = arith.constant 16 : i32
        %add3A_2965 = arith.addi %add3A_2963, %add3A_2964 : i32
        %swap3A_2966 = arith.index_cast %add3A_2965 : i32 to index
        %swap3A_2967 = tpu.vector_load %arg8[%swap3A_2966] {strides = array<i32>} : memref<54912xf32, #tpu.memory_space<vmem>>, vector<16xf32>,
        tpu.vector_store %arg8[%swap3A_2966], %get3A_2959 {strides = array<i32>} : memref<54912xf32, #tpu.memory_space<vmem>>, vector<16xf32>,
        %get3A_2968 = arith.constant 2 : i32
        %get3A_2969 = arith.index_cast %get3A_2968 : i32 to index
        %get3A_2970 = arith.index_cast %scan3A_2934 : i32 to index
        %get3A_2971 = arith.constant 0 : index
        %get3A_2972 = tpu.vector_load %arg7[%get3A_2969, %get3A_2970, %get3A_2971] {strides = array<i32>} : memref<26x128x16xf32, #tpu.memory_space<vmem>>, vector<16xf32>,
        %mul3A_2973 = arith.constant 429 : i32
        %mul3A_2974 = arith.muli %scan3A_2934, %mul3A_2973 : i32
        %add3A_2975 = arith.constant 13 : i32
        %add3A_2976 = arith.addi %mul3A_2974, %add3A_2975 : i32
        %add3A_2977 = arith.constant 32 : i32
        %add3A_2978 = arith.addi %add3A_2976, %add3A_2977 : i32
        %swap3A_2979 = arith.index_cast %add3A_2978 : i32 to index
        %swap3A_2980 = tpu.vector_load %arg8[%swap3A_2979] {strides = array<i32>} : memref<54912xf32, #tpu.memory_space<vmem>>, vector<16xf32>,
        tpu.vector_store %arg8[%swap3A_2979], %get3A_2972 {strides = array<i32>} : memref<54912xf32, #tpu.memory_space<vmem>>, vector<16xf32>,
        %get3A_2981 = arith.constant 3 : i32
        %get3A_2982 = arith.index_cast %get3A_2981 : i32 to index
        %get3A_2983 = arith.index_cast %scan3A_2934 : i32 to index
        %get3A_2984 = arith.constant 0 : index
        %get3A_2985 = tpu.vector_load %arg7[%get3A_2982, %get3A_2983, %get3A_2984] {strides = array<i32>} : memref<26x128x16xf32, #tpu.memory_space<vmem>>, vector<16xf32>,
        %mul3A_2986 = arith.constant 429 : i32
        %mul3A_2987 = arith.muli %scan3A_2934, %mul3A_2986 : i32
        %add3A_2988 = arith.constant 13 : i32
        %add3A_2989 = arith.addi %mul3A_2987, %add3A_2988 : i32
        %add3A_2990 = arith.constant 48 : i32
        %add3A_2991 = arith.addi %add3A_2989, %add3A_2990 : i32
        %swap3A_2992 = arith.index_cast %add3A_2991 : i32 to index
        %swap3A_2993 = tpu.vector_load %arg8[%swap3A_2992] {strides = array<i32>} : memref<54912xf32, #tpu.memory_space<vmem>>, vector<16xf32>,
        tpu.vector_store %arg8[%swap3A_2992], %get3A_2985 {strides = array<i32>} : memref<54912xf32, #tpu.memory_space<vmem>>, vector<16xf32>,
        %get3A_2994 = arith.constant 4 : i32
        %get3A_2995 = arith.index_cast %get3A_2994 : i32 to index
        %get3A_2996 = arith.index_cast %scan3A_2934 : i32 to index
        %get3A_2997 = arith.constant 0 : index
        %get3A_2998 = tpu.vector_load %arg7[%get3A_2995, %get3A_2996, %get3A_2997] {strides = array<i32>} : memref<26x128x16xf32, #tpu.memory_space<vmem>>, vector<16xf32>,
        %mul3A_2999 = arith.constant 429 : i32
        %mul3A_3000 = arith.muli %scan3A_2934, %mul3A_2999 : i32
        %add3A_3001 = arith.constant 13 : i32
        %add3A_3002 = arith.addi %mul3A_3000, %add3A_3001 : i32
        %add3A_3003 = arith.constant 64 : i32
        %add3A_3004 = arith.addi %add3A_3002, %add3A_3003 : i32
        %swap3A_3005 = arith.index_cast %add3A_3004 : i32 to index
        %swap3A_3006 = tpu.vector_load %arg8[%swap3A_3005] {strides = array<i32>} : memref<54912xf32, #tpu.memory_space<vmem>>, vector<16xf32>,
        tpu.vector_store %arg8[%swap3A_3005], %get3A_2998 {strides = array<i32>} : memref<54912xf32, #tpu.memory_space<vmem>>, vector<16xf32>,
        %get3A_3007 = arith.constant 5 : i32
        %get3A_3008 = arith.index_cast %get3A_3007 : i32 to index
        %get3A_3009 = arith.index_cast %scan3A_2934 : i32 to index
        %get3A_3010 = arith.constant 0 : index
        %get3A_3011 = tpu.vector_load %arg7[%get3A_3008, %get3A_3009, %get3A_3010] {strides = array<i32>} : memref<26x128x16xf32, #tpu.memory_space<vmem>>, vector<16xf32>,
        %mul3A_3012 = arith.constant 429 : i32
        %mul3A_3013 = arith.muli %scan3A_2934, %mul3A_3012 : i32
        %add3A_3014 = arith.constant 13 : i32
        %add3A_3015 = arith.addi %mul3A_3013, %add3A_3014 : i32
        %add3A_3016 = arith.constant 80 : i32
        %add3A_3017 = arith.addi %add3A_3015, %add3A_3016 : i32
        %swap3A_3018 = arith.index_cast %add3A_3017 : i32 to index
        %swap3A_3019 = tpu.vector_load %arg8[%swap3A_3018] {strides = array<i32>} : memref<54912xf32, #tpu.memory_space<vmem>>, vector<16xf32>,
        tpu.vector_store %arg8[%swap3A_3018], %get3A_3011 {strides = array<i32>} : memref<54912xf32, #tpu.memory_space<vmem>>, vector<16xf32>,
        %get3A_3020 = arith.constant 6 : i32
        %get3A_3021 = arith.index_cast %get3A_3020 : i32 to index
        %get3A_3022 = arith.index_cast %scan3A_2934 : i32 to index
        %get3A_3023 = arith.constant 0 : index
        %get3A_3024 = tpu.vector_load %arg7[%get3A_3021, %get3A_3022, %get3A_3023] {strides = array<i32>} : memref<26x128x16xf32, #tpu.memory_space<vmem>>, vector<16xf32>,
        %mul3A_3025 = arith.constant 429 : i32
        %mul3A_3026 = arith.muli %scan3A_2934, %mul3A_3025 : i32
        %add3A_3027 = arith.constant 13 : i32
        %add3A_3028 = arith.addi %mul3A_3026, %add3A_3027 : i32
        %add3A_3029 = arith.constant 96 : i32
        %add3A_3030 = arith.addi %add3A_3028, %add3A_3029 : i32
        %swap3A_3031 = arith.index_cast %add3A_3030 : i32 to index
        %swap3A_3032 = tpu.vector_load %arg8[%swap3A_3031] {strides = array<i32>} : memref<54912xf32, #tpu.memory_space<vmem>>, vector<16xf32>,
        tpu.vector_store %arg8[%swap3A_3031], %get3A_3024 {strides = array<i32>} : memref<54912xf32, #tpu.memory_space<vmem>>, vector<16xf32>,
        %get3A_3033 = arith.constant 7 : i32
        %get3A_3034 = arith.index_cast %get3A_3033 : i32 to index
        %get3A_3035 = arith.index_cast %scan3A_2934 : i32 to index
        %get3A_3036 = arith.constant 0 : index
        %get3A_3037 = tpu.vector_load %arg7[%get3A_3034, %get3A_3035, %get3A_3036] {strides = array<i32>} : memref<26x128x16xf32, #tpu.memory_space<vmem>>, vector<16xf32>,
        %mul3A_3038 = arith.constant 429 : i32
        %mul3A_3039 = arith.muli %scan3A_2934, %mul3A_3038 : i32
        %add3A_3040 = arith.constant 13 : i32
        %add3A_3041 = arith.addi %mul3A_3039, %add3A_3040 : i32
        %add3A_3042 = arith.constant 112 : i32
        %add3A_3043 = arith.addi %add3A_3041, %add3A_3042 : i32
        %swap3A_3044 = arith.index_cast %add3A_3043 : i32 to index
        %swap3A_3045 = tpu.vector_load %arg8[%swap3A_3044] {strides = array<i32>} : memref<54912xf32, #tpu.memory_space<vmem>>, vector<16xf32>,
        tpu.vector_store %arg8[%swap3A_3044], %get3A_3037 {strides = array<i32>} : memref<54912xf32, #tpu.memory_space<vmem>>, vector<16xf32>,
        %get3A_3046 = arith.constant 8 : i32
        %get3A_3047 = arith.index_cast %get3A_3046 : i32 to index
        %get3A_3048 = arith.index_cast %scan3A_2934 : i32 to index
        %get3A_3049 = arith.constant 0 : index
        %get3A_3050 = tpu.vector_load %arg7[%get3A_3047, %get3A_3048, %get3A_3049] {strides = array<i32>} : memref<26x128x16xf32, #tpu.memory_space<vmem>>, vector<16xf32>,
        %mul3A_3051 = arith.constant 429 : i32
        %mul3A_3052 = arith.muli %scan3A_2934, %mul3A_3051 : i32
        %add3A_3053 = arith.constant 13 : i32
        %add3A_3054 = arith.addi %mul3A_3052, %add3A_3053 : i32
        %add3A_3055 = arith.constant 128 : i32
        %add3A_3056 = arith.addi %add3A_3054, %add3A_3055 : i32
        %swap3A_3057 = arith.index_cast %add3A_3056 : i32 to index
        %swap3A_3058 = tpu.vector_load %arg8[%swap3A_3057] {strides = array<i32>} : memref<54912xf32, #tpu.memory_space<vmem>>, vector<16xf32>,
        tpu.vector_store %arg8[%swap3A_3057], %get3A_3050 {strides = array<i32>} : memref<54912xf32, #tpu.memory_space<vmem>>, vector<16xf32>,
        %get3A_3059 = arith.constant 9 : i32
        %get3A_3060 = arith.index_cast %get3A_3059 : i32 to index
        %get3A_3061 = arith.index_cast %scan3A_2934 : i32 to index
        %get3A_3062 = arith.constant 0 : index
        %get3A_3063 = tpu.vector_load %arg7[%get3A_3060, %get3A_3061, %get3A_3062] {strides = array<i32>} : memref<26x128x16xf32, #tpu.memory_space<vmem>>, vector<16xf32>,
        %mul3A_3064 = arith.constant 429 : i32
        %mul3A_3065 = arith.muli %scan3A_2934, %mul3A_3064 : i32
        %add3A_3066 = arith.constant 13 : i32
        %add3A_3067 = arith.addi %mul3A_3065, %add3A_3066 : i32
        %add3A_3068 = arith.constant 144 : i32
        %add3A_3069 = arith.addi %add3A_3067, %add3A_3068 : i32
        %swap3A_3070 = arith.index_cast %add3A_3069 : i32 to index
        %swap3A_3071 = tpu.vector_load %arg8[%swap3A_3070] {strides = array<i32>} : memref<54912xf32, #tpu.memory_space<vmem>>, vector<16xf32>,
        tpu.vector_store %arg8[%swap3A_3070], %get3A_3063 {strides = array<i32>} : memref<54912xf32, #tpu.memory_space<vmem>>, vector<16xf32>,
        %get3A_3072 = arith.constant 10 : i32
        %get3A_3073 = arith.index_cast %get3A_3072 : i32 to index
        %get3A_3074 = arith.index_cast %scan3A_2934 : i32 to index
        %get3A_3075 = arith.constant 0 : index
        %get3A_3076 = tpu.vector_load %arg7[%get3A_3073, %get3A_3074, %get3A_3075] {strides = array<i32>} : memref<26x128x16xf32, #tpu.memory_space<vmem>>, vector<16xf32>,
        %mul3A_3077 = arith.constant 429 : i32
        %mul3A_3078 = arith.muli %scan3A_2934, %mul3A_3077 : i32
        %add3A_3079 = arith.constant 13 : i32
        %add3A_3080 = arith.addi %mul3A_3078, %add3A_3079 : i32
        %add3A_3081 = arith.constant 160 : i32
        %add3A_3082 = arith.addi %add3A_3080, %add3A_3081 : i32
        %swap3A_3083 = arith.index_cast %add3A_3082 : i32 to index
        %swap3A_3084 = tpu.vector_load %arg8[%swap3A_3083] {strides = array<i32>} : memref<54912xf32, #tpu.memory_space<vmem>>, vector<16xf32>,
        tpu.vector_store %arg8[%swap3A_3083], %get3A_3076 {strides = array<i32>} : memref<54912xf32, #tpu.memory_space<vmem>>, vector<16xf32>,
        %get3A_3085 = arith.constant 11 : i32
        %get3A_3086 = arith.index_cast %get3A_3085 : i32 to index
        %get3A_3087 = arith.index_cast %scan3A_2934 : i32 to index
        %get3A_3088 = arith.constant 0 : index
        %get3A_3089 = tpu.vector_load %arg7[%get3A_3086, %get3A_3087, %get3A_3088] {strides = array<i32>} : memref<26x128x16xf32, #tpu.memory_space<vmem>>, vector<16xf32>,
        %mul3A_3090 = arith.constant 429 : i32
        %mul3A_3091 = arith.muli %scan3A_2934, %mul3A_3090 : i32
        %add3A_3092 = arith.constant 13 : i32
        %add3A_3093 = arith.addi %mul3A_3091, %add3A_3092 : i32
        %add3A_3094 = arith.constant 176 : i32
        %add3A_3095 = arith.addi %add3A_3093, %add3A_3094 : i32
        %swap3A_3096 = arith.index_cast %add3A_3095 : i32 to index
        %swap3A_3097 = tpu.vector_load %arg8[%swap3A_3096] {strides = array<i32>} : memref<54912xf32, #tpu.memory_space<vmem>>, vector<16xf32>,
        tpu.vector_store %arg8[%swap3A_3096], %get3A_3089 {strides = array<i32>} : memref<54912xf32, #tpu.memory_space<vmem>>, vector<16xf32>,
        %get3A_3098 = arith.constant 12 : i32
        %get3A_3099 = arith.index_cast %get3A_3098 : i32 to index
        %get3A_3100 = arith.index_cast %scan3A_2934 : i32 to index
        %get3A_3101 = arith.constant 0 : index
        %get3A_3102 = tpu.vector_load %arg7[%get3A_3099, %get3A_3100, %get3A_3101] {strides = array<i32>} : memref<26x128x16xf32, #tpu.memory_space<vmem>>, vector<16xf32>,
        %mul3A_3103 = arith.constant 429 : i32
        %mul3A_3104 = arith.muli %scan3A_2934, %mul3A_3103 : i32
        %add3A_3105 = arith.constant 13 : i32
        %add3A_3106 = arith.addi %mul3A_3104, %add3A_3105 : i32
        %add3A_3107 = arith.constant 192 : i32
        %add3A_3108 = arith.addi %add3A_3106, %add3A_3107 : i32
        %swap3A_3109 = arith.index_cast %add3A_3108 : i32 to index
        %swap3A_3110 = tpu.vector_load %arg8[%swap3A_3109] {strides = array<i32>} : memref<54912xf32, #tpu.memory_space<vmem>>, vector<16xf32>,
        tpu.vector_store %arg8[%swap3A_3109], %get3A_3102 {strides = array<i32>} : memref<54912xf32, #tpu.memory_space<vmem>>, vector<16xf32>,
        %get3A_3111 = arith.constant 13 : i32
        %get3A_3112 = arith.index_cast %get3A_3111 : i32 to index
        %get3A_3113 = arith.index_cast %scan3A_2934 : i32 to index
        %get3A_3114 = arith.constant 0 : index
        %get3A_3115 = tpu.vector_load %arg7[%get3A_3112, %get3A_3113, %get3A_3114] {strides = array<i32>} : memref<26x128x16xf32, #tpu.memory_space<vmem>>, vector<16xf32>,
        %mul3A_3116 = arith.constant 429 : i32
        %mul3A_3117 = arith.muli %scan3A_2934, %mul3A_3116 : i32
        %add3A_3118 = arith.constant 13 : i32
        %add3A_3119 = arith.addi %mul3A_3117, %add3A_3118 : i32
        %add3A_3120 = arith.constant 208 : i32
        %add3A_3121 = arith.addi %add3A_3119, %add3A_3120 : i32
        %swap3A_3122 = arith.index_cast %add3A_3121 : i32 to index
        %swap3A_3123 = tpu.vector_load %arg8[%swap3A_3122] {strides = array<i32>} : memref<54912xf32, #tpu.memory_space<vmem>>, vector<16xf32>,
        tpu.vector_store %arg8[%swap3A_3122], %get3A_3115 {strides = array<i32>} : memref<54912xf32, #tpu.memory_space<vmem>>, vector<16xf32>,
        %get3A_3124 = arith.constant 14 : i32
        %get3A_3125 = arith.index_cast %get3A_3124 : i32 to index
        %get3A_3126 = arith.index_cast %scan3A_2934 : i32 to index
        %get3A_3127 = arith.constant 0 : index
        %get3A_3128 = tpu.vector_load %arg7[%get3A_3125, %get3A_3126, %get3A_3127] {strides = array<i32>} : memref<26x128x16xf32, #tpu.memory_space<vmem>>, vector<16xf32>,
        %mul3A_3129 = arith.constant 429 : i32
        %mul3A_3130 = arith.muli %scan3A_2934, %mul3A_3129 : i32
        %add3A_3131 = arith.constant 13 : i32
        %add3A_3132 = arith.addi %mul3A_3130, %add3A_3131 : i32
        %add3A_3133 = arith.constant 224 : i32
        %add3A_3134 = arith.addi %add3A_3132, %add3A_3133 : i32
        %swap3A_3135 = arith.index_cast %add3A_3134 : i32 to index
        %swap3A_3136 = tpu.vector_load %arg8[%swap3A_3135] {strides = array<i32>} : memref<54912xf32, #tpu.memory_space<vmem>>, vector<16xf32>,
        tpu.vector_store %arg8[%swap3A_3135], %get3A_3128 {strides = array<i32>} : memref<54912xf32, #tpu.memory_space<vmem>>, vector<16xf32>,
        %get3A_3137 = arith.constant 15 : i32
        %get3A_3138 = arith.index_cast %get3A_3137 : i32 to index
        %get3A_3139 = arith.index_cast %scan3A_2934 : i32 to index
        %get3A_3140 = arith.constant 0 : index
        %get3A_3141 = tpu.vector_load %arg7[%get3A_3138, %get3A_3139, %get3A_3140] {strides = array<i32>} : memref<26x128x16xf32, #tpu.memory_space<vmem>>, vector<16xf32>,
        %mul3A_3142 = arith.constant 429 : i32
        %mul3A_3143 = arith.muli %scan3A_2934, %mul3A_3142 : i32
        %add3A_3144 = arith.constant 13 : i32
        %add3A_3145 = arith.addi %mul3A_3143, %add3A_3144 : i32
        %add3A_3146 = arith.constant 240 : i32
        %add3A_3147 = arith.addi %add3A_3145, %add3A_3146 : i32
        %swap3A_3148 = arith.index_cast %add3A_3147 : i32 to index
        %swap3A_3149 = tpu.vector_load %arg8[%swap3A_3148] {strides = array<i32>} : memref<54912xf32, #tpu.memory_space<vmem>>, vector<16xf32>,
        tpu.vector_store %arg8[%swap3A_3148], %get3A_3141 {strides = array<i32>} : memref<54912xf32, #tpu.memory_space<vmem>>, vector<16xf32>,
        %get3A_3150 = arith.constant 16 : i32
        %get3A_3151 = arith.index_cast %get3A_3150 : i32 to index
        %get3A_3152 = arith.index_cast %scan3A_2934 : i32 to index
        %get3A_3153 = arith.constant 0 : index
        %get3A_3154 = tpu.vector_load %arg7[%get3A_3151, %get3A_3152, %get3A_3153] {strides = array<i32>} : memref<26x128x16xf32, #tpu.memory_space<vmem>>, vector<16xf32>,
        %mul3A_3155 = arith.constant 429 : i32
        %mul3A_3156 = arith.muli %scan3A_2934, %mul3A_3155 : i32
        %add3A_3157 = arith.constant 13 : i32
        %add3A_3158 = arith.addi %mul3A_3156, %add3A_3157 : i32
        %add3A_3159 = arith.constant 256 : i32
        %add3A_3160 = arith.addi %add3A_3158, %add3A_3159 : i32
        %swap3A_3161 = arith.index_cast %add3A_3160 : i32 to index
        %swap3A_3162 = tpu.vector_load %arg8[%swap3A_3161] {strides = array<i32>} : memref<54912xf32, #tpu.memory_space<vmem>>, vector<16xf32>,
        tpu.vector_store %arg8[%swap3A_3161], %get3A_3154 {strides = array<i32>} : memref<54912xf32, #tpu.memory_space<vmem>>, vector<16xf32>,
        %get3A_3163 = arith.constant 17 : i32
        %get3A_3164 = arith.index_cast %get3A_3163 : i32 to index
        %get3A_3165 = arith.index_cast %scan3A_2934 : i32 to index
        %get3A_3166 = arith.constant 0 : index
        %get3A_3167 = tpu.vector_load %arg7[%get3A_3164, %get3A_3165, %get3A_3166] {strides = array<i32>} : memref<26x128x16xf32, #tpu.memory_space<vmem>>, vector<16xf32>,
        %mul3A_3168 = arith.constant 429 : i32
        %mul3A_3169 = arith.muli %scan3A_2934, %mul3A_3168 : i32
        %add3A_3170 = arith.constant 13 : i32
        %add3A_3171 = arith.addi %mul3A_3169, %add3A_3170 : i32
        %add3A_3172 = arith.constant 272 : i32
        %add3A_3173 = arith.addi %add3A_3171, %add3A_3172 : i32
        %swap3A_3174 = arith.index_cast %add3A_3173 : i32 to index
        %swap3A_3175 = tpu.vector_load %arg8[%swap3A_3174] {strides = array<i32>} : memref<54912xf32, #tpu.memory_space<vmem>>, vector<16xf32>,
        tpu.vector_store %arg8[%swap3A_3174], %get3A_3167 {strides = array<i32>} : memref<54912xf32, #tpu.memory_space<vmem>>, vector<16xf32>,
        %get3A_3176 = arith.constant 18 : i32
        %get3A_3177 = arith.index_cast %get3A_3176 : i32 to index
        %get3A_3178 = arith.index_cast %scan3A_2934 : i32 to index
        %get3A_3179 = arith.constant 0 : index
        %get3A_3180 = tpu.vector_load %arg7[%get3A_3177, %get3A_3178, %get3A_3179] {strides = array<i32>} : memref<26x128x16xf32, #tpu.memory_space<vmem>>, vector<16xf32>,
        %mul3A_3181 = arith.constant 429 : i32
        %mul3A_3182 = arith.muli %scan3A_2934, %mul3A_3181 : i32
        %add3A_3183 = arith.constant 13 : i32
        %add3A_3184 = arith.addi %mul3A_3182, %add3A_3183 : i32
        %add3A_3185 = arith.constant 288 : i32
        %add3A_3186 = arith.addi %add3A_3184, %add3A_3185 : i32
        %swap3A_3187 = arith.index_cast %add3A_3186 : i32 to index
        %swap3A_3188 = tpu.vector_load %arg8[%swap3A_3187] {strides = array<i32>} : memref<54912xf32, #tpu.memory_space<vmem>>, vector<16xf32>,
        tpu.vector_store %arg8[%swap3A_3187], %get3A_3180 {strides = array<i32>} : memref<54912xf32, #tpu.memory_space<vmem>>, vector<16xf32>,
        %get3A_3189 = arith.constant 19 : i32
        %get3A_3190 = arith.index_cast %get3A_3189 : i32 to index
        %get3A_3191 = arith.index_cast %scan3A_2934 : i32 to index
        %get3A_3192 = arith.constant 0 : index
        %get3A_3193 = tpu.vector_load %arg7[%get3A_3190, %get3A_3191, %get3A_3192] {strides = array<i32>} : memref<26x128x16xf32, #tpu.memory_space<vmem>>, vector<16xf32>,
        %mul3A_3194 = arith.constant 429 : i32
        %mul3A_3195 = arith.muli %scan3A_2934, %mul3A_3194 : i32
        %add3A_3196 = arith.constant 13 : i32
        %add3A_3197 = arith.addi %mul3A_3195, %add3A_3196 : i32
        %add3A_3198 = arith.constant 304 : i32
        %add3A_3199 = arith.addi %add3A_3197, %add3A_3198 : i32
        %swap3A_3200 = arith.index_cast %add3A_3199 : i32 to index
        %swap3A_3201 = tpu.vector_load %arg8[%swap3A_3200] {strides = array<i32>} : memref<54912xf32, #tpu.memory_space<vmem>>, vector<16xf32>,
        tpu.vector_store %arg8[%swap3A_3200], %get3A_3193 {strides = array<i32>} : memref<54912xf32, #tpu.memory_space<vmem>>, vector<16xf32>,
        %get3A_3202 = arith.constant 20 : i32
        %get3A_3203 = arith.index_cast %get3A_3202 : i32 to index
        %get3A_3204 = arith.index_cast %scan3A_2934 : i32 to index
        %get3A_3205 = arith.constant 0 : index
        %get3A_3206 = tpu.vector_load %arg7[%get3A_3203, %get3A_3204, %get3A_3205] {strides = array<i32>} : memref<26x128x16xf32, #tpu.memory_space<vmem>>, vector<16xf32>,
        %mul3A_3207 = arith.constant 429 : i32
        %mul3A_3208 = arith.muli %scan3A_2934, %mul3A_3207 : i32
        %add3A_3209 = arith.constant 13 : i32
        %add3A_3210 = arith.addi %mul3A_3208, %add3A_3209 : i32
        %add3A_3211 = arith.constant 320 : i32
        %add3A_3212 = arith.addi %add3A_3210, %add3A_3211 : i32
        %swap3A_3213 = arith.index_cast %add3A_3212 : i32 to index
        %swap3A_3214 = tpu.vector_load %arg8[%swap3A_3213] {strides = array<i32>} : memref<54912xf32, #tpu.memory_space<vmem>>, vector<16xf32>,
        tpu.vector_store %arg8[%swap3A_3213], %get3A_3206 {strides = array<i32>} : memref<54912xf32, #tpu.memory_space<vmem>>, vector<16xf32>,
        %get3A_3215 = arith.constant 21 : i32
        %get3A_3216 = arith.index_cast %get3A_3215 : i32 to index
        %get3A_3217 = arith.index_cast %scan3A_2934 : i32 to index
        %get3A_3218 = arith.constant 0 : index
        %get3A_3219 = tpu.vector_load %arg7[%get3A_3216, %get3A_3217, %get3A_3218] {strides = array<i32>} : memref<26x128x16xf32, #tpu.memory_space<vmem>>, vector<16xf32>,
        %mul3A_3220 = arith.constant 429 : i32
        %mul3A_3221 = arith.muli %scan3A_2934, %mul3A_3220 : i32
        %add3A_3222 = arith.constant 13 : i32
        %add3A_3223 = arith.addi %mul3A_3221, %add3A_3222 : i32
        %add3A_3224 = arith.constant 336 : i32
        %add3A_3225 = arith.addi %add3A_3223, %add3A_3224 : i32
        %swap3A_3226 = arith.index_cast %add3A_3225 : i32 to index
        %swap3A_3227 = tpu.vector_load %arg8[%swap3A_3226] {strides = array<i32>} : memref<54912xf32, #tpu.memory_space<vmem>>, vector<16xf32>,
        tpu.vector_store %arg8[%swap3A_3226], %get3A_3219 {strides = array<i32>} : memref<54912xf32, #tpu.memory_space<vmem>>, vector<16xf32>,
        %get3A_3228 = arith.constant 22 : i32
        %get3A_3229 = arith.index_cast %get3A_3228 : i32 to index
        %get3A_3230 = arith.index_cast %scan3A_2934 : i32 to index
        %get3A_3231 = arith.constant 0 : index
        %get3A_3232 = tpu.vector_load %arg7[%get3A_3229, %get3A_3230, %get3A_3231] {strides = array<i32>} : memref<26x128x16xf32, #tpu.memory_space<vmem>>, vector<16xf32>,
        %mul3A_3233 = arith.constant 429 : i32
        %mul3A_3234 = arith.muli %scan3A_2934, %mul3A_3233 : i32
        %add3A_3235 = arith.constant 13 : i32
        %add3A_3236 = arith.addi %mul3A_3234, %add3A_3235 : i32
        %add3A_3237 = arith.constant 352 : i32
        %add3A_3238 = arith.addi %add3A_3236, %add3A_3237 : i32
        %swap3A_3239 = arith.index_cast %add3A_3238 : i32 to index
        %swap3A_3240 = tpu.vector_load %arg8[%swap3A_3239] {strides = array<i32>} : memref<54912xf32, #tpu.memory_space<vmem>>, vector<16xf32>,
        tpu.vector_store %arg8[%swap3A_3239], %get3A_3232 {strides = array<i32>} : memref<54912xf32, #tpu.memory_space<vmem>>, vector<16xf32>,
        %get3A_3241 = arith.constant 23 : i32
        %get3A_3242 = arith.index_cast %get3A_3241 : i32 to index
        %get3A_3243 = arith.index_cast %scan3A_2934 : i32 to index
        %get3A_3244 = arith.constant 0 : index
        %get3A_3245 = tpu.vector_load %arg7[%get3A_3242, %get3A_3243, %get3A_3244] {strides = array<i32>} : memref<26x128x16xf32, #tpu.memory_space<vmem>>, vector<16xf32>,
        %mul3A_3246 = arith.constant 429 : i32
        %mul3A_3247 = arith.muli %scan3A_2934, %mul3A_3246 : i32
        %add3A_3248 = arith.constant 13 : i32
        %add3A_3249 = arith.addi %mul3A_3247, %add3A_3248 : i32
        %add3A_3250 = arith.constant 368 : i32
        %add3A_3251 = arith.addi %add3A_3249, %add3A_3250 : i32
        %swap3A_3252 = arith.index_cast %add3A_3251 : i32 to index
        %swap3A_3253 = tpu.vector_load %arg8[%swap3A_3252] {strides = array<i32>} : memref<54912xf32, #tpu.memory_space<vmem>>, vector<16xf32>,
        tpu.vector_store %arg8[%swap3A_3252], %get3A_3245 {strides = array<i32>} : memref<54912xf32, #tpu.memory_space<vmem>>, vector<16xf32>,
        %get3A_3254 = arith.constant 24 : i32
        %get3A_3255 = arith.index_cast %get3A_3254 : i32 to index
        %get3A_3256 = arith.index_cast %scan3A_2934 : i32 to index
        %get3A_3257 = arith.constant 0 : index
        %get3A_3258 = tpu.vector_load %arg7[%get3A_3255, %get3A_3256, %get3A_3257] {strides = array<i32>} : memref<26x128x16xf32, #tpu.memory_space<vmem>>, vector<16xf32>,
        %mul3A_3259 = arith.constant 429 : i32
        %mul3A_3260 = arith.muli %scan3A_2934, %mul3A_3259 : i32
        %add3A_3261 = arith.constant 13 : i32
        %add3A_3262 = arith.addi %mul3A_3260, %add3A_3261 : i32
        %add3A_3263 = arith.constant 384 : i32
        %add3A_3264 = arith.addi %add3A_3262, %add3A_3263 : i32
        %swap3A_3265 = arith.index_cast %add3A_3264 : i32 to index
        %swap3A_3266 = tpu.vector_load %arg8[%swap3A_3265] {strides = array<i32>} : memref<54912xf32, #tpu.memory_space<vmem>>, vector<16xf32>,
        tpu.vector_store %arg8[%swap3A_3265], %get3A_3258 {strides = array<i32>} : memref<54912xf32, #tpu.memory_space<vmem>>, vector<16xf32>,
        %get3A_3267 = arith.constant 25 : i32
        %get3A_3268 = arith.index_cast %get3A_3267 : i32 to index
        %get3A_3269 = arith.index_cast %scan3A_2934 : i32 to index
        %get3A_3270 = arith.constant 0 : index
        %get3A_3271 = tpu.vector_load %arg7[%get3A_3268, %get3A_3269, %get3A_3270] {strides = array<i32>} : memref<26x128x16xf32, #tpu.memory_space<vmem>>, vector<16xf32>,
        %mul3A_3272 = arith.constant 429 : i32
        %mul3A_3273 = arith.muli %scan3A_2934, %mul3A_3272 : i32
        %add3A_3274 = arith.constant 13 : i32
        %add3A_3275 = arith.addi %mul3A_3273, %add3A_3274 : i32
        %add3A_3276 = arith.constant 400 : i32
        %add3A_3277 = arith.addi %add3A_3275, %add3A_3276 : i32
        %swap3A_3278 = arith.index_cast %add3A_3277 : i32 to index
        %swap3A_3279 = tpu.vector_load %arg8[%swap3A_3278] {strides = array<i32>} : memref<54912xf32, #tpu.memory_space<vmem>>, vector<16xf32>,
        tpu.vector_store %arg8[%swap3A_3278], %get3A_3271 {strides = array<i32>} : memref<54912xf32, #tpu.memory_space<vmem>>, vector<16xf32>,
      }
      %scan3A_2930 = arith.constant 128 : i32
      %mul3A_2931 = arith.constant 429 : i32
      %mul3A_2932 = arith.muli %multiple_of3A, %mul3A_2931 : i32
      %multiple_of3A_2933 = tpu.assume_multiple %mul3A_2932, 8 : i32
      "tpu.region"() ({
        %run_scoped3A = tpu.sem_alloc : memref<!tpu.dma_semaphore, #tpu.memory_space<semaphore_mem>>
        %dma_start3A_2934 = tpu.memref_slice %arg4[%multiple_of3A_2933] : memref<7028736xf32, #tpu.memory_space<hbm>> -> memref<54912xf32, #tpu.memory_space<hbm>>
        %dma_start3A_2935 = tpu.memref_slice %arg4[%multiple_of3A_2933] : memref<7028736xf32, #tpu.memory_space<hbm>> -> memref<54912xf32, #tpu.memory_space<hbm>>
        tpu.enqueue_dma source(%arg8 : memref<54912xf32, #tpu.memory_space<vmem>>) target(%dma_start3A_2935 : memref<54912xf32, #tpu.memory_space<hbm>>) target_semaphore(%run_scoped3A : memref<!tpu.dma_semaphore, #tpu.memory_space<semaphore_mem>>)
        %dma_wait3A_2936 = tpu.memref_slice %arg4[%multiple_of3A_2933] : memref<7028736xf32, #tpu.memory_space<hbm>> -> memref<54912xf32, #tpu.memory_space<hbm>>
        %dma_wait3A_2937 = tpu.memref_slice %arg4[%multiple_of3A_2933] : memref<7028736xf32, #tpu.memory_space<hbm>> -> memref<54912xf32, #tpu.memory_space<hbm>>
        tpu.wait_dma2 semaphore(%run_scoped3A : memref<!tpu.dma_semaphore, #tpu.memory_space<semaphore_mem>>) src(%arg8 : memref<54912xf32, #tpu.memory_space<vmem>>) dst(%dma_wait3A_2937 : memref<54912xf32, #tpu.memory_space<hbm>>)
        tpu.yield
      }) : () -> ()
    }
    %scan3A_7 = arith.constant 4 : i32
    return
  }
}

</mosaic_0001>

<sc_bundles>
// kernel: kernel.3.cloned.1.call-start
scs
__scs_entry_jumppad:
0x0: {  	(pc) =	sbr.rel $0x88, $3  }
0x1: {  	(tag) =	ssettag $0x0;
	lr =	simm.s32 $0x1  }
0x2: {  	[smem:$0x3F9F] =	sst lr;
	_ =	strace $0xD0000000  }
0x3: {  	_ = 	snop  }
0x4: {  	_ = 	snop  }
0x5: {  	_ = 	snop  }
0x6: {  	_ = 	snop  }
0x7: {  	_ = 	snop  }
__scs_overlays_trampoline_lowered:
0x8: {  	[smem:$0x3FAE] =	sst s0  }
0x9: {  	[smem:$0x3FAF] =	sst s1  }
0xa: {  	[smem:$0x3FB0] =	sst s2  }
0xb: {  	[smem:$0x3FB1] =	sst s3  }
0xc: {  	[smem:$0x3FB2] =	sst s4  }
0xd: {  	[smem:$0x3FB3] =	sst s5  }
0xe: {  	[smem:$0x3FB4] =	sst s6  }
0xf: {  	[smem:$0x3FB5] =	sst s7  }
0x10: {  	[smem:$0x3FB6] =	sst s8  }
0x11: {  	[smem:$0x3FB7] =	sst s9;
	s0 =	simm.s32 @!p0 $0x0  }
0x12: {  	s1 =	sld [smem:$0x3F9D];
	s0 =	simm.s32 @p0 $0x1  }
0x13: {  	[smem:$0x3FB8] =	sst s0;
	s0 =	simm.s32 @!p1 $0x0  }
0x14: {  	s2 =	sld [smem:$0x3F9C];
	s0 =	simm.s32 @p1 $0x1  }
0x15: {  	[smem:$0x3FB9] =	sst s0;
	s0 =	simm.s32 @!p2 $0x0  }
0x16: {  	s3 =	sld [smem:$0x3FDB];
	s0 =	simm.s32 @p2 $0x1  }
0x17: {  	s4 =	simm.s32 $0x1BF5;
	[smem:$0x3FBB] =	sst s0  }
0x18: {  	s0 =	sld [smem:$0x3F9E];
	_ =	swait.ge [sflag:s4], $0x0  }
0x19: {  	s7 =	sld [smem:$0x3F9F]  }
0x1a: {  	s8 =	sadd.s32 $0xFFFFE003, lr  }
0x1b: {  	s9 =	sadd.s32 $0xFFFFFEF7, lr;
	s5 =	simm.s32 $0xFFFFFFFF;
	p2 =	slt.u32 s8, $0xFFFFF086  }
0x1c: {  	p1 =	slt.u32 s9, $0xF7A;
	s5 =	simm.s32 @!p2 $0x0  }
0x1d: {  	s5 =	simm.s32 @p1 $0x1;
	p0 =	seq.s32 s7, s2  }
0x1e: {  	s7 =	smul.u32 @!p0 $0xF7A, s2;
	p2 =	seq.s32 @!p0 s5, $0x0  }
0x1f: {  	s9 =	smul.u32 $0xF7A, s1;
	s8 =	simm.s32 @!p0 $0x1BF5;
	p2 =	por !p2, p0  }
0x20: {  	[sflag:s8] =	ssyncset.s32 @!p0 $0xFFFFF086;
	s6 =	sadd.s32 @!p0 s3, s7;
	s7 =	simm.s32 @!p0 $0x108  }
0x21: {  	s3 =	sadd.s32 s3, s9;
	s6 =	sadd.s32 @!p0 $0x88, s6;
	s7 =	simm.s32 @p2 $0x1082  }
0x22: {  	[simem:s7], [sflag:s8] =	dma.local @!p0 [hbm:s6], $0xF7A  }
0x23: {  	s9 =	sor.u32 $0xD0000000, s2;
	s6 =	simm.s32 $0x108;
	_ =	swait.ge @!p0 [sflag:s8], $0x0  }
0x24: {  	s3 =	sadd.s32 $0x88, s3;
	s6 =	simm.s32 @!p1 $0x1082;
	[sflag:s4] =	ssyncset.s32 $0xFFFFF086  }
0x25: {  	[simem:s6], [sflag:s4] =	dma.local [hbm:s3], $0xF7A  }
0x26: {  	[smem:$0x3F9F] =	sst s1;
	(tag) =	ssettag s2;
	_ =	strace s9  }
0x27: {  	s1 =	sld [smem:$0x3FAF]  }
0x28: {  	s2 =	sld [smem:$0x3FB0]  }
0x29: {  	s4 =	sld [smem:$0x3FB2]  }
0x2a: {  	p0 =	seq.s32 s5, $0x0;
	s5 =	sld [smem:$0x3FB3]  }
0x2b: {  	s6 =	sld [smem:$0x3FB4]  }
0x2c: {  	s7 =	sld [smem:$0x3FB5]  }
0x2d: {  	s3 =	simm.s32 $0x108;
	s8 =	sld [smem:$0x3FB6]  }
0x2e: {  	s3 =	simm.s32 @!p0 $0x1082;
	s9 =	sld [smem:$0x3FB7]  }
0x2f: {  	lr =	sadd.s32 s0, s3;
	s0 =	sld [smem:$0x3FAE]  }
0x30: {  	s3 =	sld [smem:$0x3FB1]  }
0x31: {  	[smem:$0x3FBA] =	sst s10  }
0x32: {  	s10 =	sld [smem:$0x3FB8];
	_ =	sdelay $0x3  }
0x33: {  	p0 =	seq.s32 s10, $0x1;
	s10 =	sld [smem:$0x3FBA];
	_ =	sdelay $0x3  }
0x34: {  	[smem:$0x3FBA] =	sst s10  }
0x35: {  	s10 =	sld [smem:$0x3FB9];
	_ =	sdelay $0x3  }
0x36: {  	p1 =	seq.s32 s10, $0x1;
	s10 =	sld [smem:$0x3FBA];
	_ =	sdelay $0x3  }
0x37: {  	[smem:$0x3FBA] =	sst s10  }
0x38: {  	s10 =	sld [smem:$0x3FBB]  }
0x39: {  	_ = 	snop;
	(pc) =	sbr.ind lr, $3  }
0x3a: {  	_ = 	snop  }
0x3b: {  	_ = 	snop  }
0x3c: {  	p2 =	seq.s32 s10, $0x1;
	s10 =	sld [smem:$0x3FBA]  }
0x3d: {  	_ =	shalt  }
0x3e: {  	_ =	shalt  }
0x3f: {  	_ =	shalt  }
0x40: {  	_ =	shalt  }
0x41: {  	_ =	shalt  }
0x42: {  	_ =	shalt  }
0x43: {  	_ =	shalt  }
0x44: {  	_ =	shalt  }
0x45: {  	_ =	shalt  }
0x46: {  	_ =	shalt  }
0x47: {  	_ =	shalt  }
0x48: {  	_ =	shalt  }
0x49: {  	_ =	shalt  }
0x4a: {  	_ =	shalt  }
0x4b: {  	_ =	shalt  }
0x4c: {  	_ =	shalt  }
0x4d: {  	_ =	shalt  }
0x4e: {  	_ =	shalt  }
0x4f: {  	_ =	shalt  }
0x50: {  	_ =	shalt  }
0x51: {  	_ =	shalt  }
0x52: {  	_ =	shalt  }
0x53: {  	_ =	shalt  }
0x54: {  	_ =	shalt  }
0x55: {  	_ =	shalt  }
0x56: {  	_ =	shalt  }
0x57: {  	_ =	shalt  }
0x58: {  	_ =	shalt  }
0x59: {  	_ =	shalt  }
0x5a: {  	_ =	shalt  }
0x5b: {  	_ =	shalt  }
0x5c: {  	_ =	shalt  }
0x5d: {  	_ =	shalt  }
0x5e: {  	_ =	shalt  }
0x5f: {  	_ =	shalt  }
0x60: {  	_ =	shalt  }
0x61: {  	_ =	shalt  }
0x62: {  	_ =	shalt  }
0x63: {  	_ =	shalt  }
0x64: {  	_ =	shalt  }
0x65: {  	_ =	shalt  }
0x66: {  	_ =	shalt  }
0x67: {  	_ =	shalt  }
0x68: {  	_ =	shalt  }
0x69: {  	_ =	shalt  }
0x6a: {  	_ =	shalt  }
0x6b: {  	_ =	shalt  }
0x6c: {  	_ =	shalt  }
0x6d: {  	_ =	shalt  }
0x6e: {  	_ =	shalt  }
0x6f: {  	_ =	shalt  }
0x70: {  	_ =	shalt  }
0x71: {  	_ =	shalt  }
0x72: {  	_ =	shalt  }
0x73: {  	_ =	shalt  }
0x74: {  	_ =	shalt  }
0x75: {  	_ =	shalt  }
0x76: {  	_ =	shalt  }
0x77: {  	_ =	shalt  }
0x78: {  	_ =	shalt  }
0x79: {  	_ =	shalt  }
0x7a: {  	_ =	shalt  }
0x7b: {  	_ =	shalt  }
0x7c: {  	_ =	shalt  }
0x7d: {  	_ =	shalt  }
0x7e: {  	_ =	shalt  }
0x7f: {  	_ =	shalt  }
0x80: {  	_ =	shalt  }
0x81: {  	_ =	shalt  }
0x82: {  	_ =	shalt  }
0x83: {  	_ =	shalt  }
0x84: {  	_ =	shalt  }
0x85: {  	_ =	shalt  }
0x86: {  	_ =	shalt  }
0x87: {  	_ =	shalt  }
.Lfunc_end0:
.L_simem_size_0:
called_computation_lowered:
.L_overlay_start_0:
0x88: {  	s2 =	sld [smem:$0x3FD9]  }
0x89: {  	s3 =	sld [smem:$0x3FFE];
	_ =	sdelay $0x1  }
0x8a: {  	s1 =	srdreg.scid  }
0x8b: {  	s0 =	sand.u32 $0x1, s1  }
0x8c: {  	s17 =	sshll.u32 s0, $0xA;
	s2 =	sadd.s32 s3, s2  }
0x8d: {  	s2 =	sadd.s32 s2, s17  }
0x8e: {  	[smem:$0x3FC6] =	sst s2  }
0x8f: {  	_ = 	snop  }
0x90: {  	s2 =	sld [smem:$0x3FD0];
	(tm) =	ssettm $0x1  }
0x91: {  	s18 =	sld [smem:$0x3FFB];
	_ =	sdelay $0x3  }
0x92: {  	_ =	strace s18  }
0x93: {  	s3 =	sld [smem:$0x3FFC];
	_ =	sdelay $0x3  }
0x94: {  	_ =	strace s3  }
0x95: {  	s3 =	sld [smem:$0x3FFD];
	_ =	sdelay $0x3  }
0x96: {  	_ =	strace s3  }
0x97: {  	_ =	strace $0x8FFFFFFF  }
0x98: {  	s19 =	sld [smem:$0x3FDB];
	_ =	sdelay $0x1  }
0x99: {  	s4 =	simm.s32 $_scs_section_size  }
0x9a: {  	s5 =	simm.s32 $_size__tile_overlayer_lowered;
	s6 =	simm.s32 $_tile_overlayer_lowered  }
0x9b: {  	s22 =	simm.s32 $0x1BFF;
	s21 =	sshll.u32 s6, $0x1;
	s3 =	sadd.s32 s4, s19  }
0x9c: {  	s7 =	simm.s32 $0x0;
	s20 =	sshll.u32 s5, $0x1;
	s5 =	sadd.s32 s21, s3  }
0x9d: {  	[timem:s7], [sflag:s22] =	dma.local [hbm:s5], s20  }
0x9e: {  	_ =	swait.ge [sflag:s22], s20  }
0x9f: {  	s4 =	ssub.s32 $0x0, s20;
	[sflag:s22] =	ssyncset.done $0x0  }
0xa0: {  	[sflag:s22] =	ssyncadd.s32 s4;
	_ =	sdelay $0x1  }
0xa1: {  	s23 =	simm.s32 $0x1B8B  }
0xa2: {  	_ =	swait.ge [sflag:s23], $0x1  }
0xa3: {  	[sflag:s23] =	ssyncset.done $0x0  }
0xa4: {  	s25 =	simm.s32 $0x1B8E;
	s24 =	sld [smem:$0x3FFE];
	[sflag:s23] =	ssyncadd.s32 $0xFFFFFFFF  }
0xa5: {  	s26 =	simm.s32 $execute0_lowered;
	[smem:$0x3FD2] =	sst s25  }
0xa6: {  	s5 =	sshll.u32 s26, $0x1;
	_ =	strace $0x80000046;
	[dreg:$0x1] =	wrdreg $0xFFFFFFFF  }
0xa7: {  	s28 =	simm.s32 $_size_execute0_lowered;
	s3 =	sadd.s32 s3, s5;
	[dreg:$0x0] =	wrdreg $0x0  }
0xa8: {  	s5 =	sshll.u32 s28, $0x1;
	[dreg:$0x2] =	wrdreg s3  }
0xa9: {  	[dreg:$0x3] =	wrdreg s5  }
0xaa: {  	[dreg:$0x4] =	wrdreg $0xC0  }
0xab: {  	_ =	task [dreg:s7], $0x5FFFF  }
0xac: {  	[dreg:$0x1] =	wrdreg $0xFFFFFFFF  }
0xad: {  	[dreg:$0x0] =	wrdreg $0x60  }
0xae: {  	[dreg:$0x2] =	wrdreg s24  }
0xaf: {  	[dreg:$0x3] =	wrdreg s2  }
0xb0: {  	[dreg:$0x4] =	wrdreg $0x9  }
0xb1: {  	_ =	task.clear_ibuf [dreg:s7], $0x5FFFF;
	_ =	strace $0x90000046  }
0xb2: {  	s29 =	simm.s32 $0x9;
	_ =	strace $0x80000048  }
0xb3: {  	_ =	swait.ge [sflag:s29], $0x1  }
0xb4: {  	[sflag:s29] =	ssyncadd.s32 $0xFFFFFFFF  }
0xb5: {  	_ =	strace $0x90000048  }
0xb6: {  	_ =	sfence  }
0xb7: {  	s30 =	sld [smem:$0x0];
	_ =	sdelay $0x2  }
0xb8: {  	s31 =	sshll.u32 s1, $0xD;
	s1 =	sshrl.u32 s1, $0x2  }
0xb9: {  	s3 =	sand.u32 $0x4000, s31;
	s1 =	sadd.s32 s1, s30  }
0xba: {  	s0 =	sor.u32 s3, s0;
	s1 =	sshll.u32 s1, $0x11  }
0xbb: {  	s0 =	sor.u32 s1, s0  }
0xbc: {  	s0 =	sadd.s32 $0x8F2B, s0  }
0xbd: {  	[sflag:s0] =	ssyncadd.remote.s32 $0x1  }
0xbe: {  	_ =	sfence.sel $0xFFFF  }
0xbf: {  	[dreg:$0x0] =	wrdreg $0xFFFFFFFF;
	(pc) =	sbr.abs _section_cstart, $3  }
0xc0: {  	[dreg:$0x1] =	wrdreg $0xFFFFFFFF  }
0xc1: {  	_ =	task.clear_ibuf [dreg:s7], $0x2FFFF;
	_ =	strace $0x9FFFFFFF  }
0xc2: {  	(tm) =	ssettm $0x7FFFFFFF  }
0xc3: {  	_ =	shalt  }
tec
execute0_lowered:
.L_overlay_start_1:
0x0: {  	(tag) =	ssettag $0x1  }
0x1: {  	v0 =	vlaneseq.u32  }
0x2: {  	v0 =	vmul.u32 $0x27, v0;
	_ =	sdelay $0x1  }
0x3: {  	v1 =	vadd.s32 $0xD, v0;
	v3 =	vadd.s32 $0x4ED, v0;
	v4 =	vadd.s32 $0x75D, v0  }
0x4: {  	v5 =	vadd.s32 $0x9CD, v0;
	v6 =	vadd.s32 $0xC3D, v0;
	v7 =	vadd.s32 $0xEAD, v0  }
0x5: {  	v8 =	vadd.s32 $0x111D, v0;
	v9 =	vadd.s32 $0xE, v0;
	v10 =	vadd.s32 $0x27E, v0  }
0x6: {  	v11 =	vadd.s32 $0x4EE, v0;
	v12 =	vadd.s32 $0x75E, v0;
	v13 =	vadd.s32 $0x9CE, v0  }
0x7: {  	v14 =	vadd.s32 $0xC3E, v0;
	v15 =	vadd.s32 $0xEAE, v0;
	v16 =	vadd.s32 $0x111E, v0  }
0x8: {  	v17 =	vadd.s32 $0xF, v0;
	v18 =	vadd.s32 $0x27F, v0;
	v19 =	vadd.s32 $0x4EF, v0  }
0x9: {  	v20 =	vadd.s32 $0x75F, v0;
	v21 =	vadd.s32 $0x9CF, v0;
	v22 =	vadd.s32 $0xC3F, v0  }
0xa: {  	s0 =	rddreg [dreg:$0x0];
	v23 =	vadd.s32 $0xEAF, v0;
	v24 =	vadd.s32 $0x111F, v0;
	v25 =	vadd.s32 $0x10, v0  }
0xb: {  	s2 =	simm.s32 $0x0;
	s1 =	srdreg.scid;
	s5 =	stileid.u32;
	v26 =	vadd.s32 $0x280, v0;
	v27 =	vadd.s32 $0x4F0, v0;
	v28 =	vadd.s32 $0x760, v0  }
0xc: {  	s8 =	simm.s32 $0x2;
	s9 =	simm.s32 $0x80;
	s18 =	simm.s32 $0x1C00;
	v29 =	vadd.s32 $0x9D0, v0;
	v30 =	vadd.s32 $0xC40, v0;
	v31 =	vadd.s32 $0xEB0, v0  }
0xd: {  	s19 =	simm.s32 $0xA880;
	s20 =	simm.s32 $0x1C80;
	s21 =	simm.s32 $0xB080;
	v32 =	vadd.s32 $0x1120, v0;
	v33 =	vadd.s32 $0x11, v0;
	v34 =	vadd.s32 $0x281, v0  }
0xe: {  	s22 =	simm.s32 $0x1D00;
	s23 =	simm.s32 $0xB880;
	s28 =	simm.s32 $0xC880;
	v35 =	vadd.s32 $0x4F1, v0;
	v36 =	vadd.s32 $0x761, v0;
	v37 =	vadd.s32 $0x9D1, v0  }
0xf: {  	s29 =	simm.s32 $0x1E80;
	s30 =	simm.s32 $0xD080;
	s31 =	simm.s32 $0x1F00;
	v38 =	vadd.s32 $0xC41, v0;
	v39 =	vadd.s32 $0xEB1, v0;
	v40 =	vadd.s32 $0x1121, v0  }
0x10: {  	s7 =	simm.s32 $0xE080;
	s10 =	simm.s32 $0x1;
	s11 =	simm.s32 $0xF080;
	v41 =	vadd.s32 $0x12, v0;
	v42 =	vadd.s32 $0x282, v0;
	v43 =	vadd.s32 $0x4F2, v0  }
0x11: {  	s13 =	simm.s32 $0x0;
	[smem:$0x7FF] =	sst s2;
	s4 =	sadd.s32 $0x600, s0;
	v44 =	vadd.s32 $0x762, v0;
	v45 =	vadd.s32 $0x9D2, v0;
	v46 =	vadd.s32 $0xC42, v0  }
0x12: {  	s1 =	sand.u32 $0x1, s1;
	s25 =	sshll.u32 s5, $0xA;
	s5 =	sadd.s32 $0x27ACA00, s0;
	v47 =	vadd.s32 $0xEB2, v0;
	v48 =	vadd.s32 $0x1122, v0;
	v49 =	vadd.s32 $0x13, v0  }
0x13: {  	s0 =	simm.s32 $0xD880;
	s24 =	ssub.s32 $0x2, s1;
	s1 =	sshll.u32 s1, $0x9;
	v50 =	vadd.s32 $0x283, v0;
	v51 =	vadd.s32 $0x4F3, v0;
	v52 =	vadd.s32 $0x763, v0  }
0x14: {  	_ =	strace $0x80000047;
	s3 =	sshrl.u32 s24, $0x1;
	s6 =	sor.u32 s1, s25;
	v53 =	vadd.s32 $0x9D3, v0;
	v54 =	vadd.s32 $0xC43, v0;
	v55 =	vadd.s32 $0xEB3, v0  }
0x15: {  	s25 =	simm.s32 $0xC080;
	v56 =	vadd.s32 $0x1123, v0;
	v57 =	vadd.s32 $0x14, v0;
	v58 =	vadd.s32 $0x284, v0;
	s1 =	simm.s32 $0x2000;
	s2 =	ssub.s32 s24, s3  }
0x16: {  	v59 =	vadd.s32 $0x4F4, v0;
	v60 =	vadd.s32 $0x764, v0;
	[tilespmem:$0x1FFE0] =	vst v1;
	v1 =	vadd.s32 $0x27D, v0;
	s24 =	simm.s32 $0x1D80;
	s3 =	simm.s32 $0x1F80;
	s26 =	smax.u32 s2, $0x1  }
0x17: {  	v61 =	vadd.s32 $0x9D4, v0;
	v62 =	vadd.s32 $0xC44, v0;
	v63 =	vadd.s32 $0xEB4, v0;
	[tilespmem:$0x1FFF0] =	vst v1;
	s2 =	simm.s32 $0xE880;
	[dreg:$0x3] =	wrdreg s26;
	s26 =	simm.s32 $0x1E00  }
.LBB2_1:
0x18: {  	[dreg:$0x4] =	wrdreg s13;
	s12 =	simm.s32 $0x0  }
.LBB2_2:
0x19: {  	s13 =	sshll.u32 s12, $0x7  }
0x1a: {  	s13 =	sadd.s32 s6, s13  }
0x1b: {  	s14 =	smul.u32 $0x27, s13;
	_ =	sdelay $0x1  }
0x1c: {  	s14 =	sshrl.u32 s14, $0x3  }
0x1d: {  	s15 =	sadd.s32 s4, s14;
	s14 =	simm.s32 $0x0  }
0x1e: {  	[tilespmem:s14], [sflag:$0x2] =	stream.linear.gather [hbm4b:s15+s14], $0x1380, $0x38;
	[tilespmem:$0x1C700] =	vst v63  }
0x1f: {  	_ =	swait.ge [sflag:s8], $0x1380  }
0x20: {  	v1 =	vld [tilespmem:$0x1FFE0];
	_ =	sdelay $0x5  }
0x21: {  	[sflag:s8] =	ssyncset.done $0x0  }
0x22: {  	[sflag:s8] =	ssyncadd.s32 $0xFFFFEC80  }
0x23: {  	v1 =	vld.idx.msk [tilespmem:v1+s14+$0x0], $0xffff;
	_ =	sdelay $0x4  }
0x24: {  	[tilespmem:$0x1380] =	vst v1;
	v1 =	vld [tilespmem:$0x1FFF0];
	_ =	sdelay $0x7  }
0x25: {  	v1 =	vld.idx.msk [tilespmem:v1+s14+$0x0], $0xffff;
	_ =	sdelay $0x4  }
0x26: {  	[tilespmem:$0x1390] =	vst v1  }
0x27: {  	v1 =	vld.idx.msk [tilespmem:v3+s14+$0x0], $0xffff;
	_ =	sdelay $0x4  }
0x28: {  	[tilespmem:$0x13A0] =	vst v1  }
0x29: {  	v1 =	vld.idx.msk [tilespmem:v4+s14+$0x0], $0xffff;
	_ =	sdelay $0x4  }
0x2a: {  	[tilespmem:$0x13B0] =	vst v1  }
0x2b: {  	v1 =	vld.idx.msk [tilespmem:v5+s14+$0x0], $0xffff;
	_ =	sdelay $0x4  }
0x2c: {  	[tilespmem:$0x13C0] =	vst v1  }
0x2d: {  	v1 =	vld.idx.msk [tilespmem:v6+s14+$0x0], $0xffff;
	_ =	sdelay $0x4  }
0x2e: {  	[tilespmem:$0x13D0] =	vst v1  }
0x2f: {  	v1 =	vld.idx.msk [tilespmem:v7+s14+$0x0], $0xffff;
	_ =	sdelay $0x4  }
0x30: {  	[tilespmem:$0x13E0] =	vst v1  }
0x31: {  	v1 =	vld.idx.msk [tilespmem:v8+s14+$0x0], $0xffff;
	_ =	sdelay $0x4  }
0x32: {  	[tilespmem:$0x13F0] =	vst v1  }
0x33: {  	v1 =	vld.idx.msk [tilespmem:v9+s14+$0x0], $0xffff;
	_ =	sdelay $0x4  }
0x34: {  	v1 =	vadd.s32 $0x186A0, v1  }
0x35: {  	[tilespmem:$0x1400] =	vst v1  }
0x36: {  	v1 =	vld.idx.msk [tilespmem:v10+s14+$0x0], $0xffff;
	_ =	sdelay $0x4  }
0x37: {  	v1 =	vadd.s32 $0x186A0, v1  }
0x38: {  	[tilespmem:$0x1410] =	vst v1  }
0x39: {  	v1 =	vld.idx.msk [tilespmem:v11+s14+$0x0], $0xffff;
	_ =	sdelay $0x4  }
0x3a: {  	v1 =	vadd.s32 $0x186A0, v1  }
0x3b: {  	[tilespmem:$0x1420] =	vst v1  }
0x3c: {  	v1 =	vld.idx.msk [tilespmem:v12+s14+$0x0], $0xffff;
	_ =	sdelay $0x4  }
0x3d: {  	v1 =	vadd.s32 $0x186A0, v1  }
0x3e: {  	[tilespmem:$0x1430] =	vst v1  }
0x3f: {  	v1 =	vld.idx.msk [tilespmem:v13+s14+$0x0], $0xffff;
	_ =	sdelay $0x4  }
0x40: {  	v1 =	vadd.s32 $0x186A0, v1  }
0x41: {  	[tilespmem:$0x1440] =	vst v1  }
0x42: {  	v1 =	vld.idx.msk [tilespmem:v14+s14+$0x0], $0xffff;
	_ =	sdelay $0x4  }
0x43: {  	v1 =	vadd.s32 $0x186A0, v1  }
0x44: {  	[tilespmem:$0x1450] =	vst v1  }
0x45: {  	v1 =	vld.idx.msk [tilespmem:v15+s14+$0x0], $0xffff;
	_ =	sdelay $0x4  }
0x46: {  	v1 =	vadd.s32 $0x186A0, v1  }
0x47: {  	[tilespmem:$0x1460] =	vst v1  }
0x48: {  	v1 =	vld.idx.msk [tilespmem:v16+s14+$0x0], $0xffff;
	_ =	sdelay $0x4  }
0x49: {  	v1 =	vadd.s32 $0x186A0, v1  }
0x4a: {  	[tilespmem:$0x1470] =	vst v1  }
0x4b: {  	v1 =	vld.idx.msk [tilespmem:v17+s14+$0x0], $0xffff;
	_ =	sdelay $0x4  }
0x4c: {  	v1 =	vadd.s32 $0x30D40, v1  }
0x4d: {  	[tilespmem:$0x1480] =	vst v1  }
0x4e: {  	v1 =	vld.idx.msk [tilespmem:v18+s14+$0x0], $0xffff;
	_ =	sdelay $0x4  }
0x4f: {  	v1 =	vadd.s32 $0x30D40, v1  }
0x50: {  	[tilespmem:$0x1490] =	vst v1  }
0x51: {  	v1 =	vld.idx.msk [tilespmem:v19+s14+$0x0], $0xffff;
	_ =	sdelay $0x4  }
0x52: {  	v1 =	vadd.s32 $0x30D40, v1  }
0x53: {  	[tilespmem:$0x14A0] =	vst v1  }
0x54: {  	v1 =	vld.idx.msk [tilespmem:v20+s14+$0x0], $0xffff;
	_ =	sdelay $0x4  }
0x55: {  	v1 =	vadd.s32 $0x30D40, v1  }
0x56: {  	[tilespmem:$0x14B0] =	vst v1  }
0x57: {  	v1 =	vld.idx.msk [tilespmem:v21+s14+$0x0], $0xffff;
	_ =	sdelay $0x4  }
0x58: {  	v1 =	vadd.s32 $0x30D40, v1  }
0x59: {  	[tilespmem:$0x14C0] =	vst v1  }
0x5a: {  	v1 =	vld.idx.msk [tilespmem:v22+s14+$0x0], $0xffff;
	_ =	sdelay $0x4  }
0x5b: {  	v1 =	vadd.s32 $0x30D40, v1  }
0x5c: {  	[tilespmem:$0x14D0] =	vst v1  }
0x5d: {  	v1 =	vld.idx.msk [tilespmem:v23+s14+$0x0], $0xffff;
	_ =	sdelay $0x4  }
0x5e: {  	v1 =	vadd.s32 $0x30D40, v1  }
0x5f: {  	[tilespmem:$0x14E0] =	vst v1  }
0x60: {  	v1 =	vld.idx.msk [tilespmem:v24+s14+$0x0], $0xffff;
	_ =	sdelay $0x4  }
0x61: {  	v1 =	vadd.s32 $0x30D40, v1  }
0x62: {  	[tilespmem:$0x14F0] =	vst v1  }
0x63: {  	v1 =	vld.idx.msk [tilespmem:v25+s14+$0x0], $0xffff;
	_ =	sdelay $0x4  }
0x64: {  	v1 =	vadd.s32 $0x493E0, v1  }
0x65: {  	[tilespmem:$0x1500] =	vst v1  }
0x66: {  	v1 =	vld.idx.msk [tilespmem:v26+s14+$0x0], $0xffff;
	_ =	sdelay $0x4  }
0x67: {  	v1 =	vadd.s32 $0x493E0, v1  }
0x68: {  	[tilespmem:$0x1510] =	vst v1  }
0x69: {  	v1 =	vld.idx.msk [tilespmem:v27+s14+$0x0], $0xffff;
	_ =	sdelay $0x4  }
0x6a: {  	v1 =	vadd.s32 $0x493E0, v1  }
0x6b: {  	[tilespmem:$0x1520] =	vst v1  }
0x6c: {  	v1 =	vld.idx.msk [tilespmem:v28+s14+$0x0], $0xffff;
	_ =	sdelay $0x4  }
0x6d: {  	v1 =	vadd.s32 $0x493E0, v1  }
0x6e: {  	[tilespmem:$0x1530] =	vst v1  }
0x6f: {  	v1 =	vld.idx.msk [tilespmem:v29+s14+$0x0], $0xffff;
	_ =	sdelay $0x4  }
0x70: {  	v1 =	vadd.s32 $0x493E0, v1  }
0x71: {  	[tilespmem:$0x1540] =	vst v1  }
0x72: {  	v1 =	vld.idx.msk [tilespmem:v30+s14+$0x0], $0xffff;
	_ =	sdelay $0x4  }
0x73: {  	v1 =	vadd.s32 $0x493E0, v1  }
0x74: {  	[tilespmem:$0x1550] =	vst v1  }
0x75: {  	v1 =	vld.idx.msk [tilespmem:v31+s14+$0x0], $0xffff;
	_ =	sdelay $0x4  }
0x76: {  	v1 =	vadd.s32 $0x493E0, v1  }
0x77: {  	[tilespmem:$0x1560] =	vst v1  }
0x78: {  	v1 =	vld.idx.msk [tilespmem:v32+s14+$0x0], $0xffff;
	_ =	sdelay $0x4  }
0x79: {  	v1 =	vadd.s32 $0x493E0, v1  }
0x7a: {  	[tilespmem:$0x1570] =	vst v1  }
0x7b: {  	v1 =	vld.idx.msk [tilespmem:v33+s14+$0x0], $0xffff;
	_ =	sdelay $0x4  }
0x7c: {  	v1 =	vadd.s32 $0x61A80, v1  }
0x7d: {  	[tilespmem:$0x1580] =	vst v1  }
0x7e: {  	v1 =	vld.idx.msk [tilespmem:v34+s14+$0x0], $0xffff;
	_ =	sdelay $0x4  }
0x7f: {  	v1 =	vadd.s32 $0x61A80, v1  }
0x80: {  	[tilespmem:$0x1590] =	vst v1  }
0x81: {  	v1 =	vld.idx.msk [tilespmem:v35+s14+$0x0], $0xffff;
	_ =	sdelay $0x4  }
0x82: {  	v1 =	vadd.s32 $0x61A80, v1  }
0x83: {  	[tilespmem:$0x15A0] =	vst v1  }
0x84: {  	v1 =	vld.idx.msk [tilespmem:v36+s14+$0x0], $0xffff;
	_ =	sdelay $0x4  }
0x85: {  	v1 =	vadd.s32 $0x61A80, v1  }
0x86: {  	[tilespmem:$0x15B0] =	vst v1  }
0x87: {  	v1 =	vld.idx.msk [tilespmem:v37+s14+$0x0], $0xffff;
	_ =	sdelay $0x4  }
0x88: {  	v1 =	vadd.s32 $0x61A80, v1  }
0x89: {  	[tilespmem:$0x15C0] =	vst v1  }
0x8a: {  	v1 =	vld.idx.msk [tilespmem:v38+s14+$0x0], $0xffff;
	_ =	sdelay $0x4  }
0x8b: {  	v1 =	vadd.s32 $0x61A80, v1  }
0x8c: {  	[tilespmem:$0x15D0] =	vst v1  }
0x8d: {  	v1 =	vld.idx.msk [tilespmem:v39+s14+$0x0], $0xffff;
	_ =	sdelay $0x4  }
0x8e: {  	v1 =	vadd.s32 $0x61A80, v1  }
0x8f: {  	[tilespmem:$0x15E0] =	vst v1  }
0x90: {  	v1 =	vld.idx.msk [tilespmem:v40+s14+$0x0], $0xffff;
	_ =	sdelay $0x4  }
0x91: {  	v1 =	vadd.s32 $0x61A80, v1  }
0x92: {  	[tilespmem:$0x15F0] =	vst v1  }
0x93: {  	v1 =	vld.idx.msk [tilespmem:v41+s14+$0x0], $0xffff;
	_ =	sdelay $0x4  }
0x94: {  	v1 =	vadd.s32 $0x7A120, v1  }
0x95: {  	[tilespmem:$0x1600] =	vst v1  }
0x96: {  	v1 =	vld.idx.msk [tilespmem:v42+s14+$0x0], $0xffff;
	_ =	sdelay $0x4  }
0x97: {  	v1 =	vadd.s32 $0x7A120, v1  }
0x98: {  	[tilespmem:$0x1610] =	vst v1  }
0x99: {  	v1 =	vld.idx.msk [tilespmem:v43+s14+$0x0], $0xffff;
	_ =	sdelay $0x4  }
0x9a: {  	v1 =	vadd.s32 $0x7A120, v1  }
0x9b: {  	[tilespmem:$0x1620] =	vst v1  }
0x9c: {  	v1 =	vld.idx.msk [tilespmem:v44+s14+$0x0], $0xffff;
	_ =	sdelay $0x4  }
0x9d: {  	v1 =	vadd.s32 $0x7A120, v1  }
0x9e: {  	[tilespmem:$0x1630] =	vst v1  }
0x9f: {  	v1 =	vld.idx.msk [tilespmem:v45+s14+$0x0], $0xffff;
	_ =	sdelay $0x4  }
0xa0: {  	v1 =	vadd.s32 $0x7A120, v1  }
0xa1: {  	[tilespmem:$0x1640] =	vst v1  }
0xa2: {  	v1 =	vld.idx.msk [tilespmem:v46+s14+$0x0], $0xffff;
	_ =	sdelay $0x4  }
0xa3: {  	v1 =	vadd.s32 $0x7A120, v1  }
0xa4: {  	[tilespmem:$0x1650] =	vst v1  }
0xa5: {  	v1 =	vld.idx.msk [tilespmem:v47+s14+$0x0], $0xffff;
	_ =	sdelay $0x4  }
0xa6: {  	v1 =	vadd.s32 $0x7A120, v1  }
0xa7: {  	[tilespmem:$0x1660] =	vst v1  }
0xa8: {  	v1 =	vld.idx.msk [tilespmem:v48+s14+$0x0], $0xffff;
	_ =	sdelay $0x4  }
0xa9: {  	v1 =	vadd.s32 $0x7A120, v1  }
0xaa: {  	[tilespmem:$0x1670] =	vst v1  }
0xab: {  	v1 =	vld.idx.msk [tilespmem:v49+s14+$0x0], $0xffff;
	_ =	sdelay $0x4  }
0xac: {  	v1 =	vadd.s32 $0x927C0, v1  }
0xad: {  	[tilespmem:$0x1680] =	vst v1  }
0xae: {  	v1 =	vld.idx.msk [tilespmem:v50+s14+$0x0], $0xffff;
	_ =	sdelay $0x4  }
0xaf: {  	v1 =	vadd.s32 $0x927C0, v1  }
0xb0: {  	[tilespmem:$0x1690] =	vst v1  }
0xb1: {  	v1 =	vld.idx.msk [tilespmem:v51+s14+$0x0], $0xffff;
	_ =	sdelay $0x4  }
0xb2: {  	v1 =	vadd.s32 $0x927C0, v1  }
0xb3: {  	[tilespmem:$0x16A0] =	vst v1  }
0xb4: {  	v1 =	vld.idx.msk [tilespmem:v52+s14+$0x0], $0xffff;
	_ =	sdelay $0x4  }
0xb5: {  	v1 =	vadd.s32 $0x927C0, v1  }
0xb6: {  	[tilespmem:$0x16B0] =	vst v1  }
0xb7: {  	v1 =	vld.idx.msk [tilespmem:v53+s14+$0x0], $0xffff;
	_ =	sdelay $0x4  }
0xb8: {  	v1 =	vadd.s32 $0x927C0, v1  }
0xb9: {  	[tilespmem:$0x16C0] =	vst v1  }
0xba: {  	v1 =	vld.idx.msk [tilespmem:v54+s14+$0x0], $0xffff;
	_ =	sdelay $0x4  }
0xbb: {  	v1 =	vadd.s32 $0x927C0, v1  }
0xbc: {  	[tilespmem:$0x16D0] =	vst v1  }
0xbd: {  	v1 =	vld.idx.msk [tilespmem:v55+s14+$0x0], $0xffff;
	_ =	sdelay $0x4  }
0xbe: {  	v1 =	vadd.s32 $0x927C0, v1  }
0xbf: {  	[tilespmem:$0x16E0] =	vst v1  }
0xc0: {  	v1 =	vld.idx.msk [tilespmem:v56+s14+$0x0], $0xffff;
	_ =	sdelay $0x4  }
0xc1: {  	v1 =	vadd.s32 $0x927C0, v1  }
0xc2: {  	[tilespmem:$0x16F0] =	vst v1  }
0xc3: {  	v1 =	vld.idx.msk [tilespmem:v57+s14+$0x0], $0xffff;
	_ =	sdelay $0x4  }
0xc4: {  	v1 =	vadd.s32 $0xAAE60, v1  }
0xc5: {  	[tilespmem:$0x1700] =	vst v1  }
0xc6: {  	v1 =	vld.idx.msk [tilespmem:v58+s14+$0x0], $0xffff;
	_ =	sdelay $0x4  }
0xc7: {  	v1 =	vadd.s32 $0xAAE60, v1  }
0xc8: {  	[tilespmem:$0x1710] =	vst v1  }
0xc9: {  	v1 =	vld.idx.msk [tilespmem:v59+s14+$0x0], $0xffff;
	_ =	sdelay $0x4  }
0xca: {  	v1 =	vadd.s32 $0xAAE60, v1  }
0xcb: {  	[tilespmem:$0x1720] =	vst v1  }
0xcc: {  	v1 =	vld.idx.msk [tilespmem:v60+s14+$0x0], $0xffff;
	_ =	sdelay $0x4  }
0xcd: {  	v1 =	vadd.s32 $0xAAE60, v1  }
0xce: {  	[tilespmem:$0x1730] =	vst v1  }
0xcf: {  	v1 =	vld.idx.msk [tilespmem:v61+s14+$0x0], $0xffff;
	_ =	sdelay $0x4  }
0xd0: {  	v1 =	vadd.s32 $0xAAE60, v1  }
0xd1: {  	[tilespmem:$0x1740] =	vst v1  }
0xd2: {  	v1 =	vld.idx.msk [tilespmem:v62+s14+$0x0], $0xffff;
	_ =	sdelay $0x4  }
0xd3: {  	v1 =	vadd.s32 $0xAAE60, v1  }
0xd4: {  	[tilespmem:$0x1750] =	vst v1  }
0xd5: {  	v1 =	vld.idx.msk [tilespmem:v63+s14+$0x0], $0xffff;
	_ =	sdelay $0x1  }
0xd6: {  	v2 =	vadd.s32 $0x1124, v0;
	_ =	sdelay $0x2  }
0xd7: {  	v1 =	vadd.s32 $0xAAE60, v1  }
0xd8: {  	[tilespmem:$0x1760] =	vst v1  }
0xd9: {  	v1 =	vld.idx.msk [tilespmem:v2+s14+$0x0], $0xffff;
	_ =	sdelay $0x1  }
0xda: {  	v2 =	vadd.s32 $0x15, v0;
	_ =	sdelay $0x2  }
0xdb: {  	v1 =	vadd.s32 $0xAAE60, v1  }
0xdc: {  	[tilespmem:$0x1770] =	vst v1  }
0xdd: {  	v1 =	vld.idx.msk [tilespmem:v2+s14+$0x0], $0xffff;
	_ =	sdelay $0x1  }
0xde: {  	v2 =	vadd.s32 $0x285, v0;
	_ =	sdelay $0x2  }
0xdf: {  	v1 =	vadd.s32 $0xC3500, v1  }
0xe0: {  	[tilespmem:$0x1780] =	vst v1  }
0xe1: {  	v1 =	vld.idx.msk [tilespmem:v2+s14+$0x0], $0xffff;
	_ =	sdelay $0x1  }
0xe2: {  	v2 =	vadd.s32 $0x4F5, v0;
	_ =	sdelay $0x2  }
0xe3: {  	v1 =	vadd.s32 $0xC3500, v1  }
0xe4: {  	[tilespmem:$0x1790] =	vst v1  }
0xe5: {  	v1 =	vld.idx.msk [tilespmem:v2+s14+$0x0], $0xffff;
	_ =	sdelay $0x1  }
0xe6: {  	v2 =	vadd.s32 $0x765, v0;
	_ =	sdelay $0x2  }
0xe7: {  	v1 =	vadd.s32 $0xC3500, v1  }
0xe8: {  	[tilespmem:$0x17A0] =	vst v1  }
0xe9: {  	v1 =	vld.idx.msk [tilespmem:v2+s14+$0x0], $0xffff;
	_ =	sdelay $0x1  }
0xea: {  	v2 =	vadd.s32 $0x9D5, v0;
	_ =	sdelay $0x2  }
0xeb: {  	v1 =	vadd.s32 $0xC3500, v1  }
0xec: {  	[tilespmem:$0x17B0] =	vst v1  }
0xed: {  	v1 =	vld.idx.msk [tilespmem:v2+s14+$0x0], $0xffff;
	_ =	sdelay $0x1  }
0xee: {  	v2 =	vadd.s32 $0xC45, v0;
	_ =	sdelay $0x2  }
0xef: {  	v1 =	vadd.s32 $0xC3500, v1  }
0xf0: {  	[tilespmem:$0x17C0] =	vst v1  }
0xf1: {  	v1 =	vld.idx.msk [tilespmem:v2+s14+$0x0], $0xffff;
	_ =	sdelay $0x1  }
0xf2: {  	v2 =	vadd.s32 $0xEB5, v0;
	_ =	sdelay $0x2  }
0xf3: {  	v1 =	vadd.s32 $0xC3500, v1  }
0xf4: {  	[tilespmem:$0x17D0] =	vst v1  }
0xf5: {  	v1 =	vld.idx.msk [tilespmem:v2+s14+$0x0], $0xffff;
	_ =	sdelay $0x1  }
0xf6: {  	v2 =	vadd.s32 $0x1125, v0;
	_ =	sdelay $0x2  }
0xf7: {  	v1 =	vadd.s32 $0xC3500, v1  }
0xf8: {  	[tilespmem:$0x17E0] =	vst v1  }
0xf9: {  	v1 =	vld.idx.msk [tilespmem:v2+s14+$0x0], $0xffff;
	_ =	sdelay $0x1  }
0xfa: {  	v2 =	vadd.s32 $0x16, v0;
	_ =	sdelay $0x2  }
0xfb: {  	v1 =	vadd.s32 $0xC3500, v1  }
0xfc: {  	[tilespmem:$0x17F0] =	vst v1  }
0xfd: {  	v1 =	vld.idx.msk [tilespmem:v2+s14+$0x0], $0xffff;
	_ =	sdelay $0x1  }
0xfe: {  	v2 =	vadd.s32 $0x286, v0;
	_ =	sdelay $0x2  }
0xff: {  	v1 =	vadd.s32 $0xDBBA0, v1  }
0x100: {  	[tilespmem:$0x1800] =	vst v1  }
0x101: {  	v1 =	vld.idx.msk [tilespmem:v2+s14+$0x0], $0xffff;
	_ =	sdelay $0x1  }
0x102: {  	v2 =	vadd.s32 $0x4F6, v0;
	_ =	sdelay $0x2  }
0x103: {  	v1 =	vadd.s32 $0xDBBA0, v1  }
0x104: {  	[tilespmem:$0x1810] =	vst v1  }
0x105: {  	v1 =	vld.idx.msk [tilespmem:v2+s14+$0x0], $0xffff;
	_ =	sdelay $0x1  }
0x106: {  	v2 =	vadd.s32 $0x766, v0;
	_ =	sdelay $0x2  }
0x107: {  	v1 =	vadd.s32 $0xDBBA0, v1  }
0x108: {  	[tilespmem:$0x1820] =	vst v1  }
0x109: {  	v1 =	vld.idx.msk [tilespmem:v2+s14+$0x0], $0xffff;
	_ =	sdelay $0x1  }
0x10a: {  	v2 =	vadd.s32 $0x9D6, v0;
	_ =	sdelay $0x2  }
0x10b: {  	v1 =	vadd.s32 $0xDBBA0, v1  }
0x10c: {  	[tilespmem:$0x1830] =	vst v1  }
0x10d: {  	v1 =	vld.idx.msk [tilespmem:v2+s14+$0x0], $0xffff;
	_ =	sdelay $0x1  }
0x10e: {  	v2 =	vadd.s32 $0xC46, v0;
	_ =	sdelay $0x2  }
0x10f: {  	v1 =	vadd.s32 $0xDBBA0, v1  }
0x110: {  	[tilespmem:$0x1840] =	vst v1  }
0x111: {  	v1 =	vld.idx.msk [tilespmem:v2+s14+$0x0], $0xffff;
	_ =	sdelay $0x1  }
0x112: {  	v2 =	vadd.s32 $0xEB6, v0;
	_ =	sdelay $0x2  }
0x113: {  	v1 =	vadd.s32 $0xDBBA0, v1  }
0x114: {  	[tilespmem:$0x1850] =	vst v1  }
0x115: {  	v1 =	vld.idx.msk [tilespmem:v2+s14+$0x0], $0xffff;
	_ =	sdelay $0x1  }
0x116: {  	v2 =	vadd.s32 $0x1126, v0;
	_ =	sdelay $0x2  }
0x117: {  	v1 =	vadd.s32 $0xDBBA0, v1  }
0x118: {  	[tilespmem:$0x1860] =	vst v1  }
0x119: {  	v1 =	vld.idx.msk [tilespmem:v2+s14+$0x0], $0xffff;
	_ =	sdelay $0x1  }
0x11a: {  	v2 =	vadd.s32 $0x17, v0;
	_ =	sdelay $0x2  }
0x11b: {  	v1 =	vadd.s32 $0xDBBA0, v1  }
0x11c: {  	[tilespmem:$0x1870] =	vst v1  }
0x11d: {  	v1 =	vld.idx.msk [tilespmem:v2+s14+$0x0], $0xffff;
	_ =	sdelay $0x1  }
0x11e: {  	v2 =	vadd.s32 $0x287, v0;
	_ =	sdelay $0x2  }
0x11f: {  	v1 =	vadd.s32 $0xF4240, v1  }
0x120: {  	[tilespmem:$0x1880] =	vst v1  }
0x121: {  	v1 =	vld.idx.msk [tilespmem:v2+s14+$0x0], $0xffff;
	_ =	sdelay $0x1  }
0x122: {  	v2 =	vadd.s32 $0x4F7, v0;
	_ =	sdelay $0x2  }
0x123: {  	v1 =	vadd.s32 $0xF4240, v1  }
0x124: {  	[tilespmem:$0x1890] =	vst v1  }
0x125: {  	v1 =	vld.idx.msk [tilespmem:v2+s14+$0x0], $0xffff;
	_ =	sdelay $0x1  }
0x126: {  	v2 =	vadd.s32 $0x767, v0;
	_ =	sdelay $0x2  }
0x127: {  	v1 =	vadd.s32 $0xF4240, v1  }
0x128: {  	[tilespmem:$0x18A0] =	vst v1  }
0x129: {  	v1 =	vld.idx.msk [tilespmem:v2+s14+$0x0], $0xffff;
	_ =	sdelay $0x1  }
0x12a: {  	v2 =	vadd.s32 $0x9D7, v0;
	_ =	sdelay $0x2  }
0x12b: {  	v1 =	vadd.s32 $0xF4240, v1  }
0x12c: {  	[tilespmem:$0x18B0] =	vst v1  }
0x12d: {  	v1 =	vld.idx.msk [tilespmem:v2+s14+$0x0], $0xffff;
	_ =	sdelay $0x1  }
0x12e: {  	v2 =	vadd.s32 $0xC47, v0;
	_ =	sdelay $0x2  }
0x12f: {  	v1 =	vadd.s32 $0xF4240, v1  }
0x130: {  	[tilespmem:$0x18C0] =	vst v1  }
0x131: {  	v1 =	vld.idx.msk [tilespmem:v2+s14+$0x0], $0xffff;
	_ =	sdelay $0x1  }
0x132: {  	v2 =	vadd.s32 $0xEB7, v0;
	_ =	sdelay $0x2  }
0x133: {  	v1 =	vadd.s32 $0xF4240, v1  }
0x134: {  	[tilespmem:$0x18D0] =	vst v1  }
0x135: {  	v1 =	vld.idx.msk [tilespmem:v2+s14+$0x0], $0xffff;
	_ =	sdelay $0x1  }
0x136: {  	v2 =	vadd.s32 $0x1127, v0;
	_ =	sdelay $0x2  }
0x137: {  	v1 =	vadd.s32 $0xF4240, v1  }
0x138: {  	[tilespmem:$0x18E0] =	vst v1  }
0x139: {  	v1 =	vld.idx.msk [tilespmem:v2+s14+$0x0], $0xffff;
	_ =	sdelay $0x1  }
0x13a: {  	v2 =	vadd.s32 $0x18, v0;
	_ =	sdelay $0x2  }
0x13b: {  	v1 =	vadd.s32 $0xF4240, v1  }
0x13c: {  	[tilespmem:$0x18F0] =	vst v1  }
0x13d: {  	v1 =	vld.idx.msk [tilespmem:v2+s14+$0x0], $0xffff;
	_ =	sdelay $0x1  }
0x13e: {  	v2 =	vadd.s32 $0x288, v0;
	_ =	sdelay $0x2  }
0x13f: {  	v1 =	vadd.s32 $0x10C8E0, v1  }
0x140: {  	[tilespmem:$0x1900] =	vst v1  }
0x141: {  	v1 =	vld.idx.msk [tilespmem:v2+s14+$0x0], $0xffff;
	_ =	sdelay $0x1  }
0x142: {  	v2 =	vadd.s32 $0x4F8, v0;
	_ =	sdelay $0x2  }
0x143: {  	v1 =	vadd.s32 $0x10C8E0, v1  }
0x144: {  	[tilespmem:$0x1910] =	vst v1  }
0x145: {  	v1 =	vld.idx.msk [tilespmem:v2+s14+$0x0], $0xffff;
	_ =	sdelay $0x1  }
0x146: {  	v2 =	vadd.s32 $0x768, v0;
	_ =	sdelay $0x2  }
0x147: {  	v1 =	vadd.s32 $0x10C8E0, v1  }
0x148: {  	[tilespmem:$0x1920] =	vst v1  }
0x149: {  	v1 =	vld.idx.msk [tilespmem:v2+s14+$0x0], $0xffff;
	_ =	sdelay $0x1  }
0x14a: {  	v2 =	vadd.s32 $0x9D8, v0;
	_ =	sdelay $0x2  }
0x14b: {  	v1 =	vadd.s32 $0x10C8E0, v1  }
0x14c: {  	[tilespmem:$0x1930] =	vst v1  }
0x14d: {  	v1 =	vld.idx.msk [tilespmem:v2+s14+$0x0], $0xffff;
	_ =	sdelay $0x1  }
0x14e: {  	v2 =	vadd.s32 $0xC48, v0;
	_ =	sdelay $0x2  }
0x14f: {  	v1 =	vadd.s32 $0x10C8E0, v1  }
0x150: {  	[tilespmem:$0x1940] =	vst v1  }
0x151: {  	v1 =	vld.idx.msk [tilespmem:v2+s14+$0x0], $0xffff;
	_ =	sdelay $0x1  }
0x152: {  	v2 =	vadd.s32 $0xEB8, v0;
	_ =	sdelay $0x2  }
0x153: {  	v1 =	vadd.s32 $0x10C8E0, v1  }
0x154: {  	[tilespmem:$0x1950] =	vst v1  }
0x155: {  	v1 =	vld.idx.msk [tilespmem:v2+s14+$0x0], $0xffff;
	_ =	sdelay $0x1  }
0x156: {  	v2 =	vadd.s32 $0x1128, v0;
	_ =	sdelay $0x2  }
0x157: {  	v1 =	vadd.s32 $0x10C8E0, v1  }
0x158: {  	[tilespmem:$0x1960] =	vst v1  }
0x159: {  	v1 =	vld.idx.msk [tilespmem:v2+s14+$0x0], $0xffff;
	_ =	sdelay $0x1  }
0x15a: {  	v2 =	vadd.s32 $0x19, v0;
	_ =	sdelay $0x2  }
0x15b: {  	v1 =	vadd.s32 $0x10C8E0, v1  }
0x15c: {  	[tilespmem:$0x1970] =	vst v1  }
0x15d: {  	v1 =	vld.idx.msk [tilespmem:v2+s14+$0x0], $0xffff;
	_ =	sdelay $0x1  }
0x15e: {  	v2 =	vadd.s32 $0x289, v0;
	_ =	sdelay $0x2  }
0x15f: {  	v1 =	vadd.s32 $0x124F80, v1  }
0x160: {  	[tilespmem:$0x1980] =	vst v1  }
0x161: {  	v1 =	vld.idx.msk [tilespmem:v2+s14+$0x0], $0xffff;
	_ =	sdelay $0x1  }
0x162: {  	v2 =	vadd.s32 $0x4F9, v0;
	_ =	sdelay $0x2  }
0x163: {  	v1 =	vadd.s32 $0x124F80, v1  }
0x164: {  	[tilespmem:$0x1990] =	vst v1  }
0x165: {  	v1 =	vld.idx.msk [tilespmem:v2+s14+$0x0], $0xffff;
	_ =	sdelay $0x1  }
0x166: {  	v2 =	vadd.s32 $0x769, v0;
	_ =	sdelay $0x2  }
0x167: {  	v1 =	vadd.s32 $0x124F80, v1  }
0x168: {  	[tilespmem:$0x19A0] =	vst v1  }
0x169: {  	v1 =	vld.idx.msk [tilespmem:v2+s14+$0x0], $0xffff;
	_ =	sdelay $0x1  }
0x16a: {  	v2 =	vadd.s32 $0x9D9, v0;
	_ =	sdelay $0x2  }
0x16b: {  	v1 =	vadd.s32 $0x124F80, v1  }
0x16c: {  	[tilespmem:$0x19B0] =	vst v1  }
0x16d: {  	v1 =	vld.idx.msk [tilespmem:v2+s14+$0x0], $0xffff;
	_ =	sdelay $0x1  }
0x16e: {  	v2 =	vadd.s32 $0xC49, v0;
	_ =	sdelay $0x2  }
0x16f: {  	v1 =	vadd.s32 $0x124F80, v1  }
0x170: {  	[tilespmem:$0x19C0] =	vst v1  }
0x171: {  	v1 =	vld.idx.msk [tilespmem:v2+s14+$0x0], $0xffff;
	_ =	sdelay $0x1  }
0x172: {  	v2 =	vadd.s32 $0xEB9, v0;
	_ =	sdelay $0x2  }
0x173: {  	v1 =	vadd.s32 $0x124F80, v1  }
0x174: {  	[tilespmem:$0x19D0] =	vst v1  }
0x175: {  	v1 =	vld.idx.msk [tilespmem:v2+s14+$0x0], $0xffff;
	_ =	sdelay $0x1  }
0x176: {  	v2 =	vadd.s32 $0x1129, v0;
	_ =	sdelay $0x2  }
0x177: {  	v1 =	vadd.s32 $0x124F80, v1  }
0x178: {  	[tilespmem:$0x19E0] =	vst v1  }
0x179: {  	v1 =	vld.idx.msk [tilespmem:v2+s14+$0x0], $0xffff;
	_ =	sdelay $0x1  }
0x17a: {  	v2 =	vadd.s32 $0x1A, v0;
	_ =	sdelay $0x2  }
0x17b: {  	v1 =	vadd.s32 $0x124F80, v1  }
0x17c: {  	[tilespmem:$0x19F0] =	vst v1  }
0x17d: {  	v1 =	vld.idx.msk [tilespmem:v2+s14+$0x0], $0xffff;
	_ =	sdelay $0x1  }
0x17e: {  	v2 =	vadd.s32 $0x28A, v0;
	_ =	sdelay $0x2  }
0x17f: {  	v1 =	vadd.s32 $0x13D620, v1  }
0x180: {  	[tilespmem:$0x1A00] =	vst v1  }
0x181: {  	v1 =	vld.idx.msk [tilespmem:v2+s14+$0x0], $0xffff;
	_ =	sdelay $0x1  }
0x182: {  	v2 =	vadd.s32 $0x4FA, v0;
	_ =	sdelay $0x2  }
0x183: {  	v1 =	vadd.s32 $0x13D620, v1  }
0x184: {  	[tilespmem:$0x1A10] =	vst v1  }
0x185: {  	v1 =	vld.idx.msk [tilespmem:v2+s14+$0x0], $0xffff;
	_ =	sdelay $0x1  }
0x186: {  	v2 =	vadd.s32 $0x76A, v0;
	_ =	sdelay $0x2  }
0x187: {  	v1 =	vadd.s32 $0x13D620, v1  }
0x188: {  	[tilespmem:$0x1A20] =	vst v1  }
0x189: {  	v1 =	vld.idx.msk [tilespmem:v2+s14+$0x0], $0xffff;
	_ =	sdelay $0x1  }
0x18a: {  	v2 =	vadd.s32 $0x9DA, v0;
	_ =	sdelay $0x2  }
0x18b: {  	v1 =	vadd.s32 $0x13D620, v1  }
0x18c: {  	[tilespmem:$0x1A30] =	vst v1  }
0x18d: {  	v1 =	vld.idx.msk [tilespmem:v2+s14+$0x0], $0xffff;
	_ =	sdelay $0x1  }
0x18e: {  	v2 =	vadd.s32 $0xC4A, v0;
	_ =	sdelay $0x2  }
0x18f: {  	v1 =	vadd.s32 $0x13D620, v1  }
0x190: {  	[tilespmem:$0x1A40] =	vst v1  }
0x191: {  	v1 =	vld.idx.msk [tilespmem:v2+s14+$0x0], $0xffff;
	_ =	sdelay $0x1  }
0x192: {  	v2 =	vadd.s32 $0xEBA, v0;
	_ =	sdelay $0x2  }
0x193: {  	v1 =	vadd.s32 $0x13D620, v1  }
0x194: {  	[tilespmem:$0x1A50] =	vst v1  }
0x195: {  	v1 =	vld.idx.msk [tilespmem:v2+s14+$0x0], $0xffff;
	_ =	sdelay $0x1  }
0x196: {  	v2 =	vadd.s32 $0x112A, v0;
	_ =	sdelay $0x2  }
0x197: {  	v1 =	vadd.s32 $0x13D620, v1  }
0x198: {  	[tilespmem:$0x1A60] =	vst v1  }
0x199: {  	v1 =	vld.idx.msk [tilespmem:v2+s14+$0x0], $0xffff;
	_ =	sdelay $0x1  }
0x19a: {  	v2 =	vadd.s32 $0x1B, v0;
	_ =	sdelay $0x2  }
0x19b: {  	v1 =	vadd.s32 $0x13D620, v1  }
0x19c: {  	[tilespmem:$0x1A70] =	vst v1  }
0x19d: {  	v1 =	vld.idx.msk [tilespmem:v2+s14+$0x0], $0xffff;
	_ =	sdelay $0x1  }
0x19e: {  	v2 =	vadd.s32 $0x28B, v0;
	_ =	sdelay $0x2  }
0x19f: {  	v1 =	vadd.s32 $0x155CC0, v1  }
0x1a0: {  	[tilespmem:$0x1A80] =	vst v1  }
0x1a1: {  	v1 =	vld.idx.msk [tilespmem:v2+s14+$0x0], $0xffff;
	_ =	sdelay $0x1  }
0x1a2: {  	v2 =	vadd.s32 $0x4FB, v0;
	_ =	sdelay $0x2  }
0x1a3: {  	v1 =	vadd.s32 $0x155CC0, v1  }
0x1a4: {  	[tilespmem:$0x1A90] =	vst v1  }
0x1a5: {  	v1 =	vld.idx.msk [tilespmem:v2+s14+$0x0], $0xffff;
	_ =	sdelay $0x1  }
0x1a6: {  	v2 =	vadd.s32 $0x76B, v0;
	_ =	sdelay $0x2  }
0x1a7: {  	v1 =	vadd.s32 $0x155CC0, v1  }
0x1a8: {  	[tilespmem:$0x1AA0] =	vst v1  }
0x1a9: {  	v1 =	vld.idx.msk [tilespmem:v2+s14+$0x0], $0xffff;
	_ =	sdelay $0x1  }
0x1aa: {  	v2 =	vadd.s32 $0x9DB, v0;
	_ =	sdelay $0x2  }
0x1ab: {  	v1 =	vadd.s32 $0x155CC0, v1  }
0x1ac: {  	[tilespmem:$0x1AB0] =	vst v1  }
0x1ad: {  	v1 =	vld.idx.msk [tilespmem:v2+s14+$0x0], $0xffff;
	_ =	sdelay $0x1  }
0x1ae: {  	v2 =	vadd.s32 $0xC4B, v0;
	_ =	sdelay $0x2  }
0x1af: {  	v1 =	vadd.s32 $0x155CC0, v1  }
0x1b0: {  	[tilespmem:$0x1AC0] =	vst v1  }
0x1b1: {  	v1 =	vld.idx.msk [tilespmem:v2+s14+$0x0], $0xffff;
	_ =	sdelay $0x1  }
0x1b2: {  	v2 =	vadd.s32 $0xEBB, v0;
	_ =	sdelay $0x2  }
0x1b3: {  	v1 =	vadd.s32 $0x155CC0, v1  }
0x1b4: {  	[tilespmem:$0x1AD0] =	vst v1  }
0x1b5: {  	v1 =	vld.idx.msk [tilespmem:v2+s14+$0x0], $0xffff;
	_ =	sdelay $0x1  }
0x1b6: {  	v2 =	vadd.s32 $0x112B, v0;
	_ =	sdelay $0x2  }
0x1b7: {  	v1 =	vadd.s32 $0x155CC0, v1  }
0x1b8: {  	[tilespmem:$0x1AE0] =	vst v1  }
0x1b9: {  	v1 =	vld.idx.msk [tilespmem:v2+s14+$0x0], $0xffff;
	_ =	sdelay $0x1  }
0x1ba: {  	v2 =	vadd.s32 $0x1C, v0;
	_ =	sdelay $0x2  }
0x1bb: {  	v1 =	vadd.s32 $0x155CC0, v1  }
0x1bc: {  	[tilespmem:$0x1AF0] =	vst v1  }
0x1bd: {  	v1 =	vld.idx.msk [tilespmem:v2+s14+$0x0], $0xffff;
	_ =	sdelay $0x1  }
0x1be: {  	v2 =	vadd.s32 $0x28C, v0;
	_ =	sdelay $0x2  }
0x1bf: {  	v1 =	vadd.s32 $0x16E360, v1  }
0x1c0: {  	[tilespmem:$0x1B00] =	vst v1  }
0x1c1: {  	v1 =	vld.idx.msk [tilespmem:v2+s14+$0x0], $0xffff;
	_ =	sdelay $0x1  }
0x1c2: {  	v2 =	vadd.s32 $0x4FC, v0;
	_ =	sdelay $0x2  }
0x1c3: {  	v1 =	vadd.s32 $0x16E360, v1  }
0x1c4: {  	[tilespmem:$0x1B10] =	vst v1  }
0x1c5: {  	v1 =	vld.idx.msk [tilespmem:v2+s14+$0x0], $0xffff;
	_ =	sdelay $0x1  }
0x1c6: {  	v2 =	vadd.s32 $0x76C, v0;
	_ =	sdelay $0x2  }
0x1c7: {  	v1 =	vadd.s32 $0x16E360, v1  }
0x1c8: {  	[tilespmem:$0x1B20] =	vst v1  }
0x1c9: {  	v1 =	vld.idx.msk [tilespmem:v2+s14+$0x0], $0xffff;
	_ =	sdelay $0x1  }
0x1ca: {  	v2 =	vadd.s32 $0x9DC, v0;
	_ =	sdelay $0x2  }
0x1cb: {  	v1 =	vadd.s32 $0x16E360, v1  }
0x1cc: {  	[tilespmem:$0x1B30] =	vst v1  }
0x1cd: {  	v1 =	vld.idx.msk [tilespmem:v2+s14+$0x0], $0xffff;
	_ =	sdelay $0x1  }
0x1ce: {  	v2 =	vadd.s32 $0xC4C, v0;
	_ =	sdelay $0x2  }
0x1cf: {  	v1 =	vadd.s32 $0x16E360, v1  }
0x1d0: {  	[tilespmem:$0x1B40] =	vst v1  }
0x1d1: {  	v1 =	vld.idx.msk [tilespmem:v2+s14+$0x0], $0xffff;
	_ =	sdelay $0x1  }
0x1d2: {  	v2 =	vadd.s32 $0xEBC, v0;
	_ =	sdelay $0x2  }
0x1d3: {  	v1 =	vadd.s32 $0x16E360, v1  }
0x1d4: {  	[tilespmem:$0x1B50] =	vst v1  }
0x1d5: {  	v1 =	vld.idx.msk [tilespmem:v2+s14+$0x0], $0xffff;
	_ =	sdelay $0x1  }
0x1d6: {  	v2 =	vadd.s32 $0x112C, v0;
	_ =	sdelay $0x2  }
0x1d7: {  	v1 =	vadd.s32 $0x16E360, v1  }
0x1d8: {  	[tilespmem:$0x1B60] =	vst v1  }
0x1d9: {  	v1 =	vld.idx.msk [tilespmem:v2+s14+$0x0], $0xffff;
	_ =	sdelay $0x1  }
0x1da: {  	v2 =	vadd.s32 $0x1D, v0;
	_ =	sdelay $0x2  }
0x1db: {  	v1 =	vadd.s32 $0x16E360, v1  }
0x1dc: {  	[tilespmem:$0x1B70] =	vst v1  }
0x1dd: {  	v1 =	vld.idx.msk [tilespmem:v2+s14+$0x0], $0xffff;
	_ =	sdelay $0x1  }
0x1de: {  	v2 =	vadd.s32 $0x28D, v0;
	_ =	sdelay $0x2  }
0x1df: {  	v1 =	vadd.s32 $0x186A00, v1  }
0x1e0: {  	[tilespmem:$0x1B80] =	vst v1  }
0x1e1: {  	v1 =	vld.idx.msk [tilespmem:v2+s14+$0x0], $0xffff;
	_ =	sdelay $0x1  }
0x1e2: {  	v2 =	vadd.s32 $0x4FD, v0;
	_ =	sdelay $0x2  }
0x1e3: {  	v1 =	vadd.s32 $0x186A00, v1  }
0x1e4: {  	[tilespmem:$0x1B90] =	vst v1  }
0x1e5: {  	v1 =	vld.idx.msk [tilespmem:v2+s14+$0x0], $0xffff;
	_ =	sdelay $0x1  }
0x1e6: {  	v2 =	vadd.s32 $0x76D, v0;
	_ =	sdelay $0x2  }
0x1e7: {  	v1 =	vadd.s32 $0x186A00, v1  }
0x1e8: {  	[tilespmem:$0x1BA0] =	vst v1  }
0x1e9: {  	v1 =	vld.idx.msk [tilespmem:v2+s14+$0x0], $0xffff;
	_ =	sdelay $0x1  }
0x1ea: {  	v2 =	vadd.s32 $0x9DD, v0;
	_ =	sdelay $0x2  }
0x1eb: {  	v1 =	vadd.s32 $0x186A00, v1  }
0x1ec: {  	[tilespmem:$0x1BB0] =	vst v1  }
0x1ed: {  	v1 =	vld.idx.msk [tilespmem:v2+s14+$0x0], $0xffff;
	_ =	sdelay $0x1  }
0x1ee: {  	v2 =	vadd.s32 $0xC4D, v0;
	_ =	sdelay $0x2  }
0x1ef: {  	v1 =	vadd.s32 $0x186A00, v1  }
0x1f0: {  	[tilespmem:$0x1BC0] =	vst v1  }
0x1f1: {  	v1 =	vld.idx.msk [tilespmem:v2+s14+$0x0], $0xffff;
	_ =	sdelay $0x1  }
0x1f2: {  	v2 =	vadd.s32 $0xEBD, v0;
	_ =	sdelay $0x2  }
0x1f3: {  	v1 =	vadd.s32 $0x186A00, v1  }
0x1f4: {  	[tilespmem:$0x1BD0] =	vst v1  }
0x1f5: {  	v1 =	vld.idx.msk [tilespmem:v2+s14+$0x0], $0xffff;
	_ =	sdelay $0x1  }
0x1f6: {  	v2 =	vadd.s32 $0x112D, v0;
	_ =	sdelay $0x2  }
0x1f7: {  	v1 =	vadd.s32 $0x186A00, v1  }
0x1f8: {  	[tilespmem:$0x1BE0] =	vst v1  }
0x1f9: {  	v1 =	vld.idx.msk [tilespmem:v2+s14+$0x0], $0xffff;
	_ =	sdelay $0x1  }
0x1fa: {  	v2 =	vadd.s32 $0x1E, v0;
	_ =	sdelay $0x2  }
0x1fb: {  	v1 =	vadd.s32 $0x186A00, v1  }
0x1fc: {  	[tilespmem:$0x1BF0] =	vst v1  }
0x1fd: {  	v1 =	vld.idx.msk [tilespmem:v2+s14+$0x0], $0xffff;
	_ =	sdelay $0x1  }
0x1fe: {  	v2 =	vadd.s32 $0x28E, v0;
	_ =	sdelay $0x2  }
0x1ff: {  	v1 =	vadd.s32 $0x19F0A0, v1  }
0x200: {  	[tilespmem:$0x1C00] =	vst v1  }
0x201: {  	v1 =	vld.idx.msk [tilespmem:v2+s14+$0x0], $0xffff;
	_ =	sdelay $0x1  }
0x202: {  	v2 =	vadd.s32 $0x4FE, v0;
	_ =	sdelay $0x2  }
0x203: {  	v1 =	vadd.s32 $0x19F0A0, v1  }
0x204: {  	[tilespmem:$0x1C10] =	vst v1  }
0x205: {  	v1 =	vld.idx.msk [tilespmem:v2+s14+$0x0], $0xffff;
	_ =	sdelay $0x1  }
0x206: {  	v2 =	vadd.s32 $0x76E, v0;
	_ =	sdelay $0x2  }
0x207: {  	v1 =	vadd.s32 $0x19F0A0, v1  }
0x208: {  	[tilespmem:$0x1C20] =	vst v1  }
0x209: {  	v1 =	vld.idx.msk [tilespmem:v2+s14+$0x0], $0xffff;
	_ =	sdelay $0x1  }
0x20a: {  	v2 =	vadd.s32 $0x9DE, v0;
	_ =	sdelay $0x2  }
0x20b: {  	v1 =	vadd.s32 $0x19F0A0, v1  }
0x20c: {  	[tilespmem:$0x1C30] =	vst v1  }
0x20d: {  	v1 =	vld.idx.msk [tilespmem:v2+s14+$0x0], $0xffff;
	_ =	sdelay $0x1  }
0x20e: {  	v2 =	vadd.s32 $0xC4E, v0;
	_ =	sdelay $0x2  }
0x20f: {  	v1 =	vadd.s32 $0x19F0A0, v1  }
0x210: {  	[tilespmem:$0x1C40] =	vst v1  }
0x211: {  	v1 =	vld.idx.msk [tilespmem:v2+s14+$0x0], $0xffff;
	_ =	sdelay $0x1  }
0x212: {  	v2 =	vadd.s32 $0xEBE, v0;
	_ =	sdelay $0x2  }
0x213: {  	v1 =	vadd.s32 $0x19F0A0, v1  }
0x214: {  	[tilespmem:$0x1C50] =	vst v1  }
0x215: {  	v1 =	vld.idx.msk [tilespmem:v2+s14+$0x0], $0xffff;
	_ =	sdelay $0x1  }
0x216: {  	v2 =	vadd.s32 $0x112E, v0;
	_ =	sdelay $0x2  }
0x217: {  	v1 =	vadd.s32 $0x19F0A0, v1  }
0x218: {  	[tilespmem:$0x1C60] =	vst v1  }
0x219: {  	v1 =	vld.idx.msk [tilespmem:v2+s14+$0x0], $0xffff;
	_ =	sdelay $0x1  }
0x21a: {  	v2 =	vadd.s32 $0x1F, v0;
	_ =	sdelay $0x2  }
0x21b: {  	v1 =	vadd.s32 $0x19F0A0, v1  }
0x21c: {  	[tilespmem:$0x1C70] =	vst v1  }
0x21d: {  	v1 =	vld.idx.msk [tilespmem:v2+s14+$0x0], $0xffff;
	_ =	sdelay $0x1  }
0x21e: {  	v2 =	vadd.s32 $0x28F, v0;
	_ =	sdelay $0x2  }
0x21f: {  	v1 =	vadd.s32 $0x1B7740, v1  }
0x220: {  	[tilespmem:$0x1C80] =	vst v1  }
0x221: {  	v1 =	vld.idx.msk [tilespmem:v2+s14+$0x0], $0xffff;
	_ =	sdelay $0x1  }
0x222: {  	v2 =	vadd.s32 $0x4FF, v0;
	_ =	sdelay $0x2  }
0x223: {  	v1 =	vadd.s32 $0x1B7740, v1  }
0x224: {  	[tilespmem:$0x1C90] =	vst v1  }
0x225: {  	v1 =	vld.idx.msk [tilespmem:v2+s14+$0x0], $0xffff;
	_ =	sdelay $0x1  }
0x226: {  	v2 =	vadd.s32 $0x76F, v0;
	_ =	sdelay $0x2  }
0x227: {  	v1 =	vadd.s32 $0x1B7740, v1  }
0x228: {  	[tilespmem:$0x1CA0] =	vst v1  }
0x229: {  	v1 =	vld.idx.msk [tilespmem:v2+s14+$0x0], $0xffff;
	_ =	sdelay $0x1  }
0x22a: {  	v2 =	vadd.s32 $0x9DF, v0;
	_ =	sdelay $0x2  }
0x22b: {  	v1 =	vadd.s32 $0x1B7740, v1  }
0x22c: {  	[tilespmem:$0x1CB0] =	vst v1  }
0x22d: {  	v1 =	vld.idx.msk [tilespmem:v2+s14+$0x0], $0xffff;
	_ =	sdelay $0x1  }
0x22e: {  	v2 =	vadd.s32 $0xC4F, v0;
	_ =	sdelay $0x2  }
0x22f: {  	v1 =	vadd.s32 $0x1B7740, v1  }
0x230: {  	[tilespmem:$0x1CC0] =	vst v1  }
0x231: {  	v1 =	vld.idx.msk [tilespmem:v2+s14+$0x0], $0xffff;
	_ =	sdelay $0x1  }
0x232: {  	v2 =	vadd.s32 $0xEBF, v0;
	_ =	sdelay $0x2  }
0x233: {  	v1 =	vadd.s32 $0x1B7740, v1  }
0x234: {  	[tilespmem:$0x1CD0] =	vst v1  }
0x235: {  	v1 =	vld.idx.msk [tilespmem:v2+s14+$0x0], $0xffff;
	_ =	sdelay $0x1  }
0x236: {  	v2 =	vadd.s32 $0x112F, v0;
	_ =	sdelay $0x2  }
0x237: {  	v1 =	vadd.s32 $0x1B7740, v1  }
0x238: {  	[tilespmem:$0x1CE0] =	vst v1  }
0x239: {  	v1 =	vld.idx.msk [tilespmem:v2+s14+$0x0], $0xffff;
	_ =	sdelay $0x1  }
0x23a: {  	v2 =	vadd.s32 $0x20, v0;
	_ =	sdelay $0x2  }
0x23b: {  	v1 =	vadd.s32 $0x1B7740, v1  }
0x23c: {  	[tilespmem:$0x1CF0] =	vst v1  }
0x23d: {  	v1 =	vld.idx.msk [tilespmem:v2+s14+$0x0], $0xffff;
	_ =	sdelay $0x1  }
0x23e: {  	v2 =	vadd.s32 $0x290, v0;
	_ =	sdelay $0x2  }
0x23f: {  	v1 =	vadd.s32 $0x1CFDE0, v1  }
0x240: {  	[tilespmem:$0x1D00] =	vst v1  }
0x241: {  	v1 =	vld.idx.msk [tilespmem:v2+s14+$0x0], $0xffff;
	_ =	sdelay $0x1  }
0x242: {  	v2 =	vadd.s32 $0x500, v0;
	_ =	sdelay $0x2  }
0x243: {  	v1 =	vadd.s32 $0x1CFDE0, v1  }
0x244: {  	[tilespmem:$0x1D10] =	vst v1  }
0x245: {  	v1 =	vld.idx.msk [tilespmem:v2+s14+$0x0], $0xffff;
	_ =	sdelay $0x1  }
0x246: {  	v2 =	vadd.s32 $0x770, v0;
	_ =	sdelay $0x2  }
0x247: {  	v1 =	vadd.s32 $0x1CFDE0, v1  }
0x248: {  	[tilespmem:$0x1D20] =	vst v1  }
0x249: {  	v1 =	vld.idx.msk [tilespmem:v2+s14+$0x0], $0xffff;
	_ =	sdelay $0x1  }
0x24a: {  	v2 =	vadd.s32 $0x9E0, v0;
	_ =	sdelay $0x2  }
0x24b: {  	v1 =	vadd.s32 $0x1CFDE0, v1  }
0x24c: {  	[tilespmem:$0x1D30] =	vst v1  }
0x24d: {  	v1 =	vld.idx.msk [tilespmem:v2+s14+$0x0], $0xffff;
	_ =	sdelay $0x1  }
0x24e: {  	v2 =	vadd.s32 $0xC50, v0;
	_ =	sdelay $0x2  }
0x24f: {  	v1 =	vadd.s32 $0x1CFDE0, v1  }
0x250: {  	[tilespmem:$0x1D40] =	vst v1  }
0x251: {  	v1 =	vld.idx.msk [tilespmem:v2+s14+$0x0], $0xffff;
	_ =	sdelay $0x1  }
0x252: {  	v2 =	vadd.s32 $0xEC0, v0;
	_ =	sdelay $0x2  }
0x253: {  	v1 =	vadd.s32 $0x1CFDE0, v1  }
0x254: {  	[tilespmem:$0x1D50] =	vst v1  }
0x255: {  	v1 =	vld.idx.msk [tilespmem:v2+s14+$0x0], $0xffff;
	_ =	sdelay $0x1  }
0x256: {  	v2 =	vadd.s32 $0x1130, v0;
	_ =	sdelay $0x2  }
0x257: {  	v1 =	vadd.s32 $0x1CFDE0, v1  }
0x258: {  	[tilespmem:$0x1D60] =	vst v1  }
0x259: {  	v1 =	vld.idx.msk [tilespmem:v2+s14+$0x0], $0xffff;
	_ =	sdelay $0x1  }
0x25a: {  	v2 =	vadd.s32 $0x21, v0;
	_ =	sdelay $0x2  }
0x25b: {  	v1 =	vadd.s32 $0x1CFDE0, v1  }
0x25c: {  	[tilespmem:$0x1D70] =	vst v1  }
0x25d: {  	v1 =	vld.idx.msk [tilespmem:v2+s14+$0x0], $0xffff;
	_ =	sdelay $0x1  }
0x25e: {  	v2 =	vadd.s32 $0x291, v0;
	_ =	sdelay $0x2  }
0x25f: {  	v1 =	vadd.s32 $0x1E8480, v1  }
0x260: {  	[tilespmem:$0x1D80] =	vst v1  }
0x261: {  	v1 =	vld.idx.msk [tilespmem:v2+s14+$0x0], $0xffff;
	_ =	sdelay $0x1  }
0x262: {  	v2 =	vadd.s32 $0x501, v0;
	_ =	sdelay $0x2  }
0x263: {  	v1 =	vadd.s32 $0x1E8480, v1  }
0x264: {  	[tilespmem:$0x1D90] =	vst v1  }
0x265: {  	v1 =	vld.idx.msk [tilespmem:v2+s14+$0x0], $0xffff;
	_ =	sdelay $0x1  }
0x266: {  	v2 =	vadd.s32 $0x771, v0;
	_ =	sdelay $0x2  }
0x267: {  	v1 =	vadd.s32 $0x1E8480, v1  }
0x268: {  	[tilespmem:$0x1DA0] =	vst v1  }
0x269: {  	v1 =	vld.idx.msk [tilespmem:v2+s14+$0x0], $0xffff;
	_ =	sdelay $0x1  }
0x26a: {  	v2 =	vadd.s32 $0x9E1, v0;
	_ =	sdelay $0x2  }
0x26b: {  	v1 =	vadd.s32 $0x1E8480, v1  }
0x26c: {  	[tilespmem:$0x1DB0] =	vst v1  }
0x26d: {  	v1 =	vld.idx.msk [tilespmem:v2+s14+$0x0], $0xffff;
	_ =	sdelay $0x1  }
0x26e: {  	v2 =	vadd.s32 $0xC51, v0;
	_ =	sdelay $0x2  }
0x26f: {  	v1 =	vadd.s32 $0x1E8480, v1  }
0x270: {  	[tilespmem:$0x1DC0] =	vst v1  }
0x271: {  	v1 =	vld.idx.msk [tilespmem:v2+s14+$0x0], $0xffff;
	_ =	sdelay $0x1  }
0x272: {  	v2 =	vadd.s32 $0xEC1, v0;
	_ =	sdelay $0x2  }
0x273: {  	v1 =	vadd.s32 $0x1E8480, v1  }
0x274: {  	[tilespmem:$0x1DD0] =	vst v1  }
0x275: {  	v1 =	vld.idx.msk [tilespmem:v2+s14+$0x0], $0xffff;
	_ =	sdelay $0x1  }
0x276: {  	v2 =	vadd.s32 $0x1131, v0;
	_ =	sdelay $0x2  }
0x277: {  	v1 =	vadd.s32 $0x1E8480, v1  }
0x278: {  	[tilespmem:$0x1DE0] =	vst v1  }
0x279: {  	v1 =	vld.idx.msk [tilespmem:v2+s14+$0x0], $0xffff;
	_ =	sdelay $0x1  }
0x27a: {  	v2 =	vadd.s32 $0x22, v0;
	_ =	sdelay $0x2  }
0x27b: {  	v1 =	vadd.s32 $0x1E8480, v1  }
0x27c: {  	[tilespmem:$0x1DF0] =	vst v1  }
0x27d: {  	v1 =	vld.idx.msk [tilespmem:v2+s14+$0x0], $0xffff;
	_ =	sdelay $0x1  }
0x27e: {  	v2 =	vadd.s32 $0x292, v0;
	_ =	sdelay $0x2  }
0x27f: {  	v1 =	vadd.s32 $0x200B20, v1  }
0x280: {  	[tilespmem:$0x1E00] =	vst v1  }
0x281: {  	v1 =	vld.idx.msk [tilespmem:v2+s14+$0x0], $0xffff;
	_ =	sdelay $0x1  }
0x282: {  	v2 =	vadd.s32 $0x502, v0;
	_ =	sdelay $0x2  }
0x283: {  	v1 =	vadd.s32 $0x200B20, v1  }
0x284: {  	[tilespmem:$0x1E10] =	vst v1  }
0x285: {  	v1 =	vld.idx.msk [tilespmem:v2+s14+$0x0], $0xffff;
	_ =	sdelay $0x1  }
0x286: {  	v2 =	vadd.s32 $0x772, v0;
	_ =	sdelay $0x2  }
0x287: {  	v1 =	vadd.s32 $0x200B20, v1  }
0x288: {  	[tilespmem:$0x1E20] =	vst v1  }
0x289: {  	v1 =	vld.idx.msk [tilespmem:v2+s14+$0x0], $0xffff;
	_ =	sdelay $0x1  }
0x28a: {  	v2 =	vadd.s32 $0x9E2, v0;
	_ =	sdelay $0x2  }
0x28b: {  	v1 =	vadd.s32 $0x200B20, v1  }
0x28c: {  	[tilespmem:$0x1E30] =	vst v1  }
0x28d: {  	v1 =	vld.idx.msk [tilespmem:v2+s14+$0x0], $0xffff;
	_ =	sdelay $0x1  }
0x28e: {  	v2 =	vadd.s32 $0xC52, v0;
	_ =	sdelay $0x2  }
0x28f: {  	v1 =	vadd.s32 $0x200B20, v1  }
0x290: {  	[tilespmem:$0x1E40] =	vst v1  }
0x291: {  	v1 =	vld.idx.msk [tilespmem:v2+s14+$0x0], $0xffff;
	_ =	sdelay $0x1  }
0x292: {  	v2 =	vadd.s32 $0xEC2, v0;
	_ =	sdelay $0x2  }
0x293: {  	v1 =	vadd.s32 $0x200B20, v1  }
0x294: {  	[tilespmem:$0x1E50] =	vst v1  }
0x295: {  	v1 =	vld.idx.msk [tilespmem:v2+s14+$0x0], $0xffff;
	_ =	sdelay $0x1  }
0x296: {  	v2 =	vadd.s32 $0x1132, v0;
	_ =	sdelay $0x2  }
0x297: {  	v1 =	vadd.s32 $0x200B20, v1  }
0x298: {  	[tilespmem:$0x1E60] =	vst v1  }
0x299: {  	v1 =	vld.idx.msk [tilespmem:v2+s14+$0x0], $0xffff;
	_ =	sdelay $0x1  }
0x29a: {  	v2 =	vadd.s32 $0x23, v0;
	_ =	sdelay $0x2  }
0x29b: {  	v1 =	vadd.s32 $0x200B20, v1  }
0x29c: {  	[tilespmem:$0x1E70] =	vst v1  }
0x29d: {  	v1 =	vld.idx.msk [tilespmem:v2+s14+$0x0], $0xffff;
	_ =	sdelay $0x1  }
0x29e: {  	v2 =	vadd.s32 $0x293, v0;
	_ =	sdelay $0x2  }
0x29f: {  	v1 =	vadd.s32 $0x2191C0, v1  }
0x2a0: {  	[tilespmem:$0x1E80] =	vst v1  }
0x2a1: {  	v1 =	vld.idx.msk [tilespmem:v2+s14+$0x0], $0xffff;
	_ =	sdelay $0x1  }
0x2a2: {  	v2 =	vadd.s32 $0x503, v0;
	_ =	sdelay $0x2  }
0x2a3: {  	v1 =	vadd.s32 $0x2191C0, v1  }
0x2a4: {  	[tilespmem:$0x1E90] =	vst v1  }
0x2a5: {  	v1 =	vld.idx.msk [tilespmem:v2+s14+$0x0], $0xffff;
	_ =	sdelay $0x1  }
0x2a6: {  	v2 =	vadd.s32 $0x773, v0;
	_ =	sdelay $0x2  }
0x2a7: {  	v1 =	vadd.s32 $0x2191C0, v1  }
0x2a8: {  	[tilespmem:$0x1EA0] =	vst v1  }
0x2a9: {  	v1 =	vld.idx.msk [tilespmem:v2+s14+$0x0], $0xffff;
	_ =	sdelay $0x1  }
0x2aa: {  	v2 =	vadd.s32 $0x9E3, v0;
	_ =	sdelay $0x2  }
0x2ab: {  	v1 =	vadd.s32 $0x2191C0, v1  }
0x2ac: {  	[tilespmem:$0x1EB0] =	vst v1  }
0x2ad: {  	v1 =	vld.idx.msk [tilespmem:v2+s14+$0x0], $0xffff;
	_ =	sdelay $0x1  }
0x2ae: {  	v2 =	vadd.s32 $0xC53, v0;
	_ =	sdelay $0x2  }
0x2af: {  	v1 =	vadd.s32 $0x2191C0, v1  }
0x2b0: {  	[tilespmem:$0x1EC0] =	vst v1  }
0x2b1: {  	v1 =	vld.idx.msk [tilespmem:v2+s14+$0x0], $0xffff;
	_ =	sdelay $0x1  }
0x2b2: {  	v2 =	vadd.s32 $0xEC3, v0;
	_ =	sdelay $0x2  }
0x2b3: {  	v1 =	vadd.s32 $0x2191C0, v1  }
0x2b4: {  	[tilespmem:$0x1ED0] =	vst v1  }
0x2b5: {  	v1 =	vld.idx.msk [tilespmem:v2+s14+$0x0], $0xffff;
	_ =	sdelay $0x1  }
0x2b6: {  	v2 =	vadd.s32 $0x1133, v0;
	_ =	sdelay $0x2  }
0x2b7: {  	v1 =	vadd.s32 $0x2191C0, v1  }
0x2b8: {  	[tilespmem:$0x1EE0] =	vst v1  }
0x2b9: {  	v1 =	vld.idx.msk [tilespmem:v2+s14+$0x0], $0xffff;
	_ =	sdelay $0x1  }
0x2ba: {  	v2 =	vadd.s32 $0x24, v0;
	_ =	sdelay $0x2  }
0x2bb: {  	v1 =	vadd.s32 $0x2191C0, v1  }
0x2bc: {  	[tilespmem:$0x1EF0] =	vst v1  }
0x2bd: {  	v1 =	vld.idx.msk [tilespmem:v2+s14+$0x0], $0xffff;
	_ =	sdelay $0x1  }
0x2be: {  	v2 =	vadd.s32 $0x294, v0;
	_ =	sdelay $0x2  }
0x2bf: {  	v1 =	vadd.s32 $0x231860, v1  }
0x2c0: {  	[tilespmem:$0x1F00] =	vst v1  }
0x2c1: {  	v1 =	vld.idx.msk [tilespmem:v2+s14+$0x0], $0xffff;
	_ =	sdelay $0x1  }
0x2c2: {  	v2 =	vadd.s32 $0x504, v0;
	_ =	sdelay $0x2  }
0x2c3: {  	v1 =	vadd.s32 $0x231860, v1  }
0x2c4: {  	[tilespmem:$0x1F10] =	vst v1  }
0x2c5: {  	v1 =	vld.idx.msk [tilespmem:v2+s14+$0x0], $0xffff;
	_ =	sdelay $0x1  }
0x2c6: {  	v2 =	vadd.s32 $0x774, v0;
	_ =	sdelay $0x2  }
0x2c7: {  	v1 =	vadd.s32 $0x231860, v1  }
0x2c8: {  	[tilespmem:$0x1F20] =	vst v1  }
0x2c9: {  	v1 =	vld.idx.msk [tilespmem:v2+s14+$0x0], $0xffff;
	_ =	sdelay $0x1  }
0x2ca: {  	v2 =	vadd.s32 $0x9E4, v0;
	_ =	sdelay $0x2  }
0x2cb: {  	v1 =	vadd.s32 $0x231860, v1  }
0x2cc: {  	[tilespmem:$0x1F30] =	vst v1  }
0x2cd: {  	v1 =	vld.idx.msk [tilespmem:v2+s14+$0x0], $0xffff;
	_ =	sdelay $0x1  }
0x2ce: {  	v2 =	vadd.s32 $0xC54, v0;
	_ =	sdelay $0x2  }
0x2cf: {  	v1 =	vadd.s32 $0x231860, v1  }
0x2d0: {  	[tilespmem:$0x1F40] =	vst v1  }
0x2d1: {  	v1 =	vld.idx.msk [tilespmem:v2+s14+$0x0], $0xffff;
	_ =	sdelay $0x1  }
0x2d2: {  	v2 =	vadd.s32 $0xEC4, v0;
	_ =	sdelay $0x2  }
0x2d3: {  	v1 =	vadd.s32 $0x231860, v1  }
0x2d4: {  	[tilespmem:$0x1F50] =	vst v1  }
0x2d5: {  	v1 =	vld.idx.msk [tilespmem:v2+s14+$0x0], $0xffff;
	_ =	sdelay $0x1  }
0x2d6: {  	v2 =	vadd.s32 $0x1134, v0;
	_ =	sdelay $0x2  }
0x2d7: {  	v1 =	vadd.s32 $0x231860, v1  }
0x2d8: {  	[tilespmem:$0x1F60] =	vst v1  }
0x2d9: {  	v1 =	vld.idx.msk [tilespmem:v2+s14+$0x0], $0xffff;
	_ =	sdelay $0x1  }
0x2da: {  	v2 =	vadd.s32 $0x25, v0;
	_ =	sdelay $0x2  }
0x2db: {  	v1 =	vadd.s32 $0x231860, v1  }
0x2dc: {  	[tilespmem:$0x1F70] =	vst v1  }
0x2dd: {  	v1 =	vld.idx.msk [tilespmem:v2+s14+$0x0], $0xffff;
	_ =	sdelay $0x1  }
0x2de: {  	v2 =	vadd.s32 $0x295, v0;
	_ =	sdelay $0x2  }
0x2df: {  	v1 =	vadd.s32 $0x249F00, v1  }
0x2e0: {  	[tilespmem:$0x1F80] =	vst v1  }
0x2e1: {  	v1 =	vld.idx.msk [tilespmem:v2+s14+$0x0], $0xffff;
	_ =	sdelay $0x1  }
0x2e2: {  	v2 =	vadd.s32 $0x505, v0;
	_ =	sdelay $0x2  }
0x2e3: {  	v1 =	vadd.s32 $0x249F00, v1  }
0x2e4: {  	[tilespmem:$0x1F90] =	vst v1  }
0x2e5: {  	v1 =	vld.idx.msk [tilespmem:v2+s14+$0x0], $0xffff;
	_ =	sdelay $0x1  }
0x2e6: {  	v2 =	vadd.s32 $0x775, v0;
	_ =	sdelay $0x2  }
0x2e7: {  	v1 =	vadd.s32 $0x249F00, v1  }
0x2e8: {  	[tilespmem:$0x1FA0] =	vst v1  }
0x2e9: {  	v1 =	vld.idx.msk [tilespmem:v2+s14+$0x0], $0xffff;
	_ =	sdelay $0x1  }
0x2ea: {  	v2 =	vadd.s32 $0x9E5, v0;
	_ =	sdelay $0x2  }
0x2eb: {  	v1 =	vadd.s32 $0x249F00, v1  }
0x2ec: {  	[tilespmem:$0x1FB0] =	vst v1  }
0x2ed: {  	v1 =	vld.idx.msk [tilespmem:v2+s14+$0x0], $0xffff;
	_ =	sdelay $0x1  }
0x2ee: {  	v2 =	vadd.s32 $0xC55, v0;
	_ =	sdelay $0x2  }
0x2ef: {  	v1 =	vadd.s32 $0x249F00, v1  }
0x2f0: {  	[tilespmem:$0x1FC0] =	vst v1  }
0x2f1: {  	v1 =	vld.idx.msk [tilespmem:v2+s14+$0x0], $0xffff;
	_ =	sdelay $0x1  }
0x2f2: {  	v2 =	vadd.s32 $0xEC5, v0;
	_ =	sdelay $0x2  }
0x2f3: {  	v1 =	vadd.s32 $0x249F00, v1  }
0x2f4: {  	[tilespmem:$0x1FD0] =	vst v1  }
0x2f5: {  	v1 =	vld.idx.msk [tilespmem:v2+s14+$0x0], $0xffff;
	_ =	sdelay $0x1  }
0x2f6: {  	v2 =	vadd.s32 $0x1135, v0;
	_ =	sdelay $0x2  }
0x2f7: {  	v1 =	vadd.s32 $0x249F00, v1  }
0x2f8: {  	[tilespmem:$0x1FE0] =	vst v1  }
0x2f9: {  	v1 =	vld.idx.msk [tilespmem:v2+s14+$0x0], $0xffff;
	_ =	sdelay $0x1  }
0x2fa: {  	v2 =	vadd.s32 $0x26, v0;
	_ =	sdelay $0x2  }
0x2fb: {  	v1 =	vadd.s32 $0x249F00, v1  }
0x2fc: {  	[tilespmem:$0x1FF0] =	vst v1  }
0x2fd: {  	v1 =	vld.idx.msk [tilespmem:v2+s14+$0x0], $0xffff;
	_ =	sdelay $0x1  }
0x2fe: {  	v2 =	vadd.s32 $0x296, v0;
	_ =	sdelay $0x2  }
0x2ff: {  	v1 =	vadd.s32 $0x2625A0, v1  }
0x300: {  	[tilespmem:$0x2000] =	vst v1  }
0x301: {  	v1 =	vld.idx.msk [tilespmem:v2+s14+$0x0], $0xffff;
	_ =	sdelay $0x1  }
0x302: {  	v2 =	vadd.s32 $0x506, v0;
	_ =	sdelay $0x2  }
0x303: {  	v1 =	vadd.s32 $0x2625A0, v1  }
0x304: {  	[tilespmem:$0x2010] =	vst v1  }
0x305: {  	v1 =	vld.idx.msk [tilespmem:v2+s14+$0x0], $0xffff;
	_ =	sdelay $0x1  }
0x306: {  	v2 =	vadd.s32 $0x776, v0;
	_ =	sdelay $0x2  }
0x307: {  	v1 =	vadd.s32 $0x2625A0, v1  }
0x308: {  	[tilespmem:$0x2020] =	vst v1  }
0x309: {  	v1 =	vld.idx.msk [tilespmem:v2+s14+$0x0], $0xffff;
	_ =	sdelay $0x1  }
0x30a: {  	v2 =	vadd.s32 $0x9E6, v0;
	_ =	sdelay $0x2  }
0x30b: {  	v1 =	vadd.s32 $0x2625A0, v1  }
0x30c: {  	[tilespmem:$0x2030] =	vst v1  }
0x30d: {  	v1 =	vld.idx.msk [tilespmem:v2+s14+$0x0], $0xffff;
	_ =	sdelay $0x1  }
0x30e: {  	v2 =	vadd.s32 $0xC56, v0;
	_ =	sdelay $0x2  }
0x30f: {  	v1 =	vadd.s32 $0x2625A0, v1  }
0x310: {  	[tilespmem:$0x2040] =	vst v1  }
0x311: {  	v1 =	vld.idx.msk [tilespmem:v2+s14+$0x0], $0xffff;
	_ =	sdelay $0x1  }
0x312: {  	v2 =	vadd.s32 $0xEC6, v0;
	_ =	sdelay $0x2  }
0x313: {  	v1 =	vadd.s32 $0x2625A0, v1  }
0x314: {  	[tilespmem:$0x2050] =	vst v1  }
0x315: {  	v1 =	vld.idx.msk [tilespmem:v2+s14+$0x0], $0xffff;
	_ =	sdelay $0x1  }
0x316: {  	v2 =	vadd.s32 $0x1136, v0;
	_ =	sdelay $0x2  }
0x317: {  	v1 =	vadd.s32 $0x2625A0, v1  }
0x318: {  	[tilespmem:$0x2060] =	vst v1  }
0x319: {  	v1 =	vld.idx.msk [tilespmem:v2+s14+$0x0], $0xffff;
	_ =	sdelay $0x4  }
0x31a: {  	v1 =	vadd.s32 $0x2625A0, v1  }
0x31b: {  	s17 =	simm.s32 $0x1380;
	s16 =	simm.s32 $0x2080;
	[tilespmem:$0x2070] =	vst v1  }
0x31c: {  	[tilespmem:s16], [sflag:$0x1] =	stream.indirect.gather [hbm4b:s5+s9], $0x10, s17, s9, $0xb8;
	[tilespmem:$0x1C700] =	vst v63  }
0x31d: {  	s16 =	simm.s32 $0x1400;
	s17 =	simm.s32 $0x2880  }
0x31e: {  	[tilespmem:s17], [sflag:$0x1] =	stream.indirect.gather [hbm4b:s5+s9], $0x10, s16, s9, $0xb8;
	[tilespmem:$0x1C700] =	vst v63  }
0x31f: {  	s16 =	simm.s32 $0x1480;
	s17 =	simm.s32 $0x3080  }
0x320: {  	[tilespmem:s17], [sflag:$0x1] =	stream.indirect.gather [hbm4b:s5+s9], $0x10, s16, s9, $0xb8;
	[tilespmem:$0x1C700] =	vst v63  }
0x321: {  	s16 =	simm.s32 $0x1500;
	s17 =	simm.s32 $0x3880  }
0x322: {  	[tilespmem:s17], [sflag:$0x1] =	stream.indirect.gather [hbm4b:s5+s9], $0x10, s16, s9, $0xb8;
	[tilespmem:$0x1C700] =	vst v63  }
0x323: {  	s16 =	simm.s32 $0x1580;
	s17 =	simm.s32 $0x4080  }
0x324: {  	[tilespmem:s17], [sflag:$0x1] =	stream.indirect.gather [hbm4b:s5+s9], $0x10, s16, s9, $0xb8;
	[tilespmem:$0x1C700] =	vst v63  }
0x325: {  	s16 =	simm.s32 $0x1600;
	s17 =	simm.s32 $0x4880  }
0x326: {  	[tilespmem:s17], [sflag:$0x1] =	stream.indirect.gather [hbm4b:s5+s9], $0x10, s16, s9, $0xb8;
	[tilespmem:$0x1C700] =	vst v63  }
0x327: {  	s16 =	simm.s32 $0x1680;
	s17 =	simm.s32 $0x5080  }
0x328: {  	[tilespmem:s17], [sflag:$0x1] =	stream.indirect.gather [hbm4b:s5+s9], $0x10, s16, s9, $0xb8;
	[tilespmem:$0x1C700] =	vst v63  }
0x329: {  	s16 =	simm.s32 $0x1700;
	s17 =	simm.s32 $0x5880  }
0x32a: {  	[tilespmem:s17], [sflag:$0x1] =	stream.indirect.gather [hbm4b:s5+s9], $0x10, s16, s9, $0xb8;
	[tilespmem:$0x1C700] =	vst v63  }
0x32b: {  	s16 =	simm.s32 $0x1780;
	s17 =	simm.s32 $0x6080  }
0x32c: {  	[tilespmem:s17], [sflag:$0x1] =	stream.indirect.gather [hbm4b:s5+s9], $0x10, s16, s9, $0xb8;
	[tilespmem:$0x1C700] =	vst v63  }
0x32d: {  	s16 =	simm.s32 $0x1800;
	s17 =	simm.s32 $0x6880  }
0x32e: {  	[tilespmem:s17], [sflag:$0x1] =	stream.indirect.gather [hbm4b:s5+s9], $0x10, s16, s9, $0xb8;
	[tilespmem:$0x1C700] =	vst v63  }
0x32f: {  	s16 =	simm.s32 $0x1880;
	s17 =	simm.s32 $0x7080  }
0x330: {  	[tilespmem:s17], [sflag:$0x1] =	stream.indirect.gather [hbm4b:s5+s9], $0x10, s16, s9, $0xb8;
	[tilespmem:$0x1C700] =	vst v63  }
0x331: {  	s16 =	simm.s32 $0x1900;
	s17 =	simm.s32 $0x7880  }
0x332: {  	[tilespmem:s17], [sflag:$0x1] =	stream.indirect.gather [hbm4b:s5+s9], $0x10, s16, s9, $0xb8;
	[tilespmem:$0x1C700] =	vst v63  }
0x333: {  	s16 =	simm.s32 $0x1980;
	s17 =	simm.s32 $0x8080  }
0x334: {  	[tilespmem:s17], [sflag:$0x1] =	stream.indirect.gather [hbm4b:s5+s9], $0x10, s16, s9, $0xb8;
	[tilespmem:$0x1C700] =	vst v63  }
0x335: {  	s16 =	simm.s32 $0x1A00;
	s17 =	simm.s32 $0x8880  }
0x336: {  	[tilespmem:s17], [sflag:$0x1] =	stream.indirect.gather [hbm4b:s5+s9], $0x10, s16, s9, $0xb8;
	[tilespmem:$0x1C700] =	vst v63  }
0x337: {  	s16 =	simm.s32 $0x1A80;
	s17 =	simm.s32 $0x9080  }
0x338: {  	[tilespmem:s17], [sflag:$0x1] =	stream.indirect.gather [hbm4b:s5+s9], $0x10, s16, s9, $0xb8;
	[tilespmem:$0x1C700] =	vst v63  }
0x339: {  	s16 =	simm.s32 $0x1B00;
	s17 =	simm.s32 $0x9880  }
0x33a: {  	[tilespmem:s17], [sflag:$0x1] =	stream.indirect.gather [hbm4b:s5+s9], $0x10, s16, s9, $0xb8;
	[tilespmem:$0x1C700] =	vst v63  }
0x33b: {  	s16 =	simm.s32 $0x1B80;
	s17 =	simm.s32 $0xA080  }
0x33c: {  	[tilespmem:s17], [sflag:$0x1] =	stream.indirect.gather [hbm4b:s5+s9], $0x10, s16, s9, $0xb8;
	[tilespmem:$0x1C700] =	vst v63  }
0x33d: {  	_ = 	snop  }
0x33e: {  	[tilespmem:s19], [sflag:$0x1] =	stream.indirect.gather [hbm4b:s5+s9], $0x10, s18, s9, $0xb8;
	[tilespmem:$0x1C700] =	vst v63  }
0x33f: {  	_ = 	snop  }
0x340: {  	[tilespmem:s21], [sflag:$0x1] =	stream.indirect.gather [hbm4b:s5+s9], $0x10, s20, s9, $0xb8;
	[tilespmem:$0x1C700] =	vst v63  }
0x341: {  	_ = 	snop  }
0x342: {  	[tilespmem:s23], [sflag:$0x1] =	stream.indirect.gather [hbm4b:s5+s9], $0x10, s22, s9, $0xb8;
	[tilespmem:$0x1C700] =	vst v63  }
0x343: {  	_ = 	snop  }
0x344: {  	[tilespmem:s25], [sflag:$0x1] =	stream.indirect.gather [hbm4b:s5+s9], $0x10, s24, s9, $0xb8;
	[tilespmem:$0x1C700] =	vst v63  }
0x345: {  	_ = 	snop  }
0x346: {  	[tilespmem:s28], [sflag:$0x1] =	stream.indirect.gather [hbm4b:s5+s9], $0x10, s26, s9, $0xb8;
	[tilespmem:$0x1C700] =	vst v63  }
0x347: {  	_ = 	snop  }
0x348: {  	[tilespmem:s30], [sflag:$0x1] =	stream.indirect.gather [hbm4b:s5+s9], $0x10, s29, s9, $0xb8;
	[tilespmem:$0x1C700] =	vst v63  }
0x349: {  	_ = 	snop  }
0x34a: {  	[tilespmem:s0], [sflag:$0x1] =	stream.indirect.gather [hbm4b:s5+s9], $0x10, s31, s9, $0xb8;
	[tilespmem:$0x1C700] =	vst v63  }
0x34b: {  	_ = 	snop  }
0x34c: {  	[tilespmem:s7], [sflag:$0x1] =	stream.indirect.gather [hbm4b:s5+s9], $0x10, s3, s9, $0xb8;
	[tilespmem:$0x1C700] =	vst v63  }
0x34d: {  	_ = 	snop  }
0x34e: {  	[tilespmem:s2], [sflag:$0x1] =	stream.indirect.gather [hbm4b:s5+s9], $0x10, s1, s9, $0xb8;
	[tilespmem:$0x1C700] =	vst v63  }
0x34f: {  	_ =	swait.ge [sflag:s10], $0x800  }
0x350: {  	[sflag:s10] =	ssyncset.done $0x0  }
0x351: {  	[sflag:s10] =	ssyncadd.s32 $0xFFFFF800  }
0x352: {  	_ =	swait.ge [sflag:s10], $0x800  }
0x353: {  	[sflag:s10] =	ssyncset.done $0x0  }
0x354: {  	[sflag:s10] =	ssyncadd.s32 $0xFFFFF800  }
0x355: {  	_ =	swait.ge [sflag:s10], $0x800  }
0x356: {  	[sflag:s10] =	ssyncset.done $0x0  }
0x357: {  	[sflag:s10] =	ssyncadd.s32 $0xFFFFF800  }
0x358: {  	_ =	swait.ge [sflag:s10], $0x800  }
0x359: {  	[sflag:s10] =	ssyncset.done $0x0  }
0x35a: {  	[sflag:s10] =	ssyncadd.s32 $0xFFFFF800  }
0x35b: {  	_ =	swait.ge [sflag:s10], $0x800  }
0x35c: {  	[sflag:s10] =	ssyncset.done $0x0  }
0x35d: {  	[sflag:s10] =	ssyncadd.s32 $0xFFFFF800  }
0x35e: {  	_ =	swait.ge [sflag:s10], $0x800  }
0x35f: {  	[sflag:s10] =	ssyncset.done $0x0  }
0x360: {  	[sflag:s10] =	ssyncadd.s32 $0xFFFFF800  }
0x361: {  	_ =	swait.ge [sflag:s10], $0x800  }
0x362: {  	[sflag:s10] =	ssyncset.done $0x0  }
0x363: {  	[sflag:s10] =	ssyncadd.s32 $0xFFFFF800  }
0x364: {  	_ =	swait.ge [sflag:s10], $0x800  }
0x365: {  	[sflag:s10] =	ssyncset.done $0x0  }
0x366: {  	[sflag:s10] =	ssyncadd.s32 $0xFFFFF800  }
0x367: {  	_ =	swait.ge [sflag:s10], $0x800  }
0x368: {  	[sflag:s10] =	ssyncset.done $0x0  }
0x369: {  	[sflag:s10] =	ssyncadd.s32 $0xFFFFF800  }
0x36a: {  	_ =	swait.ge [sflag:s10], $0x800  }
0x36b: {  	[sflag:s10] =	ssyncset.done $0x0  }
0x36c: {  	[sflag:s10] =	ssyncadd.s32 $0xFFFFF800  }
0x36d: {  	_ =	swait.ge [sflag:s10], $0x800  }
0x36e: {  	[sflag:s10] =	ssyncset.done $0x0  }
0x36f: {  	[sflag:s10] =	ssyncadd.s32 $0xFFFFF800  }
0x370: {  	_ =	swait.ge [sflag:s10], $0x800  }
0x371: {  	[sflag:s10] =	ssyncset.done $0x0  }
0x372: {  	[sflag:s10] =	ssyncadd.s32 $0xFFFFF800  }
0x373: {  	_ =	swait.ge [sflag:s10], $0x800  }
0x374: {  	[sflag:s10] =	ssyncset.done $0x0  }
0x375: {  	[sflag:s10] =	ssyncadd.s32 $0xFFFFF800  }
0x376: {  	_ =	swait.ge [sflag:s10], $0x800  }
0x377: {  	[sflag:s10] =	ssyncset.done $0x0  }
0x378: {  	[sflag:s10] =	ssyncadd.s32 $0xFFFFF800  }
0x379: {  	_ =	swait.ge [sflag:s10], $0x800  }
0x37a: {  	[sflag:s10] =	ssyncset.done $0x0  }
0x37b: {  	[sflag:s10] =	ssyncadd.s32 $0xFFFFF800  }
0x37c: {  	_ =	swait.ge [sflag:s10], $0x800  }
0x37d: {  	[sflag:s10] =	ssyncset.done $0x0  }
0x37e: {  	[sflag:s10] =	ssyncadd.s32 $0xFFFFF800  }
0x37f: {  	_ =	swait.ge [sflag:s10], $0x800  }
0x380: {  	[sflag:s10] =	ssyncset.done $0x0  }
0x381: {  	[sflag:s10] =	ssyncadd.s32 $0xFFFFF800  }
0x382: {  	_ =	swait.ge [sflag:s10], $0x800  }
0x383: {  	[sflag:s10] =	ssyncset.done $0x0  }
0x384: {  	[sflag:s10] =	ssyncadd.s32 $0xFFFFF800  }
0x385: {  	_ =	swait.ge [sflag:s10], $0x800  }
0x386: {  	[sflag:s10] =	ssyncset.done $0x0  }
0x387: {  	[sflag:s10] =	ssyncadd.s32 $0xFFFFF800  }
0x388: {  	_ =	swait.ge [sflag:s10], $0x800  }
0x389: {  	[sflag:s10] =	ssyncset.done $0x0  }
0x38a: {  	[sflag:s10] =	ssyncadd.s32 $0xFFFFF800  }
0x38b: {  	_ =	swait.ge [sflag:s10], $0x800  }
0x38c: {  	[sflag:s10] =	ssyncset.done $0x0  }
0x38d: {  	[sflag:s10] =	ssyncadd.s32 $0xFFFFF800  }
0x38e: {  	_ =	swait.ge [sflag:s10], $0x800  }
0x38f: {  	[sflag:s10] =	ssyncset.done $0x0  }
0x390: {  	[sflag:s10] =	ssyncadd.s32 $0xFFFFF800  }
0x391: {  	_ =	swait.ge [sflag:s10], $0x800  }
0x392: {  	[sflag:s10] =	ssyncset.done $0x0  }
0x393: {  	[sflag:s10] =	ssyncadd.s32 $0xFFFFF800  }
0x394: {  	_ =	swait.ge [sflag:s10], $0x800  }
0x395: {  	[sflag:s10] =	ssyncset.done $0x0  }
0x396: {  	[sflag:s10] =	ssyncadd.s32 $0xFFFFF800  }
0x397: {  	_ =	swait.ge [sflag:s10], $0x800  }
0x398: {  	[sflag:s10] =	ssyncset.done $0x0  }
0x399: {  	[sflag:s10] =	ssyncadd.s32 $0xFFFFF800  }
0x39a: {  	_ =	swait.ge [sflag:s10], $0x800  }
0x39b: {  	[sflag:s10] =	ssyncset.done $0x0  }
0x39c: {  	[sflag:s10] =	ssyncadd.s32 $0xFFFFF800  }
0x39d: {  	v1 =	vld [tilespmem:s14+$0x0];
	_ =	sdelay $0x4  }
0x39e: {  	v1 =	vcvt.s32.f32 v1  }
0x39f: {  	s15 =	simm.s32 $0xF15D  }
0x3a0: {  	s17 =	simm.s32 $0x0;
	[tilespmem:s15+$0xFFFFFF23] =	vst v1  }
0x3a1: {  	v1 =	vld [tilespmem:s17+$0x2080];
	_ =	sdelay $0x4  }
0x3a2: {  	[tilespmem:s15+$0xFFFFFF30] =	vst v1  }
0x3a3: {  	v1 =	vld [tilespmem:s17+$0x2880];
	_ =	sdelay $0x4  }
0x3a4: {  	[tilespmem:s15+$0xFFFFFF40] =	vst v1  }
0x3a5: {  	v1 =	vld [tilespmem:s17+$0x3080];
	_ =	sdelay $0x4  }
0x3a6: {  	[tilespmem:s15+$0xFFFFFF50] =	vst v1  }
0x3a7: {  	v1 =	vld [tilespmem:s17+$0x3880];
	_ =	sdelay $0x4  }
0x3a8: {  	[tilespmem:s15+$0xFFFFFF60] =	vst v1  }
0x3a9: {  	v1 =	vld [tilespmem:s17+$0x4080];
	_ =	sdelay $0x4  }
0x3aa: {  	[tilespmem:s15+$0xFFFFFF70] =	vst v1  }
0x3ab: {  	v1 =	vld [tilespmem:s17+$0x4880];
	_ =	sdelay $0x4  }
0x3ac: {  	[tilespmem:s15+$0xFFFFFF80] =	vst v1  }
0x3ad: {  	v1 =	vld [tilespmem:s17+$0x5080];
	_ =	sdelay $0x4  }
0x3ae: {  	[tilespmem:s15+$0xFFFFFF90] =	vst v1  }
0x3af: {  	v1 =	vld [tilespmem:s17+$0x5880];
	_ =	sdelay $0x4  }
0x3b0: {  	[tilespmem:s15+$0xFFFFFFA0] =	vst v1  }
0x3b1: {  	v1 =	vld [tilespmem:s17+$0x6080];
	_ =	sdelay $0x4  }
0x3b2: {  	[tilespmem:s15+$0xFFFFFFB0] =	vst v1  }
0x3b3: {  	v1 =	vld [tilespmem:s17+$0x6880];
	_ =	sdelay $0x4  }
0x3b4: {  	[tilespmem:s15+$0xFFFFFFC0] =	vst v1  }
0x3b5: {  	v1 =	vld [tilespmem:s17+$0x7080];
	_ =	sdelay $0x4  }
0x3b6: {  	[tilespmem:s15+$0xFFFFFFD0] =	vst v1  }
0x3b7: {  	v1 =	vld [tilespmem:s17+$0x7880];
	_ =	sdelay $0x4  }
0x3b8: {  	[tilespmem:s15+$0xFFFFFFE0] =	vst v1  }
0x3b9: {  	v1 =	vld [tilespmem:s17+$0x8080];
	_ =	sdelay $0x4  }
0x3ba: {  	[tilespmem:s15+$0xFFFFFFF0] =	vst v1  }
0x3bb: {  	v1 =	vld [tilespmem:s17+$0x8880];
	_ =	sdelay $0x4  }
0x3bc: {  	[tilespmem:s15+$0x0] =	vst v1  }
0x3bd: {  	v1 =	vld [tilespmem:s17+$0x9080];
	_ =	sdelay $0x4  }
0x3be: {  	[tilespmem:s15+$0x10] =	vst v1  }
0x3bf: {  	v1 =	vld [tilespmem:s17+$0x9880];
	_ =	sdelay $0x4  }
0x3c0: {  	[tilespmem:s15+$0x20] =	vst v1  }
0x3c1: {  	v1 =	vld [tilespmem:s17+$0xA080];
	_ =	sdelay $0x4  }
0x3c2: {  	[tilespmem:s15+$0x30] =	vst v1  }
0x3c3: {  	v1 =	vld [tilespmem:s17+$0xA880];
	_ =	sdelay $0x4  }
0x3c4: {  	[tilespmem:s15+$0x40] =	vst v1  }
0x3c5: {  	v1 =	vld [tilespmem:s17+$0xB080];
	_ =	sdelay $0x4  }
0x3c6: {  	[tilespmem:s15+$0x50] =	vst v1  }
0x3c7: {  	v1 =	vld [tilespmem:s17+$0xB880];
	_ =	sdelay $0x4  }
0x3c8: {  	[tilespmem:s15+$0x60] =	vst v1  }
0x3c9: {  	v1 =	vld [tilespmem:s17+$0xC080];
	_ =	sdelay $0x4  }
0x3ca: {  	[tilespmem:s15+$0x70] =	vst v1  }
0x3cb: {  	v1 =	vld [tilespmem:s17+$0xC880];
	_ =	sdelay $0x4  }
0x3cc: {  	[tilespmem:s15+$0x80] =	vst v1  }
0x3cd: {  	v1 =	vld [tilespmem:s17+$0xD080];
	_ =	sdelay $0x4  }
0x3ce: {  	[tilespmem:s15+$0x90] =	vst v1  }
0x3cf: {  	v1 =	vld [tilespmem:s17+$0xD880];
	_ =	sdelay $0x4  }
0x3d0: {  	[tilespmem:s15+$0xA0] =	vst v1  }
0x3d1: {  	v1 =	vld [tilespmem:s17+$0xE080];
	_ =	sdelay $0x4  }
0x3d2: {  	[tilespmem:s15+$0xB0] =	vst v1  }
0x3d3: {  	s16 =	simm.s32 $0x40;
	v1 =	vld [tilespmem:s17+$0xE880]  }
.LBB2_3:
0x3d4: {  	_ =	sdelay $0x3  }
0x3d5: {  	p0 =	sne.s32 s16, $0x1FC0;
	s14 =	sadd.s32 $0x27, s14;
	[tilespmem:s15+$0xC0] =	vst v1;
	s15 =	sadd.s32 $0x1AD, s15  }
0x3d6: {  	s17 =	smov.u32 s16;
	s16 =	sadd.s32 $0x40, s16;
	v1 =	vld [tilespmem:s14+$0x0];
	_ =	sdelay $0x4  }
0x3d7: {  	v1 =	vcvt.s32.f32 v1;
	_ =	sdelay $0x1  }
0x3d8: {  	s17 =	sshra.s32 s17, $0x2;
	[tilespmem:s15+$0xFFFFFF23] =	vst v1  }
0x3d9: {  	v1 =	vld [tilespmem:s17+$0x2080];
	_ =	sdelay $0x4  }
0x3da: {  	[tilespmem:s15+$0xFFFFFF30] =	vst v1  }
0x3db: {  	v1 =	vld [tilespmem:s17+$0x2880];
	_ =	sdelay $0x4  }
0x3dc: {  	[tilespmem:s15+$0xFFFFFF40] =	vst v1  }
0x3dd: {  	v1 =	vld [tilespmem:s17+$0x3080];
	_ =	sdelay $0x4  }
0x3de: {  	[tilespmem:s15+$0xFFFFFF50] =	vst v1  }
0x3df: {  	v1 =	vld [tilespmem:s17+$0x3880];
	_ =	sdelay $0x4  }
0x3e0: {  	[tilespmem:s15+$0xFFFFFF60] =	vst v1  }
0x3e1: {  	v1 =	vld [tilespmem:s17+$0x4080];
	_ =	sdelay $0x4  }
0x3e2: {  	[tilespmem:s15+$0xFFFFFF70] =	vst v1  }
0x3e3: {  	v1 =	vld [tilespmem:s17+$0x4880];
	_ =	sdelay $0x4  }
0x3e4: {  	[tilespmem:s15+$0xFFFFFF80] =	vst v1  }
0x3e5: {  	v1 =	vld [tilespmem:s17+$0x5080];
	_ =	sdelay $0x4  }
0x3e6: {  	[tilespmem:s15+$0xFFFFFF90] =	vst v1  }
0x3e7: {  	v1 =	vld [tilespmem:s17+$0x5880];
	_ =	sdelay $0x4  }
0x3e8: {  	[tilespmem:s15+$0xFFFFFFA0] =	vst v1  }
0x3e9: {  	v1 =	vld [tilespmem:s17+$0x6080];
	_ =	sdelay $0x4  }
0x3ea: {  	[tilespmem:s15+$0xFFFFFFB0] =	vst v1  }
0x3eb: {  	v1 =	vld [tilespmem:s17+$0x6880];
	_ =	sdelay $0x4  }
0x3ec: {  	[tilespmem:s15+$0xFFFFFFC0] =	vst v1  }
0x3ed: {  	v1 =	vld [tilespmem:s17+$0x7080];
	_ =	sdelay $0x4  }
0x3ee: {  	[tilespmem:s15+$0xFFFFFFD0] =	vst v1  }
0x3ef: {  	v1 =	vld [tilespmem:s17+$0x7880];
	_ =	sdelay $0x4  }
0x3f0: {  	[tilespmem:s15+$0xFFFFFFE0] =	vst v1  }
0x3f1: {  	v1 =	vld [tilespmem:s17+$0x8080];
	_ =	sdelay $0x4  }
0x3f2: {  	[tilespmem:s15+$0xFFFFFFF0] =	vst v1  }
0x3f3: {  	v1 =	vld [tilespmem:s17+$0x8880];
	_ =	sdelay $0x4  }
0x3f4: {  	[tilespmem:s15+$0x0] =	vst v1  }
0x3f5: {  	v1 =	vld [tilespmem:s17+$0x9080];
	_ =	sdelay $0x4  }
0x3f6: {  	[tilespmem:s15+$0x10] =	vst v1  }
0x3f7: {  	v1 =	vld [tilespmem:s17+$0x9880];
	_ =	sdelay $0x4  }
0x3f8: {  	[tilespmem:s15+$0x20] =	vst v1  }
0x3f9: {  	v1 =	vld [tilespmem:s17+$0xA080];
	_ =	sdelay $0x4  }
0x3fa: {  	[tilespmem:s15+$0x30] =	vst v1  }
0x3fb: {  	v1 =	vld [tilespmem:s17+$0xA880];
	_ =	sdelay $0x4  }
0x3fc: {  	[tilespmem:s15+$0x40] =	vst v1  }
0x3fd: {  	v1 =	vld [tilespmem:s17+$0xB080];
	_ =	sdelay $0x4  }
0x3fe: {  	[tilespmem:s15+$0x50] =	vst v1  }
0x3ff: {  	v1 =	vld [tilespmem:s17+$0xB880];
	_ =	sdelay $0x4  }
0x400: {  	[tilespmem:s15+$0x60] =	vst v1  }
0x401: {  	v1 =	vld [tilespmem:s17+$0xC080];
	_ =	sdelay $0x4  }
0x402: {  	[tilespmem:s15+$0x70] =	vst v1  }
0x403: {  	v1 =	vld [tilespmem:s17+$0xC880];
	_ =	sdelay $0x4  }
0x404: {  	[tilespmem:s15+$0x80] =	vst v1  }
0x405: {  	v1 =	vld [tilespmem:s17+$0xD080];
	_ =	sdelay $0x4  }
0x406: {  	[tilespmem:s15+$0x90] =	vst v1  }
0x407: {  	v1 =	vld [tilespmem:s17+$0xD880];
	_ =	sdelay $0x4  }
0x408: {  	[tilespmem:s15+$0xA0] =	vst v1  }
0x409: {  	v1 =	vld [tilespmem:s17+$0xE080];
	_ =	sdelay $0x1  }
.Ltmp0:
0x40a: {  	(pc) =	sbr.rel @p0 .LBB2_3-.Ltmp0, $3  }
0x40b: {  	_ =	sdelay $0x1  }
0x40c: {  	[tilespmem:s15+$0xB0] =	vst v1  }
0x40d: {  	v1 =	vld [tilespmem:s17+$0xE880]  }
0x40e: {  	_ = 	snop  }
0x40f: {  	s13 =	smul.u32 $0x1AD, s13  }
0x410: {  	s12 =	sadd.s32 $0x1, s12  }
0x411: {  	s14 =	rddreg [dreg:$0x1];
	p0 =	sne.s32 s12, $0x4;
	s13 =	sshrl.u32 s13, $0x3  }
.Ltmp1:
0x412: {  	s17 =	simm.s32 $0x0;
	s13 =	sadd.s32 s14, s13;
	[tilespmem:s15+$0xC0] =	vst v1;
	(pc) =	sbr.rel @p0 .LBB2_2-.Ltmp1, $4  }
0x413: {  	[hbm4b:s13+s17] =	stream.linear.scatter [tilespmem:s11], [sflag:$0x2], $0xD680, $0x38;
	[tilespmem:$0x1C700] =	vst v63  }
0x414: {  	_ =	swait.ge [sflag:s8], $0xD680  }
0x415: {  	[sflag:s8] =	ssyncset.done $0x0  }
0x416: {  	[sflag:s8] =	ssyncadd.s32 $0xFFFF2980  }
0x417: {  	s13 =	rddreg [dreg:$0x4]  }
0x418: {  	s12 =	rddreg [dreg:$0x3];
	s13 =	sadd.s32 $0x1, s13  }
0x419: {  	p0 =	sne.s32 s13, s12  }
.Ltmp2:
0x41a: {  	_ = 	snop;
	(pc) =	sbr.rel @p0 .LBB2_1-.Ltmp2, $1  }
0x41b: {  	_ =	sdelay $0x3  }
0x41c: {  	_ =	sfence.sel $0x180000  }
0x41d: {  	[bflag:$0x0] =	sbarrier.arrive $0xFFFF  }
0x41e: {  	_ =	strace $0x90000047  }
0x41f: {  	s0 =	stileid.u32;
	[bflag:$0x2] =	sbarrier.arrive $0xFFFF  }
0x420: {  	p0 =	sne.s32 s0, $0x0;
	s0 =	rddreg [dreg:$0x2]  }
0x421: {  	s0 =	sadd.s32 @!p0 $0x100000, s0  }
0x422: {  	[sflag:s0] =	ssyncadd.tile.s32 @!p0 $0x1;
	_ =	shalt  }
.Lfunc_end2:
_tile_overlayer_lowered:
.L_overlay_start_2:
0x423: {  	(tag) =	ssettag $0x2  }
0x424: {  	s0 =	rddreg [dreg:$0x0];
	s2 =	stileid.u32  }
0x425: {  	s1 =	rddreg [dreg:$0x1];
	p0 =	sne.s32 s2, $0x0  }
0x426: {  	s3 =	rddreg [dreg:$0x2];
	[bflag:$0x3] =	sbarrier.arrive $0xFFFF;
	s2 =	simm.s32 @!p0 $0x1C02  }
0x427: {  	[timem:s3], [sflag:s2] =	dma.local @!p0 [hbm:s0], s1  }
0x428: {  	s0 =	simm.s32 @!p0 $0x2  }
0x429: {  	_ =	swait.ge @!p0 [sflag:s0], s1  }
0x42a: {  	s1 =	ssub.s32 @!p0 $0x0, s1;
	[sflag:s0] =	ssyncset.done @!p0 $0x0  }
0x42b: {  	[sflag:s0] =	ssyncadd.s32 @!p0 s1  }
0x42c: {  	[bflag:$0x3] =	sbarrier.arrive $0xFFFF  }
0x42d: {  	_ =	shalt  }

</sc_bundles>
